<compile_context>
chip_gen: v7x
topology: tpu7x:2x2x1
jax: 0.10.2.dev20260603
libtpu: 0.0.44.dev20260713+nightly
codegen_flags: <defaults>
</compile_context>

<pallas_src>
import functools

import jax
import jax.numpy as jnp
from jax import lax
from jax.experimental import pallas as pl
from jax.experimental.pallas import tpu as pltpu
from jax.experimental.pallas import tpu_sc as plsc

_NC = 2
_NS = 16
_NW = _NC * _NS
_ACC = 1056
_STRIDE = 1057
_ROWS = _ACC // 16
_ZCHUNKS = (16 * _STRIDE + 63) // 64


def _nrsqrt(x):
    i = plsc.bitcast(x, jnp.int32)
    i = jnp.int32(0x5F3759DF) - (i >> 1)
    y = plsc.bitcast(i, jnp.float32)
    h = x * jnp.float32(0.5)
    for _ in range(2):
        y = y * (jnp.float32(1.5) - (h * y) * y)
    return y


def _class_weight(m):
    f = jnp.float32
    return jnp.where(m == 0, f(0.1),
                     jnp.where(m == 1, f(1.0),
                               jnp.where(m == 2, f(2.0),
                                         jnp.where(m == 3, f(2.5), f(1.5)))))


def _meta_of(cls):
    veh = (cls >= 7) & (cls <= 13) & (cls != 11)
    ped = (cls >= 2) & (cls <= 4)
    whl = (cls == 6) | (cls == 11)
    return jnp.where(cls == 0, 0,
                     jnp.where(veh, 1,
                               jnp.where(ped, 2,
                                         jnp.where(whl, 3, 4))))


def _zero_acc(acc):
    zero16 = jnp.zeros((16,), jnp.float32)

    @plsc.parallel_loop(0, _ZCHUNKS, unroll=4)
    def _(j):
        base = j * 64
        for t in range(4):
            acc[pl.ds(base + t * 16, 16)] = zero16


def _reduce_and_emit(sid, cid, acc, red, shared, out_ref):

    @plsc.parallel_loop(0, _ROWS, unroll=2)
    def _(e):
        off = e * 16
        t = acc[pl.ds(off, 16)]
        for l in range(1, 16):
            t = t + acc[pl.ds(l * _STRIDE + off, 16)]
        red[pl.ds(off, 16)] = t

    pltpu.sync_copy(red, shared.at[pl.ds(sid * _ACC, _ACC)])
    plsc.subcore_barrier()

    @pl.when(sid == 0)
    def _():
        pltpu.sync_copy(shared, acc.at[pl.ds(0, _NS * _ACC)])

        @plsc.parallel_loop(0, _ROWS, unroll=2)
        def _(e):
            off = e * 16
            t = acc[pl.ds(off, 16)]
            for l in range(1, _NS):
                t = t + acc[pl.ds(l * _ACC + off, 16)]
            red[pl.ds(off, 16)] = t

        pltpu.sync_copy(red, out_ref.at[cid])


def _meta_body(chunk, last, cls_ref, ins_ref, out_ref, cls_v, ins_v, acc,
               red, shared):
    sid = lax.axis_index("s")
    cid = lax.axis_index("c")
    wid = sid * _NC + cid
    iota = lax.iota(jnp.int32, 16)
    lane_off = iota * _STRIDE
    is_last = wid == _NW - 1
    start = wid * chunk

    @pl.when(jnp.logical_not(is_last))
    def _():
        pltpu.sync_copy(cls_ref.at[pl.ds(start, chunk)], cls_v)
        pltpu.sync_copy(ins_ref.at[pl.ds(start, chunk)], ins_v)

    @pl.when(is_last)
    def _():
        pltpu.sync_copy(cls_ref.at[pl.ds(start, last)],
                        cls_v.at[pl.ds(0, last)])
        pltpu.sync_copy(ins_ref.at[pl.ds(start, last)],
                        ins_v.at[pl.ds(0, last)])

    _zero_acc(acc)
    n_valid = jnp.where(is_last, last, chunk)
    ones16 = jnp.ones((16,), jnp.float32)

    @plsc.parallel_loop(0, chunk // 16, unroll=4)
    def _(g):
        g16 = g * 16
        cls = cls_v[pl.ds(g16, 16)]
        ins = ins_v[pl.ds(g16, 16)]
        valid = (g16 + iota) < n_valid
        ins = jnp.minimum(jnp.maximum(ins, 0), 127)
        meta = _meta_of(cls)
        plsc.addupdate_scatter(
            acc, [lane_off + 384 + meta * 128 + ins], ones16, mask=valid)

    _reduce_and_emit(sid, cid, acc, red, shared, out_ref)


def _pass1_body(chunk, last, ex_ref, ey_ref, ez_ref, gx_ref, gy_ref, gz_ref,
                cls_ref, ins_ref, out_ref,
                ex_v, ey_v, ez_v, gx_v, gy_v, gz_v, cls_v, ins_v, acc, red,
                shared):
    sid = lax.axis_index("s")
    cid = lax.axis_index("c")
    wid = sid * _NC + cid
    iota = lax.iota(jnp.int32, 16)
    lane_off = iota * _STRIDE
    is_last = wid == _NW - 1
    start = wid * chunk
    srcs = (ex_ref, ey_ref, ez_ref, gx_ref, gy_ref, gz_ref, cls_ref, ins_ref)
    dsts = (ex_v, ey_v, ez_v, gx_v, gy_v, gz_v, cls_v, ins_v)

    @pl.when(jnp.logical_not(is_last))
    def _():
        for src, dst in zip(srcs, dsts):
            pltpu.sync_copy(src.at[pl.ds(start, chunk)], dst)

    @pl.when(is_last)
    def _():
        for src, dst in zip(srcs, dsts):
            pltpu.sync_copy(src.at[pl.ds(start, last)],
                            dst.at[pl.ds(0, last)])

    ones16 = jnp.ones((16,), jnp.float32)
    _zero_acc(acc)

    n_valid = jnp.where(is_last, last, chunk)

    @plsc.parallel_loop(0, chunk // 16, unroll=4)
    def _(g):
        g16 = g * 16
        ex = ex_v[pl.ds(g16, 16)]
        ey = ey_v[pl.ds(g16, 16)]
        ez = ez_v[pl.ds(g16, 16)]
        gx = gx_v[pl.ds(g16, 16)]
        gy = gy_v[pl.ds(g16, 16)]
        gz = gz_v[pl.ds(g16, 16)]
        cls = cls_v[pl.ds(g16, 16)]
        ins = ins_v[pl.ds(g16, 16)]
        valid = (g16 + iota) < n_valid
        ins = jnp.minimum(jnp.maximum(ins, 0), 127)
        dx = ex - gx
        dy = ey - gy
        dz = ez - gz
        ss = dx * dx + dy * dy + dz * dz
        gs = gx * gx + gy * gy + gz * gz
        pts = ss * _nrsqrt(ss)
        spd = (gs * _nrsqrt(gs)) * jnp.float32(10.0)
        b = ((spd >= jnp.float32(0.4)).astype(jnp.int32)
             + (spd > jnp.float32(1.0)).astype(jnp.int32))
        meta = _meta_of(cls)
        i1 = lane_off + ins
        plsc.addupdate_scatter(acc, [i1 + 128], pts, mask=valid)
        plsc.addupdate_scatter(acc, [i1 + 256], spd, mask=valid)
        i5 = lane_off + 1024 + meta * 3 + b
        plsc.addupdate_scatter(acc, [i5], pts, mask=valid)
        plsc.addupdate_scatter(acc, [i5 + 16], ones16, mask=valid)

    _reduce_and_emit(sid, cid, acc, red, shared, out_ref)


def _pass2_body(p1_ref, p2_ref, out_ref, parts_v, tbl_v, out_v):
    wid = lax.axis_index("s") * _NC + lax.axis_index("c")

    @pl.when(wid == 0)
    def _():
        pltpu.sync_copy(p1_ref, parts_v.at[pl.ds(0, _NC)])
        pltpu.sync_copy(p2_ref, parts_v.at[pl.ds(_NC, _NC)])
        iota = lax.iota(jnp.int32, 16)
        f = jnp.float32

        @plsc.parallel_loop(0, _ROWS, unroll=2)
        def _(e):
            off = e * 16
            tbl_v[pl.ds(off, 16)] = (parts_v[0, pl.ds(off, 16)]
                                     + parts_v[1, pl.ds(off, 16)]
                                     + parts_v[2, pl.ds(off, 16)]
                                     + parts_v[3, pl.ds(off, 16)])

        terms = jnp.zeros((16,), jnp.float32)
        act = jnp.zeros((16,), jnp.float32)
        for q in range(8):
            off = q * 16
            spts = tbl_v[pl.ds(128 + off, 16)]
            sspd = tbl_v[pl.ds(256 + off, 16)]
            c0 = tbl_v[pl.ds(384 + off, 16)]
            best = c0
            cnt = c0
            mode = jnp.zeros((16,), jnp.int32)
            for k in range(1, 5):
                ck = tbl_v[pl.ds(384 + k * 128 + off, 16)]
                cnt = cnt + ck
                better = ck > best
                best = jnp.where(better, ck, best)
                mode = jnp.where(better, k, mode)
            safe = jnp.maximum(cnt, f(1.0))
            err = jnp.where(cnt > 0, spts / safe, f(0.0))
            smean = jnp.where(cnt > 0, sspd / safe, f(0.0))
            wv = _class_weight(mode)
            inst_id = off + iota
            gate = (inst_id > 0) & (cnt > 0) & (smean > f(0.4))
            gf = jnp.where(gate, f(1.0), f(0.0))
            terms = terms + gf * err * jnp.exp(err) * wv
            act = act + gf
        ones16 = jnp.ones((16,), jnp.float32)
        n_act_v = jnp.sum(act) * ones16
        t_sum_v = jnp.sum(terms) * ones16
        inst_loss_v = jnp.where(n_act_v > 0,
                                t_sum_v / jnp.maximum(n_act_v, f(1.0)),
                                f(0.0))

        s_tbl = tbl_v[pl.ds(1024, 16)]
        c_tbl = tbl_v[pl.ds(1040, 16)]
        valid = iota < 15
        b_id = iota % 3
        m_id = iota // 3
        mean_cb = jnp.where(c_tbl > 0, s_tbl / jnp.maximum(c_tbl, f(1.0)),
                            f(0.0))
        bcoef = jnp.where(b_id == 0, f(0.1), jnp.where(b_id == 1, f(0.4),
                                                       f(0.5)))
        wcls = _class_weight(m_id)
        class_loss_v = (jnp.sum(jnp.where(valid, mean_cb * bcoef * wcls,
                                          f(0.0))) * ones16)
        base_v = jnp.zeros((16,), jnp.float32)
        for b in range(3):
            msk = valid & (b_id == b)
            sb_v = jnp.sum(jnp.where(msk, s_tbl, f(0.0))) * ones16
            cb_v = jnp.sum(jnp.where(msk, c_tbl, f(0.0))) * ones16
            base_v = base_v + jnp.where(cb_v > 0,
                                        sb_v / jnp.maximum(cb_v, f(1.0)),
                                        f(0.0))
        total_v = base_v + class_loss_v + inst_loss_v
        out_v[...] = jnp.where(iota == 0, total_v, f(0.0))
        pltpu.sync_copy(out_v, out_ref)


@functools.lru_cache(maxsize=None)
def _build(n):
    assert n % 16 == 0, "point count must be a multiple of 16"
    chunk = -(-n // _NW)
    chunk = (chunk + 15) // 16 * 16
    last = n - (_NW - 1) * chunk
    assert 0 < last <= chunk and last % 16 == 0

    mesh = plsc.VectorSubcoreMesh(core_axis_name="c", subcore_axis_name="s")
    params = pltpu.CompilerParams(needs_layout_passes=False)
    pass_meta = pl.kernel(
        functools.partial(_meta_body, chunk, last),
        out_type=jax.ShapeDtypeStruct((_NC, _ACC), jnp.float32),
        mesh=mesh,
        compiler_params=params,
        scratch_types=[
            pltpu.VMEM((chunk,), jnp.int32),
            pltpu.VMEM((chunk,), jnp.int32),
            pltpu.VMEM((_ZCHUNKS * 64,), jnp.float32),
            pltpu.VMEM((_ACC,), jnp.float32),
            pltpu.VMEM_SHARED((16 * _ACC,), jnp.float32),
        ],
    )
    pass1 = pl.kernel(
        functools.partial(_pass1_body, chunk, last),
        out_type=jax.ShapeDtypeStruct((_NC, _ACC), jnp.float32),
        mesh=mesh,
        compiler_params=params,
        scratch_types=[
            pltpu.VMEM((chunk,), jnp.float32),
            pltpu.VMEM((chunk,), jnp.float32),
            pltpu.VMEM((chunk,), jnp.float32),
            pltpu.VMEM((chunk,), jnp.float32),
            pltpu.VMEM((chunk,), jnp.float32),
            pltpu.VMEM((chunk,), jnp.float32),
            pltpu.VMEM((chunk,), jnp.int32),
            pltpu.VMEM((chunk,), jnp.int32),
            pltpu.VMEM((_ZCHUNKS * 64,), jnp.float32),
            pltpu.VMEM((_ACC,), jnp.float32),
            pltpu.VMEM_SHARED((16 * _ACC,), jnp.float32),
        ],
    )
    pass2 = pl.kernel(
        _pass2_body,
        out_type=jax.ShapeDtypeStruct((16,), jnp.float32),
        mesh=mesh,
        compiler_params=params,
        scratch_types=[
            pltpu.VMEM((2 * _NC, _ACC), jnp.float32),
            pltpu.VMEM((_ACC,), jnp.float32),
            pltpu.VMEM((16,), jnp.float32),
        ],
    )
    return pass_meta, pass1, pass2


def kernel(est_flow, gt_flow, gt_classes, gt_instance):
    n = est_flow.shape[0]
    pass_meta, pass1, pass2 = _build(n)
    cls = gt_classes.astype(jnp.int32)
    ins = gt_instance.astype(jnp.int32)
    parts1 = pass_meta(cls, ins)
    parts2 = pass1(est_flow[:, 0], est_flow[:, 1], est_flow[:, 2],
                   gt_flow[:, 0], gt_flow[:, 1], gt_flow[:, 2], cls, ins)
    out = pass2(parts1, parts2)
    return out[0]

# --- scband reference (transcript-rebuilt; emitter-appended) ---
"""Pipeline reference for scband-delta-flow-loss-56470230008553 (READ-ONLY COPY).

The authoritative reference and input builder live on the scoring server;
editing this copy changes nothing except your own understanding.
"""

import jax, jax.numpy as jnp
import numpy as np

CLASS_WEIGHTS = np.array([0.1, 1.0, 2.0, 2.5, 1.5], dtype=np.float32)
VEHICLE_IDS = np.array([7, 8, 9, 10, 12, 13], dtype=np.int32)
PEDESTRIAN_IDS = np.array([2, 3, 4], dtype=np.int32)
WHEELED_IDS = np.array([6, 11], dtype=np.int32)
NUM_INST = 128


def _masked_mean(x, m):
    # Equivalent to _safe_mean(x[m]) for finite data: nan_to_num(mean) with empty -> 0
    mf = m.astype(x.dtype)
    cnt = mf.sum()
    s = (x * mf).sum()
    return jnp.where(cnt > 0, s / jnp.maximum(cnt, 1.0), jnp.asarray(0.0, x.dtype))


def _isin(c, ids):
    return (c[:, None] == jnp.asarray(ids)[None, :]).any(axis=-1)


def _meta_category(classes):
    meta = jnp.full(classes.shape, 4, dtype=jnp.int32)
    meta = jnp.where(classes == 0, 0, meta)
    meta = jnp.where(_isin(classes, VEHICLE_IDS), 1, meta)
    meta = jnp.where(_isin(classes, PEDESTRIAN_IDS), 2, meta)
    meta = jnp.where(_isin(classes, WHEELED_IDS), 3, meta)
    return meta


def _instance_meta_mode(gt_instance, meta):
    # torch.mode returns the smallest most-frequent value; bincount+argmax matches that tie-break
    flat_idx = gt_instance.astype(jnp.int32) * 5 + meta.astype(jnp.int32)
    ones = jnp.ones(gt_instance.shape, dtype=jnp.int32)
    counts = jax.ops.segment_sum(ones, flat_idx, num_segments=NUM_INST * 5)
    counts = counts.reshape(NUM_INST, 5)
    return counts.argmax(axis=1)


def setup_inputs(seed: int = 0):
    key = jax.random.key(seed)
    k1, k2, k3, k4 = jax.random.split(key, 4)
    N = 200000
    # scale 0.05 so speed = |gt|/0.1 populates all three speed buckets (<0.4, [0.4,1.0], >1.0)
    est_flow = jax.random.normal(k1, (N, 3), dtype=jnp.float32) * 0.05
    gt_flow = jax.random.normal(k2, (N, 3), dtype=jnp.float32) * 0.05
    gt_classes = jax.random.randint(k3, (N,), 0, 17, dtype=jnp.int32)
    gt_instance = jax.random.randint(k4, (N,), 0, NUM_INST, dtype=jnp.int32)
    return {"est_flow": est_flow, "gt_flow": gt_flow, "gt_classes": gt_classes, "gt_instance": gt_instance}


def reference(est_flow, gt_flow, gt_classes, gt_instance):
    fm = jnp.isfinite(est_flow).all(axis=-1) & jnp.isfinite(gt_flow).all(axis=-1)
    fmf = fm.astype(jnp.float32)
    pts_loss = jnp.linalg.norm(est_flow - gt_flow, axis=-1)
    speed = jnp.linalg.norm(gt_flow, axis=-1) / 0.1
    low = speed < 0.4
    mid = (speed >= 0.4) & (speed <= 1.0)
    high = speed > 1.0
    # base DeFlow loss over finite pairs
    base = (_masked_mean(pts_loss, fm & low)
            + _masked_mean(pts_loss, fm & mid)
            + _masked_mean(pts_loss, fm & high))
    # class-aware loss
    meta = _meta_category(gt_classes)
    class_loss = jnp.asarray(0.0, jnp.float32)
    for cid in range(5):
        cm = fm & (meta == cid)
        w = (0.1 * _masked_mean(pts_loss, cm & low)
             + 0.4 * _masked_mean(pts_loss, cm & mid)
             + 0.5 * _masked_mean(pts_loss, cm & high))
        class_loss = class_loss + w * float(CLASS_WEIGHTS[cid])
    # instance-aware loss via segment reductions (vectorized over the python loop)
    seg = gt_instance.astype(jnp.int32)
    cnt_i = jax.ops.segment_sum(fmf, seg, num_segments=NUM_INST)
    sum_pts_i = jax.ops.segment_sum(pts_loss * fmf, seg, num_segments=NUM_INST)
    sum_speed_i = jax.ops.segment_sum(speed * fmf, seg, num_segments=NUM_INST)
    safe_cnt = jnp.maximum(cnt_i, 1.0)
    ins_err = jnp.where(cnt_i > 0, sum_pts_i / safe_cnt, 0.0)
    speed_mean = jnp.where(cnt_i > 0, sum_speed_i / safe_cnt, 0.0)
    inst_ids = jnp.arange(NUM_INST)
    gate = (inst_ids > 0) & (cnt_i > 0) & (speed_mean > 0.4)
    class_mode = _instance_meta_mode(gt_instance, meta)
    w_vec = jnp.asarray(CLASS_WEIGHTS)[class_mode]
    gatef = gate.astype(jnp.float32)
    inst_terms = gatef * ins_err * jnp.exp(ins_err) * w_vec
    n_active = gatef.sum()
    instance_loss = jnp.where(n_active > 0, inst_terms.sum() / jnp.maximum(n_active, 1.0), 0.0)
    return base + class_loss + instance_loss

if __name__ == "__main__":
    import jax
    _d = setup_inputs()
    print(jax.jit(kernel)(*tuple(_d.values())))

</pallas_src>

<mosaic_0001>
#map = affine_map<(d0, d1) -> (0)>
#map1 = affine_map<(d0, d1) -> (0, 0)>
module attributes {stable_mosaic.version = 14 : i64} {
  func.func @_meta_body(%arg0: i32, %arg1: i32, %arg2: memref<200000xi32, #tpu.memory_space<hbm>>, %arg3: memref<200000xi32, #tpu.memory_space<hbm>>, %arg4: memref<2x1056xf32, #tpu.memory_space<hbm>>, %arg5: memref<6256xi32, #tpu.memory_space<vmem>>, %arg6: memref<6256xi32, #tpu.memory_space<vmem>>, %arg7: memref<16960xf32, #tpu.memory_space<vmem>>, %arg8: memref<1056xf32, #tpu.memory_space<vmem>>, %arg9: memref<16896xf32, #tpu.memory_space<vmem_shared>>) attributes {dimension_semantics = [#tpu.dimension_semantics<core_parallel>, #tpu.dimension_semantics<subcore_parallel>], iteration_bounds = array<i64: 2, 16>, scalar_prefetch = 0 : i64, scratch_operands = 5 : i64, tpu.core_type = #tpu.core_type<sc_vector_subcore>, window_params = [{transform_indices = #map}, {transform_indices = #map}, {transform_indices = #map1}]} {
    %mul3A = arith.constant 2 : i32
    %mul3A_0 = arith.muli %arg1, %mul3A : i32
    %add3A = arith.addi %mul3A_0, %arg0 : i32
    %iota3A = tpu.iota {dimensions = array<i32: 0>} : vector<16xi32>
    %mul3A_1 = arith.constant 1057 : i32
    %mul3A_2 = vector.broadcast %mul3A_1 : i32 to vector<16xi32>
    %mul3A_3 = arith.muli %iota3A, %mul3A_2 : vector<16xi32>
    %eq3A = arith.constant 31 : i32
    %eq3A_4 = arith.cmpi eq, %add3A, %eq3A : i32
    %mul3A_5 = arith.constant 6256 : i32
    %mul3A_6 = arith.muli %add3A, %mul3A_5 : i32
    %not3A = arith.constant true
    %not3A_7 = arith.xori %eq3A_4, %not3A : i1
    %convert_element_type3A = arith.extui %not3A_7 : i1 to i32
    %cond3A = arith.constant 0 : i32
    %cond3A_8 = arith.cmpi ne, %convert_element_type3A, %cond3A : i32
    scf.if %cond3A_8 {
      "tpu.region"() ({
        %run_scoped3A = tpu.sem_alloc : memref<!tpu.dma_semaphore, #tpu.memory_space<semaphore_mem>>
        %dma_start3A = tpu.memref_slice %arg2[%mul3A_6] : memref<200000xi32, #tpu.memory_space<hbm>> -> memref<6256xi32, #tpu.memory_space<hbm>>
        %dma_start3A_31 = tpu.memref_slice %arg2[%mul3A_6] : memref<200000xi32, #tpu.memory_space<hbm>> -> memref<6256xi32, #tpu.memory_space<hbm>>
        tpu.enqueue_dma source(%dma_start3A_31 : memref<6256xi32, #tpu.memory_space<hbm>>) target(%arg5 : memref<6256xi32, #tpu.memory_space<vmem>>) target_semaphore(%run_scoped3A : memref<!tpu.dma_semaphore, #tpu.memory_space<semaphore_mem>>)
        %dma_wait3A = tpu.memref_slice %arg2[%mul3A_6] : memref<200000xi32, #tpu.memory_space<hbm>> -> memref<6256xi32, #tpu.memory_space<hbm>>
        %dma_wait3A_32 = tpu.memref_slice %arg2[%mul3A_6] : memref<200000xi32, #tpu.memory_space<hbm>> -> memref<6256xi32, #tpu.memory_space<hbm>>
        tpu.wait_dma2 semaphore(%run_scoped3A : memref<!tpu.dma_semaphore, #tpu.memory_space<semaphore_mem>>) src(%dma_wait3A_32 : memref<6256xi32, #tpu.memory_space<hbm>>) dst(%arg5 : memref<6256xi32, #tpu.memory_space<vmem>>)
        tpu.yield
      }) : () -> ()
      "tpu.region"() ({
        %run_scoped3A = tpu.sem_alloc : memref<!tpu.dma_semaphore, #tpu.memory_space<semaphore_mem>>
        %dma_start3A = tpu.memref_slice %arg3[%mul3A_6] : memref<200000xi32, #tpu.memory_space<hbm>> -> memref<6256xi32, #tpu.memory_space<hbm>>
        %dma_start3A_31 = tpu.memref_slice %arg3[%mul3A_6] : memref<200000xi32, #tpu.memory_space<hbm>> -> memref<6256xi32, #tpu.memory_space<hbm>>
        tpu.enqueue_dma source(%dma_start3A_31 : memref<6256xi32, #tpu.memory_space<hbm>>) target(%arg6 : memref<6256xi32, #tpu.memory_space<vmem>>) target_semaphore(%run_scoped3A : memref<!tpu.dma_semaphore, #tpu.memory_space<semaphore_mem>>)
        %dma_wait3A = tpu.memref_slice %arg3[%mul3A_6] : memref<200000xi32, #tpu.memory_space<hbm>> -> memref<6256xi32, #tpu.memory_space<hbm>>
        %dma_wait3A_32 = tpu.memref_slice %arg3[%mul3A_6] : memref<200000xi32, #tpu.memory_space<hbm>> -> memref<6256xi32, #tpu.memory_space<hbm>>
        tpu.wait_dma2 semaphore(%run_scoped3A : memref<!tpu.dma_semaphore, #tpu.memory_space<semaphore_mem>>) src(%dma_wait3A_32 : memref<6256xi32, #tpu.memory_space<hbm>>) dst(%arg6 : memref<6256xi32, #tpu.memory_space<vmem>>)
        tpu.yield
      }) : () -> ()
    } else {
    }
    %convert_element_type3A_9 = arith.extui %eq3A_4 : i1 to i32
    %cond3A_10 = arith.constant 0 : i32
    %cond3A_11 = arith.cmpi ne, %convert_element_type3A_9, %cond3A_10 : i32
    scf.if %cond3A_11 {
      "tpu.region"() ({
        %run_scoped3A = tpu.sem_alloc : memref<!tpu.dma_semaphore, #tpu.memory_space<semaphore_mem>>
        %dma_start3A = arith.constant 0 : i32
        %dma_start3A_31 = tpu.memref_slice %arg5[%dma_start3A] : memref<6256xi32, #tpu.memory_space<vmem>> -> memref<6064xi32, #tpu.memory_space<vmem>>
        %dma_start3A_32 = tpu.memref_slice %arg2[%mul3A_6] : memref<200000xi32, #tpu.memory_space<hbm>> -> memref<6064xi32, #tpu.memory_space<hbm>>
        %dma_start3A_33 = arith.constant 0 : i32
        %dma_start3A_34 = tpu.memref_slice %arg5[%dma_start3A_33] : memref<6256xi32, #tpu.memory_space<vmem>> -> memref<6064xi32, #tpu.memory_space<vmem>>
        %dma_start3A_35 = tpu.memref_slice %arg2[%mul3A_6] : memref<200000xi32, #tpu.memory_space<hbm>> -> memref<6064xi32, #tpu.memory_space<hbm>>
        tpu.enqueue_dma source(%dma_start3A_35 : memref<6064xi32, #tpu.memory_space<hbm>>) target(%dma_start3A_34 : memref<6064xi32, #tpu.memory_space<vmem>>) target_semaphore(%run_scoped3A : memref<!tpu.dma_semaphore, #tpu.memory_space<semaphore_mem>>)
        %dma_wait3A = arith.constant 0 : i32
        %dma_wait3A_36 = tpu.memref_slice %arg5[%dma_wait3A] : memref<6256xi32, #tpu.memory_space<vmem>> -> memref<6064xi32, #tpu.memory_space<vmem>>
        %dma_wait3A_37 = tpu.memref_slice %arg2[%mul3A_6] : memref<200000xi32, #tpu.memory_space<hbm>> -> memref<6064xi32, #tpu.memory_space<hbm>>
        %dma_wait3A_38 = arith.constant 0 : i32
        %dma_wait3A_39 = tpu.memref_slice %arg5[%dma_wait3A_38] : memref<6256xi32, #tpu.memory_space<vmem>> -> memref<6064xi32, #tpu.memory_space<vmem>>
        %dma_wait3A_40 = tpu.memref_slice %arg2[%mul3A_6] : memref<200000xi32, #tpu.memory_space<hbm>> -> memref<6064xi32, #tpu.memory_space<hbm>>
        tpu.wait_dma2 semaphore(%run_scoped3A : memref<!tpu.dma_semaphore, #tpu.memory_space<semaphore_mem>>) src(%dma_wait3A_40 : memref<6064xi32, #tpu.memory_space<hbm>>) dst(%dma_wait3A_39 : memref<6064xi32, #tpu.memory_space<vmem>>)
        tpu.yield
      }) : () -> ()
      "tpu.region"() ({
        %run_scoped3A = tpu.sem_alloc : memref<!tpu.dma_semaphore, #tpu.memory_space<semaphore_mem>>
        %dma_start3A = arith.constant 0 : i32
        %dma_start3A_31 = tpu.memref_slice %arg6[%dma_start3A] : memref<6256xi32, #tpu.memory_space<vmem>> -> memref<6064xi32, #tpu.memory_space<vmem>>
        %dma_start3A_32 = tpu.memref_slice %arg3[%mul3A_6] : memref<200000xi32, #tpu.memory_space<hbm>> -> memref<6064xi32, #tpu.memory_space<hbm>>
        %dma_start3A_33 = arith.constant 0 : i32
        %dma_start3A_34 = tpu.memref_slice %arg6[%dma_start3A_33] : memref<6256xi32, #tpu.memory_space<vmem>> -> memref<6064xi32, #tpu.memory_space<vmem>>
        %dma_start3A_35 = tpu.memref_slice %arg3[%mul3A_6] : memref<200000xi32, #tpu.memory_space<hbm>> -> memref<6064xi32, #tpu.memory_space<hbm>>
        tpu.enqueue_dma source(%dma_start3A_35 : memref<6064xi32, #tpu.memory_space<hbm>>) target(%dma_start3A_34 : memref<6064xi32, #tpu.memory_space<vmem>>) target_semaphore(%run_scoped3A : memref<!tpu.dma_semaphore, #tpu.memory_space<semaphore_mem>>)
        %dma_wait3A = arith.constant 0 : i32
        %dma_wait3A_36 = tpu.memref_slice %arg6[%dma_wait3A] : memref<6256xi32, #tpu.memory_space<vmem>> -> memref<6064xi32, #tpu.memory_space<vmem>>
        %dma_wait3A_37 = tpu.memref_slice %arg3[%mul3A_6] : memref<200000xi32, #tpu.memory_space<hbm>> -> memref<6064xi32, #tpu.memory_space<hbm>>
        %dma_wait3A_38 = arith.constant 0 : i32
        %dma_wait3A_39 = tpu.memref_slice %arg6[%dma_wait3A_38] : memref<6256xi32, #tpu.memory_space<vmem>> -> memref<6064xi32, #tpu.memory_space<vmem>>
        %dma_wait3A_40 = tpu.memref_slice %arg3[%mul3A_6] : memref<200000xi32, #tpu.memory_space<hbm>> -> memref<6064xi32, #tpu.memory_space<hbm>>
        tpu.wait_dma2 semaphore(%run_scoped3A : memref<!tpu.dma_semaphore, #tpu.memory_space<semaphore_mem>>) src(%dma_wait3A_40 : memref<6064xi32, #tpu.memory_space<hbm>>) dst(%dma_wait3A_39 : memref<6064xi32, #tpu.memory_space<vmem>>)
        tpu.yield
      }) : () -> ()
    } else {
    }
    %broadcast_in_dim3A = arith.constant 0.000000e+00 : f32
    %broadcast_in_dim3A_12 = vector.broadcast %broadcast_in_dim3A : f32 to vector<16xf32>
    %parallel_loop3A = arith.constant 0 : i32
    %parallel_loop3A_13 = arith.constant 265 : i32
    %parallel_loop3A_14 = arith.constant 1 : i32
    scf.for %parallel_loop3A_31 = %parallel_loop3A to %parallel_loop3A_13 step %parallel_loop3A_14  : i32 {
      %parallel_loop3A_32 = arith.constant 64 : i32
      %parallel_loop3A_33 = arith.muli %parallel_loop3A_31, %parallel_loop3A_32 : i32
      %parallel_loop3A_34 = arith.constant 0 : i32
      %parallel_loop3A_35 = arith.addi %parallel_loop3A_33, %parallel_loop3A_34 : i32
      %parallel_loop3A_36 = arith.index_cast %parallel_loop3A_35 : i32 to index
      %parallel_loop3A_37 = tpu.vector_load %arg7[%parallel_loop3A_36] {strides = array<i32>} : memref<16960xf32, #tpu.memory_space<vmem>>, vector<16xf32>,
      tpu.vector_store %arg7[%parallel_loop3A_36], %broadcast_in_dim3A_12 {strides = array<i32>} : memref<16960xf32, #tpu.memory_space<vmem>>, vector<16xf32>,
      %parallel_loop3A_38 = arith.constant 16 : i32
      %parallel_loop3A_39 = arith.addi %parallel_loop3A_33, %parallel_loop3A_38 : i32
      %parallel_loop3A_40 = arith.index_cast %parallel_loop3A_39 : i32 to index
      %parallel_loop3A_41 = tpu.vector_load %arg7[%parallel_loop3A_40] {strides = array<i32>} : memref<16960xf32, #tpu.memory_space<vmem>>, vector<16xf32>,
      tpu.vector_store %arg7[%parallel_loop3A_40], %broadcast_in_dim3A_12 {strides = array<i32>} : memref<16960xf32, #tpu.memory_space<vmem>>, vector<16xf32>,
      %parallel_loop3A_42 = arith.constant 32 : i32
      %parallel_loop3A_43 = arith.addi %parallel_loop3A_33, %parallel_loop3A_42 : i32
      %parallel_loop3A_44 = arith.index_cast %parallel_loop3A_43 : i32 to index
      %parallel_loop3A_45 = tpu.vector_load %arg7[%parallel_loop3A_44] {strides = array<i32>} : memref<16960xf32, #tpu.memory_space<vmem>>, vector<16xf32>,
      tpu.vector_store %arg7[%parallel_loop3A_44], %broadcast_in_dim3A_12 {strides = array<i32>} : memref<16960xf32, #tpu.memory_space<vmem>>, vector<16xf32>,
      %parallel_loop3A_46 = arith.constant 48 : i32
      %parallel_loop3A_47 = arith.addi %parallel_loop3A_33, %parallel_loop3A_46 : i32
      %parallel_loop3A_48 = arith.index_cast %parallel_loop3A_47 : i32 to index
      %parallel_loop3A_49 = tpu.vector_load %arg7[%parallel_loop3A_48] {strides = array<i32>} : memref<16960xf32, #tpu.memory_space<vmem>>, vector<16xf32>,
      tpu.vector_store %arg7[%parallel_loop3A_48], %broadcast_in_dim3A_12 {strides = array<i32>} : memref<16960xf32, #tpu.memory_space<vmem>>, vector<16xf32>,
    } {sc.loop_unroll_factor = 4 : i64, sc.parallel_access}
    %jit3A = arith.constant 6064 : i32
    %jit3A_15 = arith.constant 6256 : i32
    %select_n3A = arith.select %eq3A_4, %jit3A, %jit3A_15 : i32
    %broadcast_in_dim3A_16 = arith.constant 1.000000e+00 : f32
    %broadcast_in_dim3A_17 = vector.broadcast %broadcast_in_dim3A_16 : f32 to vector<16xf32>
    %parallel_loop3A_18 = arith.constant 0 : i32
    %parallel_loop3A_19 = arith.constant 391 : i32
    %parallel_loop3A_20 = arith.constant 1 : i32
    scf.for %parallel_loop3A_31 = %parallel_loop3A_18 to %parallel_loop3A_19 step %parallel_loop3A_20  : i32 {
      %parallel_loop3A_32 = arith.constant 16 : i32
      %parallel_loop3A_33 = arith.muli %parallel_loop3A_31, %parallel_loop3A_32 : i32
      %parallel_loop3A_34 = arith.index_cast %parallel_loop3A_33 : i32 to index
      %parallel_loop3A_35 = tpu.vector_load %arg5[%parallel_loop3A_34] {strides = array<i32>} : memref<6256xi32, #tpu.memory_space<vmem>>, vector<16xi32>,
      %parallel_loop3A_36 = arith.index_cast %parallel_loop3A_33 : i32 to index
      %parallel_loop3A_37 = tpu.vector_load %arg6[%parallel_loop3A_36] {strides = array<i32>} : memref<6256xi32, #tpu.memory_space<vmem>>, vector<16xi32>,
      %parallel_loop3A_38 = vector.broadcast %parallel_loop3A_33 : i32 to vector<16xi32>
      %parallel_loop3A_39 = arith.addi %parallel_loop3A_38, %iota3A : vector<16xi32>
      %parallel_loop3A_40 = vector.broadcast %select_n3A : i32 to vector<16xi32>
      %parallel_loop3A_41 = arith.cmpi slt, %parallel_loop3A_39, %parallel_loop3A_40 : vector<16xi32>
      %parallel_loop3A_42 = arith.constant 0 : i32
      %parallel_loop3A_43 = vector.broadcast %parallel_loop3A_42 : i32 to vector<16xi32>
      %parallel_loop3A_44 = arith.maxsi %parallel_loop3A_37, %parallel_loop3A_43 : vector<16xi32>
      %parallel_loop3A_45 = arith.constant 127 : i32
      %parallel_loop3A_46 = vector.broadcast %parallel_loop3A_45 : i32 to vector<16xi32>
      %parallel_loop3A_47 = arith.minsi %parallel_loop3A_44, %parallel_loop3A_46 : vector<16xi32>
      %parallel_loop3A_48 = arith.constant 7 : i32
      %parallel_loop3A_49 = vector.broadcast %parallel_loop3A_48 : i32 to vector<16xi32>
      %parallel_loop3A_50 = arith.cmpi sge, %parallel_loop3A_35, %parallel_loop3A_49 : vector<16xi32>
      %parallel_loop3A_51 = arith.constant 13 : i32
      %parallel_loop3A_52 = vector.broadcast %parallel_loop3A_51 : i32 to vector<16xi32>
      %parallel_loop3A_53 = arith.cmpi sle, %parallel_loop3A_35, %parallel_loop3A_52 : vector<16xi32>
      %parallel_loop3A_54 = arith.andi %parallel_loop3A_50, %parallel_loop3A_53 : vector<16xi1>
      %parallel_loop3A_55 = arith.constant 11 : i32
      %parallel_loop3A_56 = vector.broadcast %parallel_loop3A_55 : i32 to vector<16xi32>
      %parallel_loop3A_57 = arith.cmpi ne, %parallel_loop3A_35, %parallel_loop3A_56 : vector<16xi32>
      %parallel_loop3A_58 = arith.andi %parallel_loop3A_54, %parallel_loop3A_57 : vector<16xi1>
      %parallel_loop3A_59 = arith.constant 2 : i32
      %parallel_loop3A_60 = vector.broadcast %parallel_loop3A_59 : i32 to vector<16xi32>
      %parallel_loop3A_61 = arith.cmpi sge, %parallel_loop3A_35, %parallel_loop3A_60 : vector<16xi32>
      %parallel_loop3A_62 = arith.constant 4 : i32
      %parallel_loop3A_63 = vector.broadcast %parallel_loop3A_62 : i32 to vector<16xi32>
      %parallel_loop3A_64 = arith.cmpi sle, %parallel_loop3A_35, %parallel_loop3A_63 : vector<16xi32>
      %parallel_loop3A_65 = arith.andi %parallel_loop3A_61, %parallel_loop3A_64 : vector<16xi1>
      %parallel_loop3A_66 = arith.constant 6 : i32
      %parallel_loop3A_67 = vector.broadcast %parallel_loop3A_66 : i32 to vector<16xi32>
      %parallel_loop3A_68 = arith.cmpi eq, %parallel_loop3A_35, %parallel_loop3A_67 : vector<16xi32>
      %parallel_loop3A_69 = arith.constant 11 : i32
      %parallel_loop3A_70 = vector.broadcast %parallel_loop3A_69 : i32 to vector<16xi32>
      %parallel_loop3A_71 = arith.cmpi eq, %parallel_loop3A_35, %parallel_loop3A_70 : vector<16xi32>
      %parallel_loop3A_72 = arith.ori %parallel_loop3A_68, %parallel_loop3A_71 : vector<16xi1>
      %parallel_loop3A_73 = arith.constant 0 : i32
      %parallel_loop3A_74 = vector.broadcast %parallel_loop3A_73 : i32 to vector<16xi32>
      %parallel_loop3A_75 = arith.cmpi eq, %parallel_loop3A_35, %parallel_loop3A_74 : vector<16xi32>
      %parallel_loop3A_76 = arith.constant 3 : i32
      %parallel_loop3A_77 = arith.constant 4 : i32
      %parallel_loop3A_78 = vector.broadcast %parallel_loop3A_76 : i32 to vector<16xi32>
      %parallel_loop3A_79 = vector.broadcast %parallel_loop3A_77 : i32 to vector<16xi32>
      %parallel_loop3A_80 = arith.select %parallel_loop3A_72, %parallel_loop3A_78, %parallel_loop3A_79 : vector<16xi1>, vector<16xi32>
      %parallel_loop3A_81 = arith.constant 2 : i32
      %parallel_loop3A_82 = vector.broadcast %parallel_loop3A_81 : i32 to vector<16xi32>
      %parallel_loop3A_83 = arith.select %parallel_loop3A_65, %parallel_loop3A_82, %parallel_loop3A_80 : vector<16xi1>, vector<16xi32>
      %parallel_loop3A_84 = arith.constant 1 : i32
      %parallel_loop3A_85 = vector.broadcast %parallel_loop3A_84 : i32 to vector<16xi32>
      %parallel_loop3A_86 = arith.select %parallel_loop3A_58, %parallel_loop3A_85, %parallel_loop3A_83 : vector<16xi1>, vector<16xi32>
      %parallel_loop3A_87 = arith.constant 0 : i32
      %parallel_loop3A_88 = vector.broadcast %parallel_loop3A_87 : i32 to vector<16xi32>
      %parallel_loop3A_89 = arith.select %parallel_loop3A_75, %parallel_loop3A_88, %parallel_loop3A_86 : vector<16xi1>, vector<16xi32>
      %parallel_loop3A_90 = arith.constant 384 : i32
      %parallel_loop3A_91 = vector.broadcast %parallel_loop3A_90 : i32 to vector<16xi32>
      %parallel_loop3A_92 = arith.addi %mul3A_3, %parallel_loop3A_91 : vector<16xi32>
      %parallel_loop3A_93 = arith.constant 128 : i32
      %parallel_loop3A_94 = vector.broadcast %parallel_loop3A_93 : i32 to vector<16xi32>
      %parallel_loop3A_95 = arith.muli %parallel_loop3A_89, %parallel_loop3A_94 : vector<16xi32>
      %parallel_loop3A_96 = arith.addi %parallel_loop3A_92, %parallel_loop3A_95 : vector<16xi32>
      %parallel_loop3A_97 = arith.addi %parallel_loop3A_96, %parallel_loop3A_47 : vector<16xi32>
      tpu.vector_store_idx %arg7[%parallel_loop3A_97], %broadcast_in_dim3A_17 masked %parallel_loop3A_41 {add = true} : memref<16960xf32, #tpu.memory_space<vmem>>[vector<16xi32>], vector<16xf32>, vector<16xi1>
    } {sc.loop_unroll_factor = 4 : i64, sc.parallel_access}
    %parallel_loop3A_21 = arith.constant 0 : i32
    %parallel_loop3A_22 = arith.constant 66 : i32
    %parallel_loop3A_23 = arith.constant 1 : i32
    scf.for %parallel_loop3A_31 = %parallel_loop3A_21 to %parallel_loop3A_22 step %parallel_loop3A_23  : i32 {
      %parallel_loop3A_32 = arith.constant 16 : i32
      %parallel_loop3A_33 = arith.muli %parallel_loop3A_31, %parallel_loop3A_32 : i32
      %parallel_loop3A_34 = arith.index_cast %parallel_loop3A_33 : i32 to index
      %parallel_loop3A_35 = tpu.vector_load %arg7[%parallel_loop3A_34] {strides = array<i32>} : memref<16960xf32, #tpu.memory_space<vmem>>, vector<16xf32>,
      %parallel_loop3A_36 = arith.constant 1057 : i32
      %parallel_loop3A_37 = arith.addi %parallel_loop3A_36, %parallel_loop3A_33 : i32
      %parallel_loop3A_38 = arith.index_cast %parallel_loop3A_37 : i32 to index
      %parallel_loop3A_39 = tpu.vector_load %arg7[%parallel_loop3A_38] {strides = array<i32>} : memref<16960xf32, #tpu.memory_space<vmem>>, vector<16xf32>,
      %parallel_loop3A_40 = arith.addf %parallel_loop3A_35, %parallel_loop3A_39 : vector<16xf32>
      %parallel_loop3A_41 = arith.constant 2114 : i32
      %parallel_loop3A_42 = arith.addi %parallel_loop3A_41, %parallel_loop3A_33 : i32
      %parallel_loop3A_43 = arith.index_cast %parallel_loop3A_42 : i32 to index
      %parallel_loop3A_44 = tpu.vector_load %arg7[%parallel_loop3A_43] {strides = array<i32>} : memref<16960xf32, #tpu.memory_space<vmem>>, vector<16xf32>,
      %parallel_loop3A_45 = arith.addf %parallel_loop3A_40, %parallel_loop3A_44 : vector<16xf32>
      %parallel_loop3A_46 = arith.constant 3171 : i32
      %parallel_loop3A_47 = arith.addi %parallel_loop3A_46, %parallel_loop3A_33 : i32
      %parallel_loop3A_48 = arith.index_cast %parallel_loop3A_47 : i32 to index
      %parallel_loop3A_49 = tpu.vector_load %arg7[%parallel_loop3A_48] {strides = array<i32>} : memref<16960xf32, #tpu.memory_space<vmem>>, vector<16xf32>,
      %parallel_loop3A_50 = arith.addf %parallel_loop3A_45, %parallel_loop3A_49 : vector<16xf32>
      %parallel_loop3A_51 = arith.constant 4228 : i32
      %parallel_loop3A_52 = arith.addi %parallel_loop3A_51, %parallel_loop3A_33 : i32
      %parallel_loop3A_53 = arith.index_cast %parallel_loop3A_52 : i32 to index
      %parallel_loop3A_54 = tpu.vector_load %arg7[%parallel_loop3A_53] {strides = array<i32>} : memref<16960xf32, #tpu.memory_space<vmem>>, vector<16xf32>,
      %parallel_loop3A_55 = arith.addf %parallel_loop3A_50, %parallel_loop3A_54 : vector<16xf32>
      %parallel_loop3A_56 = arith.constant 5285 : i32
      %parallel_loop3A_57 = arith.addi %parallel_loop3A_56, %parallel_loop3A_33 : i32
      %parallel_loop3A_58 = arith.index_cast %parallel_loop3A_57 : i32 to index
      %parallel_loop3A_59 = tpu.vector_load %arg7[%parallel_loop3A_58] {strides = array<i32>} : memref<16960xf32, #tpu.memory_space<vmem>>, vector<16xf32>,
      %parallel_loop3A_60 = arith.addf %parallel_loop3A_55, %parallel_loop3A_59 : vector<16xf32>
      %parallel_loop3A_61 = arith.constant 6342 : i32
      %parallel_loop3A_62 = arith.addi %parallel_loop3A_61, %parallel_loop3A_33 : i32
      %parallel_loop3A_63 = arith.index_cast %parallel_loop3A_62 : i32 to index
      %parallel_loop3A_64 = tpu.vector_load %arg7[%parallel_loop3A_63] {strides = array<i32>} : memref<16960xf32, #tpu.memory_space<vmem>>, vector<16xf32>,
      %parallel_loop3A_65 = arith.addf %parallel_loop3A_60, %parallel_loop3A_64 : vector<16xf32>
      %parallel_loop3A_66 = arith.constant 7399 : i32
      %parallel_loop3A_67 = arith.addi %parallel_loop3A_66, %parallel_loop3A_33 : i32
      %parallel_loop3A_68 = arith.index_cast %parallel_loop3A_67 : i32 to index
      %parallel_loop3A_69 = tpu.vector_load %arg7[%parallel_loop3A_68] {strides = array<i32>} : memref<16960xf32, #tpu.memory_space<vmem>>, vector<16xf32>,
      %parallel_loop3A_70 = arith.addf %parallel_loop3A_65, %parallel_loop3A_69 : vector<16xf32>
      %parallel_loop3A_71 = arith.constant 8456 : i32
      %parallel_loop3A_72 = arith.addi %parallel_loop3A_71, %parallel_loop3A_33 : i32
      %parallel_loop3A_73 = arith.index_cast %parallel_loop3A_72 : i32 to index
      %parallel_loop3A_74 = tpu.vector_load %arg7[%parallel_loop3A_73] {strides = array<i32>} : memref<16960xf32, #tpu.memory_space<vmem>>, vector<16xf32>,
      %parallel_loop3A_75 = arith.addf %parallel_loop3A_70, %parallel_loop3A_74 : vector<16xf32>
      %parallel_loop3A_76 = arith.constant 9513 : i32
      %parallel_loop3A_77 = arith.addi %parallel_loop3A_76, %parallel_loop3A_33 : i32
      %parallel_loop3A_78 = arith.index_cast %parallel_loop3A_77 : i32 to index
      %parallel_loop3A_79 = tpu.vector_load %arg7[%parallel_loop3A_78] {strides = array<i32>} : memref<16960xf32, #tpu.memory_space<vmem>>, vector<16xf32>,
      %parallel_loop3A_80 = arith.addf %parallel_loop3A_75, %parallel_loop3A_79 : vector<16xf32>
      %parallel_loop3A_81 = arith.constant 10570 : i32
      %parallel_loop3A_82 = arith.addi %parallel_loop3A_81, %parallel_loop3A_33 : i32
      %parallel_loop3A_83 = arith.index_cast %parallel_loop3A_82 : i32 to index
      %parallel_loop3A_84 = tpu.vector_load %arg7[%parallel_loop3A_83] {strides = array<i32>} : memref<16960xf32, #tpu.memory_space<vmem>>, vector<16xf32>,
      %parallel_loop3A_85 = arith.addf %parallel_loop3A_80, %parallel_loop3A_84 : vector<16xf32>
      %parallel_loop3A_86 = arith.constant 11627 : i32
      %parallel_loop3A_87 = arith.addi %parallel_loop3A_86, %parallel_loop3A_33 : i32
      %parallel_loop3A_88 = arith.index_cast %parallel_loop3A_87 : i32 to index
      %parallel_loop3A_89 = tpu.vector_load %arg7[%parallel_loop3A_88] {strides = array<i32>} : memref<16960xf32, #tpu.memory_space<vmem>>, vector<16xf32>,
      %parallel_loop3A_90 = arith.addf %parallel_loop3A_85, %parallel_loop3A_89 : vector<16xf32>
      %parallel_loop3A_91 = arith.constant 12684 : i32
      %parallel_loop3A_92 = arith.addi %parallel_loop3A_91, %parallel_loop3A_33 : i32
      %parallel_loop3A_93 = arith.index_cast %parallel_loop3A_92 : i32 to index
      %parallel_loop3A_94 = tpu.vector_load %arg7[%parallel_loop3A_93] {strides = array<i32>} : memref<16960xf32, #tpu.memory_space<vmem>>, vector<16xf32>,
      %parallel_loop3A_95 = arith.addf %parallel_loop3A_90, %parallel_loop3A_94 : vector<16xf32>
      %parallel_loop3A_96 = arith.constant 13741 : i32
      %parallel_loop3A_97 = arith.addi %parallel_loop3A_96, %parallel_loop3A_33 : i32
      %parallel_loop3A_98 = arith.index_cast %parallel_loop3A_97 : i32 to index
      %parallel_loop3A_99 = tpu.vector_load %arg7[%parallel_loop3A_98] {strides = array<i32>} : memref<16960xf32, #tpu.memory_space<vmem>>, vector<16xf32>,
      %parallel_loop3A_100 = arith.addf %parallel_loop3A_95, %parallel_loop3A_99 : vector<16xf32>
      %parallel_loop3A_101 = arith.constant 14798 : i32
      %parallel_loop3A_102 = arith.addi %parallel_loop3A_101, %parallel_loop3A_33 : i32
      %parallel_loop3A_103 = arith.index_cast %parallel_loop3A_102 : i32 to index
      %parallel_loop3A_104 = tpu.vector_load %arg7[%parallel_loop3A_103] {strides = array<i32>} : memref<16960xf32, #tpu.memory_space<vmem>>, vector<16xf32>,
      %parallel_loop3A_105 = arith.addf %parallel_loop3A_100, %parallel_loop3A_104 : vector<16xf32>
      %parallel_loop3A_106 = arith.constant 15855 : i32
      %parallel_loop3A_107 = arith.addi %parallel_loop3A_106, %parallel_loop3A_33 : i32
      %parallel_loop3A_108 = arith.index_cast %parallel_loop3A_107 : i32 to index
      %parallel_loop3A_109 = tpu.vector_load %arg7[%parallel_loop3A_108] {strides = array<i32>} : memref<16960xf32, #tpu.memory_space<vmem>>, vector<16xf32>,
      %parallel_loop3A_110 = arith.addf %parallel_loop3A_105, %parallel_loop3A_109 : vector<16xf32>
      %parallel_loop3A_111 = arith.index_cast %parallel_loop3A_33 : i32 to index
      %parallel_loop3A_112 = tpu.vector_load %arg8[%parallel_loop3A_111] {strides = array<i32>} : memref<1056xf32, #tpu.memory_space<vmem>>, vector<16xf32>,
      tpu.vector_store %arg8[%parallel_loop3A_111], %parallel_loop3A_110 {strides = array<i32>} : memref<1056xf32, #tpu.memory_space<vmem>>, vector<16xf32>,
    } {sc.loop_unroll_factor = 2 : i64, sc.parallel_access}
    %mul3A_24 = arith.constant 1056 : i32
    %mul3A_25 = arith.muli %arg1, %mul3A_24 : i32
    "tpu.region"() ({
      %run_scoped3A = tpu.sem_alloc : memref<!tpu.dma_semaphore, #tpu.memory_space<semaphore_mem>>
      %dma_start3A = tpu.memref_slice %arg9[%mul3A_25] : memref<16896xf32, #tpu.memory_space<vmem_shared>> -> memref<1056xf32, #tpu.memory_space<vmem_shared>>
      %dma_start3A_31 = tpu.memref_slice %arg9[%mul3A_25] : memref<16896xf32, #tpu.memory_space<vmem_shared>> -> memref<1056xf32, #tpu.memory_space<vmem_shared>>
      tpu.enqueue_dma source(%arg8 : memref<1056xf32, #tpu.memory_space<vmem>>) target(%dma_start3A_31 : memref<1056xf32, #tpu.memory_space<vmem_shared>>) target_semaphore(%run_scoped3A : memref<!tpu.dma_semaphore, #tpu.memory_space<semaphore_mem>>)
      %dma_wait3A = tpu.memref_slice %arg9[%mul3A_25] : memref<16896xf32, #tpu.memory_space<vmem_shared>> -> memref<1056xf32, #tpu.memory_space<vmem_shared>>
      %dma_wait3A_32 = tpu.memref_slice %arg9[%mul3A_25] : memref<16896xf32, #tpu.memory_space<vmem_shared>> -> memref<1056xf32, #tpu.memory_space<vmem_shared>>
      tpu.wait_dma2 semaphore(%run_scoped3A : memref<!tpu.dma_semaphore, #tpu.memory_space<semaphore_mem>>) src(%arg8 : memref<1056xf32, #tpu.memory_space<vmem>>) dst(%dma_wait3A_32 : memref<1056xf32, #tpu.memory_space<vmem_shared>>)
      tpu.yield
    }) : () -> ()
    %barrier3A = arith.constant 0 : index
    tpu.barrier barrier_id(%barrier3A)
    %eq3A_26 = arith.constant 0 : i32
    %eq3A_27 = arith.cmpi eq, %arg1, %eq3A_26 : i32
    %convert_element_type3A_28 = arith.extui %eq3A_27 : i1 to i32
    %cond3A_29 = arith.constant 0 : i32
    %cond3A_30 = arith.cmpi ne, %convert_element_type3A_28, %cond3A_29 : i32
    scf.if %cond3A_30 {
      "tpu.region"() ({
        %run_scoped3A = tpu.sem_alloc : memref<!tpu.dma_semaphore, #tpu.memory_space<semaphore_mem>>
        %dma_start3A = arith.constant 0 : i32
        %dma_start3A_34 = tpu.memref_slice %arg7[%dma_start3A] : memref<16960xf32, #tpu.memory_space<vmem>> -> memref<16896xf32, #tpu.memory_space<vmem>>
        %dma_start3A_35 = arith.constant 0 : i32
        %dma_start3A_36 = tpu.memref_slice %arg7[%dma_start3A_35] : memref<16960xf32, #tpu.memory_space<vmem>> -> memref<16896xf32, #tpu.memory_space<vmem>>
        tpu.enqueue_dma source(%arg9 : memref<16896xf32, #tpu.memory_space<vmem_shared>>) target(%dma_start3A_36 : memref<16896xf32, #tpu.memory_space<vmem>>) target_semaphore(%run_scoped3A : memref<!tpu.dma_semaphore, #tpu.memory_space<semaphore_mem>>)
        %dma_wait3A = arith.constant 0 : i32
        %dma_wait3A_37 = tpu.memref_slice %arg7[%dma_wait3A] : memref<16960xf32, #tpu.memory_space<vmem>> -> memref<16896xf32, #tpu.memory_space<vmem>>
        %dma_wait3A_38 = arith.constant 0 : i32
        %dma_wait3A_39 = tpu.memref_slice %arg7[%dma_wait3A_38] : memref<16960xf32, #tpu.memory_space<vmem>> -> memref<16896xf32, #tpu.memory_space<vmem>>
        tpu.wait_dma2 semaphore(%run_scoped3A : memref<!tpu.dma_semaphore, #tpu.memory_space<semaphore_mem>>) src(%arg9 : memref<16896xf32, #tpu.memory_space<vmem_shared>>) dst(%dma_wait3A_39 : memref<16896xf32, #tpu.memory_space<vmem>>)
        tpu.yield
      }) : () -> ()
      %parallel_loop3A_31 = arith.constant 0 : i32
      %parallel_loop3A_32 = arith.constant 66 : i32
      %parallel_loop3A_33 = arith.constant 1 : i32
      scf.for %parallel_loop3A_34 = %parallel_loop3A_31 to %parallel_loop3A_32 step %parallel_loop3A_33  : i32 {
        %parallel_loop3A_35 = arith.constant 16 : i32
        %parallel_loop3A_36 = arith.muli %parallel_loop3A_34, %parallel_loop3A_35 : i32
        %parallel_loop3A_37 = arith.index_cast %parallel_loop3A_36 : i32 to index
        %parallel_loop3A_38 = tpu.vector_load %arg7[%parallel_loop3A_37] {strides = array<i32>} : memref<16960xf32, #tpu.memory_space<vmem>>, vector<16xf32>,
        %parallel_loop3A_39 = arith.constant 1056 : i32
        %parallel_loop3A_40 = arith.addi %parallel_loop3A_39, %parallel_loop3A_36 : i32
        %parallel_loop3A_41 = arith.index_cast %parallel_loop3A_40 : i32 to index
        %parallel_loop3A_42 = tpu.vector_load %arg7[%parallel_loop3A_41] {strides = array<i32>} : memref<16960xf32, #tpu.memory_space<vmem>>, vector<16xf32>,
        %parallel_loop3A_43 = arith.addf %parallel_loop3A_38, %parallel_loop3A_42 : vector<16xf32>
        %parallel_loop3A_44 = arith.constant 2112 : i32
        %parallel_loop3A_45 = arith.addi %parallel_loop3A_44, %parallel_loop3A_36 : i32
        %parallel_loop3A_46 = arith.index_cast %parallel_loop3A_45 : i32 to index
        %parallel_loop3A_47 = tpu.vector_load %arg7[%parallel_loop3A_46] {strides = array<i32>} : memref<16960xf32, #tpu.memory_space<vmem>>, vector<16xf32>,
        %parallel_loop3A_48 = arith.addf %parallel_loop3A_43, %parallel_loop3A_47 : vector<16xf32>
        %parallel_loop3A_49 = arith.constant 3168 : i32
        %parallel_loop3A_50 = arith.addi %parallel_loop3A_49, %parallel_loop3A_36 : i32
        %parallel_loop3A_51 = arith.index_cast %parallel_loop3A_50 : i32 to index
        %parallel_loop3A_52 = tpu.vector_load %arg7[%parallel_loop3A_51] {strides = array<i32>} : memref<16960xf32, #tpu.memory_space<vmem>>, vector<16xf32>,
        %parallel_loop3A_53 = arith.addf %parallel_loop3A_48, %parallel_loop3A_52 : vector<16xf32>
        %parallel_loop3A_54 = arith.constant 4224 : i32
        %parallel_loop3A_55 = arith.addi %parallel_loop3A_54, %parallel_loop3A_36 : i32
        %parallel_loop3A_56 = arith.index_cast %parallel_loop3A_55 : i32 to index
        %parallel_loop3A_57 = tpu.vector_load %arg7[%parallel_loop3A_56] {strides = array<i32>} : memref<16960xf32, #tpu.memory_space<vmem>>, vector<16xf32>,
        %parallel_loop3A_58 = arith.addf %parallel_loop3A_53, %parallel_loop3A_57 : vector<16xf32>
        %parallel_loop3A_59 = arith.constant 5280 : i32
        %parallel_loop3A_60 = arith.addi %parallel_loop3A_59, %parallel_loop3A_36 : i32
        %parallel_loop3A_61 = arith.index_cast %parallel_loop3A_60 : i32 to index
        %parallel_loop3A_62 = tpu.vector_load %arg7[%parallel_loop3A_61] {strides = array<i32>} : memref<16960xf32, #tpu.memory_space<vmem>>, vector<16xf32>,
        %parallel_loop3A_63 = arith.addf %parallel_loop3A_58, %parallel_loop3A_62 : vector<16xf32>
        %parallel_loop3A_64 = arith.constant 6336 : i32
        %parallel_loop3A_65 = arith.addi %parallel_loop3A_64, %parallel_loop3A_36 : i32
        %parallel_loop3A_66 = arith.index_cast %parallel_loop3A_65 : i32 to index
        %parallel_loop3A_67 = tpu.vector_load %arg7[%parallel_loop3A_66] {strides = array<i32>} : memref<16960xf32, #tpu.memory_space<vmem>>, vector<16xf32>,
        %parallel_loop3A_68 = arith.addf %parallel_loop3A_63, %parallel_loop3A_67 : vector<16xf32>
        %parallel_loop3A_69 = arith.constant 7392 : i32
        %parallel_loop3A_70 = arith.addi %parallel_loop3A_69, %parallel_loop3A_36 : i32
        %parallel_loop3A_71 = arith.index_cast %parallel_loop3A_70 : i32 to index
        %parallel_loop3A_72 = tpu.vector_load %arg7[%parallel_loop3A_71] {strides = array<i32>} : memref<16960xf32, #tpu.memory_space<vmem>>, vector<16xf32>,
        %parallel_loop3A_73 = arith.addf %parallel_loop3A_68, %parallel_loop3A_72 : vector<16xf32>
        %parallel_loop3A_74 = arith.constant 8448 : i32
        %parallel_loop3A_75 = arith.addi %parallel_loop3A_74, %parallel_loop3A_36 : i32
        %parallel_loop3A_76 = arith.index_cast %parallel_loop3A_75 : i32 to index
        %parallel_loop3A_77 = tpu.vector_load %arg7[%parallel_loop3A_76] {strides = array<i32>} : memref<16960xf32, #tpu.memory_space<vmem>>, vector<16xf32>,
        %parallel_loop3A_78 = arith.addf %parallel_loop3A_73, %parallel_loop3A_77 : vector<16xf32>
        %parallel_loop3A_79 = arith.constant 9504 : i32
        %parallel_loop3A_80 = arith.addi %parallel_loop3A_79, %parallel_loop3A_36 : i32
        %parallel_loop3A_81 = arith.index_cast %parallel_loop3A_80 : i32 to index
        %parallel_loop3A_82 = tpu.vector_load %arg7[%parallel_loop3A_81] {strides = array<i32>} : memref<16960xf32, #tpu.memory_space<vmem>>, vector<16xf32>,
        %parallel_loop3A_83 = arith.addf %parallel_loop3A_78, %parallel_loop3A_82 : vector<16xf32>
        %parallel_loop3A_84 = arith.constant 10560 : i32
        %parallel_loop3A_85 = arith.addi %parallel_loop3A_84, %parallel_loop3A_36 : i32
        %parallel_loop3A_86 = arith.index_cast %parallel_loop3A_85 : i32 to index
        %parallel_loop3A_87 = tpu.vector_load %arg7[%parallel_loop3A_86] {strides = array<i32>} : memref<16960xf32, #tpu.memory_space<vmem>>, vector<16xf32>,
        %parallel_loop3A_88 = arith.addf %parallel_loop3A_83, %parallel_loop3A_87 : vector<16xf32>
        %parallel_loop3A_89 = arith.constant 11616 : i32
        %parallel_loop3A_90 = arith.addi %parallel_loop3A_89, %parallel_loop3A_36 : i32
        %parallel_loop3A_91 = arith.index_cast %parallel_loop3A_90 : i32 to index
        %parallel_loop3A_92 = tpu.vector_load %arg7[%parallel_loop3A_91] {strides = array<i32>} : memref<16960xf32, #tpu.memory_space<vmem>>, vector<16xf32>,
        %parallel_loop3A_93 = arith.addf %parallel_loop3A_88, %parallel_loop3A_92 : vector<16xf32>
        %parallel_loop3A_94 = arith.constant 12672 : i32
        %parallel_loop3A_95 = arith.addi %parallel_loop3A_94, %parallel_loop3A_36 : i32
        %parallel_loop3A_96 = arith.index_cast %parallel_loop3A_95 : i32 to index
        %parallel_loop3A_97 = tpu.vector_load %arg7[%parallel_loop3A_96] {strides = array<i32>} : memref<16960xf32, #tpu.memory_space<vmem>>, vector<16xf32>,
        %parallel_loop3A_98 = arith.addf %parallel_loop3A_93, %parallel_loop3A_97 : vector<16xf32>
        %parallel_loop3A_99 = arith.constant 13728 : i32
        %parallel_loop3A_100 = arith.addi %parallel_loop3A_99, %parallel_loop3A_36 : i32
        %parallel_loop3A_101 = arith.index_cast %parallel_loop3A_100 : i32 to index
        %parallel_loop3A_102 = tpu.vector_load %arg7[%parallel_loop3A_101] {strides = array<i32>} : memref<16960xf32, #tpu.memory_space<vmem>>, vector<16xf32>,
        %parallel_loop3A_103 = arith.addf %parallel_loop3A_98, %parallel_loop3A_102 : vector<16xf32>
        %parallel_loop3A_104 = arith.constant 14784 : i32
        %parallel_loop3A_105 = arith.addi %parallel_loop3A_104, %parallel_loop3A_36 : i32
        %parallel_loop3A_106 = arith.index_cast %parallel_loop3A_105 : i32 to index
        %parallel_loop3A_107 = tpu.vector_load %arg7[%parallel_loop3A_106] {strides = array<i32>} : memref<16960xf32, #tpu.memory_space<vmem>>, vector<16xf32>,
        %parallel_loop3A_108 = arith.addf %parallel_loop3A_103, %parallel_loop3A_107 : vector<16xf32>
        %parallel_loop3A_109 = arith.constant 15840 : i32
        %parallel_loop3A_110 = arith.addi %parallel_loop3A_109, %parallel_loop3A_36 : i32
        %parallel_loop3A_111 = arith.index_cast %parallel_loop3A_110 : i32 to index
        %parallel_loop3A_112 = tpu.vector_load %arg7[%parallel_loop3A_111] {strides = array<i32>} : memref<16960xf32, #tpu.memory_space<vmem>>, vector<16xf32>,
        %parallel_loop3A_113 = arith.addf %parallel_loop3A_108, %parallel_loop3A_112 : vector<16xf32>
        %parallel_loop3A_114 = arith.index_cast %parallel_loop3A_36 : i32 to index
        %parallel_loop3A_115 = tpu.vector_load %arg8[%parallel_loop3A_114] {strides = array<i32>} : memref<1056xf32, #tpu.memory_space<vmem>>, vector<16xf32>,
        tpu.vector_store %arg8[%parallel_loop3A_114], %parallel_loop3A_113 {strides = array<i32>} : memref<1056xf32, #tpu.memory_space<vmem>>, vector<16xf32>,
      } {sc.loop_unroll_factor = 2 : i64, sc.parallel_access}
      "tpu.region"() ({
        %run_scoped3A = tpu.sem_alloc : memref<!tpu.dma_semaphore, #tpu.memory_space<semaphore_mem>>
        %dma_start3A = arith.constant 0 : i32
        %dma_start3A_34 = tpu.memref_slice %arg4[%arg0, %dma_start3A] : memref<2x1056xf32, #tpu.memory_space<hbm>> -> memref<1x1056xf32, #tpu.memory_space<hbm>>
        %dma_start3A_35 = tpu.memref_squeeze %dma_start3A_34 : memref<1x1056xf32, #tpu.memory_space<hbm>> -> memref<1056xf32, #tpu.memory_space<hbm>>
        %dma_start3A_36 = arith.constant 0 : i32
        %dma_start3A_37 = tpu.memref_slice %arg4[%arg0, %dma_start3A_36] : memref<2x1056xf32, #tpu.memory_space<hbm>> -> memref<1x1056xf32, #tpu.memory_space<hbm>>
        %dma_start3A_38 = tpu.memref_squeeze %dma_start3A_37 : memref<1x1056xf32, #tpu.memory_space<hbm>> -> memref<1056xf32, #tpu.memory_space<hbm>>
        tpu.enqueue_dma source(%arg8 : memref<1056xf32, #tpu.memory_space<vmem>>) target(%dma_start3A_38 : memref<1056xf32, #tpu.memory_space<hbm>>) target_semaphore(%run_scoped3A : memref<!tpu.dma_semaphore, #tpu.memory_space<semaphore_mem>>)
        %dma_wait3A = arith.constant 0 : i32
        %dma_wait3A_39 = tpu.memref_slice %arg4[%arg0, %dma_wait3A] : memref<2x1056xf32, #tpu.memory_space<hbm>> -> memref<1x1056xf32, #tpu.memory_space<hbm>>
        %dma_wait3A_40 = tpu.memref_squeeze %dma_wait3A_39 : memref<1x1056xf32, #tpu.memory_space<hbm>> -> memref<1056xf32, #tpu.memory_space<hbm>>
        %dma_wait3A_41 = arith.constant 0 : i32
        %dma_wait3A_42 = tpu.memref_slice %arg4[%arg0, %dma_wait3A_41] : memref<2x1056xf32, #tpu.memory_space<hbm>> -> memref<1x1056xf32, #tpu.memory_space<hbm>>
        %dma_wait3A_43 = tpu.memref_squeeze %dma_wait3A_42 : memref<1x1056xf32, #tpu.memory_space<hbm>> -> memref<1056xf32, #tpu.memory_space<hbm>>
        tpu.wait_dma2 semaphore(%run_scoped3A : memref<!tpu.dma_semaphore, #tpu.memory_space<semaphore_mem>>) src(%arg8 : memref<1056xf32, #tpu.memory_space<vmem>>) dst(%dma_wait3A_43 : memref<1056xf32, #tpu.memory_space<hbm>>)
        tpu.yield
      }) : () -> ()
    } else {
    }
    return
  }
}

#map = affine_map<(d0, d1) -> (0, 0)>
#map1 = affine_map<(d0, d1) -> (0)>
module attributes {stable_mosaic.version = 14 : i64} {
  func.func @_pass2_body(%arg0: i32, %arg1: i32, %arg2: memref<2x1056xf32, #tpu.memory_space<hbm>>, %arg3: memref<2x1056xf32, #tpu.memory_space<hbm>>, %arg4: memref<16xf32, #tpu.memory_space<hbm>>, %arg5: memref<4x1056xf32, #tpu.memory_space<vmem>>, %arg6: memref<1056xf32, #tpu.memory_space<vmem>>, %arg7: memref<16xf32, #tpu.memory_space<vmem>>) attributes {dimension_semantics = [#tpu.dimension_semantics<core_parallel>, #tpu.dimension_semantics<subcore_parallel>], iteration_bounds = array<i64: 2, 16>, scalar_prefetch = 0 : i64, scratch_operands = 3 : i64, tpu.core_type = #tpu.core_type<sc_vector_subcore>, window_params = [{transform_indices = #map}, {transform_indices = #map}, {transform_indices = #map1}]} {
    %mul3A = arith.constant 2 : i32
    %mul3A_0 = arith.muli %arg1, %mul3A : i32
    %add3A = arith.addi %mul3A_0, %arg0 : i32
    %eq3A = arith.constant 0 : i32
    %eq3A_1 = arith.cmpi eq, %add3A, %eq3A : i32
    %convert_element_type3A = arith.extui %eq3A_1 : i1 to i32
    %cond3A = arith.constant 0 : i32
    %cond3A_2 = arith.cmpi ne, %convert_element_type3A, %cond3A : i32
    scf.if %cond3A_2 {
      "tpu.region"() ({
        %run_scoped3A = tpu.sem_alloc : memref<!tpu.dma_semaphore, #tpu.memory_space<semaphore_mem>>
        %dma_start3A = arith.constant 0 : i32
        %dma_start3A_1113 = arith.constant 0 : i32
        %dma_start3A_1114 = tpu.memref_slice %arg5[%dma_start3A, %dma_start3A_1113] : memref<4x1056xf32, #tpu.memory_space<vmem>> -> memref<2x1056xf32, #tpu.memory_space<vmem>>
        %dma_start3A_1115 = arith.constant 0 : i32
        %dma_start3A_1116 = arith.constant 0 : i32
        %dma_start3A_1117 = tpu.memref_slice %arg5[%dma_start3A_1115, %dma_start3A_1116] : memref<4x1056xf32, #tpu.memory_space<vmem>> -> memref<2x1056xf32, #tpu.memory_space<vmem>>
        tpu.enqueue_dma source(%arg2 : memref<2x1056xf32, #tpu.memory_space<hbm>>) target(%dma_start3A_1117 : memref<2x1056xf32, #tpu.memory_space<vmem>>) target_semaphore(%run_scoped3A : memref<!tpu.dma_semaphore, #tpu.memory_space<semaphore_mem>>)
        %dma_wait3A = arith.constant 0 : i32
        %dma_wait3A_1118 = arith.constant 0 : i32
        %dma_wait3A_1119 = tpu.memref_slice %arg5[%dma_wait3A, %dma_wait3A_1118] : memref<4x1056xf32, #tpu.memory_space<vmem>> -> memref<2x1056xf32, #tpu.memory_space<vmem>>
        %dma_wait3A_1120 = arith.constant 0 : i32
        %dma_wait3A_1121 = arith.constant 0 : i32
        %dma_wait3A_1122 = tpu.memref_slice %arg5[%dma_wait3A_1120, %dma_wait3A_1121] : memref<4x1056xf32, #tpu.memory_space<vmem>> -> memref<2x1056xf32, #tpu.memory_space<vmem>>
        tpu.wait_dma2 semaphore(%run_scoped3A : memref<!tpu.dma_semaphore, #tpu.memory_space<semaphore_mem>>) src(%arg2 : memref<2x1056xf32, #tpu.memory_space<hbm>>) dst(%dma_wait3A_1122 : memref<2x1056xf32, #tpu.memory_space<vmem>>)
        tpu.yield
      }) : () -> ()
      "tpu.region"() ({
        %run_scoped3A = tpu.sem_alloc : memref<!tpu.dma_semaphore, #tpu.memory_space<semaphore_mem>>
        %dma_start3A = arith.constant 2 : i32
        %dma_start3A_1113 = arith.constant 0 : i32
        %dma_start3A_1114 = tpu.memref_slice %arg5[%dma_start3A, %dma_start3A_1113] : memref<4x1056xf32, #tpu.memory_space<vmem>> -> memref<2x1056xf32, #tpu.memory_space<vmem>>
        %dma_start3A_1115 = arith.constant 2 : i32
        %dma_start3A_1116 = arith.constant 0 : i32
        %dma_start3A_1117 = tpu.memref_slice %arg5[%dma_start3A_1115, %dma_start3A_1116] : memref<4x1056xf32, #tpu.memory_space<vmem>> -> memref<2x1056xf32, #tpu.memory_space<vmem>>
        tpu.enqueue_dma source(%arg3 : memref<2x1056xf32, #tpu.memory_space<hbm>>) target(%dma_start3A_1117 : memref<2x1056xf32, #tpu.memory_space<vmem>>) target_semaphore(%run_scoped3A : memref<!tpu.dma_semaphore, #tpu.memory_space<semaphore_mem>>)
        %dma_wait3A = arith.constant 2 : i32
        %dma_wait3A_1118 = arith.constant 0 : i32
        %dma_wait3A_1119 = tpu.memref_slice %arg5[%dma_wait3A, %dma_wait3A_1118] : memref<4x1056xf32, #tpu.memory_space<vmem>> -> memref<2x1056xf32, #tpu.memory_space<vmem>>
        %dma_wait3A_1120 = arith.constant 2 : i32
        %dma_wait3A_1121 = arith.constant 0 : i32
        %dma_wait3A_1122 = tpu.memref_slice %arg5[%dma_wait3A_1120, %dma_wait3A_1121] : memref<4x1056xf32, #tpu.memory_space<vmem>> -> memref<2x1056xf32, #tpu.memory_space<vmem>>
        tpu.wait_dma2 semaphore(%run_scoped3A : memref<!tpu.dma_semaphore, #tpu.memory_space<semaphore_mem>>) src(%arg3 : memref<2x1056xf32, #tpu.memory_space<hbm>>) dst(%dma_wait3A_1122 : memref<2x1056xf32, #tpu.memory_space<vmem>>)
        tpu.yield
      }) : () -> ()
      %iota3A = tpu.iota {dimensions = array<i32: 0>} : vector<16xi32>
      %parallel_loop3A = arith.constant 0 : i32
      %parallel_loop3A_3 = arith.constant 66 : i32
      %parallel_loop3A_4 = arith.constant 1 : i32
      scf.for %parallel_loop3A_1113 = %parallel_loop3A to %parallel_loop3A_3 step %parallel_loop3A_4  : i32 {
        %parallel_loop3A_1114 = arith.constant 16 : i32
        %parallel_loop3A_1115 = arith.muli %parallel_loop3A_1113, %parallel_loop3A_1114 : i32
        %parallel_loop3A_1116 = arith.constant 0 : i32
        %parallel_loop3A_1117 = arith.index_cast %parallel_loop3A_1116 : i32 to index
        %parallel_loop3A_1118 = arith.index_cast %parallel_loop3A_1115 : i32 to index
        %parallel_loop3A_1119 = tpu.vector_load %arg5[%parallel_loop3A_1117, %parallel_loop3A_1118] {strides = array<i32>} : memref<4x1056xf32, #tpu.memory_space<vmem>>, vector<16xf32>,
        %parallel_loop3A_1120 = arith.constant 1 : i32
        %parallel_loop3A_1121 = arith.index_cast %parallel_loop3A_1120 : i32 to index
        %parallel_loop3A_1122 = arith.index_cast %parallel_loop3A_1115 : i32 to index
        %parallel_loop3A_1123 = tpu.vector_load %arg5[%parallel_loop3A_1121, %parallel_loop3A_1122] {strides = array<i32>} : memref<4x1056xf32, #tpu.memory_space<vmem>>, vector<16xf32>,
        %parallel_loop3A_1124 = arith.addf %parallel_loop3A_1119, %parallel_loop3A_1123 : vector<16xf32>
        %parallel_loop3A_1125 = arith.constant 2 : i32
        %parallel_loop3A_1126 = arith.index_cast %parallel_loop3A_1125 : i32 to index
        %parallel_loop3A_1127 = arith.index_cast %parallel_loop3A_1115 : i32 to index
        %parallel_loop3A_1128 = tpu.vector_load %arg5[%parallel_loop3A_1126, %parallel_loop3A_1127] {strides = array<i32>} : memref<4x1056xf32, #tpu.memory_space<vmem>>, vector<16xf32>,
        %parallel_loop3A_1129 = arith.addf %parallel_loop3A_1124, %parallel_loop3A_1128 : vector<16xf32>
        %parallel_loop3A_1130 = arith.constant 3 : i32
        %parallel_loop3A_1131 = arith.index_cast %parallel_loop3A_1130 : i32 to index
        %parallel_loop3A_1132 = arith.index_cast %parallel_loop3A_1115 : i32 to index
        %parallel_loop3A_1133 = tpu.vector_load %arg5[%parallel_loop3A_1131, %parallel_loop3A_1132] {strides = array<i32>} : memref<4x1056xf32, #tpu.memory_space<vmem>>, vector<16xf32>,
        %parallel_loop3A_1134 = arith.addf %parallel_loop3A_1129, %parallel_loop3A_1133 : vector<16xf32>
        %parallel_loop3A_1135 = arith.index_cast %parallel_loop3A_1115 : i32 to index
        %parallel_loop3A_1136 = tpu.vector_load %arg6[%parallel_loop3A_1135] {strides = array<i32>} : memref<1056xf32, #tpu.memory_space<vmem>>, vector<16xf32>,
        tpu.vector_store %arg6[%parallel_loop3A_1135], %parallel_loop3A_1134 {strides = array<i32>} : memref<1056xf32, #tpu.memory_space<vmem>>, vector<16xf32>,
      } {sc.loop_unroll_factor = 2 : i64, sc.parallel_access}
      %broadcast_in_dim3A = arith.constant 0.000000e+00 : f32
      %broadcast_in_dim3A_5 = vector.broadcast %broadcast_in_dim3A : f32 to vector<16xf32>
      %broadcast_in_dim3A_6 = arith.constant 0.000000e+00 : f32
      %broadcast_in_dim3A_7 = vector.broadcast %broadcast_in_dim3A_6 : f32 to vector<16xf32>
      %get3A = arith.constant 128 : index
      %get3A_8 = tpu.vector_load %arg6[%get3A] {strides = array<i32>} : memref<1056xf32, #tpu.memory_space<vmem>>, vector<16xf32>,
      %get3A_9 = arith.constant 256 : index
      %get3A_10 = tpu.vector_load %arg6[%get3A_9] {strides = array<i32>} : memref<1056xf32, #tpu.memory_space<vmem>>, vector<16xf32>,
      %get3A_11 = arith.constant 384 : index
      %get3A_12 = tpu.vector_load %arg6[%get3A_11] {strides = array<i32>} : memref<1056xf32, #tpu.memory_space<vmem>>, vector<16xf32>,
      %broadcast_in_dim3A_13 = arith.constant 0 : i32
      %broadcast_in_dim3A_14 = vector.broadcast %broadcast_in_dim3A_13 : i32 to vector<16xi32>
      %get3A_15 = arith.constant 512 : index
      %get3A_16 = tpu.vector_load %arg6[%get3A_15] {strides = array<i32>} : memref<1056xf32, #tpu.memory_space<vmem>>, vector<16xf32>,
      %add3A_17 = arith.addf %get3A_12, %get3A_16 : vector<16xf32>
      %gt3A = arith.cmpf ogt, %get3A_16, %get3A_12 : vector<16xf32>
      %select_n3A = arith.select %gt3A, %get3A_16, %get3A_12 : vector<16xi1>, vector<16xf32>
      %jit3A = arith.constant 1 : i32
      %broadcast_in_dim3A_18 = vector.broadcast %jit3A : i32 to vector<16xi32>
      %select_n3A_19 = arith.select %gt3A, %broadcast_in_dim3A_18, %broadcast_in_dim3A_14 : vector<16xi1>, vector<16xi32>
      %get3A_20 = arith.constant 640 : index
      %get3A_21 = tpu.vector_load %arg6[%get3A_20] {strides = array<i32>} : memref<1056xf32, #tpu.memory_space<vmem>>, vector<16xf32>,
      %add3A_22 = arith.addf %add3A_17, %get3A_21 : vector<16xf32>
      %gt3A_23 = arith.cmpf ogt, %get3A_21, %select_n3A : vector<16xf32>
      %select_n3A_24 = arith.select %gt3A_23, %get3A_21, %select_n3A : vector<16xi1>, vector<16xf32>
      %jit3A_25 = arith.constant 2 : i32
      %broadcast_in_dim3A_26 = vector.broadcast %jit3A_25 : i32 to vector<16xi32>
      %select_n3A_27 = arith.select %gt3A_23, %broadcast_in_dim3A_26, %select_n3A_19 : vector<16xi1>, vector<16xi32>
      %get3A_28 = arith.constant 768 : index
      %get3A_29 = tpu.vector_load %arg6[%get3A_28] {strides = array<i32>} : memref<1056xf32, #tpu.memory_space<vmem>>, vector<16xf32>,
      %add3A_30 = arith.addf %add3A_22, %get3A_29 : vector<16xf32>
      %gt3A_31 = arith.cmpf ogt, %get3A_29, %select_n3A_24 : vector<16xf32>
      %select_n3A_32 = arith.select %gt3A_31, %get3A_29, %select_n3A_24 : vector<16xi1>, vector<16xf32>
      %jit3A_33 = arith.constant 3 : i32
      %broadcast_in_dim3A_34 = vector.broadcast %jit3A_33 : i32 to vector<16xi32>
      %select_n3A_35 = arith.select %gt3A_31, %broadcast_in_dim3A_34, %select_n3A_27 : vector<16xi1>, vector<16xi32>
      %get3A_36 = arith.constant 896 : index
      %get3A_37 = tpu.vector_load %arg6[%get3A_36] {strides = array<i32>} : memref<1056xf32, #tpu.memory_space<vmem>>, vector<16xf32>,
      %add3A_38 = arith.addf %add3A_30, %get3A_37 : vector<16xf32>
      %gt3A_39 = arith.cmpf ogt, %get3A_37, %select_n3A_32 : vector<16xf32>
      %select_n3A_40 = arith.select %gt3A_39, %get3A_37, %select_n3A_32 : vector<16xi1>, vector<16xf32>
      %jit3A_41 = arith.constant 4 : i32
      %broadcast_in_dim3A_42 = vector.broadcast %jit3A_41 : i32 to vector<16xi32>
      %select_n3A_43 = arith.select %gt3A_39, %broadcast_in_dim3A_42, %select_n3A_35 : vector<16xi1>, vector<16xi32>
      %max3A = arith.constant 1.000000e+00 : f32
      %max3A_44 = vector.broadcast %max3A : f32 to vector<16xf32>
      %max3A_45 = arith.maximumf %add3A_38, %max3A_44 : vector<16xf32>
      %gt3A_46 = arith.constant 0.000000e+00 : f32
      %gt3A_47 = vector.broadcast %gt3A_46 : f32 to vector<16xf32>
      %gt3A_48 = arith.cmpf ogt, %add3A_38, %gt3A_47 : vector<16xf32>
      %div3A = arith.divf %get3A_8, %max3A_45 : vector<16xf32>
      %jit3A_49 = arith.constant 0.000000e+00 : f32
      %broadcast_in_dim3A_50 = vector.broadcast %jit3A_49 : f32 to vector<16xf32>
      %select_n3A_51 = arith.select %gt3A_48, %div3A, %broadcast_in_dim3A_50 : vector<16xi1>, vector<16xf32>
      %gt3A_52 = arith.constant 0.000000e+00 : f32
      %gt3A_53 = vector.broadcast %gt3A_52 : f32 to vector<16xf32>
      %gt3A_54 = arith.cmpf ogt, %add3A_38, %gt3A_53 : vector<16xf32>
      %div3A_55 = arith.divf %get3A_10, %max3A_45 : vector<16xf32>
      %jit3A_56 = arith.constant 0.000000e+00 : f32
      %broadcast_in_dim3A_57 = vector.broadcast %jit3A_56 : f32 to vector<16xf32>
      %select_n3A_58 = arith.select %gt3A_54, %div3A_55, %broadcast_in_dim3A_57 : vector<16xi1>, vector<16xf32>
      %eq3A_59 = arith.constant 0 : i32
      %eq3A_60 = vector.broadcast %eq3A_59 : i32 to vector<16xi32>
      %eq3A_61 = arith.cmpi eq, %select_n3A_43, %eq3A_60 : vector<16xi32>
      %eq3A_62 = arith.constant 1 : i32
      %eq3A_63 = vector.broadcast %eq3A_62 : i32 to vector<16xi32>
      %eq3A_64 = arith.cmpi eq, %select_n3A_43, %eq3A_63 : vector<16xi32>
      %eq3A_65 = arith.constant 2 : i32
      %eq3A_66 = vector.broadcast %eq3A_65 : i32 to vector<16xi32>
      %eq3A_67 = arith.cmpi eq, %select_n3A_43, %eq3A_66 : vector<16xi32>
      %eq3A_68 = arith.constant 3 : i32
      %eq3A_69 = vector.broadcast %eq3A_68 : i32 to vector<16xi32>
      %eq3A_70 = arith.cmpi eq, %select_n3A_43, %eq3A_69 : vector<16xi32>
      %jit3A_71 = arith.constant 2.500000e+00 : f32
      %jit3A_72 = arith.constant 1.500000e+00 : f32
      %broadcast_in_dim3A_73 = vector.broadcast %jit3A_71 : f32 to vector<16xf32>
      %broadcast_in_dim3A_74 = vector.broadcast %jit3A_72 : f32 to vector<16xf32>
      %select_n3A_75 = arith.select %eq3A_70, %broadcast_in_dim3A_73, %broadcast_in_dim3A_74 : vector<16xi1>, vector<16xf32>
      %jit3A_76 = arith.constant 2.000000e+00 : f32
      %broadcast_in_dim3A_77 = vector.broadcast %jit3A_76 : f32 to vector<16xf32>
      %select_n3A_78 = arith.select %eq3A_67, %broadcast_in_dim3A_77, %select_n3A_75 : vector<16xi1>, vector<16xf32>
      %jit3A_79 = arith.constant 1.000000e+00 : f32
      %broadcast_in_dim3A_80 = vector.broadcast %jit3A_79 : f32 to vector<16xf32>
      %select_n3A_81 = arith.select %eq3A_64, %broadcast_in_dim3A_80, %select_n3A_78 : vector<16xi1>, vector<16xf32>
      %jit3A_82 = arith.constant 1.000000e-01 : f32
      %broadcast_in_dim3A_83 = vector.broadcast %jit3A_82 : f32 to vector<16xf32>
      %select_n3A_84 = arith.select %eq3A_61, %broadcast_in_dim3A_83, %select_n3A_81 : vector<16xi1>, vector<16xf32>
      %add3A_85 = arith.constant 0 : i32
      %add3A_86 = vector.broadcast %add3A_85 : i32 to vector<16xi32>
      %add3A_87 = arith.addi %add3A_86, %iota3A : vector<16xi32>
      %gt3A_88 = arith.constant 0 : i32
      %gt3A_89 = vector.broadcast %gt3A_88 : i32 to vector<16xi32>
      %gt3A_90 = arith.cmpi sgt, %add3A_87, %gt3A_89 : vector<16xi32>
      %gt3A_91 = arith.constant 0.000000e+00 : f32
      %gt3A_92 = vector.broadcast %gt3A_91 : f32 to vector<16xf32>
      %gt3A_93 = arith.cmpf ogt, %add3A_38, %gt3A_92 : vector<16xf32>
      %and3A = arith.andi %gt3A_90, %gt3A_93 : vector<16xi1>
      %gt3A_94 = arith.constant 4.000000e-01 : f32
      %gt3A_95 = vector.broadcast %gt3A_94 : f32 to vector<16xf32>
      %gt3A_96 = arith.cmpf ogt, %select_n3A_58, %gt3A_95 : vector<16xf32>
      %and3A_97 = arith.andi %and3A, %gt3A_96 : vector<16xi1>
      %jit3A_98 = arith.constant 1.000000e+00 : f32
      %jit3A_99 = arith.constant 0.000000e+00 : f32
      %broadcast_in_dim3A_100 = vector.broadcast %jit3A_98 : f32 to vector<16xf32>
      %broadcast_in_dim3A_101 = vector.broadcast %jit3A_99 : f32 to vector<16xf32>
      %select_n3A_102 = arith.select %and3A_97, %broadcast_in_dim3A_100, %broadcast_in_dim3A_101 : vector<16xi1>, vector<16xf32>
      %mul3A_103 = arith.mulf %select_n3A_102, %select_n3A_51 : vector<16xf32>
      %exp3A = math.exp %select_n3A_51 : vector<16xf32>
      %mul3A_104 = arith.mulf %mul3A_103, %exp3A : vector<16xf32>
      %mul3A_105 = arith.mulf %mul3A_104, %select_n3A_84 : vector<16xf32>
      %add3A_106 = arith.addf %broadcast_in_dim3A_5, %mul3A_105 : vector<16xf32>
      %add3A_107 = arith.addf %broadcast_in_dim3A_7, %select_n3A_102 : vector<16xf32>
      %get3A_108 = arith.constant 144 : index
      %get3A_109 = tpu.vector_load %arg6[%get3A_108] {strides = array<i32>} : memref<1056xf32, #tpu.memory_space<vmem>>, vector<16xf32>,
      %get3A_110 = arith.constant 272 : index
      %get3A_111 = tpu.vector_load %arg6[%get3A_110] {strides = array<i32>} : memref<1056xf32, #tpu.memory_space<vmem>>, vector<16xf32>,
      %get3A_112 = arith.constant 400 : index
      %get3A_113 = tpu.vector_load %arg6[%get3A_112] {strides = array<i32>} : memref<1056xf32, #tpu.memory_space<vmem>>, vector<16xf32>,
      %broadcast_in_dim3A_114 = arith.constant 0 : i32
      %broadcast_in_dim3A_115 = vector.broadcast %broadcast_in_dim3A_114 : i32 to vector<16xi32>
      %get3A_116 = arith.constant 528 : index
      %get3A_117 = tpu.vector_load %arg6[%get3A_116] {strides = array<i32>} : memref<1056xf32, #tpu.memory_space<vmem>>, vector<16xf32>,
      %add3A_118 = arith.addf %get3A_113, %get3A_117 : vector<16xf32>
      %gt3A_119 = arith.cmpf ogt, %get3A_117, %get3A_113 : vector<16xf32>
      %select_n3A_120 = arith.select %gt3A_119, %get3A_117, %get3A_113 : vector<16xi1>, vector<16xf32>
      %jit3A_121 = arith.constant 1 : i32
      %broadcast_in_dim3A_122 = vector.broadcast %jit3A_121 : i32 to vector<16xi32>
      %select_n3A_123 = arith.select %gt3A_119, %broadcast_in_dim3A_122, %broadcast_in_dim3A_115 : vector<16xi1>, vector<16xi32>
      %get3A_124 = arith.constant 656 : index
      %get3A_125 = tpu.vector_load %arg6[%get3A_124] {strides = array<i32>} : memref<1056xf32, #tpu.memory_space<vmem>>, vector<16xf32>,
      %add3A_126 = arith.addf %add3A_118, %get3A_125 : vector<16xf32>
      %gt3A_127 = arith.cmpf ogt, %get3A_125, %select_n3A_120 : vector<16xf32>
      %select_n3A_128 = arith.select %gt3A_127, %get3A_125, %select_n3A_120 : vector<16xi1>, vector<16xf32>
      %jit3A_129 = arith.constant 2 : i32
      %broadcast_in_dim3A_130 = vector.broadcast %jit3A_129 : i32 to vector<16xi32>
      %select_n3A_131 = arith.select %gt3A_127, %broadcast_in_dim3A_130, %select_n3A_123 : vector<16xi1>, vector<16xi32>
      %get3A_132 = arith.constant 784 : index
      %get3A_133 = tpu.vector_load %arg6[%get3A_132] {strides = array<i32>} : memref<1056xf32, #tpu.memory_space<vmem>>, vector<16xf32>,
      %add3A_134 = arith.addf %add3A_126, %get3A_133 : vector<16xf32>
      %gt3A_135 = arith.cmpf ogt, %get3A_133, %select_n3A_128 : vector<16xf32>
      %select_n3A_136 = arith.select %gt3A_135, %get3A_133, %select_n3A_128 : vector<16xi1>, vector<16xf32>
      %jit3A_137 = arith.constant 3 : i32
      %broadcast_in_dim3A_138 = vector.broadcast %jit3A_137 : i32 to vector<16xi32>
      %select_n3A_139 = arith.select %gt3A_135, %broadcast_in_dim3A_138, %select_n3A_131 : vector<16xi1>, vector<16xi32>
      %get3A_140 = arith.constant 912 : index
      %get3A_141 = tpu.vector_load %arg6[%get3A_140] {strides = array<i32>} : memref<1056xf32, #tpu.memory_space<vmem>>, vector<16xf32>,
      %add3A_142 = arith.addf %add3A_134, %get3A_141 : vector<16xf32>
      %gt3A_143 = arith.cmpf ogt, %get3A_141, %select_n3A_136 : vector<16xf32>
      %select_n3A_144 = arith.select %gt3A_143, %get3A_141, %select_n3A_136 : vector<16xi1>, vector<16xf32>
      %jit3A_145 = arith.constant 4 : i32
      %broadcast_in_dim3A_146 = vector.broadcast %jit3A_145 : i32 to vector<16xi32>
      %select_n3A_147 = arith.select %gt3A_143, %broadcast_in_dim3A_146, %select_n3A_139 : vector<16xi1>, vector<16xi32>
      %max3A_148 = arith.constant 1.000000e+00 : f32
      %max3A_149 = vector.broadcast %max3A_148 : f32 to vector<16xf32>
      %max3A_150 = arith.maximumf %add3A_142, %max3A_149 : vector<16xf32>
      %gt3A_151 = arith.constant 0.000000e+00 : f32
      %gt3A_152 = vector.broadcast %gt3A_151 : f32 to vector<16xf32>
      %gt3A_153 = arith.cmpf ogt, %add3A_142, %gt3A_152 : vector<16xf32>
      %div3A_154 = arith.divf %get3A_109, %max3A_150 : vector<16xf32>
      %jit3A_155 = arith.constant 0.000000e+00 : f32
      %broadcast_in_dim3A_156 = vector.broadcast %jit3A_155 : f32 to vector<16xf32>
      %select_n3A_157 = arith.select %gt3A_153, %div3A_154, %broadcast_in_dim3A_156 : vector<16xi1>, vector<16xf32>
      %gt3A_158 = arith.constant 0.000000e+00 : f32
      %gt3A_159 = vector.broadcast %gt3A_158 : f32 to vector<16xf32>
      %gt3A_160 = arith.cmpf ogt, %add3A_142, %gt3A_159 : vector<16xf32>
      %div3A_161 = arith.divf %get3A_111, %max3A_150 : vector<16xf32>
      %jit3A_162 = arith.constant 0.000000e+00 : f32
      %broadcast_in_dim3A_163 = vector.broadcast %jit3A_162 : f32 to vector<16xf32>
      %select_n3A_164 = arith.select %gt3A_160, %div3A_161, %broadcast_in_dim3A_163 : vector<16xi1>, vector<16xf32>
      %eq3A_165 = arith.constant 0 : i32
      %eq3A_166 = vector.broadcast %eq3A_165 : i32 to vector<16xi32>
      %eq3A_167 = arith.cmpi eq, %select_n3A_147, %eq3A_166 : vector<16xi32>
      %eq3A_168 = arith.constant 1 : i32
      %eq3A_169 = vector.broadcast %eq3A_168 : i32 to vector<16xi32>
      %eq3A_170 = arith.cmpi eq, %select_n3A_147, %eq3A_169 : vector<16xi32>
      %eq3A_171 = arith.constant 2 : i32
      %eq3A_172 = vector.broadcast %eq3A_171 : i32 to vector<16xi32>
      %eq3A_173 = arith.cmpi eq, %select_n3A_147, %eq3A_172 : vector<16xi32>
      %eq3A_174 = arith.constant 3 : i32
      %eq3A_175 = vector.broadcast %eq3A_174 : i32 to vector<16xi32>
      %eq3A_176 = arith.cmpi eq, %select_n3A_147, %eq3A_175 : vector<16xi32>
      %jit3A_177 = arith.constant 2.500000e+00 : f32
      %jit3A_178 = arith.constant 1.500000e+00 : f32
      %broadcast_in_dim3A_179 = vector.broadcast %jit3A_177 : f32 to vector<16xf32>
      %broadcast_in_dim3A_180 = vector.broadcast %jit3A_178 : f32 to vector<16xf32>
      %select_n3A_181 = arith.select %eq3A_176, %broadcast_in_dim3A_179, %broadcast_in_dim3A_180 : vector<16xi1>, vector<16xf32>
      %jit3A_182 = arith.constant 2.000000e+00 : f32
      %broadcast_in_dim3A_183 = vector.broadcast %jit3A_182 : f32 to vector<16xf32>
      %select_n3A_184 = arith.select %eq3A_173, %broadcast_in_dim3A_183, %select_n3A_181 : vector<16xi1>, vector<16xf32>
      %jit3A_185 = arith.constant 1.000000e+00 : f32
      %broadcast_in_dim3A_186 = vector.broadcast %jit3A_185 : f32 to vector<16xf32>
      %select_n3A_187 = arith.select %eq3A_170, %broadcast_in_dim3A_186, %select_n3A_184 : vector<16xi1>, vector<16xf32>
      %jit3A_188 = arith.constant 1.000000e-01 : f32
      %broadcast_in_dim3A_189 = vector.broadcast %jit3A_188 : f32 to vector<16xf32>
      %select_n3A_190 = arith.select %eq3A_167, %broadcast_in_dim3A_189, %select_n3A_187 : vector<16xi1>, vector<16xf32>
      %add3A_191 = arith.constant 16 : i32
      %add3A_192 = vector.broadcast %add3A_191 : i32 to vector<16xi32>
      %add3A_193 = arith.addi %add3A_192, %iota3A : vector<16xi32>
      %gt3A_194 = arith.constant 0 : i32
      %gt3A_195 = vector.broadcast %gt3A_194 : i32 to vector<16xi32>
      %gt3A_196 = arith.cmpi sgt, %add3A_193, %gt3A_195 : vector<16xi32>
      %gt3A_197 = arith.constant 0.000000e+00 : f32
      %gt3A_198 = vector.broadcast %gt3A_197 : f32 to vector<16xf32>
      %gt3A_199 = arith.cmpf ogt, %add3A_142, %gt3A_198 : vector<16xf32>
      %and3A_200 = arith.andi %gt3A_196, %gt3A_199 : vector<16xi1>
      %gt3A_201 = arith.constant 4.000000e-01 : f32
      %gt3A_202 = vector.broadcast %gt3A_201 : f32 to vector<16xf32>
      %gt3A_203 = arith.cmpf ogt, %select_n3A_164, %gt3A_202 : vector<16xf32>
      %and3A_204 = arith.andi %and3A_200, %gt3A_203 : vector<16xi1>
      %jit3A_205 = arith.constant 1.000000e+00 : f32
      %jit3A_206 = arith.constant 0.000000e+00 : f32
      %broadcast_in_dim3A_207 = vector.broadcast %jit3A_205 : f32 to vector<16xf32>
      %broadcast_in_dim3A_208 = vector.broadcast %jit3A_206 : f32 to vector<16xf32>
      %select_n3A_209 = arith.select %and3A_204, %broadcast_in_dim3A_207, %broadcast_in_dim3A_208 : vector<16xi1>, vector<16xf32>
      %mul3A_210 = arith.mulf %select_n3A_209, %select_n3A_157 : vector<16xf32>
      %exp3A_211 = math.exp %select_n3A_157 : vector<16xf32>
      %mul3A_212 = arith.mulf %mul3A_210, %exp3A_211 : vector<16xf32>
      %mul3A_213 = arith.mulf %mul3A_212, %select_n3A_190 : vector<16xf32>
      %add3A_214 = arith.addf %add3A_106, %mul3A_213 : vector<16xf32>
      %add3A_215 = arith.addf %add3A_107, %select_n3A_209 : vector<16xf32>
      %get3A_216 = arith.constant 160 : index
      %get3A_217 = tpu.vector_load %arg6[%get3A_216] {strides = array<i32>} : memref<1056xf32, #tpu.memory_space<vmem>>, vector<16xf32>,
      %get3A_218 = arith.constant 288 : index
      %get3A_219 = tpu.vector_load %arg6[%get3A_218] {strides = array<i32>} : memref<1056xf32, #tpu.memory_space<vmem>>, vector<16xf32>,
      %get3A_220 = arith.constant 416 : index
      %get3A_221 = tpu.vector_load %arg6[%get3A_220] {strides = array<i32>} : memref<1056xf32, #tpu.memory_space<vmem>>, vector<16xf32>,
      %broadcast_in_dim3A_222 = arith.constant 0 : i32
      %broadcast_in_dim3A_223 = vector.broadcast %broadcast_in_dim3A_222 : i32 to vector<16xi32>
      %get3A_224 = arith.constant 544 : index
      %get3A_225 = tpu.vector_load %arg6[%get3A_224] {strides = array<i32>} : memref<1056xf32, #tpu.memory_space<vmem>>, vector<16xf32>,
      %add3A_226 = arith.addf %get3A_221, %get3A_225 : vector<16xf32>
      %gt3A_227 = arith.cmpf ogt, %get3A_225, %get3A_221 : vector<16xf32>
      %select_n3A_228 = arith.select %gt3A_227, %get3A_225, %get3A_221 : vector<16xi1>, vector<16xf32>
      %jit3A_229 = arith.constant 1 : i32
      %broadcast_in_dim3A_230 = vector.broadcast %jit3A_229 : i32 to vector<16xi32>
      %select_n3A_231 = arith.select %gt3A_227, %broadcast_in_dim3A_230, %broadcast_in_dim3A_223 : vector<16xi1>, vector<16xi32>
      %get3A_232 = arith.constant 672 : index
      %get3A_233 = tpu.vector_load %arg6[%get3A_232] {strides = array<i32>} : memref<1056xf32, #tpu.memory_space<vmem>>, vector<16xf32>,
      %add3A_234 = arith.addf %add3A_226, %get3A_233 : vector<16xf32>
      %gt3A_235 = arith.cmpf ogt, %get3A_233, %select_n3A_228 : vector<16xf32>
      %select_n3A_236 = arith.select %gt3A_235, %get3A_233, %select_n3A_228 : vector<16xi1>, vector<16xf32>
      %jit3A_237 = arith.constant 2 : i32
      %broadcast_in_dim3A_238 = vector.broadcast %jit3A_237 : i32 to vector<16xi32>
      %select_n3A_239 = arith.select %gt3A_235, %broadcast_in_dim3A_238, %select_n3A_231 : vector<16xi1>, vector<16xi32>
      %get3A_240 = arith.constant 800 : index
      %get3A_241 = tpu.vector_load %arg6[%get3A_240] {strides = array<i32>} : memref<1056xf32, #tpu.memory_space<vmem>>, vector<16xf32>,
      %add3A_242 = arith.addf %add3A_234, %get3A_241 : vector<16xf32>
      %gt3A_243 = arith.cmpf ogt, %get3A_241, %select_n3A_236 : vector<16xf32>
      %select_n3A_244 = arith.select %gt3A_243, %get3A_241, %select_n3A_236 : vector<16xi1>, vector<16xf32>
      %jit3A_245 = arith.constant 3 : i32
      %broadcast_in_dim3A_246 = vector.broadcast %jit3A_245 : i32 to vector<16xi32>
      %select_n3A_247 = arith.select %gt3A_243, %broadcast_in_dim3A_246, %select_n3A_239 : vector<16xi1>, vector<16xi32>
      %get3A_248 = arith.constant 928 : index
      %get3A_249 = tpu.vector_load %arg6[%get3A_248] {strides = array<i32>} : memref<1056xf32, #tpu.memory_space<vmem>>, vector<16xf32>,
      %add3A_250 = arith.addf %add3A_242, %get3A_249 : vector<16xf32>
      %gt3A_251 = arith.cmpf ogt, %get3A_249, %select_n3A_244 : vector<16xf32>
      %select_n3A_252 = arith.select %gt3A_251, %get3A_249, %select_n3A_244 : vector<16xi1>, vector<16xf32>
      %jit3A_253 = arith.constant 4 : i32
      %broadcast_in_dim3A_254 = vector.broadcast %jit3A_253 : i32 to vector<16xi32>
      %select_n3A_255 = arith.select %gt3A_251, %broadcast_in_dim3A_254, %select_n3A_247 : vector<16xi1>, vector<16xi32>
      %max3A_256 = arith.constant 1.000000e+00 : f32
      %max3A_257 = vector.broadcast %max3A_256 : f32 to vector<16xf32>
      %max3A_258 = arith.maximumf %add3A_250, %max3A_257 : vector<16xf32>
      %gt3A_259 = arith.constant 0.000000e+00 : f32
      %gt3A_260 = vector.broadcast %gt3A_259 : f32 to vector<16xf32>
      %gt3A_261 = arith.cmpf ogt, %add3A_250, %gt3A_260 : vector<16xf32>
      %div3A_262 = arith.divf %get3A_217, %max3A_258 : vector<16xf32>
      %jit3A_263 = arith.constant 0.000000e+00 : f32
      %broadcast_in_dim3A_264 = vector.broadcast %jit3A_263 : f32 to vector<16xf32>
      %select_n3A_265 = arith.select %gt3A_261, %div3A_262, %broadcast_in_dim3A_264 : vector<16xi1>, vector<16xf32>
      %gt3A_266 = arith.constant 0.000000e+00 : f32
      %gt3A_267 = vector.broadcast %gt3A_266 : f32 to vector<16xf32>
      %gt3A_268 = arith.cmpf ogt, %add3A_250, %gt3A_267 : vector<16xf32>
      %div3A_269 = arith.divf %get3A_219, %max3A_258 : vector<16xf32>
      %jit3A_270 = arith.constant 0.000000e+00 : f32
      %broadcast_in_dim3A_271 = vector.broadcast %jit3A_270 : f32 to vector<16xf32>
      %select_n3A_272 = arith.select %gt3A_268, %div3A_269, %broadcast_in_dim3A_271 : vector<16xi1>, vector<16xf32>
      %eq3A_273 = arith.constant 0 : i32
      %eq3A_274 = vector.broadcast %eq3A_273 : i32 to vector<16xi32>
      %eq3A_275 = arith.cmpi eq, %select_n3A_255, %eq3A_274 : vector<16xi32>
      %eq3A_276 = arith.constant 1 : i32
      %eq3A_277 = vector.broadcast %eq3A_276 : i32 to vector<16xi32>
      %eq3A_278 = arith.cmpi eq, %select_n3A_255, %eq3A_277 : vector<16xi32>
      %eq3A_279 = arith.constant 2 : i32
      %eq3A_280 = vector.broadcast %eq3A_279 : i32 to vector<16xi32>
      %eq3A_281 = arith.cmpi eq, %select_n3A_255, %eq3A_280 : vector<16xi32>
      %eq3A_282 = arith.constant 3 : i32
      %eq3A_283 = vector.broadcast %eq3A_282 : i32 to vector<16xi32>
      %eq3A_284 = arith.cmpi eq, %select_n3A_255, %eq3A_283 : vector<16xi32>
      %jit3A_285 = arith.constant 2.500000e+00 : f32
      %jit3A_286 = arith.constant 1.500000e+00 : f32
      %broadcast_in_dim3A_287 = vector.broadcast %jit3A_285 : f32 to vector<16xf32>
      %broadcast_in_dim3A_288 = vector.broadcast %jit3A_286 : f32 to vector<16xf32>
      %select_n3A_289 = arith.select %eq3A_284, %broadcast_in_dim3A_287, %broadcast_in_dim3A_288 : vector<16xi1>, vector<16xf32>
      %jit3A_290 = arith.constant 2.000000e+00 : f32
      %broadcast_in_dim3A_291 = vector.broadcast %jit3A_290 : f32 to vector<16xf32>
      %select_n3A_292 = arith.select %eq3A_281, %broadcast_in_dim3A_291, %select_n3A_289 : vector<16xi1>, vector<16xf32>
      %jit3A_293 = arith.constant 1.000000e+00 : f32
      %broadcast_in_dim3A_294 = vector.broadcast %jit3A_293 : f32 to vector<16xf32>
      %select_n3A_295 = arith.select %eq3A_278, %broadcast_in_dim3A_294, %select_n3A_292 : vector<16xi1>, vector<16xf32>
      %jit3A_296 = arith.constant 1.000000e-01 : f32
      %broadcast_in_dim3A_297 = vector.broadcast %jit3A_296 : f32 to vector<16xf32>
      %select_n3A_298 = arith.select %eq3A_275, %broadcast_in_dim3A_297, %select_n3A_295 : vector<16xi1>, vector<16xf32>
      %add3A_299 = arith.constant 32 : i32
      %add3A_300 = vector.broadcast %add3A_299 : i32 to vector<16xi32>
      %add3A_301 = arith.addi %add3A_300, %iota3A : vector<16xi32>
      %gt3A_302 = arith.constant 0 : i32
      %gt3A_303 = vector.broadcast %gt3A_302 : i32 to vector<16xi32>
      %gt3A_304 = arith.cmpi sgt, %add3A_301, %gt3A_303 : vector<16xi32>
      %gt3A_305 = arith.constant 0.000000e+00 : f32
      %gt3A_306 = vector.broadcast %gt3A_305 : f32 to vector<16xf32>
      %gt3A_307 = arith.cmpf ogt, %add3A_250, %gt3A_306 : vector<16xf32>
      %and3A_308 = arith.andi %gt3A_304, %gt3A_307 : vector<16xi1>
      %gt3A_309 = arith.constant 4.000000e-01 : f32
      %gt3A_310 = vector.broadcast %gt3A_309 : f32 to vector<16xf32>
      %gt3A_311 = arith.cmpf ogt, %select_n3A_272, %gt3A_310 : vector<16xf32>
      %and3A_312 = arith.andi %and3A_308, %gt3A_311 : vector<16xi1>
      %jit3A_313 = arith.constant 1.000000e+00 : f32
      %jit3A_314 = arith.constant 0.000000e+00 : f32
      %broadcast_in_dim3A_315 = vector.broadcast %jit3A_313 : f32 to vector<16xf32>
      %broadcast_in_dim3A_316 = vector.broadcast %jit3A_314 : f32 to vector<16xf32>
      %select_n3A_317 = arith.select %and3A_312, %broadcast_in_dim3A_315, %broadcast_in_dim3A_316 : vector<16xi1>, vector<16xf32>
      %mul3A_318 = arith.mulf %select_n3A_317, %select_n3A_265 : vector<16xf32>
      %exp3A_319 = math.exp %select_n3A_265 : vector<16xf32>
      %mul3A_320 = arith.mulf %mul3A_318, %exp3A_319 : vector<16xf32>
      %mul3A_321 = arith.mulf %mul3A_320, %select_n3A_298 : vector<16xf32>
      %add3A_322 = arith.addf %add3A_214, %mul3A_321 : vector<16xf32>
      %add3A_323 = arith.addf %add3A_215, %select_n3A_317 : vector<16xf32>
      %get3A_324 = arith.constant 176 : index
      %get3A_325 = tpu.vector_load %arg6[%get3A_324] {strides = array<i32>} : memref<1056xf32, #tpu.memory_space<vmem>>, vector<16xf32>,
      %get3A_326 = arith.constant 304 : index
      %get3A_327 = tpu.vector_load %arg6[%get3A_326] {strides = array<i32>} : memref<1056xf32, #tpu.memory_space<vmem>>, vector<16xf32>,
      %get3A_328 = arith.constant 432 : index
      %get3A_329 = tpu.vector_load %arg6[%get3A_328] {strides = array<i32>} : memref<1056xf32, #tpu.memory_space<vmem>>, vector<16xf32>,
      %broadcast_in_dim3A_330 = arith.constant 0 : i32
      %broadcast_in_dim3A_331 = vector.broadcast %broadcast_in_dim3A_330 : i32 to vector<16xi32>
      %get3A_332 = arith.constant 560 : index
      %get3A_333 = tpu.vector_load %arg6[%get3A_332] {strides = array<i32>} : memref<1056xf32, #tpu.memory_space<vmem>>, vector<16xf32>,
      %add3A_334 = arith.addf %get3A_329, %get3A_333 : vector<16xf32>
      %gt3A_335 = arith.cmpf ogt, %get3A_333, %get3A_329 : vector<16xf32>
      %select_n3A_336 = arith.select %gt3A_335, %get3A_333, %get3A_329 : vector<16xi1>, vector<16xf32>
      %jit3A_337 = arith.constant 1 : i32
      %broadcast_in_dim3A_338 = vector.broadcast %jit3A_337 : i32 to vector<16xi32>
      %select_n3A_339 = arith.select %gt3A_335, %broadcast_in_dim3A_338, %broadcast_in_dim3A_331 : vector<16xi1>, vector<16xi32>
      %get3A_340 = arith.constant 688 : index
      %get3A_341 = tpu.vector_load %arg6[%get3A_340] {strides = array<i32>} : memref<1056xf32, #tpu.memory_space<vmem>>, vector<16xf32>,
      %add3A_342 = arith.addf %add3A_334, %get3A_341 : vector<16xf32>
      %gt3A_343 = arith.cmpf ogt, %get3A_341, %select_n3A_336 : vector<16xf32>
      %select_n3A_344 = arith.select %gt3A_343, %get3A_341, %select_n3A_336 : vector<16xi1>, vector<16xf32>
      %jit3A_345 = arith.constant 2 : i32
      %broadcast_in_dim3A_346 = vector.broadcast %jit3A_345 : i32 to vector<16xi32>
      %select_n3A_347 = arith.select %gt3A_343, %broadcast_in_dim3A_346, %select_n3A_339 : vector<16xi1>, vector<16xi32>
      %get3A_348 = arith.constant 816 : index
      %get3A_349 = tpu.vector_load %arg6[%get3A_348] {strides = array<i32>} : memref<1056xf32, #tpu.memory_space<vmem>>, vector<16xf32>,
      %add3A_350 = arith.addf %add3A_342, %get3A_349 : vector<16xf32>
      %gt3A_351 = arith.cmpf ogt, %get3A_349, %select_n3A_344 : vector<16xf32>
      %select_n3A_352 = arith.select %gt3A_351, %get3A_349, %select_n3A_344 : vector<16xi1>, vector<16xf32>
      %jit3A_353 = arith.constant 3 : i32
      %broadcast_in_dim3A_354 = vector.broadcast %jit3A_353 : i32 to vector<16xi32>
      %select_n3A_355 = arith.select %gt3A_351, %broadcast_in_dim3A_354, %select_n3A_347 : vector<16xi1>, vector<16xi32>
      %get3A_356 = arith.constant 944 : index
      %get3A_357 = tpu.vector_load %arg6[%get3A_356] {strides = array<i32>} : memref<1056xf32, #tpu.memory_space<vmem>>, vector<16xf32>,
      %add3A_358 = arith.addf %add3A_350, %get3A_357 : vector<16xf32>
      %gt3A_359 = arith.cmpf ogt, %get3A_357, %select_n3A_352 : vector<16xf32>
      %select_n3A_360 = arith.select %gt3A_359, %get3A_357, %select_n3A_352 : vector<16xi1>, vector<16xf32>
      %jit3A_361 = arith.constant 4 : i32
      %broadcast_in_dim3A_362 = vector.broadcast %jit3A_361 : i32 to vector<16xi32>
      %select_n3A_363 = arith.select %gt3A_359, %broadcast_in_dim3A_362, %select_n3A_355 : vector<16xi1>, vector<16xi32>
      %max3A_364 = arith.constant 1.000000e+00 : f32
      %max3A_365 = vector.broadcast %max3A_364 : f32 to vector<16xf32>
      %max3A_366 = arith.maximumf %add3A_358, %max3A_365 : vector<16xf32>
      %gt3A_367 = arith.constant 0.000000e+00 : f32
      %gt3A_368 = vector.broadcast %gt3A_367 : f32 to vector<16xf32>
      %gt3A_369 = arith.cmpf ogt, %add3A_358, %gt3A_368 : vector<16xf32>
      %div3A_370 = arith.divf %get3A_325, %max3A_366 : vector<16xf32>
      %jit3A_371 = arith.constant 0.000000e+00 : f32
      %broadcast_in_dim3A_372 = vector.broadcast %jit3A_371 : f32 to vector<16xf32>
      %select_n3A_373 = arith.select %gt3A_369, %div3A_370, %broadcast_in_dim3A_372 : vector<16xi1>, vector<16xf32>
      %gt3A_374 = arith.constant 0.000000e+00 : f32
      %gt3A_375 = vector.broadcast %gt3A_374 : f32 to vector<16xf32>
      %gt3A_376 = arith.cmpf ogt, %add3A_358, %gt3A_375 : vector<16xf32>
      %div3A_377 = arith.divf %get3A_327, %max3A_366 : vector<16xf32>
      %jit3A_378 = arith.constant 0.000000e+00 : f32
      %broadcast_in_dim3A_379 = vector.broadcast %jit3A_378 : f32 to vector<16xf32>
      %select_n3A_380 = arith.select %gt3A_376, %div3A_377, %broadcast_in_dim3A_379 : vector<16xi1>, vector<16xf32>
      %eq3A_381 = arith.constant 0 : i32
      %eq3A_382 = vector.broadcast %eq3A_381 : i32 to vector<16xi32>
      %eq3A_383 = arith.cmpi eq, %select_n3A_363, %eq3A_382 : vector<16xi32>
      %eq3A_384 = arith.constant 1 : i32
      %eq3A_385 = vector.broadcast %eq3A_384 : i32 to vector<16xi32>
      %eq3A_386 = arith.cmpi eq, %select_n3A_363, %eq3A_385 : vector<16xi32>
      %eq3A_387 = arith.constant 2 : i32
      %eq3A_388 = vector.broadcast %eq3A_387 : i32 to vector<16xi32>
      %eq3A_389 = arith.cmpi eq, %select_n3A_363, %eq3A_388 : vector<16xi32>
      %eq3A_390 = arith.constant 3 : i32
      %eq3A_391 = vector.broadcast %eq3A_390 : i32 to vector<16xi32>
      %eq3A_392 = arith.cmpi eq, %select_n3A_363, %eq3A_391 : vector<16xi32>
      %jit3A_393 = arith.constant 2.500000e+00 : f32
      %jit3A_394 = arith.constant 1.500000e+00 : f32
      %broadcast_in_dim3A_395 = vector.broadcast %jit3A_393 : f32 to vector<16xf32>
      %broadcast_in_dim3A_396 = vector.broadcast %jit3A_394 : f32 to vector<16xf32>
      %select_n3A_397 = arith.select %eq3A_392, %broadcast_in_dim3A_395, %broadcast_in_dim3A_396 : vector<16xi1>, vector<16xf32>
      %jit3A_398 = arith.constant 2.000000e+00 : f32
      %broadcast_in_dim3A_399 = vector.broadcast %jit3A_398 : f32 to vector<16xf32>
      %select_n3A_400 = arith.select %eq3A_389, %broadcast_in_dim3A_399, %select_n3A_397 : vector<16xi1>, vector<16xf32>
      %jit3A_401 = arith.constant 1.000000e+00 : f32
      %broadcast_in_dim3A_402 = vector.broadcast %jit3A_401 : f32 to vector<16xf32>
      %select_n3A_403 = arith.select %eq3A_386, %broadcast_in_dim3A_402, %select_n3A_400 : vector<16xi1>, vector<16xf32>
      %jit3A_404 = arith.constant 1.000000e-01 : f32
      %broadcast_in_dim3A_405 = vector.broadcast %jit3A_404 : f32 to vector<16xf32>
      %select_n3A_406 = arith.select %eq3A_383, %broadcast_in_dim3A_405, %select_n3A_403 : vector<16xi1>, vector<16xf32>
      %add3A_407 = arith.constant 48 : i32
      %add3A_408 = vector.broadcast %add3A_407 : i32 to vector<16xi32>
      %add3A_409 = arith.addi %add3A_408, %iota3A : vector<16xi32>
      %gt3A_410 = arith.constant 0 : i32
      %gt3A_411 = vector.broadcast %gt3A_410 : i32 to vector<16xi32>
      %gt3A_412 = arith.cmpi sgt, %add3A_409, %gt3A_411 : vector<16xi32>
      %gt3A_413 = arith.constant 0.000000e+00 : f32
      %gt3A_414 = vector.broadcast %gt3A_413 : f32 to vector<16xf32>
      %gt3A_415 = arith.cmpf ogt, %add3A_358, %gt3A_414 : vector<16xf32>
      %and3A_416 = arith.andi %gt3A_412, %gt3A_415 : vector<16xi1>
      %gt3A_417 = arith.constant 4.000000e-01 : f32
      %gt3A_418 = vector.broadcast %gt3A_417 : f32 to vector<16xf32>
      %gt3A_419 = arith.cmpf ogt, %select_n3A_380, %gt3A_418 : vector<16xf32>
      %and3A_420 = arith.andi %and3A_416, %gt3A_419 : vector<16xi1>
      %jit3A_421 = arith.constant 1.000000e+00 : f32
      %jit3A_422 = arith.constant 0.000000e+00 : f32
      %broadcast_in_dim3A_423 = vector.broadcast %jit3A_421 : f32 to vector<16xf32>
      %broadcast_in_dim3A_424 = vector.broadcast %jit3A_422 : f32 to vector<16xf32>
      %select_n3A_425 = arith.select %and3A_420, %broadcast_in_dim3A_423, %broadcast_in_dim3A_424 : vector<16xi1>, vector<16xf32>
      %mul3A_426 = arith.mulf %select_n3A_425, %select_n3A_373 : vector<16xf32>
      %exp3A_427 = math.exp %select_n3A_373 : vector<16xf32>
      %mul3A_428 = arith.mulf %mul3A_426, %exp3A_427 : vector<16xf32>
      %mul3A_429 = arith.mulf %mul3A_428, %select_n3A_406 : vector<16xf32>
      %add3A_430 = arith.addf %add3A_322, %mul3A_429 : vector<16xf32>
      %add3A_431 = arith.addf %add3A_323, %select_n3A_425 : vector<16xf32>
      %get3A_432 = arith.constant 192 : index
      %get3A_433 = tpu.vector_load %arg6[%get3A_432] {strides = array<i32>} : memref<1056xf32, #tpu.memory_space<vmem>>, vector<16xf32>,
      %get3A_434 = arith.constant 320 : index
      %get3A_435 = tpu.vector_load %arg6[%get3A_434] {strides = array<i32>} : memref<1056xf32, #tpu.memory_space<vmem>>, vector<16xf32>,
      %get3A_436 = arith.constant 448 : index
      %get3A_437 = tpu.vector_load %arg6[%get3A_436] {strides = array<i32>} : memref<1056xf32, #tpu.memory_space<vmem>>, vector<16xf32>,
      %broadcast_in_dim3A_438 = arith.constant 0 : i32
      %broadcast_in_dim3A_439 = vector.broadcast %broadcast_in_dim3A_438 : i32 to vector<16xi32>
      %get3A_440 = arith.constant 576 : index
      %get3A_441 = tpu.vector_load %arg6[%get3A_440] {strides = array<i32>} : memref<1056xf32, #tpu.memory_space<vmem>>, vector<16xf32>,
      %add3A_442 = arith.addf %get3A_437, %get3A_441 : vector<16xf32>
      %gt3A_443 = arith.cmpf ogt, %get3A_441, %get3A_437 : vector<16xf32>
      %select_n3A_444 = arith.select %gt3A_443, %get3A_441, %get3A_437 : vector<16xi1>, vector<16xf32>
      %jit3A_445 = arith.constant 1 : i32
      %broadcast_in_dim3A_446 = vector.broadcast %jit3A_445 : i32 to vector<16xi32>
      %select_n3A_447 = arith.select %gt3A_443, %broadcast_in_dim3A_446, %broadcast_in_dim3A_439 : vector<16xi1>, vector<16xi32>
      %get3A_448 = arith.constant 704 : index
      %get3A_449 = tpu.vector_load %arg6[%get3A_448] {strides = array<i32>} : memref<1056xf32, #tpu.memory_space<vmem>>, vector<16xf32>,
      %add3A_450 = arith.addf %add3A_442, %get3A_449 : vector<16xf32>
      %gt3A_451 = arith.cmpf ogt, %get3A_449, %select_n3A_444 : vector<16xf32>
      %select_n3A_452 = arith.select %gt3A_451, %get3A_449, %select_n3A_444 : vector<16xi1>, vector<16xf32>
      %jit3A_453 = arith.constant 2 : i32
      %broadcast_in_dim3A_454 = vector.broadcast %jit3A_453 : i32 to vector<16xi32>
      %select_n3A_455 = arith.select %gt3A_451, %broadcast_in_dim3A_454, %select_n3A_447 : vector<16xi1>, vector<16xi32>
      %get3A_456 = arith.constant 832 : index
      %get3A_457 = tpu.vector_load %arg6[%get3A_456] {strides = array<i32>} : memref<1056xf32, #tpu.memory_space<vmem>>, vector<16xf32>,
      %add3A_458 = arith.addf %add3A_450, %get3A_457 : vector<16xf32>
      %gt3A_459 = arith.cmpf ogt, %get3A_457, %select_n3A_452 : vector<16xf32>
      %select_n3A_460 = arith.select %gt3A_459, %get3A_457, %select_n3A_452 : vector<16xi1>, vector<16xf32>
      %jit3A_461 = arith.constant 3 : i32
      %broadcast_in_dim3A_462 = vector.broadcast %jit3A_461 : i32 to vector<16xi32>
      %select_n3A_463 = arith.select %gt3A_459, %broadcast_in_dim3A_462, %select_n3A_455 : vector<16xi1>, vector<16xi32>
      %get3A_464 = arith.constant 960 : index
      %get3A_465 = tpu.vector_load %arg6[%get3A_464] {strides = array<i32>} : memref<1056xf32, #tpu.memory_space<vmem>>, vector<16xf32>,
      %add3A_466 = arith.addf %add3A_458, %get3A_465 : vector<16xf32>
      %gt3A_467 = arith.cmpf ogt, %get3A_465, %select_n3A_460 : vector<16xf32>
      %select_n3A_468 = arith.select %gt3A_467, %get3A_465, %select_n3A_460 : vector<16xi1>, vector<16xf32>
      %jit3A_469 = arith.constant 4 : i32
      %broadcast_in_dim3A_470 = vector.broadcast %jit3A_469 : i32 to vector<16xi32>
      %select_n3A_471 = arith.select %gt3A_467, %broadcast_in_dim3A_470, %select_n3A_463 : vector<16xi1>, vector<16xi32>
      %max3A_472 = arith.constant 1.000000e+00 : f32
      %max3A_473 = vector.broadcast %max3A_472 : f32 to vector<16xf32>
      %max3A_474 = arith.maximumf %add3A_466, %max3A_473 : vector<16xf32>
      %gt3A_475 = arith.constant 0.000000e+00 : f32
      %gt3A_476 = vector.broadcast %gt3A_475 : f32 to vector<16xf32>
      %gt3A_477 = arith.cmpf ogt, %add3A_466, %gt3A_476 : vector<16xf32>
      %div3A_478 = arith.divf %get3A_433, %max3A_474 : vector<16xf32>
      %jit3A_479 = arith.constant 0.000000e+00 : f32
      %broadcast_in_dim3A_480 = vector.broadcast %jit3A_479 : f32 to vector<16xf32>
      %select_n3A_481 = arith.select %gt3A_477, %div3A_478, %broadcast_in_dim3A_480 : vector<16xi1>, vector<16xf32>
      %gt3A_482 = arith.constant 0.000000e+00 : f32
      %gt3A_483 = vector.broadcast %gt3A_482 : f32 to vector<16xf32>
      %gt3A_484 = arith.cmpf ogt, %add3A_466, %gt3A_483 : vector<16xf32>
      %div3A_485 = arith.divf %get3A_435, %max3A_474 : vector<16xf32>
      %jit3A_486 = arith.constant 0.000000e+00 : f32
      %broadcast_in_dim3A_487 = vector.broadcast %jit3A_486 : f32 to vector<16xf32>
      %select_n3A_488 = arith.select %gt3A_484, %div3A_485, %broadcast_in_dim3A_487 : vector<16xi1>, vector<16xf32>
      %eq3A_489 = arith.constant 0 : i32
      %eq3A_490 = vector.broadcast %eq3A_489 : i32 to vector<16xi32>
      %eq3A_491 = arith.cmpi eq, %select_n3A_471, %eq3A_490 : vector<16xi32>
      %eq3A_492 = arith.constant 1 : i32
      %eq3A_493 = vector.broadcast %eq3A_492 : i32 to vector<16xi32>
      %eq3A_494 = arith.cmpi eq, %select_n3A_471, %eq3A_493 : vector<16xi32>
      %eq3A_495 = arith.constant 2 : i32
      %eq3A_496 = vector.broadcast %eq3A_495 : i32 to vector<16xi32>
      %eq3A_497 = arith.cmpi eq, %select_n3A_471, %eq3A_496 : vector<16xi32>
      %eq3A_498 = arith.constant 3 : i32
      %eq3A_499 = vector.broadcast %eq3A_498 : i32 to vector<16xi32>
      %eq3A_500 = arith.cmpi eq, %select_n3A_471, %eq3A_499 : vector<16xi32>
      %jit3A_501 = arith.constant 2.500000e+00 : f32
      %jit3A_502 = arith.constant 1.500000e+00 : f32
      %broadcast_in_dim3A_503 = vector.broadcast %jit3A_501 : f32 to vector<16xf32>
      %broadcast_in_dim3A_504 = vector.broadcast %jit3A_502 : f32 to vector<16xf32>
      %select_n3A_505 = arith.select %eq3A_500, %broadcast_in_dim3A_503, %broadcast_in_dim3A_504 : vector<16xi1>, vector<16xf32>
      %jit3A_506 = arith.constant 2.000000e+00 : f32
      %broadcast_in_dim3A_507 = vector.broadcast %jit3A_506 : f32 to vector<16xf32>
      %select_n3A_508 = arith.select %eq3A_497, %broadcast_in_dim3A_507, %select_n3A_505 : vector<16xi1>, vector<16xf32>
      %jit3A_509 = arith.constant 1.000000e+00 : f32
      %broadcast_in_dim3A_510 = vector.broadcast %jit3A_509 : f32 to vector<16xf32>
      %select_n3A_511 = arith.select %eq3A_494, %broadcast_in_dim3A_510, %select_n3A_508 : vector<16xi1>, vector<16xf32>
      %jit3A_512 = arith.constant 1.000000e-01 : f32
      %broadcast_in_dim3A_513 = vector.broadcast %jit3A_512 : f32 to vector<16xf32>
      %select_n3A_514 = arith.select %eq3A_491, %broadcast_in_dim3A_513, %select_n3A_511 : vector<16xi1>, vector<16xf32>
      %add3A_515 = arith.constant 64 : i32
      %add3A_516 = vector.broadcast %add3A_515 : i32 to vector<16xi32>
      %add3A_517 = arith.addi %add3A_516, %iota3A : vector<16xi32>
      %gt3A_518 = arith.constant 0 : i32
      %gt3A_519 = vector.broadcast %gt3A_518 : i32 to vector<16xi32>
      %gt3A_520 = arith.cmpi sgt, %add3A_517, %gt3A_519 : vector<16xi32>
      %gt3A_521 = arith.constant 0.000000e+00 : f32
      %gt3A_522 = vector.broadcast %gt3A_521 : f32 to vector<16xf32>
      %gt3A_523 = arith.cmpf ogt, %add3A_466, %gt3A_522 : vector<16xf32>
      %and3A_524 = arith.andi %gt3A_520, %gt3A_523 : vector<16xi1>
      %gt3A_525 = arith.constant 4.000000e-01 : f32
      %gt3A_526 = vector.broadcast %gt3A_525 : f32 to vector<16xf32>
      %gt3A_527 = arith.cmpf ogt, %select_n3A_488, %gt3A_526 : vector<16xf32>
      %and3A_528 = arith.andi %and3A_524, %gt3A_527 : vector<16xi1>
      %jit3A_529 = arith.constant 1.000000e+00 : f32
      %jit3A_530 = arith.constant 0.000000e+00 : f32
      %broadcast_in_dim3A_531 = vector.broadcast %jit3A_529 : f32 to vector<16xf32>
      %broadcast_in_dim3A_532 = vector.broadcast %jit3A_530 : f32 to vector<16xf32>
      %select_n3A_533 = arith.select %and3A_528, %broadcast_in_dim3A_531, %broadcast_in_dim3A_532 : vector<16xi1>, vector<16xf32>
      %mul3A_534 = arith.mulf %select_n3A_533, %select_n3A_481 : vector<16xf32>
      %exp3A_535 = math.exp %select_n3A_481 : vector<16xf32>
      %mul3A_536 = arith.mulf %mul3A_534, %exp3A_535 : vector<16xf32>
      %mul3A_537 = arith.mulf %mul3A_536, %select_n3A_514 : vector<16xf32>
      %add3A_538 = arith.addf %add3A_430, %mul3A_537 : vector<16xf32>
      %add3A_539 = arith.addf %add3A_431, %select_n3A_533 : vector<16xf32>
      %get3A_540 = arith.constant 208 : index
      %get3A_541 = tpu.vector_load %arg6[%get3A_540] {strides = array<i32>} : memref<1056xf32, #tpu.memory_space<vmem>>, vector<16xf32>,
      %get3A_542 = arith.constant 336 : index
      %get3A_543 = tpu.vector_load %arg6[%get3A_542] {strides = array<i32>} : memref<1056xf32, #tpu.memory_space<vmem>>, vector<16xf32>,
      %get3A_544 = arith.constant 464 : index
      %get3A_545 = tpu.vector_load %arg6[%get3A_544] {strides = array<i32>} : memref<1056xf32, #tpu.memory_space<vmem>>, vector<16xf32>,
      %broadcast_in_dim3A_546 = arith.constant 0 : i32
      %broadcast_in_dim3A_547 = vector.broadcast %broadcast_in_dim3A_546 : i32 to vector<16xi32>
      %get3A_548 = arith.constant 592 : index
      %get3A_549 = tpu.vector_load %arg6[%get3A_548] {strides = array<i32>} : memref<1056xf32, #tpu.memory_space<vmem>>, vector<16xf32>,
      %add3A_550 = arith.addf %get3A_545, %get3A_549 : vector<16xf32>
      %gt3A_551 = arith.cmpf ogt, %get3A_549, %get3A_545 : vector<16xf32>
      %select_n3A_552 = arith.select %gt3A_551, %get3A_549, %get3A_545 : vector<16xi1>, vector<16xf32>
      %jit3A_553 = arith.constant 1 : i32
      %broadcast_in_dim3A_554 = vector.broadcast %jit3A_553 : i32 to vector<16xi32>
      %select_n3A_555 = arith.select %gt3A_551, %broadcast_in_dim3A_554, %broadcast_in_dim3A_547 : vector<16xi1>, vector<16xi32>
      %get3A_556 = arith.constant 720 : index
      %get3A_557 = tpu.vector_load %arg6[%get3A_556] {strides = array<i32>} : memref<1056xf32, #tpu.memory_space<vmem>>, vector<16xf32>,
      %add3A_558 = arith.addf %add3A_550, %get3A_557 : vector<16xf32>
      %gt3A_559 = arith.cmpf ogt, %get3A_557, %select_n3A_552 : vector<16xf32>
      %select_n3A_560 = arith.select %gt3A_559, %get3A_557, %select_n3A_552 : vector<16xi1>, vector<16xf32>
      %jit3A_561 = arith.constant 2 : i32
      %broadcast_in_dim3A_562 = vector.broadcast %jit3A_561 : i32 to vector<16xi32>
      %select_n3A_563 = arith.select %gt3A_559, %broadcast_in_dim3A_562, %select_n3A_555 : vector<16xi1>, vector<16xi32>
      %get3A_564 = arith.constant 848 : index
      %get3A_565 = tpu.vector_load %arg6[%get3A_564] {strides = array<i32>} : memref<1056xf32, #tpu.memory_space<vmem>>, vector<16xf32>,
      %add3A_566 = arith.addf %add3A_558, %get3A_565 : vector<16xf32>
      %gt3A_567 = arith.cmpf ogt, %get3A_565, %select_n3A_560 : vector<16xf32>
      %select_n3A_568 = arith.select %gt3A_567, %get3A_565, %select_n3A_560 : vector<16xi1>, vector<16xf32>
      %jit3A_569 = arith.constant 3 : i32
      %broadcast_in_dim3A_570 = vector.broadcast %jit3A_569 : i32 to vector<16xi32>
      %select_n3A_571 = arith.select %gt3A_567, %broadcast_in_dim3A_570, %select_n3A_563 : vector<16xi1>, vector<16xi32>
      %get3A_572 = arith.constant 976 : index
      %get3A_573 = tpu.vector_load %arg6[%get3A_572] {strides = array<i32>} : memref<1056xf32, #tpu.memory_space<vmem>>, vector<16xf32>,
      %add3A_574 = arith.addf %add3A_566, %get3A_573 : vector<16xf32>
      %gt3A_575 = arith.cmpf ogt, %get3A_573, %select_n3A_568 : vector<16xf32>
      %select_n3A_576 = arith.select %gt3A_575, %get3A_573, %select_n3A_568 : vector<16xi1>, vector<16xf32>
      %jit3A_577 = arith.constant 4 : i32
      %broadcast_in_dim3A_578 = vector.broadcast %jit3A_577 : i32 to vector<16xi32>
      %select_n3A_579 = arith.select %gt3A_575, %broadcast_in_dim3A_578, %select_n3A_571 : vector<16xi1>, vector<16xi32>
      %max3A_580 = arith.constant 1.000000e+00 : f32
      %max3A_581 = vector.broadcast %max3A_580 : f32 to vector<16xf32>
      %max3A_582 = arith.maximumf %add3A_574, %max3A_581 : vector<16xf32>
      %gt3A_583 = arith.constant 0.000000e+00 : f32
      %gt3A_584 = vector.broadcast %gt3A_583 : f32 to vector<16xf32>
      %gt3A_585 = arith.cmpf ogt, %add3A_574, %gt3A_584 : vector<16xf32>
      %div3A_586 = arith.divf %get3A_541, %max3A_582 : vector<16xf32>
      %jit3A_587 = arith.constant 0.000000e+00 : f32
      %broadcast_in_dim3A_588 = vector.broadcast %jit3A_587 : f32 to vector<16xf32>
      %select_n3A_589 = arith.select %gt3A_585, %div3A_586, %broadcast_in_dim3A_588 : vector<16xi1>, vector<16xf32>
      %gt3A_590 = arith.constant 0.000000e+00 : f32
      %gt3A_591 = vector.broadcast %gt3A_590 : f32 to vector<16xf32>
      %gt3A_592 = arith.cmpf ogt, %add3A_574, %gt3A_591 : vector<16xf32>
      %div3A_593 = arith.divf %get3A_543, %max3A_582 : vector<16xf32>
      %jit3A_594 = arith.constant 0.000000e+00 : f32
      %broadcast_in_dim3A_595 = vector.broadcast %jit3A_594 : f32 to vector<16xf32>
      %select_n3A_596 = arith.select %gt3A_592, %div3A_593, %broadcast_in_dim3A_595 : vector<16xi1>, vector<16xf32>
      %eq3A_597 = arith.constant 0 : i32
      %eq3A_598 = vector.broadcast %eq3A_597 : i32 to vector<16xi32>
      %eq3A_599 = arith.cmpi eq, %select_n3A_579, %eq3A_598 : vector<16xi32>
      %eq3A_600 = arith.constant 1 : i32
      %eq3A_601 = vector.broadcast %eq3A_600 : i32 to vector<16xi32>
      %eq3A_602 = arith.cmpi eq, %select_n3A_579, %eq3A_601 : vector<16xi32>
      %eq3A_603 = arith.constant 2 : i32
      %eq3A_604 = vector.broadcast %eq3A_603 : i32 to vector<16xi32>
      %eq3A_605 = arith.cmpi eq, %select_n3A_579, %eq3A_604 : vector<16xi32>
      %eq3A_606 = arith.constant 3 : i32
      %eq3A_607 = vector.broadcast %eq3A_606 : i32 to vector<16xi32>
      %eq3A_608 = arith.cmpi eq, %select_n3A_579, %eq3A_607 : vector<16xi32>
      %jit3A_609 = arith.constant 2.500000e+00 : f32
      %jit3A_610 = arith.constant 1.500000e+00 : f32
      %broadcast_in_dim3A_611 = vector.broadcast %jit3A_609 : f32 to vector<16xf32>
      %broadcast_in_dim3A_612 = vector.broadcast %jit3A_610 : f32 to vector<16xf32>
      %select_n3A_613 = arith.select %eq3A_608, %broadcast_in_dim3A_611, %broadcast_in_dim3A_612 : vector<16xi1>, vector<16xf32>
      %jit3A_614 = arith.constant 2.000000e+00 : f32
      %broadcast_in_dim3A_615 = vector.broadcast %jit3A_614 : f32 to vector<16xf32>
      %select_n3A_616 = arith.select %eq3A_605, %broadcast_in_dim3A_615, %select_n3A_613 : vector<16xi1>, vector<16xf32>
      %jit3A_617 = arith.constant 1.000000e+00 : f32
      %broadcast_in_dim3A_618 = vector.broadcast %jit3A_617 : f32 to vector<16xf32>
      %select_n3A_619 = arith.select %eq3A_602, %broadcast_in_dim3A_618, %select_n3A_616 : vector<16xi1>, vector<16xf32>
      %jit3A_620 = arith.constant 1.000000e-01 : f32
      %broadcast_in_dim3A_621 = vector.broadcast %jit3A_620 : f32 to vector<16xf32>
      %select_n3A_622 = arith.select %eq3A_599, %broadcast_in_dim3A_621, %select_n3A_619 : vector<16xi1>, vector<16xf32>
      %add3A_623 = arith.constant 80 : i32
      %add3A_624 = vector.broadcast %add3A_623 : i32 to vector<16xi32>
      %add3A_625 = arith.addi %add3A_624, %iota3A : vector<16xi32>
      %gt3A_626 = arith.constant 0 : i32
      %gt3A_627 = vector.broadcast %gt3A_626 : i32 to vector<16xi32>
      %gt3A_628 = arith.cmpi sgt, %add3A_625, %gt3A_627 : vector<16xi32>
      %gt3A_629 = arith.constant 0.000000e+00 : f32
      %gt3A_630 = vector.broadcast %gt3A_629 : f32 to vector<16xf32>
      %gt3A_631 = arith.cmpf ogt, %add3A_574, %gt3A_630 : vector<16xf32>
      %and3A_632 = arith.andi %gt3A_628, %gt3A_631 : vector<16xi1>
      %gt3A_633 = arith.constant 4.000000e-01 : f32
      %gt3A_634 = vector.broadcast %gt3A_633 : f32 to vector<16xf32>
      %gt3A_635 = arith.cmpf ogt, %select_n3A_596, %gt3A_634 : vector<16xf32>
      %and3A_636 = arith.andi %and3A_632, %gt3A_635 : vector<16xi1>
      %jit3A_637 = arith.constant 1.000000e+00 : f32
      %jit3A_638 = arith.constant 0.000000e+00 : f32
      %broadcast_in_dim3A_639 = vector.broadcast %jit3A_637 : f32 to vector<16xf32>
      %broadcast_in_dim3A_640 = vector.broadcast %jit3A_638 : f32 to vector<16xf32>
      %select_n3A_641 = arith.select %and3A_636, %broadcast_in_dim3A_639, %broadcast_in_dim3A_640 : vector<16xi1>, vector<16xf32>
      %mul3A_642 = arith.mulf %select_n3A_641, %select_n3A_589 : vector<16xf32>
      %exp3A_643 = math.exp %select_n3A_589 : vector<16xf32>
      %mul3A_644 = arith.mulf %mul3A_642, %exp3A_643 : vector<16xf32>
      %mul3A_645 = arith.mulf %mul3A_644, %select_n3A_622 : vector<16xf32>
      %add3A_646 = arith.addf %add3A_538, %mul3A_645 : vector<16xf32>
      %add3A_647 = arith.addf %add3A_539, %select_n3A_641 : vector<16xf32>
      %get3A_648 = arith.constant 224 : index
      %get3A_649 = tpu.vector_load %arg6[%get3A_648] {strides = array<i32>} : memref<1056xf32, #tpu.memory_space<vmem>>, vector<16xf32>,
      %get3A_650 = arith.constant 352 : index
      %get3A_651 = tpu.vector_load %arg6[%get3A_650] {strides = array<i32>} : memref<1056xf32, #tpu.memory_space<vmem>>, vector<16xf32>,
      %get3A_652 = arith.constant 480 : index
      %get3A_653 = tpu.vector_load %arg6[%get3A_652] {strides = array<i32>} : memref<1056xf32, #tpu.memory_space<vmem>>, vector<16xf32>,
      %broadcast_in_dim3A_654 = arith.constant 0 : i32
      %broadcast_in_dim3A_655 = vector.broadcast %broadcast_in_dim3A_654 : i32 to vector<16xi32>
      %get3A_656 = arith.constant 608 : index
      %get3A_657 = tpu.vector_load %arg6[%get3A_656] {strides = array<i32>} : memref<1056xf32, #tpu.memory_space<vmem>>, vector<16xf32>,
      %add3A_658 = arith.addf %get3A_653, %get3A_657 : vector<16xf32>
      %gt3A_659 = arith.cmpf ogt, %get3A_657, %get3A_653 : vector<16xf32>
      %select_n3A_660 = arith.select %gt3A_659, %get3A_657, %get3A_653 : vector<16xi1>, vector<16xf32>
      %jit3A_661 = arith.constant 1 : i32
      %broadcast_in_dim3A_662 = vector.broadcast %jit3A_661 : i32 to vector<16xi32>
      %select_n3A_663 = arith.select %gt3A_659, %broadcast_in_dim3A_662, %broadcast_in_dim3A_655 : vector<16xi1>, vector<16xi32>
      %get3A_664 = arith.constant 736 : index
      %get3A_665 = tpu.vector_load %arg6[%get3A_664] {strides = array<i32>} : memref<1056xf32, #tpu.memory_space<vmem>>, vector<16xf32>,
      %add3A_666 = arith.addf %add3A_658, %get3A_665 : vector<16xf32>
      %gt3A_667 = arith.cmpf ogt, %get3A_665, %select_n3A_660 : vector<16xf32>
      %select_n3A_668 = arith.select %gt3A_667, %get3A_665, %select_n3A_660 : vector<16xi1>, vector<16xf32>
      %jit3A_669 = arith.constant 2 : i32
      %broadcast_in_dim3A_670 = vector.broadcast %jit3A_669 : i32 to vector<16xi32>
      %select_n3A_671 = arith.select %gt3A_667, %broadcast_in_dim3A_670, %select_n3A_663 : vector<16xi1>, vector<16xi32>
      %get3A_672 = arith.constant 864 : index
      %get3A_673 = tpu.vector_load %arg6[%get3A_672] {strides = array<i32>} : memref<1056xf32, #tpu.memory_space<vmem>>, vector<16xf32>,
      %add3A_674 = arith.addf %add3A_666, %get3A_673 : vector<16xf32>
      %gt3A_675 = arith.cmpf ogt, %get3A_673, %select_n3A_668 : vector<16xf32>
      %select_n3A_676 = arith.select %gt3A_675, %get3A_673, %select_n3A_668 : vector<16xi1>, vector<16xf32>
      %jit3A_677 = arith.constant 3 : i32
      %broadcast_in_dim3A_678 = vector.broadcast %jit3A_677 : i32 to vector<16xi32>
      %select_n3A_679 = arith.select %gt3A_675, %broadcast_in_dim3A_678, %select_n3A_671 : vector<16xi1>, vector<16xi32>
      %get3A_680 = arith.constant 992 : index
      %get3A_681 = tpu.vector_load %arg6[%get3A_680] {strides = array<i32>} : memref<1056xf32, #tpu.memory_space<vmem>>, vector<16xf32>,
      %add3A_682 = arith.addf %add3A_674, %get3A_681 : vector<16xf32>
      %gt3A_683 = arith.cmpf ogt, %get3A_681, %select_n3A_676 : vector<16xf32>
      %select_n3A_684 = arith.select %gt3A_683, %get3A_681, %select_n3A_676 : vector<16xi1>, vector<16xf32>
      %jit3A_685 = arith.constant 4 : i32
      %broadcast_in_dim3A_686 = vector.broadcast %jit3A_685 : i32 to vector<16xi32>
      %select_n3A_687 = arith.select %gt3A_683, %broadcast_in_dim3A_686, %select_n3A_679 : vector<16xi1>, vector<16xi32>
      %max3A_688 = arith.constant 1.000000e+00 : f32
      %max3A_689 = vector.broadcast %max3A_688 : f32 to vector<16xf32>
      %max3A_690 = arith.maximumf %add3A_682, %max3A_689 : vector<16xf32>
      %gt3A_691 = arith.constant 0.000000e+00 : f32
      %gt3A_692 = vector.broadcast %gt3A_691 : f32 to vector<16xf32>
      %gt3A_693 = arith.cmpf ogt, %add3A_682, %gt3A_692 : vector<16xf32>
      %div3A_694 = arith.divf %get3A_649, %max3A_690 : vector<16xf32>
      %jit3A_695 = arith.constant 0.000000e+00 : f32
      %broadcast_in_dim3A_696 = vector.broadcast %jit3A_695 : f32 to vector<16xf32>
      %select_n3A_697 = arith.select %gt3A_693, %div3A_694, %broadcast_in_dim3A_696 : vector<16xi1>, vector<16xf32>
      %gt3A_698 = arith.constant 0.000000e+00 : f32
      %gt3A_699 = vector.broadcast %gt3A_698 : f32 to vector<16xf32>
      %gt3A_700 = arith.cmpf ogt, %add3A_682, %gt3A_699 : vector<16xf32>
      %div3A_701 = arith.divf %get3A_651, %max3A_690 : vector<16xf32>
      %jit3A_702 = arith.constant 0.000000e+00 : f32
      %broadcast_in_dim3A_703 = vector.broadcast %jit3A_702 : f32 to vector<16xf32>
      %select_n3A_704 = arith.select %gt3A_700, %div3A_701, %broadcast_in_dim3A_703 : vector<16xi1>, vector<16xf32>
      %eq3A_705 = arith.constant 0 : i32
      %eq3A_706 = vector.broadcast %eq3A_705 : i32 to vector<16xi32>
      %eq3A_707 = arith.cmpi eq, %select_n3A_687, %eq3A_706 : vector<16xi32>
      %eq3A_708 = arith.constant 1 : i32
      %eq3A_709 = vector.broadcast %eq3A_708 : i32 to vector<16xi32>
      %eq3A_710 = arith.cmpi eq, %select_n3A_687, %eq3A_709 : vector<16xi32>
      %eq3A_711 = arith.constant 2 : i32
      %eq3A_712 = vector.broadcast %eq3A_711 : i32 to vector<16xi32>
      %eq3A_713 = arith.cmpi eq, %select_n3A_687, %eq3A_712 : vector<16xi32>
      %eq3A_714 = arith.constant 3 : i32
      %eq3A_715 = vector.broadcast %eq3A_714 : i32 to vector<16xi32>
      %eq3A_716 = arith.cmpi eq, %select_n3A_687, %eq3A_715 : vector<16xi32>
      %jit3A_717 = arith.constant 2.500000e+00 : f32
      %jit3A_718 = arith.constant 1.500000e+00 : f32
      %broadcast_in_dim3A_719 = vector.broadcast %jit3A_717 : f32 to vector<16xf32>
      %broadcast_in_dim3A_720 = vector.broadcast %jit3A_718 : f32 to vector<16xf32>
      %select_n3A_721 = arith.select %eq3A_716, %broadcast_in_dim3A_719, %broadcast_in_dim3A_720 : vector<16xi1>, vector<16xf32>
      %jit3A_722 = arith.constant 2.000000e+00 : f32
      %broadcast_in_dim3A_723 = vector.broadcast %jit3A_722 : f32 to vector<16xf32>
      %select_n3A_724 = arith.select %eq3A_713, %broadcast_in_dim3A_723, %select_n3A_721 : vector<16xi1>, vector<16xf32>
      %jit3A_725 = arith.constant 1.000000e+00 : f32
      %broadcast_in_dim3A_726 = vector.broadcast %jit3A_725 : f32 to vector<16xf32>
      %select_n3A_727 = arith.select %eq3A_710, %broadcast_in_dim3A_726, %select_n3A_724 : vector<16xi1>, vector<16xf32>
      %jit3A_728 = arith.constant 1.000000e-01 : f32
      %broadcast_in_dim3A_729 = vector.broadcast %jit3A_728 : f32 to vector<16xf32>
      %select_n3A_730 = arith.select %eq3A_707, %broadcast_in_dim3A_729, %select_n3A_727 : vector<16xi1>, vector<16xf32>
      %add3A_731 = arith.constant 96 : i32
      %add3A_732 = vector.broadcast %add3A_731 : i32 to vector<16xi32>
      %add3A_733 = arith.addi %add3A_732, %iota3A : vector<16xi32>
      %gt3A_734 = arith.constant 0 : i32
      %gt3A_735 = vector.broadcast %gt3A_734 : i32 to vector<16xi32>
      %gt3A_736 = arith.cmpi sgt, %add3A_733, %gt3A_735 : vector<16xi32>
      %gt3A_737 = arith.constant 0.000000e+00 : f32
      %gt3A_738 = vector.broadcast %gt3A_737 : f32 to vector<16xf32>
      %gt3A_739 = arith.cmpf ogt, %add3A_682, %gt3A_738 : vector<16xf32>
      %and3A_740 = arith.andi %gt3A_736, %gt3A_739 : vector<16xi1>
      %gt3A_741 = arith.constant 4.000000e-01 : f32
      %gt3A_742 = vector.broadcast %gt3A_741 : f32 to vector<16xf32>
      %gt3A_743 = arith.cmpf ogt, %select_n3A_704, %gt3A_742 : vector<16xf32>
      %and3A_744 = arith.andi %and3A_740, %gt3A_743 : vector<16xi1>
      %jit3A_745 = arith.constant 1.000000e+00 : f32
      %jit3A_746 = arith.constant 0.000000e+00 : f32
      %broadcast_in_dim3A_747 = vector.broadcast %jit3A_745 : f32 to vector<16xf32>
      %broadcast_in_dim3A_748 = vector.broadcast %jit3A_746 : f32 to vector<16xf32>
      %select_n3A_749 = arith.select %and3A_744, %broadcast_in_dim3A_747, %broadcast_in_dim3A_748 : vector<16xi1>, vector<16xf32>
      %mul3A_750 = arith.mulf %select_n3A_749, %select_n3A_697 : vector<16xf32>
      %exp3A_751 = math.exp %select_n3A_697 : vector<16xf32>
      %mul3A_752 = arith.mulf %mul3A_750, %exp3A_751 : vector<16xf32>
      %mul3A_753 = arith.mulf %mul3A_752, %select_n3A_730 : vector<16xf32>
      %add3A_754 = arith.addf %add3A_646, %mul3A_753 : vector<16xf32>
      %add3A_755 = arith.addf %add3A_647, %select_n3A_749 : vector<16xf32>
      %get3A_756 = arith.constant 240 : index
      %get3A_757 = tpu.vector_load %arg6[%get3A_756] {strides = array<i32>} : memref<1056xf32, #tpu.memory_space<vmem>>, vector<16xf32>,
      %get3A_758 = arith.constant 368 : index
      %get3A_759 = tpu.vector_load %arg6[%get3A_758] {strides = array<i32>} : memref<1056xf32, #tpu.memory_space<vmem>>, vector<16xf32>,
      %get3A_760 = arith.constant 496 : index
      %get3A_761 = tpu.vector_load %arg6[%get3A_760] {strides = array<i32>} : memref<1056xf32, #tpu.memory_space<vmem>>, vector<16xf32>,
      %broadcast_in_dim3A_762 = arith.constant 0 : i32
      %broadcast_in_dim3A_763 = vector.broadcast %broadcast_in_dim3A_762 : i32 to vector<16xi32>
      %get3A_764 = arith.constant 624 : index
      %get3A_765 = tpu.vector_load %arg6[%get3A_764] {strides = array<i32>} : memref<1056xf32, #tpu.memory_space<vmem>>, vector<16xf32>,
      %add3A_766 = arith.addf %get3A_761, %get3A_765 : vector<16xf32>
      %gt3A_767 = arith.cmpf ogt, %get3A_765, %get3A_761 : vector<16xf32>
      %select_n3A_768 = arith.select %gt3A_767, %get3A_765, %get3A_761 : vector<16xi1>, vector<16xf32>
      %jit3A_769 = arith.constant 1 : i32
      %broadcast_in_dim3A_770 = vector.broadcast %jit3A_769 : i32 to vector<16xi32>
      %select_n3A_771 = arith.select %gt3A_767, %broadcast_in_dim3A_770, %broadcast_in_dim3A_763 : vector<16xi1>, vector<16xi32>
      %get3A_772 = arith.constant 752 : index
      %get3A_773 = tpu.vector_load %arg6[%get3A_772] {strides = array<i32>} : memref<1056xf32, #tpu.memory_space<vmem>>, vector<16xf32>,
      %add3A_774 = arith.addf %add3A_766, %get3A_773 : vector<16xf32>
      %gt3A_775 = arith.cmpf ogt, %get3A_773, %select_n3A_768 : vector<16xf32>
      %select_n3A_776 = arith.select %gt3A_775, %get3A_773, %select_n3A_768 : vector<16xi1>, vector<16xf32>
      %jit3A_777 = arith.constant 2 : i32
      %broadcast_in_dim3A_778 = vector.broadcast %jit3A_777 : i32 to vector<16xi32>
      %select_n3A_779 = arith.select %gt3A_775, %broadcast_in_dim3A_778, %select_n3A_771 : vector<16xi1>, vector<16xi32>
      %get3A_780 = arith.constant 880 : index
      %get3A_781 = tpu.vector_load %arg6[%get3A_780] {strides = array<i32>} : memref<1056xf32, #tpu.memory_space<vmem>>, vector<16xf32>,
      %add3A_782 = arith.addf %add3A_774, %get3A_781 : vector<16xf32>
      %gt3A_783 = arith.cmpf ogt, %get3A_781, %select_n3A_776 : vector<16xf32>
      %select_n3A_784 = arith.select %gt3A_783, %get3A_781, %select_n3A_776 : vector<16xi1>, vector<16xf32>
      %jit3A_785 = arith.constant 3 : i32
      %broadcast_in_dim3A_786 = vector.broadcast %jit3A_785 : i32 to vector<16xi32>
      %select_n3A_787 = arith.select %gt3A_783, %broadcast_in_dim3A_786, %select_n3A_779 : vector<16xi1>, vector<16xi32>
      %get3A_788 = arith.constant 1008 : index
      %get3A_789 = tpu.vector_load %arg6[%get3A_788] {strides = array<i32>} : memref<1056xf32, #tpu.memory_space<vmem>>, vector<16xf32>,
      %add3A_790 = arith.addf %add3A_782, %get3A_789 : vector<16xf32>
      %gt3A_791 = arith.cmpf ogt, %get3A_789, %select_n3A_784 : vector<16xf32>
      %select_n3A_792 = arith.select %gt3A_791, %get3A_789, %select_n3A_784 : vector<16xi1>, vector<16xf32>
      %jit3A_793 = arith.constant 4 : i32
      %broadcast_in_dim3A_794 = vector.broadcast %jit3A_793 : i32 to vector<16xi32>
      %select_n3A_795 = arith.select %gt3A_791, %broadcast_in_dim3A_794, %select_n3A_787 : vector<16xi1>, vector<16xi32>
      %max3A_796 = arith.constant 1.000000e+00 : f32
      %max3A_797 = vector.broadcast %max3A_796 : f32 to vector<16xf32>
      %max3A_798 = arith.maximumf %add3A_790, %max3A_797 : vector<16xf32>
      %gt3A_799 = arith.constant 0.000000e+00 : f32
      %gt3A_800 = vector.broadcast %gt3A_799 : f32 to vector<16xf32>
      %gt3A_801 = arith.cmpf ogt, %add3A_790, %gt3A_800 : vector<16xf32>
      %div3A_802 = arith.divf %get3A_757, %max3A_798 : vector<16xf32>
      %jit3A_803 = arith.constant 0.000000e+00 : f32
      %broadcast_in_dim3A_804 = vector.broadcast %jit3A_803 : f32 to vector<16xf32>
      %select_n3A_805 = arith.select %gt3A_801, %div3A_802, %broadcast_in_dim3A_804 : vector<16xi1>, vector<16xf32>
      %gt3A_806 = arith.constant 0.000000e+00 : f32
      %gt3A_807 = vector.broadcast %gt3A_806 : f32 to vector<16xf32>
      %gt3A_808 = arith.cmpf ogt, %add3A_790, %gt3A_807 : vector<16xf32>
      %div3A_809 = arith.divf %get3A_759, %max3A_798 : vector<16xf32>
      %jit3A_810 = arith.constant 0.000000e+00 : f32
      %broadcast_in_dim3A_811 = vector.broadcast %jit3A_810 : f32 to vector<16xf32>
      %select_n3A_812 = arith.select %gt3A_808, %div3A_809, %broadcast_in_dim3A_811 : vector<16xi1>, vector<16xf32>
      %eq3A_813 = arith.constant 0 : i32
      %eq3A_814 = vector.broadcast %eq3A_813 : i32 to vector<16xi32>
      %eq3A_815 = arith.cmpi eq, %select_n3A_795, %eq3A_814 : vector<16xi32>
      %eq3A_816 = arith.constant 1 : i32
      %eq3A_817 = vector.broadcast %eq3A_816 : i32 to vector<16xi32>
      %eq3A_818 = arith.cmpi eq, %select_n3A_795, %eq3A_817 : vector<16xi32>
      %eq3A_819 = arith.constant 2 : i32
      %eq3A_820 = vector.broadcast %eq3A_819 : i32 to vector<16xi32>
      %eq3A_821 = arith.cmpi eq, %select_n3A_795, %eq3A_820 : vector<16xi32>
      %eq3A_822 = arith.constant 3 : i32
      %eq3A_823 = vector.broadcast %eq3A_822 : i32 to vector<16xi32>
      %eq3A_824 = arith.cmpi eq, %select_n3A_795, %eq3A_823 : vector<16xi32>
      %jit3A_825 = arith.constant 2.500000e+00 : f32
      %jit3A_826 = arith.constant 1.500000e+00 : f32
      %broadcast_in_dim3A_827 = vector.broadcast %jit3A_825 : f32 to vector<16xf32>
      %broadcast_in_dim3A_828 = vector.broadcast %jit3A_826 : f32 to vector<16xf32>
      %select_n3A_829 = arith.select %eq3A_824, %broadcast_in_dim3A_827, %broadcast_in_dim3A_828 : vector<16xi1>, vector<16xf32>
      %jit3A_830 = arith.constant 2.000000e+00 : f32
      %broadcast_in_dim3A_831 = vector.broadcast %jit3A_830 : f32 to vector<16xf32>
      %select_n3A_832 = arith.select %eq3A_821, %broadcast_in_dim3A_831, %select_n3A_829 : vector<16xi1>, vector<16xf32>
      %jit3A_833 = arith.constant 1.000000e+00 : f32
      %broadcast_in_dim3A_834 = vector.broadcast %jit3A_833 : f32 to vector<16xf32>
      %select_n3A_835 = arith.select %eq3A_818, %broadcast_in_dim3A_834, %select_n3A_832 : vector<16xi1>, vector<16xf32>
      %jit3A_836 = arith.constant 1.000000e-01 : f32
      %broadcast_in_dim3A_837 = vector.broadcast %jit3A_836 : f32 to vector<16xf32>
      %select_n3A_838 = arith.select %eq3A_815, %broadcast_in_dim3A_837, %select_n3A_835 : vector<16xi1>, vector<16xf32>
      %add3A_839 = arith.constant 112 : i32
      %add3A_840 = vector.broadcast %add3A_839 : i32 to vector<16xi32>
      %add3A_841 = arith.addi %add3A_840, %iota3A : vector<16xi32>
      %gt3A_842 = arith.constant 0 : i32
      %gt3A_843 = vector.broadcast %gt3A_842 : i32 to vector<16xi32>
      %gt3A_844 = arith.cmpi sgt, %add3A_841, %gt3A_843 : vector<16xi32>
      %gt3A_845 = arith.constant 0.000000e+00 : f32
      %gt3A_846 = vector.broadcast %gt3A_845 : f32 to vector<16xf32>
      %gt3A_847 = arith.cmpf ogt, %add3A_790, %gt3A_846 : vector<16xf32>
      %and3A_848 = arith.andi %gt3A_844, %gt3A_847 : vector<16xi1>
      %gt3A_849 = arith.constant 4.000000e-01 : f32
      %gt3A_850 = vector.broadcast %gt3A_849 : f32 to vector<16xf32>
      %gt3A_851 = arith.cmpf ogt, %select_n3A_812, %gt3A_850 : vector<16xf32>
      %and3A_852 = arith.andi %and3A_848, %gt3A_851 : vector<16xi1>
      %jit3A_853 = arith.constant 1.000000e+00 : f32
      %jit3A_854 = arith.constant 0.000000e+00 : f32
      %broadcast_in_dim3A_855 = vector.broadcast %jit3A_853 : f32 to vector<16xf32>
      %broadcast_in_dim3A_856 = vector.broadcast %jit3A_854 : f32 to vector<16xf32>
      %select_n3A_857 = arith.select %and3A_852, %broadcast_in_dim3A_855, %broadcast_in_dim3A_856 : vector<16xi1>, vector<16xf32>
      %mul3A_858 = arith.mulf %select_n3A_857, %select_n3A_805 : vector<16xf32>
      %exp3A_859 = math.exp %select_n3A_805 : vector<16xf32>
      %mul3A_860 = arith.mulf %mul3A_858, %exp3A_859 : vector<16xf32>
      %mul3A_861 = arith.mulf %mul3A_860, %select_n3A_838 : vector<16xf32>
      %add3A_862 = arith.addf %add3A_754, %mul3A_861 : vector<16xf32>
      %add3A_863 = arith.addf %add3A_755, %select_n3A_857 : vector<16xf32>
      %broadcast_in_dim3A_864 = arith.constant 1.000000e+00 : f32
      %broadcast_in_dim3A_865 = vector.broadcast %broadcast_in_dim3A_864 : f32 to vector<16xf32>
      %reduce_sum3A = arith.constant true
      %reduce_sum3A_866 = vector.broadcast %reduce_sum3A : i1 to vector<16xi1>
      %reduce_sum3A_867 = tpu.scan <sum>, %add3A_863 masked %reduce_sum3A_866 : vector<16xf32>, vector<16xi1> -> vector<16xf32>
      %reduce_sum3A_868 = vector.extract %reduce_sum3A_867[15] : f32 from vector<16xf32>
      %mul3A_869 = vector.broadcast %reduce_sum3A_868 : f32 to vector<16xf32>
      %mul3A_870 = arith.mulf %mul3A_869, %broadcast_in_dim3A_865 : vector<16xf32>
      %reduce_sum3A_871 = arith.constant true
      %reduce_sum3A_872 = vector.broadcast %reduce_sum3A_871 : i1 to vector<16xi1>
      %reduce_sum3A_873 = tpu.scan <sum>, %add3A_862 masked %reduce_sum3A_872 : vector<16xf32>, vector<16xi1> -> vector<16xf32>
      %reduce_sum3A_874 = vector.extract %reduce_sum3A_873[15] : f32 from vector<16xf32>
      %mul3A_875 = vector.broadcast %reduce_sum3A_874 : f32 to vector<16xf32>
      %mul3A_876 = arith.mulf %mul3A_875, %broadcast_in_dim3A_865 : vector<16xf32>
      %gt3A_877 = arith.constant 0.000000e+00 : f32
      %gt3A_878 = vector.broadcast %gt3A_877 : f32 to vector<16xf32>
      %gt3A_879 = arith.cmpf ogt, %mul3A_870, %gt3A_878 : vector<16xf32>
      %max3A_880 = arith.constant 1.000000e+00 : f32
      %max3A_881 = vector.broadcast %max3A_880 : f32 to vector<16xf32>
      %max3A_882 = arith.maximumf %mul3A_870, %max3A_881 : vector<16xf32>
      %div3A_883 = arith.divf %mul3A_876, %max3A_882 : vector<16xf32>
      %jit3A_884 = arith.constant 0.000000e+00 : f32
      %broadcast_in_dim3A_885 = vector.broadcast %jit3A_884 : f32 to vector<16xf32>
      %select_n3A_886 = arith.select %gt3A_879, %div3A_883, %broadcast_in_dim3A_885 : vector<16xi1>, vector<16xf32>
      %get3A_887 = arith.constant 1024 : index
      %get3A_888 = tpu.vector_load %arg6[%get3A_887] {strides = array<i32>} : memref<1056xf32, #tpu.memory_space<vmem>>, vector<16xf32>,
      %get3A_889 = arith.constant 1040 : index
      %get3A_890 = tpu.vector_load %arg6[%get3A_889] {strides = array<i32>} : memref<1056xf32, #tpu.memory_space<vmem>>, vector<16xf32>,
      %lt3A = arith.constant 15 : i32
      %lt3A_891 = vector.broadcast %lt3A : i32 to vector<16xi32>
      %lt3A_892 = arith.cmpi slt, %iota3A, %lt3A_891 : vector<16xi32>
      %jit3A_893 = arith.constant 3 : i32
      %eq3A_894 = arith.constant 0 : i32
      %eq3A_895 = arith.cmpi eq, %jit3A_893, %eq3A_894 : i32
      %jit3A_896 = arith.constant 1 : i32
      %select_n3A_897 = arith.select %eq3A_895, %jit3A_896, %jit3A_893 : i32
      %rem3A = vector.broadcast %select_n3A_897 : i32 to vector<16xi32>
      %rem3A_898 = arith.remsi %iota3A, %rem3A : vector<16xi32>
      %ne3A = arith.constant 0 : i32
      %ne3A_899 = vector.broadcast %ne3A : i32 to vector<16xi32>
      %ne3A_900 = arith.cmpi ne, %rem3A_898, %ne3A_899 : vector<16xi32>
      %lt3A_901 = arith.constant 0 : i32
      %lt3A_902 = vector.broadcast %lt3A_901 : i32 to vector<16xi32>
      %lt3A_903 = arith.cmpi slt, %rem3A_898, %lt3A_902 : vector<16xi32>
      %lt3A_904 = arith.constant 0 : i32
      %lt3A_905 = arith.cmpi slt, %select_n3A_897, %lt3A_904 : i32
      %ne3A_906 = vector.broadcast %lt3A_905 : i1 to vector<16xi1>
      %ne3A_907 = vector.broadcast %ne3A_906 : vector<16xi1> to vector<16xi1>
      %ne3A_908 = arith.xori %lt3A_903, %ne3A_907 : vector<16xi1>
      %and3A_909 = arith.andi %ne3A_908, %ne3A_900 : vector<16xi1>
      %add3A_910 = vector.broadcast %select_n3A_897 : i32 to vector<16xi32>
      %add3A_911 = arith.addi %rem3A_898, %add3A_910 : vector<16xi32>
      %select_n3A_912 = arith.select %and3A_909, %add3A_911, %rem3A_898 : vector<16xi1>, vector<16xi32>
      %jit3A_913 = arith.constant 3 : i32
      %div3A_914 = vector.broadcast %jit3A_913 : i32 to vector<16xi32>
      %div3A_915 = arith.divsi %iota3A, %div3A_914 : vector<16xi32>
      %sign3A = arith.constant 0 : i32
      %sign3A_916 = vector.broadcast %sign3A : i32 to vector<16xi32>
      %sign3A_917 = arith.cmpi sgt, %iota3A, %sign3A_916 : vector<16xi32>
      %sign3A_918 = arith.extui %sign3A_917 : vector<16xi1> to vector<16xi32>
      %sign3A_919 = arith.constant 0 : i32
      %sign3A_920 = vector.broadcast %sign3A_919 : i32 to vector<16xi32>
      %sign3A_921 = arith.cmpi slt, %iota3A, %sign3A_920 : vector<16xi32>
      %sign3A_922 = arith.extui %sign3A_921 : vector<16xi1> to vector<16xi32>
      %sign3A_923 = arith.subi %sign3A_918, %sign3A_922 : vector<16xi32>
      %sign3A_924 = arith.constant 0 : i32
      %sign3A_925 = arith.cmpi sgt, %jit3A_913, %sign3A_924 : i32
      %sign3A_926 = arith.extui %sign3A_925 : i1 to i32
      %sign3A_927 = arith.constant 0 : i32
      %sign3A_928 = arith.cmpi slt, %jit3A_913, %sign3A_927 : i32
      %sign3A_929 = arith.extui %sign3A_928 : i1 to i32
      %sign3A_930 = arith.subi %sign3A_926, %sign3A_929 : i32
      %ne3A_931 = vector.broadcast %sign3A_930 : i32 to vector<16xi32>
      %ne3A_932 = arith.cmpi ne, %sign3A_923, %ne3A_931 : vector<16xi32>
      %rem3A_933 = vector.broadcast %jit3A_913 : i32 to vector<16xi32>
      %rem3A_934 = arith.remsi %iota3A, %rem3A_933 : vector<16xi32>
      %ne3A_935 = arith.constant 0 : i32
      %ne3A_936 = vector.broadcast %ne3A_935 : i32 to vector<16xi32>
      %ne3A_937 = arith.cmpi ne, %rem3A_934, %ne3A_936 : vector<16xi32>
      %and3A_938 = arith.andi %ne3A_932, %ne3A_937 : vector<16xi1>
      %sub3A = arith.constant 1 : i32
      %sub3A_939 = vector.broadcast %sub3A : i32 to vector<16xi32>
      %sub3A_940 = arith.subi %div3A_915, %sub3A_939 : vector<16xi32>
      %select_n3A_941 = arith.select %and3A_938, %sub3A_940, %div3A_915 : vector<16xi1>, vector<16xi32>
      %gt3A_942 = arith.constant 0.000000e+00 : f32
      %gt3A_943 = vector.broadcast %gt3A_942 : f32 to vector<16xf32>
      %gt3A_944 = arith.cmpf ogt, %get3A_890, %gt3A_943 : vector<16xf32>
      %max3A_945 = arith.constant 1.000000e+00 : f32
      %max3A_946 = vector.broadcast %max3A_945 : f32 to vector<16xf32>
      %max3A_947 = arith.maximumf %get3A_890, %max3A_946 : vector<16xf32>
      %div3A_948 = arith.divf %get3A_888, %max3A_947 : vector<16xf32>
      %jit3A_949 = arith.constant 0.000000e+00 : f32
      %broadcast_in_dim3A_950 = vector.broadcast %jit3A_949 : f32 to vector<16xf32>
      %select_n3A_951 = arith.select %gt3A_944, %div3A_948, %broadcast_in_dim3A_950 : vector<16xi1>, vector<16xf32>
      %eq3A_952 = arith.constant 0 : i32
      %eq3A_953 = vector.broadcast %eq3A_952 : i32 to vector<16xi32>
      %eq3A_954 = arith.cmpi eq, %select_n3A_912, %eq3A_953 : vector<16xi32>
      %eq3A_955 = arith.constant 1 : i32
      %eq3A_956 = vector.broadcast %eq3A_955 : i32 to vector<16xi32>
      %eq3A_957 = arith.cmpi eq, %select_n3A_912, %eq3A_956 : vector<16xi32>
      %jit3A_958 = arith.constant 4.000000e-01 : f32
      %jit3A_959 = arith.constant 5.000000e-01 : f32
      %broadcast_in_dim3A_960 = vector.broadcast %jit3A_958 : f32 to vector<16xf32>
      %broadcast_in_dim3A_961 = vector.broadcast %jit3A_959 : f32 to vector<16xf32>
      %select_n3A_962 = arith.select %eq3A_957, %broadcast_in_dim3A_960, %broadcast_in_dim3A_961 : vector<16xi1>, vector<16xf32>
      %jit3A_963 = arith.constant 1.000000e-01 : f32
      %broadcast_in_dim3A_964 = vector.broadcast %jit3A_963 : f32 to vector<16xf32>
      %select_n3A_965 = arith.select %eq3A_954, %broadcast_in_dim3A_964, %select_n3A_962 : vector<16xi1>, vector<16xf32>
      %eq3A_966 = arith.constant 0 : i32
      %eq3A_967 = vector.broadcast %eq3A_966 : i32 to vector<16xi32>
      %eq3A_968 = arith.cmpi eq, %select_n3A_941, %eq3A_967 : vector<16xi32>
      %eq3A_969 = arith.constant 1 : i32
      %eq3A_970 = vector.broadcast %eq3A_969 : i32 to vector<16xi32>
      %eq3A_971 = arith.cmpi eq, %select_n3A_941, %eq3A_970 : vector<16xi32>
      %eq3A_972 = arith.constant 2 : i32
      %eq3A_973 = vector.broadcast %eq3A_972 : i32 to vector<16xi32>
      %eq3A_974 = arith.cmpi eq, %select_n3A_941, %eq3A_973 : vector<16xi32>
      %eq3A_975 = arith.constant 3 : i32
      %eq3A_976 = vector.broadcast %eq3A_975 : i32 to vector<16xi32>
      %eq3A_977 = arith.cmpi eq, %select_n3A_941, %eq3A_976 : vector<16xi32>
      %jit3A_978 = arith.constant 2.500000e+00 : f32
      %jit3A_979 = arith.constant 1.500000e+00 : f32
      %broadcast_in_dim3A_980 = vector.broadcast %jit3A_978 : f32 to vector<16xf32>
      %broadcast_in_dim3A_981 = vector.broadcast %jit3A_979 : f32 to vector<16xf32>
      %select_n3A_982 = arith.select %eq3A_977, %broadcast_in_dim3A_980, %broadcast_in_dim3A_981 : vector<16xi1>, vector<16xf32>
      %jit3A_983 = arith.constant 2.000000e+00 : f32
      %broadcast_in_dim3A_984 = vector.broadcast %jit3A_983 : f32 to vector<16xf32>
      %select_n3A_985 = arith.select %eq3A_974, %broadcast_in_dim3A_984, %select_n3A_982 : vector<16xi1>, vector<16xf32>
      %jit3A_986 = arith.constant 1.000000e+00 : f32
      %broadcast_in_dim3A_987 = vector.broadcast %jit3A_986 : f32 to vector<16xf32>
      %select_n3A_988 = arith.select %eq3A_971, %broadcast_in_dim3A_987, %select_n3A_985 : vector<16xi1>, vector<16xf32>
      %jit3A_989 = arith.constant 1.000000e-01 : f32
      %broadcast_in_dim3A_990 = vector.broadcast %jit3A_989 : f32 to vector<16xf32>
      %select_n3A_991 = arith.select %eq3A_968, %broadcast_in_dim3A_990, %select_n3A_988 : vector<16xi1>, vector<16xf32>
      %mul3A_992 = arith.mulf %select_n3A_951, %select_n3A_965 : vector<16xf32>
      %mul3A_993 = arith.mulf %mul3A_992, %select_n3A_991 : vector<16xf32>
      %jit3A_994 = arith.constant 0.000000e+00 : f32
      %broadcast_in_dim3A_995 = vector.broadcast %jit3A_994 : f32 to vector<16xf32>
      %select_n3A_996 = arith.select %lt3A_892, %mul3A_993, %broadcast_in_dim3A_995 : vector<16xi1>, vector<16xf32>
      %reduce_sum3A_997 = arith.constant true
      %reduce_sum3A_998 = vector.broadcast %reduce_sum3A_997 : i1 to vector<16xi1>
      %reduce_sum3A_999 = tpu.scan <sum>, %select_n3A_996 masked %reduce_sum3A_998 : vector<16xf32>, vector<16xi1> -> vector<16xf32>
      %reduce_sum3A_1000 = vector.extract %reduce_sum3A_999[15] : f32 from vector<16xf32>
      %mul3A_1001 = vector.broadcast %reduce_sum3A_1000 : f32 to vector<16xf32>
      %mul3A_1002 = arith.mulf %mul3A_1001, %broadcast_in_dim3A_865 : vector<16xf32>
      %broadcast_in_dim3A_1003 = arith.constant 0.000000e+00 : f32
      %broadcast_in_dim3A_1004 = vector.broadcast %broadcast_in_dim3A_1003 : f32 to vector<16xf32>
      %eq3A_1005 = arith.constant 0 : i32
      %eq3A_1006 = vector.broadcast %eq3A_1005 : i32 to vector<16xi32>
      %eq3A_1007 = arith.cmpi eq, %select_n3A_912, %eq3A_1006 : vector<16xi32>
      %and3A_1008 = arith.andi %lt3A_892, %eq3A_1007 : vector<16xi1>
      %jit3A_1009 = arith.constant 0.000000e+00 : f32
      %broadcast_in_dim3A_1010 = vector.broadcast %jit3A_1009 : f32 to vector<16xf32>
      %select_n3A_1011 = arith.select %and3A_1008, %get3A_888, %broadcast_in_dim3A_1010 : vector<16xi1>, vector<16xf32>
      %reduce_sum3A_1012 = arith.constant true
      %reduce_sum3A_1013 = vector.broadcast %reduce_sum3A_1012 : i1 to vector<16xi1>
      %reduce_sum3A_1014 = tpu.scan <sum>, %select_n3A_1011 masked %reduce_sum3A_1013 : vector<16xf32>, vector<16xi1> -> vector<16xf32>
      %reduce_sum3A_1015 = vector.extract %reduce_sum3A_1014[15] : f32 from vector<16xf32>
      %mul3A_1016 = vector.broadcast %reduce_sum3A_1015 : f32 to vector<16xf32>
      %mul3A_1017 = arith.mulf %mul3A_1016, %broadcast_in_dim3A_865 : vector<16xf32>
      %jit3A_1018 = arith.constant 0.000000e+00 : f32
      %broadcast_in_dim3A_1019 = vector.broadcast %jit3A_1018 : f32 to vector<16xf32>
      %select_n3A_1020 = arith.select %and3A_1008, %get3A_890, %broadcast_in_dim3A_1019 : vector<16xi1>, vector<16xf32>
      %reduce_sum3A_1021 = arith.constant true
      %reduce_sum3A_1022 = vector.broadcast %reduce_sum3A_1021 : i1 to vector<16xi1>
      %reduce_sum3A_1023 = tpu.scan <sum>, %select_n3A_1020 masked %reduce_sum3A_1022 : vector<16xf32>, vector<16xi1> -> vector<16xf32>
      %reduce_sum3A_1024 = vector.extract %reduce_sum3A_1023[15] : f32 from vector<16xf32>
      %mul3A_1025 = vector.broadcast %reduce_sum3A_1024 : f32 to vector<16xf32>
      %mul3A_1026 = arith.mulf %mul3A_1025, %broadcast_in_dim3A_865 : vector<16xf32>
      %gt3A_1027 = arith.constant 0.000000e+00 : f32
      %gt3A_1028 = vector.broadcast %gt3A_1027 : f32 to vector<16xf32>
      %gt3A_1029 = arith.cmpf ogt, %mul3A_1026, %gt3A_1028 : vector<16xf32>
      %max3A_1030 = arith.constant 1.000000e+00 : f32
      %max3A_1031 = vector.broadcast %max3A_1030 : f32 to vector<16xf32>
      %max3A_1032 = arith.maximumf %mul3A_1026, %max3A_1031 : vector<16xf32>
      %div3A_1033 = arith.divf %mul3A_1017, %max3A_1032 : vector<16xf32>
      %jit3A_1034 = arith.constant 0.000000e+00 : f32
      %broadcast_in_dim3A_1035 = vector.broadcast %jit3A_1034 : f32 to vector<16xf32>
      %select_n3A_1036 = arith.select %gt3A_1029, %div3A_1033, %broadcast_in_dim3A_1035 : vector<16xi1>, vector<16xf32>
      %add3A_1037 = arith.addf %broadcast_in_dim3A_1004, %select_n3A_1036 : vector<16xf32>
      %eq3A_1038 = arith.constant 1 : i32
      %eq3A_1039 = vector.broadcast %eq3A_1038 : i32 to vector<16xi32>
      %eq3A_1040 = arith.cmpi eq, %select_n3A_912, %eq3A_1039 : vector<16xi32>
      %and3A_1041 = arith.andi %lt3A_892, %eq3A_1040 : vector<16xi1>
      %jit3A_1042 = arith.constant 0.000000e+00 : f32
      %broadcast_in_dim3A_1043 = vector.broadcast %jit3A_1042 : f32 to vector<16xf32>
      %select_n3A_1044 = arith.select %and3A_1041, %get3A_888, %broadcast_in_dim3A_1043 : vector<16xi1>, vector<16xf32>
      %reduce_sum3A_1045 = arith.constant true
      %reduce_sum3A_1046 = vector.broadcast %reduce_sum3A_1045 : i1 to vector<16xi1>
      %reduce_sum3A_1047 = tpu.scan <sum>, %select_n3A_1044 masked %reduce_sum3A_1046 : vector<16xf32>, vector<16xi1> -> vector<16xf32>
      %reduce_sum3A_1048 = vector.extract %reduce_sum3A_1047[15] : f32 from vector<16xf32>
      %mul3A_1049 = vector.broadcast %reduce_sum3A_1048 : f32 to vector<16xf32>
      %mul3A_1050 = arith.mulf %mul3A_1049, %broadcast_in_dim3A_865 : vector<16xf32>
      %jit3A_1051 = arith.constant 0.000000e+00 : f32
      %broadcast_in_dim3A_1052 = vector.broadcast %jit3A_1051 : f32 to vector<16xf32>
      %select_n3A_1053 = arith.select %and3A_1041, %get3A_890, %broadcast_in_dim3A_1052 : vector<16xi1>, vector<16xf32>
      %reduce_sum3A_1054 = arith.constant true
      %reduce_sum3A_1055 = vector.broadcast %reduce_sum3A_1054 : i1 to vector<16xi1>
      %reduce_sum3A_1056 = tpu.scan <sum>, %select_n3A_1053 masked %reduce_sum3A_1055 : vector<16xf32>, vector<16xi1> -> vector<16xf32>
      %reduce_sum3A_1057 = vector.extract %reduce_sum3A_1056[15] : f32 from vector<16xf32>
      %mul3A_1058 = vector.broadcast %reduce_sum3A_1057 : f32 to vector<16xf32>
      %mul3A_1059 = arith.mulf %mul3A_1058, %broadcast_in_dim3A_865 : vector<16xf32>
      %gt3A_1060 = arith.constant 0.000000e+00 : f32
      %gt3A_1061 = vector.broadcast %gt3A_1060 : f32 to vector<16xf32>
      %gt3A_1062 = arith.cmpf ogt, %mul3A_1059, %gt3A_1061 : vector<16xf32>
      %max3A_1063 = arith.constant 1.000000e+00 : f32
      %max3A_1064 = vector.broadcast %max3A_1063 : f32 to vector<16xf32>
      %max3A_1065 = arith.maximumf %mul3A_1059, %max3A_1064 : vector<16xf32>
      %div3A_1066 = arith.divf %mul3A_1050, %max3A_1065 : vector<16xf32>
      %jit3A_1067 = arith.constant 0.000000e+00 : f32
      %broadcast_in_dim3A_1068 = vector.broadcast %jit3A_1067 : f32 to vector<16xf32>
      %select_n3A_1069 = arith.select %gt3A_1062, %div3A_1066, %broadcast_in_dim3A_1068 : vector<16xi1>, vector<16xf32>
      %add3A_1070 = arith.addf %add3A_1037, %select_n3A_1069 : vector<16xf32>
      %eq3A_1071 = arith.constant 2 : i32
      %eq3A_1072 = vector.broadcast %eq3A_1071 : i32 to vector<16xi32>
      %eq3A_1073 = arith.cmpi eq, %select_n3A_912, %eq3A_1072 : vector<16xi32>
      %and3A_1074 = arith.andi %lt3A_892, %eq3A_1073 : vector<16xi1>
      %jit3A_1075 = arith.constant 0.000000e+00 : f32
      %broadcast_in_dim3A_1076 = vector.broadcast %jit3A_1075 : f32 to vector<16xf32>
      %select_n3A_1077 = arith.select %and3A_1074, %get3A_888, %broadcast_in_dim3A_1076 : vector<16xi1>, vector<16xf32>
      %reduce_sum3A_1078 = arith.constant true
      %reduce_sum3A_1079 = vector.broadcast %reduce_sum3A_1078 : i1 to vector<16xi1>
      %reduce_sum3A_1080 = tpu.scan <sum>, %select_n3A_1077 masked %reduce_sum3A_1079 : vector<16xf32>, vector<16xi1> -> vector<16xf32>
      %reduce_sum3A_1081 = vector.extract %reduce_sum3A_1080[15] : f32 from vector<16xf32>
      %mul3A_1082 = vector.broadcast %reduce_sum3A_1081 : f32 to vector<16xf32>
      %mul3A_1083 = arith.mulf %mul3A_1082, %broadcast_in_dim3A_865 : vector<16xf32>
      %jit3A_1084 = arith.constant 0.000000e+00 : f32
      %broadcast_in_dim3A_1085 = vector.broadcast %jit3A_1084 : f32 to vector<16xf32>
      %select_n3A_1086 = arith.select %and3A_1074, %get3A_890, %broadcast_in_dim3A_1085 : vector<16xi1>, vector<16xf32>
      %reduce_sum3A_1087 = arith.constant true
      %reduce_sum3A_1088 = vector.broadcast %reduce_sum3A_1087 : i1 to vector<16xi1>
      %reduce_sum3A_1089 = tpu.scan <sum>, %select_n3A_1086 masked %reduce_sum3A_1088 : vector<16xf32>, vector<16xi1> -> vector<16xf32>
      %reduce_sum3A_1090 = vector.extract %reduce_sum3A_1089[15] : f32 from vector<16xf32>
      %mul3A_1091 = vector.broadcast %reduce_sum3A_1090 : f32 to vector<16xf32>
      %mul3A_1092 = arith.mulf %mul3A_1091, %broadcast_in_dim3A_865 : vector<16xf32>
      %gt3A_1093 = arith.constant 0.000000e+00 : f32
      %gt3A_1094 = vector.broadcast %gt3A_1093 : f32 to vector<16xf32>
      %gt3A_1095 = arith.cmpf ogt, %mul3A_1092, %gt3A_1094 : vector<16xf32>
      %max3A_1096 = arith.constant 1.000000e+00 : f32
      %max3A_1097 = vector.broadcast %max3A_1096 : f32 to vector<16xf32>
      %max3A_1098 = arith.maximumf %mul3A_1092, %max3A_1097 : vector<16xf32>
      %div3A_1099 = arith.divf %mul3A_1083, %max3A_1098 : vector<16xf32>
      %jit3A_1100 = arith.constant 0.000000e+00 : f32
      %broadcast_in_dim3A_1101 = vector.broadcast %jit3A_1100 : f32 to vector<16xf32>
      %select_n3A_1102 = arith.select %gt3A_1095, %div3A_1099, %broadcast_in_dim3A_1101 : vector<16xi1>, vector<16xf32>
      %add3A_1103 = arith.addf %add3A_1070, %select_n3A_1102 : vector<16xf32>
      %add3A_1104 = arith.addf %add3A_1103, %mul3A_1002 : vector<16xf32>
      %add3A_1105 = arith.addf %add3A_1104, %select_n3A_886 : vector<16xf32>
      %eq3A_1106 = arith.constant 0 : i32
      %eq3A_1107 = vector.broadcast %eq3A_1106 : i32 to vector<16xi32>
      %eq3A_1108 = arith.cmpi eq, %iota3A, %eq3A_1107 : vector<16xi32>
      %jit3A_1109 = arith.constant 0.000000e+00 : f32
      %broadcast_in_dim3A_1110 = vector.broadcast %jit3A_1109 : f32 to vector<16xf32>
      %select_n3A_1111 = arith.select %eq3A_1108, %add3A_1105, %broadcast_in_dim3A_1110 : vector<16xi1>, vector<16xf32>
      %swap3A = arith.constant 0 : index
      %swap3A_1112 = tpu.vector_load %arg7[%swap3A] {strides = array<i32>} : memref<16xf32, #tpu.memory_space<vmem>>, vector<16xf32>,
      tpu.vector_store %arg7[%swap3A], %select_n3A_1111 {strides = array<i32>} : memref<16xf32, #tpu.memory_space<vmem>>, vector<16xf32>,
      "tpu.region"() ({
        %run_scoped3A = tpu.sem_alloc : memref<!tpu.dma_semaphore, #tpu.memory_space<semaphore_mem>>
        tpu.enqueue_dma source(%arg7 : memref<16xf32, #tpu.memory_space<vmem>>) target(%arg4 : memref<16xf32, #tpu.memory_space<hbm>>) target_semaphore(%run_scoped3A : memref<!tpu.dma_semaphore, #tpu.memory_space<semaphore_mem>>)
        tpu.wait_dma2 semaphore(%run_scoped3A : memref<!tpu.dma_semaphore, #tpu.memory_space<semaphore_mem>>) src(%arg7 : memref<16xf32, #tpu.memory_space<vmem>>) dst(%arg4 : memref<16xf32, #tpu.memory_space<hbm>>)
        tpu.yield
      }) : () -> ()
    } else {
    }
    return
  }
}

#map = affine_map<(d0, d1) -> (0)>
#map1 = affine_map<(d0, d1) -> (0, 0)>
module attributes {stable_mosaic.version = 14 : i64} {
  func.func @_pass1_body(%arg0: i32, %arg1: i32, %arg2: memref<200000xf32, #tpu.memory_space<hbm>>, %arg3: memref<200000xf32, #tpu.memory_space<hbm>>, %arg4: memref<200000xf32, #tpu.memory_space<hbm>>, %arg5: memref<200000xf32, #tpu.memory_space<hbm>>, %arg6: memref<200000xf32, #tpu.memory_space<hbm>>, %arg7: memref<200000xf32, #tpu.memory_space<hbm>>, %arg8: memref<200000xi32, #tpu.memory_space<hbm>>, %arg9: memref<200000xi32, #tpu.memory_space<hbm>>, %arg10: memref<2x1056xf32, #tpu.memory_space<hbm>>, %arg11: memref<6256xf32, #tpu.memory_space<vmem>>, %arg12: memref<6256xf32, #tpu.memory_space<vmem>>, %arg13: memref<6256xf32, #tpu.memory_space<vmem>>, %arg14: memref<6256xf32, #tpu.memory_space<vmem>>, %arg15: memref<6256xf32, #tpu.memory_space<vmem>>, %arg16: memref<6256xf32, #tpu.memory_space<vmem>>, %arg17: memref<6256xi32, #tpu.memory_space<vmem>>, %arg18: memref<6256xi32, #tpu.memory_space<vmem>>, %arg19: memref<16960xf32, #tpu.memory_space<vmem>>, %arg20: memref<1056xf32, #tpu.memory_space<vmem>>, %arg21: memref<16896xf32, #tpu.memory_space<vmem_shared>>) attributes {dimension_semantics = [#tpu.dimension_semantics<core_parallel>, #tpu.dimension_semantics<subcore_parallel>], iteration_bounds = array<i64: 2, 16>, scalar_prefetch = 0 : i64, scratch_operands = 11 : i64, tpu.core_type = #tpu.core_type<sc_vector_subcore>, window_params = [{transform_indices = #map}, {transform_indices = #map}, {transform_indices = #map}, {transform_indices = #map}, {transform_indices = #map}, {transform_indices = #map}, {transform_indices = #map}, {transform_indices = #map}, {transform_indices = #map1}]} {
    %mul3A = arith.constant 2 : i32
    %mul3A_0 = arith.muli %arg1, %mul3A : i32
    %add3A = arith.addi %mul3A_0, %arg0 : i32
    %iota3A = tpu.iota {dimensions = array<i32: 0>} : vector<16xi32>
    %mul3A_1 = arith.constant 1057 : i32
    %mul3A_2 = vector.broadcast %mul3A_1 : i32 to vector<16xi32>
    %mul3A_3 = arith.muli %iota3A, %mul3A_2 : vector<16xi32>
    %eq3A = arith.constant 31 : i32
    %eq3A_4 = arith.cmpi eq, %add3A, %eq3A : i32
    %mul3A_5 = arith.constant 6256 : i32
    %mul3A_6 = arith.muli %add3A, %mul3A_5 : i32
    %not3A = arith.constant true
    %not3A_7 = arith.xori %eq3A_4, %not3A : i1
    %convert_element_type3A = arith.extui %not3A_7 : i1 to i32
    %cond3A = arith.constant 0 : i32
    %cond3A_8 = arith.cmpi ne, %convert_element_type3A, %cond3A : i32
    scf.if %cond3A_8 {
      "tpu.region"() ({
        %run_scoped3A = tpu.sem_alloc : memref<!tpu.dma_semaphore, #tpu.memory_space<semaphore_mem>>
        %dma_start3A = tpu.memref_slice %arg2[%mul3A_6] : memref<200000xf32, #tpu.memory_space<hbm>> -> memref<6256xf32, #tpu.memory_space<hbm>>
        %dma_start3A_31 = tpu.memref_slice %arg2[%mul3A_6] : memref<200000xf32, #tpu.memory_space<hbm>> -> memref<6256xf32, #tpu.memory_space<hbm>>
        tpu.enqueue_dma source(%dma_start3A_31 : memref<6256xf32, #tpu.memory_space<hbm>>) target(%arg11 : memref<6256xf32, #tpu.memory_space<vmem>>) target_semaphore(%run_scoped3A : memref<!tpu.dma_semaphore, #tpu.memory_space<semaphore_mem>>)
        %dma_wait3A = tpu.memref_slice %arg2[%mul3A_6] : memref<200000xf32, #tpu.memory_space<hbm>> -> memref<6256xf32, #tpu.memory_space<hbm>>
        %dma_wait3A_32 = tpu.memref_slice %arg2[%mul3A_6] : memref<200000xf32, #tpu.memory_space<hbm>> -> memref<6256xf32, #tpu.memory_space<hbm>>
        tpu.wait_dma2 semaphore(%run_scoped3A : memref<!tpu.dma_semaphore, #tpu.memory_space<semaphore_mem>>) src(%dma_wait3A_32 : memref<6256xf32, #tpu.memory_space<hbm>>) dst(%arg11 : memref<6256xf32, #tpu.memory_space<vmem>>)
        tpu.yield
      }) : () -> ()
      "tpu.region"() ({
        %run_scoped3A = tpu.sem_alloc : memref<!tpu.dma_semaphore, #tpu.memory_space<semaphore_mem>>
        %dma_start3A = tpu.memref_slice %arg3[%mul3A_6] : memref<200000xf32, #tpu.memory_space<hbm>> -> memref<6256xf32, #tpu.memory_space<hbm>>
        %dma_start3A_31 = tpu.memref_slice %arg3[%mul3A_6] : memref<200000xf32, #tpu.memory_space<hbm>> -> memref<6256xf32, #tpu.memory_space<hbm>>
        tpu.enqueue_dma source(%dma_start3A_31 : memref<6256xf32, #tpu.memory_space<hbm>>) target(%arg12 : memref<6256xf32, #tpu.memory_space<vmem>>) target_semaphore(%run_scoped3A : memref<!tpu.dma_semaphore, #tpu.memory_space<semaphore_mem>>)
        %dma_wait3A = tpu.memref_slice %arg3[%mul3A_6] : memref<200000xf32, #tpu.memory_space<hbm>> -> memref<6256xf32, #tpu.memory_space<hbm>>
        %dma_wait3A_32 = tpu.memref_slice %arg3[%mul3A_6] : memref<200000xf32, #tpu.memory_space<hbm>> -> memref<6256xf32, #tpu.memory_space<hbm>>
        tpu.wait_dma2 semaphore(%run_scoped3A : memref<!tpu.dma_semaphore, #tpu.memory_space<semaphore_mem>>) src(%dma_wait3A_32 : memref<6256xf32, #tpu.memory_space<hbm>>) dst(%arg12 : memref<6256xf32, #tpu.memory_space<vmem>>)
        tpu.yield
      }) : () -> ()
      "tpu.region"() ({
        %run_scoped3A = tpu.sem_alloc : memref<!tpu.dma_semaphore, #tpu.memory_space<semaphore_mem>>
        %dma_start3A = tpu.memref_slice %arg4[%mul3A_6] : memref<200000xf32, #tpu.memory_space<hbm>> -> memref<6256xf32, #tpu.memory_space<hbm>>
        %dma_start3A_31 = tpu.memref_slice %arg4[%mul3A_6] : memref<200000xf32, #tpu.memory_space<hbm>> -> memref<6256xf32, #tpu.memory_space<hbm>>
        tpu.enqueue_dma source(%dma_start3A_31 : memref<6256xf32, #tpu.memory_space<hbm>>) target(%arg13 : memref<6256xf32, #tpu.memory_space<vmem>>) target_semaphore(%run_scoped3A : memref<!tpu.dma_semaphore, #tpu.memory_space<semaphore_mem>>)
        %dma_wait3A = tpu.memref_slice %arg4[%mul3A_6] : memref<200000xf32, #tpu.memory_space<hbm>> -> memref<6256xf32, #tpu.memory_space<hbm>>
        %dma_wait3A_32 = tpu.memref_slice %arg4[%mul3A_6] : memref<200000xf32, #tpu.memory_space<hbm>> -> memref<6256xf32, #tpu.memory_space<hbm>>
        tpu.wait_dma2 semaphore(%run_scoped3A : memref<!tpu.dma_semaphore, #tpu.memory_space<semaphore_mem>>) src(%dma_wait3A_32 : memref<6256xf32, #tpu.memory_space<hbm>>) dst(%arg13 : memref<6256xf32, #tpu.memory_space<vmem>>)
        tpu.yield
      }) : () -> ()
      "tpu.region"() ({
        %run_scoped3A = tpu.sem_alloc : memref<!tpu.dma_semaphore, #tpu.memory_space<semaphore_mem>>
        %dma_start3A = tpu.memref_slice %arg5[%mul3A_6] : memref<200000xf32, #tpu.memory_space<hbm>> -> memref<6256xf32, #tpu.memory_space<hbm>>
        %dma_start3A_31 = tpu.memref_slice %arg5[%mul3A_6] : memref<200000xf32, #tpu.memory_space<hbm>> -> memref<6256xf32, #tpu.memory_space<hbm>>
        tpu.enqueue_dma source(%dma_start3A_31 : memref<6256xf32, #tpu.memory_space<hbm>>) target(%arg14 : memref<6256xf32, #tpu.memory_space<vmem>>) target_semaphore(%run_scoped3A : memref<!tpu.dma_semaphore, #tpu.memory_space<semaphore_mem>>)
        %dma_wait3A = tpu.memref_slice %arg5[%mul3A_6] : memref<200000xf32, #tpu.memory_space<hbm>> -> memref<6256xf32, #tpu.memory_space<hbm>>
        %dma_wait3A_32 = tpu.memref_slice %arg5[%mul3A_6] : memref<200000xf32, #tpu.memory_space<hbm>> -> memref<6256xf32, #tpu.memory_space<hbm>>
        tpu.wait_dma2 semaphore(%run_scoped3A : memref<!tpu.dma_semaphore, #tpu.memory_space<semaphore_mem>>) src(%dma_wait3A_32 : memref<6256xf32, #tpu.memory_space<hbm>>) dst(%arg14 : memref<6256xf32, #tpu.memory_space<vmem>>)
        tpu.yield
      }) : () -> ()
      "tpu.region"() ({
        %run_scoped3A = tpu.sem_alloc : memref<!tpu.dma_semaphore, #tpu.memory_space<semaphore_mem>>
        %dma_start3A = tpu.memref_slice %arg6[%mul3A_6] : memref<200000xf32, #tpu.memory_space<hbm>> -> memref<6256xf32, #tpu.memory_space<hbm>>
        %dma_start3A_31 = tpu.memref_slice %arg6[%mul3A_6] : memref<200000xf32, #tpu.memory_space<hbm>> -> memref<6256xf32, #tpu.memory_space<hbm>>
        tpu.enqueue_dma source(%dma_start3A_31 : memref<6256xf32, #tpu.memory_space<hbm>>) target(%arg15 : memref<6256xf32, #tpu.memory_space<vmem>>) target_semaphore(%run_scoped3A : memref<!tpu.dma_semaphore, #tpu.memory_space<semaphore_mem>>)
        %dma_wait3A = tpu.memref_slice %arg6[%mul3A_6] : memref<200000xf32, #tpu.memory_space<hbm>> -> memref<6256xf32, #tpu.memory_space<hbm>>
        %dma_wait3A_32 = tpu.memref_slice %arg6[%mul3A_6] : memref<200000xf32, #tpu.memory_space<hbm>> -> memref<6256xf32, #tpu.memory_space<hbm>>
        tpu.wait_dma2 semaphore(%run_scoped3A : memref<!tpu.dma_semaphore, #tpu.memory_space<semaphore_mem>>) src(%dma_wait3A_32 : memref<6256xf32, #tpu.memory_space<hbm>>) dst(%arg15 : memref<6256xf32, #tpu.memory_space<vmem>>)
        tpu.yield
      }) : () -> ()
      "tpu.region"() ({
        %run_scoped3A = tpu.sem_alloc : memref<!tpu.dma_semaphore, #tpu.memory_space<semaphore_mem>>
        %dma_start3A = tpu.memref_slice %arg7[%mul3A_6] : memref<200000xf32, #tpu.memory_space<hbm>> -> memref<6256xf32, #tpu.memory_space<hbm>>
        %dma_start3A_31 = tpu.memref_slice %arg7[%mul3A_6] : memref<200000xf32, #tpu.memory_space<hbm>> -> memref<6256xf32, #tpu.memory_space<hbm>>
        tpu.enqueue_dma source(%dma_start3A_31 : memref<6256xf32, #tpu.memory_space<hbm>>) target(%arg16 : memref<6256xf32, #tpu.memory_space<vmem>>) target_semaphore(%run_scoped3A : memref<!tpu.dma_semaphore, #tpu.memory_space<semaphore_mem>>)
        %dma_wait3A = tpu.memref_slice %arg7[%mul3A_6] : memref<200000xf32, #tpu.memory_space<hbm>> -> memref<6256xf32, #tpu.memory_space<hbm>>
        %dma_wait3A_32 = tpu.memref_slice %arg7[%mul3A_6] : memref<200000xf32, #tpu.memory_space<hbm>> -> memref<6256xf32, #tpu.memory_space<hbm>>
        tpu.wait_dma2 semaphore(%run_scoped3A : memref<!tpu.dma_semaphore, #tpu.memory_space<semaphore_mem>>) src(%dma_wait3A_32 : memref<6256xf32, #tpu.memory_space<hbm>>) dst(%arg16 : memref<6256xf32, #tpu.memory_space<vmem>>)
        tpu.yield
      }) : () -> ()
      "tpu.region"() ({
        %run_scoped3A = tpu.sem_alloc : memref<!tpu.dma_semaphore, #tpu.memory_space<semaphore_mem>>
        %dma_start3A = tpu.memref_slice %arg8[%mul3A_6] : memref<200000xi32, #tpu.memory_space<hbm>> -> memref<6256xi32, #tpu.memory_space<hbm>>
        %dma_start3A_31 = tpu.memref_slice %arg8[%mul3A_6] : memref<200000xi32, #tpu.memory_space<hbm>> -> memref<6256xi32, #tpu.memory_space<hbm>>
        tpu.enqueue_dma source(%dma_start3A_31 : memref<6256xi32, #tpu.memory_space<hbm>>) target(%arg17 : memref<6256xi32, #tpu.memory_space<vmem>>) target_semaphore(%run_scoped3A : memref<!tpu.dma_semaphore, #tpu.memory_space<semaphore_mem>>)
        %dma_wait3A = tpu.memref_slice %arg8[%mul3A_6] : memref<200000xi32, #tpu.memory_space<hbm>> -> memref<6256xi32, #tpu.memory_space<hbm>>
        %dma_wait3A_32 = tpu.memref_slice %arg8[%mul3A_6] : memref<200000xi32, #tpu.memory_space<hbm>> -> memref<6256xi32, #tpu.memory_space<hbm>>
        tpu.wait_dma2 semaphore(%run_scoped3A : memref<!tpu.dma_semaphore, #tpu.memory_space<semaphore_mem>>) src(%dma_wait3A_32 : memref<6256xi32, #tpu.memory_space<hbm>>) dst(%arg17 : memref<6256xi32, #tpu.memory_space<vmem>>)
        tpu.yield
      }) : () -> ()
      "tpu.region"() ({
        %run_scoped3A = tpu.sem_alloc : memref<!tpu.dma_semaphore, #tpu.memory_space<semaphore_mem>>
        %dma_start3A = tpu.memref_slice %arg9[%mul3A_6] : memref<200000xi32, #tpu.memory_space<hbm>> -> memref<6256xi32, #tpu.memory_space<hbm>>
        %dma_start3A_31 = tpu.memref_slice %arg9[%mul3A_6] : memref<200000xi32, #tpu.memory_space<hbm>> -> memref<6256xi32, #tpu.memory_space<hbm>>
        tpu.enqueue_dma source(%dma_start3A_31 : memref<6256xi32, #tpu.memory_space<hbm>>) target(%arg18 : memref<6256xi32, #tpu.memory_space<vmem>>) target_semaphore(%run_scoped3A : memref<!tpu.dma_semaphore, #tpu.memory_space<semaphore_mem>>)
        %dma_wait3A = tpu.memref_slice %arg9[%mul3A_6] : memref<200000xi32, #tpu.memory_space<hbm>> -> memref<6256xi32, #tpu.memory_space<hbm>>
        %dma_wait3A_32 = tpu.memref_slice %arg9[%mul3A_6] : memref<200000xi32, #tpu.memory_space<hbm>> -> memref<6256xi32, #tpu.memory_space<hbm>>
        tpu.wait_dma2 semaphore(%run_scoped3A : memref<!tpu.dma_semaphore, #tpu.memory_space<semaphore_mem>>) src(%dma_wait3A_32 : memref<6256xi32, #tpu.memory_space<hbm>>) dst(%arg18 : memref<6256xi32, #tpu.memory_space<vmem>>)
        tpu.yield
      }) : () -> ()
    } else {
    }
    %convert_element_type3A_9 = arith.extui %eq3A_4 : i1 to i32
    %cond3A_10 = arith.constant 0 : i32
    %cond3A_11 = arith.cmpi ne, %convert_element_type3A_9, %cond3A_10 : i32
    scf.if %cond3A_11 {
      "tpu.region"() ({
        %run_scoped3A = tpu.sem_alloc : memref<!tpu.dma_semaphore, #tpu.memory_space<semaphore_mem>>
        %dma_start3A = arith.constant 0 : i32
        %dma_start3A_31 = tpu.memref_slice %arg11[%dma_start3A] : memref<6256xf32, #tpu.memory_space<vmem>> -> memref<6064xf32, #tpu.memory_space<vmem>>
        %dma_start3A_32 = tpu.memref_slice %arg2[%mul3A_6] : memref<200000xf32, #tpu.memory_space<hbm>> -> memref<6064xf32, #tpu.memory_space<hbm>>
        %dma_start3A_33 = arith.constant 0 : i32
        %dma_start3A_34 = tpu.memref_slice %arg11[%dma_start3A_33] : memref<6256xf32, #tpu.memory_space<vmem>> -> memref<6064xf32, #tpu.memory_space<vmem>>
        %dma_start3A_35 = tpu.memref_slice %arg2[%mul3A_6] : memref<200000xf32, #tpu.memory_space<hbm>> -> memref<6064xf32, #tpu.memory_space<hbm>>
        tpu.enqueue_dma source(%dma_start3A_35 : memref<6064xf32, #tpu.memory_space<hbm>>) target(%dma_start3A_34 : memref<6064xf32, #tpu.memory_space<vmem>>) target_semaphore(%run_scoped3A : memref<!tpu.dma_semaphore, #tpu.memory_space<semaphore_mem>>)
        %dma_wait3A = arith.constant 0 : i32
        %dma_wait3A_36 = tpu.memref_slice %arg11[%dma_wait3A] : memref<6256xf32, #tpu.memory_space<vmem>> -> memref<6064xf32, #tpu.memory_space<vmem>>
        %dma_wait3A_37 = tpu.memref_slice %arg2[%mul3A_6] : memref<200000xf32, #tpu.memory_space<hbm>> -> memref<6064xf32, #tpu.memory_space<hbm>>
        %dma_wait3A_38 = arith.constant 0 : i32
        %dma_wait3A_39 = tpu.memref_slice %arg11[%dma_wait3A_38] : memref<6256xf32, #tpu.memory_space<vmem>> -> memref<6064xf32, #tpu.memory_space<vmem>>
        %dma_wait3A_40 = tpu.memref_slice %arg2[%mul3A_6] : memref<200000xf32, #tpu.memory_space<hbm>> -> memref<6064xf32, #tpu.memory_space<hbm>>
        tpu.wait_dma2 semaphore(%run_scoped3A : memref<!tpu.dma_semaphore, #tpu.memory_space<semaphore_mem>>) src(%dma_wait3A_40 : memref<6064xf32, #tpu.memory_space<hbm>>) dst(%dma_wait3A_39 : memref<6064xf32, #tpu.memory_space<vmem>>)
        tpu.yield
      }) : () -> ()
      "tpu.region"() ({
        %run_scoped3A = tpu.sem_alloc : memref<!tpu.dma_semaphore, #tpu.memory_space<semaphore_mem>>
        %dma_start3A = arith.constant 0 : i32
        %dma_start3A_31 = tpu.memref_slice %arg12[%dma_start3A] : memref<6256xf32, #tpu.memory_space<vmem>> -> memref<6064xf32, #tpu.memory_space<vmem>>
        %dma_start3A_32 = tpu.memref_slice %arg3[%mul3A_6] : memref<200000xf32, #tpu.memory_space<hbm>> -> memref<6064xf32, #tpu.memory_space<hbm>>
        %dma_start3A_33 = arith.constant 0 : i32
        %dma_start3A_34 = tpu.memref_slice %arg12[%dma_start3A_33] : memref<6256xf32, #tpu.memory_space<vmem>> -> memref<6064xf32, #tpu.memory_space<vmem>>
        %dma_start3A_35 = tpu.memref_slice %arg3[%mul3A_6] : memref<200000xf32, #tpu.memory_space<hbm>> -> memref<6064xf32, #tpu.memory_space<hbm>>
        tpu.enqueue_dma source(%dma_start3A_35 : memref<6064xf32, #tpu.memory_space<hbm>>) target(%dma_start3A_34 : memref<6064xf32, #tpu.memory_space<vmem>>) target_semaphore(%run_scoped3A : memref<!tpu.dma_semaphore, #tpu.memory_space<semaphore_mem>>)
        %dma_wait3A = arith.constant 0 : i32
        %dma_wait3A_36 = tpu.memref_slice %arg12[%dma_wait3A] : memref<6256xf32, #tpu.memory_space<vmem>> -> memref<6064xf32, #tpu.memory_space<vmem>>
        %dma_wait3A_37 = tpu.memref_slice %arg3[%mul3A_6] : memref<200000xf32, #tpu.memory_space<hbm>> -> memref<6064xf32, #tpu.memory_space<hbm>>
        %dma_wait3A_38 = arith.constant 0 : i32
        %dma_wait3A_39 = tpu.memref_slice %arg12[%dma_wait3A_38] : memref<6256xf32, #tpu.memory_space<vmem>> -> memref<6064xf32, #tpu.memory_space<vmem>>
        %dma_wait3A_40 = tpu.memref_slice %arg3[%mul3A_6] : memref<200000xf32, #tpu.memory_space<hbm>> -> memref<6064xf32, #tpu.memory_space<hbm>>
        tpu.wait_dma2 semaphore(%run_scoped3A : memref<!tpu.dma_semaphore, #tpu.memory_space<semaphore_mem>>) src(%dma_wait3A_40 : memref<6064xf32, #tpu.memory_space<hbm>>) dst(%dma_wait3A_39 : memref<6064xf32, #tpu.memory_space<vmem>>)
        tpu.yield
      }) : () -> ()
      "tpu.region"() ({
        %run_scoped3A = tpu.sem_alloc : memref<!tpu.dma_semaphore, #tpu.memory_space<semaphore_mem>>
        %dma_start3A = arith.constant 0 : i32
        %dma_start3A_31 = tpu.memref_slice %arg13[%dma_start3A] : memref<6256xf32, #tpu.memory_space<vmem>> -> memref<6064xf32, #tpu.memory_space<vmem>>
        %dma_start3A_32 = tpu.memref_slice %arg4[%mul3A_6] : memref<200000xf32, #tpu.memory_space<hbm>> -> memref<6064xf32, #tpu.memory_space<hbm>>
        %dma_start3A_33 = arith.constant 0 : i32
        %dma_start3A_34 = tpu.memref_slice %arg13[%dma_start3A_33] : memref<6256xf32, #tpu.memory_space<vmem>> -> memref<6064xf32, #tpu.memory_space<vmem>>
        %dma_start3A_35 = tpu.memref_slice %arg4[%mul3A_6] : memref<200000xf32, #tpu.memory_space<hbm>> -> memref<6064xf32, #tpu.memory_space<hbm>>
        tpu.enqueue_dma source(%dma_start3A_35 : memref<6064xf32, #tpu.memory_space<hbm>>) target(%dma_start3A_34 : memref<6064xf32, #tpu.memory_space<vmem>>) target_semaphore(%run_scoped3A : memref<!tpu.dma_semaphore, #tpu.memory_space<semaphore_mem>>)
        %dma_wait3A = arith.constant 0 : i32
        %dma_wait3A_36 = tpu.memref_slice %arg13[%dma_wait3A] : memref<6256xf32, #tpu.memory_space<vmem>> -> memref<6064xf32, #tpu.memory_space<vmem>>
        %dma_wait3A_37 = tpu.memref_slice %arg4[%mul3A_6] : memref<200000xf32, #tpu.memory_space<hbm>> -> memref<6064xf32, #tpu.memory_space<hbm>>
        %dma_wait3A_38 = arith.constant 0 : i32
        %dma_wait3A_39 = tpu.memref_slice %arg13[%dma_wait3A_38] : memref<6256xf32, #tpu.memory_space<vmem>> -> memref<6064xf32, #tpu.memory_space<vmem>>
        %dma_wait3A_40 = tpu.memref_slice %arg4[%mul3A_6] : memref<200000xf32, #tpu.memory_space<hbm>> -> memref<6064xf32, #tpu.memory_space<hbm>>
        tpu.wait_dma2 semaphore(%run_scoped3A : memref<!tpu.dma_semaphore, #tpu.memory_space<semaphore_mem>>) src(%dma_wait3A_40 : memref<6064xf32, #tpu.memory_space<hbm>>) dst(%dma_wait3A_39 : memref<6064xf32, #tpu.memory_space<vmem>>)
        tpu.yield
      }) : () -> ()
      "tpu.region"() ({
        %run_scoped3A = tpu.sem_alloc : memref<!tpu.dma_semaphore, #tpu.memory_space<semaphore_mem>>
        %dma_start3A = arith.constant 0 : i32
        %dma_start3A_31 = tpu.memref_slice %arg14[%dma_start3A] : memref<6256xf32, #tpu.memory_space<vmem>> -> memref<6064xf32, #tpu.memory_space<vmem>>
        %dma_start3A_32 = tpu.memref_slice %arg5[%mul3A_6] : memref<200000xf32, #tpu.memory_space<hbm>> -> memref<6064xf32, #tpu.memory_space<hbm>>
        %dma_start3A_33 = arith.constant 0 : i32
        %dma_start3A_34 = tpu.memref_slice %arg14[%dma_start3A_33] : memref<6256xf32, #tpu.memory_space<vmem>> -> memref<6064xf32, #tpu.memory_space<vmem>>
        %dma_start3A_35 = tpu.memref_slice %arg5[%mul3A_6] : memref<200000xf32, #tpu.memory_space<hbm>> -> memref<6064xf32, #tpu.memory_space<hbm>>
        tpu.enqueue_dma source(%dma_start3A_35 : memref<6064xf32, #tpu.memory_space<hbm>>) target(%dma_start3A_34 : memref<6064xf32, #tpu.memory_space<vmem>>) target_semaphore(%run_scoped3A : memref<!tpu.dma_semaphore, #tpu.memory_space<semaphore_mem>>)
        %dma_wait3A = arith.constant 0 : i32
        %dma_wait3A_36 = tpu.memref_slice %arg14[%dma_wait3A] : memref<6256xf32, #tpu.memory_space<vmem>> -> memref<6064xf32, #tpu.memory_space<vmem>>
        %dma_wait3A_37 = tpu.memref_slice %arg5[%mul3A_6] : memref<200000xf32, #tpu.memory_space<hbm>> -> memref<6064xf32, #tpu.memory_space<hbm>>
        %dma_wait3A_38 = arith.constant 0 : i32
        %dma_wait3A_39 = tpu.memref_slice %arg14[%dma_wait3A_38] : memref<6256xf32, #tpu.memory_space<vmem>> -> memref<6064xf32, #tpu.memory_space<vmem>>
        %dma_wait3A_40 = tpu.memref_slice %arg5[%mul3A_6] : memref<200000xf32, #tpu.memory_space<hbm>> -> memref<6064xf32, #tpu.memory_space<hbm>>
        tpu.wait_dma2 semaphore(%run_scoped3A : memref<!tpu.dma_semaphore, #tpu.memory_space<semaphore_mem>>) src(%dma_wait3A_40 : memref<6064xf32, #tpu.memory_space<hbm>>) dst(%dma_wait3A_39 : memref<6064xf32, #tpu.memory_space<vmem>>)
        tpu.yield
      }) : () -> ()
      "tpu.region"() ({
        %run_scoped3A = tpu.sem_alloc : memref<!tpu.dma_semaphore, #tpu.memory_space<semaphore_mem>>
        %dma_start3A = arith.constant 0 : i32
        %dma_start3A_31 = tpu.memref_slice %arg15[%dma_start3A] : memref<6256xf32, #tpu.memory_space<vmem>> -> memref<6064xf32, #tpu.memory_space<vmem>>
        %dma_start3A_32 = tpu.memref_slice %arg6[%mul3A_6] : memref<200000xf32, #tpu.memory_space<hbm>> -> memref<6064xf32, #tpu.memory_space<hbm>>
        %dma_start3A_33 = arith.constant 0 : i32
        %dma_start3A_34 = tpu.memref_slice %arg15[%dma_start3A_33] : memref<6256xf32, #tpu.memory_space<vmem>> -> memref<6064xf32, #tpu.memory_space<vmem>>
        %dma_start3A_35 = tpu.memref_slice %arg6[%mul3A_6] : memref<200000xf32, #tpu.memory_space<hbm>> -> memref<6064xf32, #tpu.memory_space<hbm>>
        tpu.enqueue_dma source(%dma_start3A_35 : memref<6064xf32, #tpu.memory_space<hbm>>) target(%dma_start3A_34 : memref<6064xf32, #tpu.memory_space<vmem>>) target_semaphore(%run_scoped3A : memref<!tpu.dma_semaphore, #tpu.memory_space<semaphore_mem>>)
        %dma_wait3A = arith.constant 0 : i32
        %dma_wait3A_36 = tpu.memref_slice %arg15[%dma_wait3A] : memref<6256xf32, #tpu.memory_space<vmem>> -> memref<6064xf32, #tpu.memory_space<vmem>>
        %dma_wait3A_37 = tpu.memref_slice %arg6[%mul3A_6] : memref<200000xf32, #tpu.memory_space<hbm>> -> memref<6064xf32, #tpu.memory_space<hbm>>
        %dma_wait3A_38 = arith.constant 0 : i32
        %dma_wait3A_39 = tpu.memref_slice %arg15[%dma_wait3A_38] : memref<6256xf32, #tpu.memory_space<vmem>> -> memref<6064xf32, #tpu.memory_space<vmem>>
        %dma_wait3A_40 = tpu.memref_slice %arg6[%mul3A_6] : memref<200000xf32, #tpu.memory_space<hbm>> -> memref<6064xf32, #tpu.memory_space<hbm>>
        tpu.wait_dma2 semaphore(%run_scoped3A : memref<!tpu.dma_semaphore, #tpu.memory_space<semaphore_mem>>) src(%dma_wait3A_40 : memref<6064xf32, #tpu.memory_space<hbm>>) dst(%dma_wait3A_39 : memref<6064xf32, #tpu.memory_space<vmem>>)
        tpu.yield
      }) : () -> ()
      "tpu.region"() ({
        %run_scoped3A = tpu.sem_alloc : memref<!tpu.dma_semaphore, #tpu.memory_space<semaphore_mem>>
        %dma_start3A = arith.constant 0 : i32
        %dma_start3A_31 = tpu.memref_slice %arg16[%dma_start3A] : memref<6256xf32, #tpu.memory_space<vmem>> -> memref<6064xf32, #tpu.memory_space<vmem>>
        %dma_start3A_32 = tpu.memref_slice %arg7[%mul3A_6] : memref<200000xf32, #tpu.memory_space<hbm>> -> memref<6064xf32, #tpu.memory_space<hbm>>
        %dma_start3A_33 = arith.constant 0 : i32
        %dma_start3A_34 = tpu.memref_slice %arg16[%dma_start3A_33] : memref<6256xf32, #tpu.memory_space<vmem>> -> memref<6064xf32, #tpu.memory_space<vmem>>
        %dma_start3A_35 = tpu.memref_slice %arg7[%mul3A_6] : memref<200000xf32, #tpu.memory_space<hbm>> -> memref<6064xf32, #tpu.memory_space<hbm>>
        tpu.enqueue_dma source(%dma_start3A_35 : memref<6064xf32, #tpu.memory_space<hbm>>) target(%dma_start3A_34 : memref<6064xf32, #tpu.memory_space<vmem>>) target_semaphore(%run_scoped3A : memref<!tpu.dma_semaphore, #tpu.memory_space<semaphore_mem>>)
        %dma_wait3A = arith.constant 0 : i32
        %dma_wait3A_36 = tpu.memref_slice %arg16[%dma_wait3A] : memref<6256xf32, #tpu.memory_space<vmem>> -> memref<6064xf32, #tpu.memory_space<vmem>>
        %dma_wait3A_37 = tpu.memref_slice %arg7[%mul3A_6] : memref<200000xf32, #tpu.memory_space<hbm>> -> memref<6064xf32, #tpu.memory_space<hbm>>
        %dma_wait3A_38 = arith.constant 0 : i32
        %dma_wait3A_39 = tpu.memref_slice %arg16[%dma_wait3A_38] : memref<6256xf32, #tpu.memory_space<vmem>> -> memref<6064xf32, #tpu.memory_space<vmem>>
        %dma_wait3A_40 = tpu.memref_slice %arg7[%mul3A_6] : memref<200000xf32, #tpu.memory_space<hbm>> -> memref<6064xf32, #tpu.memory_space<hbm>>
        tpu.wait_dma2 semaphore(%run_scoped3A : memref<!tpu.dma_semaphore, #tpu.memory_space<semaphore_mem>>) src(%dma_wait3A_40 : memref<6064xf32, #tpu.memory_space<hbm>>) dst(%dma_wait3A_39 : memref<6064xf32, #tpu.memory_space<vmem>>)
        tpu.yield
      }) : () -> ()
      "tpu.region"() ({
        %run_scoped3A = tpu.sem_alloc : memref<!tpu.dma_semaphore, #tpu.memory_space<semaphore_mem>>
        %dma_start3A = arith.constant 0 : i32
        %dma_start3A_31 = tpu.memref_slice %arg17[%dma_start3A] : memref<6256xi32, #tpu.memory_space<vmem>> -> memref<6064xi32, #tpu.memory_space<vmem>>
        %dma_start3A_32 = tpu.memref_slice %arg8[%mul3A_6] : memref<200000xi32, #tpu.memory_space<hbm>> -> memref<6064xi32, #tpu.memory_space<hbm>>
        %dma_start3A_33 = arith.constant 0 : i32
        %dma_start3A_34 = tpu.memref_slice %arg17[%dma_start3A_33] : memref<6256xi32, #tpu.memory_space<vmem>> -> memref<6064xi32, #tpu.memory_space<vmem>>
        %dma_start3A_35 = tpu.memref_slice %arg8[%mul3A_6] : memref<200000xi32, #tpu.memory_space<hbm>> -> memref<6064xi32, #tpu.memory_space<hbm>>
        tpu.enqueue_dma source(%dma_start3A_35 : memref<6064xi32, #tpu.memory_space<hbm>>) target(%dma_start3A_34 : memref<6064xi32, #tpu.memory_space<vmem>>) target_semaphore(%run_scoped3A : memref<!tpu.dma_semaphore, #tpu.memory_space<semaphore_mem>>)
        %dma_wait3A = arith.constant 0 : i32
        %dma_wait3A_36 = tpu.memref_slice %arg17[%dma_wait3A] : memref<6256xi32, #tpu.memory_space<vmem>> -> memref<6064xi32, #tpu.memory_space<vmem>>
        %dma_wait3A_37 = tpu.memref_slice %arg8[%mul3A_6] : memref<200000xi32, #tpu.memory_space<hbm>> -> memref<6064xi32, #tpu.memory_space<hbm>>
        %dma_wait3A_38 = arith.constant 0 : i32
        %dma_wait3A_39 = tpu.memref_slice %arg17[%dma_wait3A_38] : memref<6256xi32, #tpu.memory_space<vmem>> -> memref<6064xi32, #tpu.memory_space<vmem>>
        %dma_wait3A_40 = tpu.memref_slice %arg8[%mul3A_6] : memref<200000xi32, #tpu.memory_space<hbm>> -> memref<6064xi32, #tpu.memory_space<hbm>>
        tpu.wait_dma2 semaphore(%run_scoped3A : memref<!tpu.dma_semaphore, #tpu.memory_space<semaphore_mem>>) src(%dma_wait3A_40 : memref<6064xi32, #tpu.memory_space<hbm>>) dst(%dma_wait3A_39 : memref<6064xi32, #tpu.memory_space<vmem>>)
        tpu.yield
      }) : () -> ()
      "tpu.region"() ({
        %run_scoped3A = tpu.sem_alloc : memref<!tpu.dma_semaphore, #tpu.memory_space<semaphore_mem>>
        %dma_start3A = arith.constant 0 : i32
        %dma_start3A_31 = tpu.memref_slice %arg18[%dma_start3A] : memref<6256xi32, #tpu.memory_space<vmem>> -> memref<6064xi32, #tpu.memory_space<vmem>>
        %dma_start3A_32 = tpu.memref_slice %arg9[%mul3A_6] : memref<200000xi32, #tpu.memory_space<hbm>> -> memref<6064xi32, #tpu.memory_space<hbm>>
        %dma_start3A_33 = arith.constant 0 : i32
        %dma_start3A_34 = tpu.memref_slice %arg18[%dma_start3A_33] : memref<6256xi32, #tpu.memory_space<vmem>> -> memref<6064xi32, #tpu.memory_space<vmem>>
        %dma_start3A_35 = tpu.memref_slice %arg9[%mul3A_6] : memref<200000xi32, #tpu.memory_space<hbm>> -> memref<6064xi32, #tpu.memory_space<hbm>>
        tpu.enqueue_dma source(%dma_start3A_35 : memref<6064xi32, #tpu.memory_space<hbm>>) target(%dma_start3A_34 : memref<6064xi32, #tpu.memory_space<vmem>>) target_semaphore(%run_scoped3A : memref<!tpu.dma_semaphore, #tpu.memory_space<semaphore_mem>>)
        %dma_wait3A = arith.constant 0 : i32
        %dma_wait3A_36 = tpu.memref_slice %arg18[%dma_wait3A] : memref<6256xi32, #tpu.memory_space<vmem>> -> memref<6064xi32, #tpu.memory_space<vmem>>
        %dma_wait3A_37 = tpu.memref_slice %arg9[%mul3A_6] : memref<200000xi32, #tpu.memory_space<hbm>> -> memref<6064xi32, #tpu.memory_space<hbm>>
        %dma_wait3A_38 = arith.constant 0 : i32
        %dma_wait3A_39 = tpu.memref_slice %arg18[%dma_wait3A_38] : memref<6256xi32, #tpu.memory_space<vmem>> -> memref<6064xi32, #tpu.memory_space<vmem>>
        %dma_wait3A_40 = tpu.memref_slice %arg9[%mul3A_6] : memref<200000xi32, #tpu.memory_space<hbm>> -> memref<6064xi32, #tpu.memory_space<hbm>>
        tpu.wait_dma2 semaphore(%run_scoped3A : memref<!tpu.dma_semaphore, #tpu.memory_space<semaphore_mem>>) src(%dma_wait3A_40 : memref<6064xi32, #tpu.memory_space<hbm>>) dst(%dma_wait3A_39 : memref<6064xi32, #tpu.memory_space<vmem>>)
        tpu.yield
      }) : () -> ()
    } else {
    }
    %broadcast_in_dim3A = arith.constant 1.000000e+00 : f32
    %broadcast_in_dim3A_12 = vector.broadcast %broadcast_in_dim3A : f32 to vector<16xf32>
    %broadcast_in_dim3A_13 = arith.constant 0.000000e+00 : f32
    %broadcast_in_dim3A_14 = vector.broadcast %broadcast_in_dim3A_13 : f32 to vector<16xf32>
    %parallel_loop3A = arith.constant 0 : i32
    %parallel_loop3A_15 = arith.constant 265 : i32
    %parallel_loop3A_16 = arith.constant 1 : i32
    scf.for %parallel_loop3A_31 = %parallel_loop3A to %parallel_loop3A_15 step %parallel_loop3A_16  : i32 {
      %parallel_loop3A_32 = arith.constant 64 : i32
      %parallel_loop3A_33 = arith.muli %parallel_loop3A_31, %parallel_loop3A_32 : i32
      %parallel_loop3A_34 = arith.constant 0 : i32
      %parallel_loop3A_35 = arith.addi %parallel_loop3A_33, %parallel_loop3A_34 : i32
      %parallel_loop3A_36 = arith.index_cast %parallel_loop3A_35 : i32 to index
      %parallel_loop3A_37 = tpu.vector_load %arg19[%parallel_loop3A_36] {strides = array<i32>} : memref<16960xf32, #tpu.memory_space<vmem>>, vector<16xf32>,
      tpu.vector_store %arg19[%parallel_loop3A_36], %broadcast_in_dim3A_14 {strides = array<i32>} : memref<16960xf32, #tpu.memory_space<vmem>>, vector<16xf32>,
      %parallel_loop3A_38 = arith.constant 16 : i32
      %parallel_loop3A_39 = arith.addi %parallel_loop3A_33, %parallel_loop3A_38 : i32
      %parallel_loop3A_40 = arith.index_cast %parallel_loop3A_39 : i32 to index
      %parallel_loop3A_41 = tpu.vector_load %arg19[%parallel_loop3A_40] {strides = array<i32>} : memref<16960xf32, #tpu.memory_space<vmem>>, vector<16xf32>,
      tpu.vector_store %arg19[%parallel_loop3A_40], %broadcast_in_dim3A_14 {strides = array<i32>} : memref<16960xf32, #tpu.memory_space<vmem>>, vector<16xf32>,
      %parallel_loop3A_42 = arith.constant 32 : i32
      %parallel_loop3A_43 = arith.addi %parallel_loop3A_33, %parallel_loop3A_42 : i32
      %parallel_loop3A_44 = arith.index_cast %parallel_loop3A_43 : i32 to index
      %parallel_loop3A_45 = tpu.vector_load %arg19[%parallel_loop3A_44] {strides = array<i32>} : memref<16960xf32, #tpu.memory_space<vmem>>, vector<16xf32>,
      tpu.vector_store %arg19[%parallel_loop3A_44], %broadcast_in_dim3A_14 {strides = array<i32>} : memref<16960xf32, #tpu.memory_space<vmem>>, vector<16xf32>,
      %parallel_loop3A_46 = arith.constant 48 : i32
      %parallel_loop3A_47 = arith.addi %parallel_loop3A_33, %parallel_loop3A_46 : i32
      %parallel_loop3A_48 = arith.index_cast %parallel_loop3A_47 : i32 to index
      %parallel_loop3A_49 = tpu.vector_load %arg19[%parallel_loop3A_48] {strides = array<i32>} : memref<16960xf32, #tpu.memory_space<vmem>>, vector<16xf32>,
      tpu.vector_store %arg19[%parallel_loop3A_48], %broadcast_in_dim3A_14 {strides = array<i32>} : memref<16960xf32, #tpu.memory_space<vmem>>, vector<16xf32>,
    } {sc.loop_unroll_factor = 4 : i64, sc.parallel_access}
    %jit3A = arith.constant 6064 : i32
    %jit3A_17 = arith.constant 6256 : i32
    %select_n3A = arith.select %eq3A_4, %jit3A, %jit3A_17 : i32
    %parallel_loop3A_18 = arith.constant 0 : i32
    %parallel_loop3A_19 = arith.constant 391 : i32
    %parallel_loop3A_20 = arith.constant 1 : i32
    scf.for %parallel_loop3A_31 = %parallel_loop3A_18 to %parallel_loop3A_19 step %parallel_loop3A_20  : i32 {
      %parallel_loop3A_32 = arith.constant 16 : i32
      %parallel_loop3A_33 = arith.muli %parallel_loop3A_31, %parallel_loop3A_32 : i32
      %parallel_loop3A_34 = arith.index_cast %parallel_loop3A_33 : i32 to index
      %parallel_loop3A_35 = tpu.vector_load %arg11[%parallel_loop3A_34] {strides = array<i32>} : memref<6256xf32, #tpu.memory_space<vmem>>, vector<16xf32>,
      %parallel_loop3A_36 = arith.index_cast %parallel_loop3A_33 : i32 to index
      %parallel_loop3A_37 = tpu.vector_load %arg12[%parallel_loop3A_36] {strides = array<i32>} : memref<6256xf32, #tpu.memory_space<vmem>>, vector<16xf32>,
      %parallel_loop3A_38 = arith.index_cast %parallel_loop3A_33 : i32 to index
      %parallel_loop3A_39 = tpu.vector_load %arg13[%parallel_loop3A_38] {strides = array<i32>} : memref<6256xf32, #tpu.memory_space<vmem>>, vector<16xf32>,
      %parallel_loop3A_40 = arith.index_cast %parallel_loop3A_33 : i32 to index
      %parallel_loop3A_41 = tpu.vector_load %arg14[%parallel_loop3A_40] {strides = array<i32>} : memref<6256xf32, #tpu.memory_space<vmem>>, vector<16xf32>,
      %parallel_loop3A_42 = arith.index_cast %parallel_loop3A_33 : i32 to index
      %parallel_loop3A_43 = tpu.vector_load %arg15[%parallel_loop3A_42] {strides = array<i32>} : memref<6256xf32, #tpu.memory_space<vmem>>, vector<16xf32>,
      %parallel_loop3A_44 = arith.index_cast %parallel_loop3A_33 : i32 to index
      %parallel_loop3A_45 = tpu.vector_load %arg16[%parallel_loop3A_44] {strides = array<i32>} : memref<6256xf32, #tpu.memory_space<vmem>>, vector<16xf32>,
      %parallel_loop3A_46 = arith.index_cast %parallel_loop3A_33 : i32 to index
      %parallel_loop3A_47 = tpu.vector_load %arg17[%parallel_loop3A_46] {strides = array<i32>} : memref<6256xi32, #tpu.memory_space<vmem>>, vector<16xi32>,
      %parallel_loop3A_48 = arith.index_cast %parallel_loop3A_33 : i32 to index
      %parallel_loop3A_49 = tpu.vector_load %arg18[%parallel_loop3A_48] {strides = array<i32>} : memref<6256xi32, #tpu.memory_space<vmem>>, vector<16xi32>,
      %parallel_loop3A_50 = vector.broadcast %parallel_loop3A_33 : i32 to vector<16xi32>
      %parallel_loop3A_51 = arith.addi %parallel_loop3A_50, %iota3A : vector<16xi32>
      %parallel_loop3A_52 = vector.broadcast %select_n3A : i32 to vector<16xi32>
      %parallel_loop3A_53 = arith.cmpi slt, %parallel_loop3A_51, %parallel_loop3A_52 : vector<16xi32>
      %parallel_loop3A_54 = arith.constant 0 : i32
      %parallel_loop3A_55 = vector.broadcast %parallel_loop3A_54 : i32 to vector<16xi32>
      %parallel_loop3A_56 = arith.maxsi %parallel_loop3A_49, %parallel_loop3A_55 : vector<16xi32>
      %parallel_loop3A_57 = arith.constant 127 : i32
      %parallel_loop3A_58 = vector.broadcast %parallel_loop3A_57 : i32 to vector<16xi32>
      %parallel_loop3A_59 = arith.minsi %parallel_loop3A_56, %parallel_loop3A_58 : vector<16xi32>
      %parallel_loop3A_60 = arith.subf %parallel_loop3A_35, %parallel_loop3A_41 : vector<16xf32>
      %parallel_loop3A_61 = arith.subf %parallel_loop3A_37, %parallel_loop3A_43 : vector<16xf32>
      %parallel_loop3A_62 = arith.subf %parallel_loop3A_39, %parallel_loop3A_45 : vector<16xf32>
      %parallel_loop3A_63 = arith.mulf %parallel_loop3A_60, %parallel_loop3A_60 : vector<16xf32>
      %parallel_loop3A_64 = arith.mulf %parallel_loop3A_61, %parallel_loop3A_61 : vector<16xf32>
      %parallel_loop3A_65 = arith.addf %parallel_loop3A_63, %parallel_loop3A_64 : vector<16xf32>
      %parallel_loop3A_66 = arith.mulf %parallel_loop3A_62, %parallel_loop3A_62 : vector<16xf32>
      %parallel_loop3A_67 = arith.addf %parallel_loop3A_65, %parallel_loop3A_66 : vector<16xf32>
      %parallel_loop3A_68 = arith.mulf %parallel_loop3A_41, %parallel_loop3A_41 : vector<16xf32>
      %parallel_loop3A_69 = arith.mulf %parallel_loop3A_43, %parallel_loop3A_43 : vector<16xf32>
      %parallel_loop3A_70 = arith.addf %parallel_loop3A_68, %parallel_loop3A_69 : vector<16xf32>
      %parallel_loop3A_71 = arith.mulf %parallel_loop3A_45, %parallel_loop3A_45 : vector<16xf32>
      %parallel_loop3A_72 = arith.addf %parallel_loop3A_70, %parallel_loop3A_71 : vector<16xf32>
      %parallel_loop3A_73 = vector.bitcast %parallel_loop3A_67 : vector<16xf32> to vector<16xi32>
      %parallel_loop3A_74 = arith.constant 1 : i32
      %parallel_loop3A_75 = vector.broadcast %parallel_loop3A_74 : i32 to vector<16xi32>
      %parallel_loop3A_76 = arith.shrsi %parallel_loop3A_73, %parallel_loop3A_75 : vector<16xi32>
      %parallel_loop3A_77 = arith.constant 1597463007 : i32
      %parallel_loop3A_78 = vector.broadcast %parallel_loop3A_77 : i32 to vector<16xi32>
      %parallel_loop3A_79 = arith.subi %parallel_loop3A_78, %parallel_loop3A_76 : vector<16xi32>
      %parallel_loop3A_80 = vector.bitcast %parallel_loop3A_79 : vector<16xi32> to vector<16xf32>
      %parallel_loop3A_81 = arith.constant 5.000000e-01 : f32
      %parallel_loop3A_82 = vector.broadcast %parallel_loop3A_81 : f32 to vector<16xf32>
      %parallel_loop3A_83 = arith.mulf %parallel_loop3A_67, %parallel_loop3A_82 : vector<16xf32>
      %parallel_loop3A_84 = arith.mulf %parallel_loop3A_83, %parallel_loop3A_80 : vector<16xf32>
      %parallel_loop3A_85 = arith.mulf %parallel_loop3A_84, %parallel_loop3A_80 : vector<16xf32>
      %parallel_loop3A_86 = arith.constant 1.500000e+00 : f32
      %parallel_loop3A_87 = vector.broadcast %parallel_loop3A_86 : f32 to vector<16xf32>
      %parallel_loop3A_88 = arith.subf %parallel_loop3A_87, %parallel_loop3A_85 : vector<16xf32>
      %parallel_loop3A_89 = arith.mulf %parallel_loop3A_80, %parallel_loop3A_88 : vector<16xf32>
      %parallel_loop3A_90 = arith.mulf %parallel_loop3A_83, %parallel_loop3A_89 : vector<16xf32>
      %parallel_loop3A_91 = arith.mulf %parallel_loop3A_90, %parallel_loop3A_89 : vector<16xf32>
      %parallel_loop3A_92 = arith.constant 1.500000e+00 : f32
      %parallel_loop3A_93 = vector.broadcast %parallel_loop3A_92 : f32 to vector<16xf32>
      %parallel_loop3A_94 = arith.subf %parallel_loop3A_93, %parallel_loop3A_91 : vector<16xf32>
      %parallel_loop3A_95 = arith.mulf %parallel_loop3A_89, %parallel_loop3A_94 : vector<16xf32>
      %parallel_loop3A_96 = arith.mulf %parallel_loop3A_67, %parallel_loop3A_95 : vector<16xf32>
      %parallel_loop3A_97 = vector.bitcast %parallel_loop3A_72 : vector<16xf32> to vector<16xi32>
      %parallel_loop3A_98 = arith.constant 1 : i32
      %parallel_loop3A_99 = vector.broadcast %parallel_loop3A_98 : i32 to vector<16xi32>
      %parallel_loop3A_100 = arith.shrsi %parallel_loop3A_97, %parallel_loop3A_99 : vector<16xi32>
      %parallel_loop3A_101 = arith.constant 1597463007 : i32
      %parallel_loop3A_102 = vector.broadcast %parallel_loop3A_101 : i32 to vector<16xi32>
      %parallel_loop3A_103 = arith.subi %parallel_loop3A_102, %parallel_loop3A_100 : vector<16xi32>
      %parallel_loop3A_104 = vector.bitcast %parallel_loop3A_103 : vector<16xi32> to vector<16xf32>
      %parallel_loop3A_105 = arith.constant 5.000000e-01 : f32
      %parallel_loop3A_106 = vector.broadcast %parallel_loop3A_105 : f32 to vector<16xf32>
      %parallel_loop3A_107 = arith.mulf %parallel_loop3A_72, %parallel_loop3A_106 : vector<16xf32>
      %parallel_loop3A_108 = arith.mulf %parallel_loop3A_107, %parallel_loop3A_104 : vector<16xf32>
      %parallel_loop3A_109 = arith.mulf %parallel_loop3A_108, %parallel_loop3A_104 : vector<16xf32>
      %parallel_loop3A_110 = arith.constant 1.500000e+00 : f32
      %parallel_loop3A_111 = vector.broadcast %parallel_loop3A_110 : f32 to vector<16xf32>
      %parallel_loop3A_112 = arith.subf %parallel_loop3A_111, %parallel_loop3A_109 : vector<16xf32>
      %parallel_loop3A_113 = arith.mulf %parallel_loop3A_104, %parallel_loop3A_112 : vector<16xf32>
      %parallel_loop3A_114 = arith.mulf %parallel_loop3A_107, %parallel_loop3A_113 : vector<16xf32>
      %parallel_loop3A_115 = arith.mulf %parallel_loop3A_114, %parallel_loop3A_113 : vector<16xf32>
      %parallel_loop3A_116 = arith.constant 1.500000e+00 : f32
      %parallel_loop3A_117 = vector.broadcast %parallel_loop3A_116 : f32 to vector<16xf32>
      %parallel_loop3A_118 = arith.subf %parallel_loop3A_117, %parallel_loop3A_115 : vector<16xf32>
      %parallel_loop3A_119 = arith.mulf %parallel_loop3A_113, %parallel_loop3A_118 : vector<16xf32>
      %parallel_loop3A_120 = arith.mulf %parallel_loop3A_72, %parallel_loop3A_119 : vector<16xf32>
      %parallel_loop3A_121 = arith.constant 1.000000e+01 : f32
      %parallel_loop3A_122 = vector.broadcast %parallel_loop3A_121 : f32 to vector<16xf32>
      %parallel_loop3A_123 = arith.mulf %parallel_loop3A_120, %parallel_loop3A_122 : vector<16xf32>
      %parallel_loop3A_124 = arith.constant 4.000000e-01 : f32
      %parallel_loop3A_125 = vector.broadcast %parallel_loop3A_124 : f32 to vector<16xf32>
      %parallel_loop3A_126 = arith.cmpf oge, %parallel_loop3A_123, %parallel_loop3A_125 : vector<16xf32>
      %parallel_loop3A_127 = arith.extui %parallel_loop3A_126 : vector<16xi1> to vector<16xi32>
      %parallel_loop3A_128 = arith.constant 1.000000e+00 : f32
      %parallel_loop3A_129 = vector.broadcast %parallel_loop3A_128 : f32 to vector<16xf32>
      %parallel_loop3A_130 = arith.cmpf ogt, %parallel_loop3A_123, %parallel_loop3A_129 : vector<16xf32>
      %parallel_loop3A_131 = arith.extui %parallel_loop3A_130 : vector<16xi1> to vector<16xi32>
      %parallel_loop3A_132 = arith.addi %parallel_loop3A_127, %parallel_loop3A_131 : vector<16xi32>
      %parallel_loop3A_133 = arith.constant 7 : i32
      %parallel_loop3A_134 = vector.broadcast %parallel_loop3A_133 : i32 to vector<16xi32>
      %parallel_loop3A_135 = arith.cmpi sge, %parallel_loop3A_47, %parallel_loop3A_134 : vector<16xi32>
      %parallel_loop3A_136 = arith.constant 13 : i32
      %parallel_loop3A_137 = vector.broadcast %parallel_loop3A_136 : i32 to vector<16xi32>
      %parallel_loop3A_138 = arith.cmpi sle, %parallel_loop3A_47, %parallel_loop3A_137 : vector<16xi32>
      %parallel_loop3A_139 = arith.andi %parallel_loop3A_135, %parallel_loop3A_138 : vector<16xi1>
      %parallel_loop3A_140 = arith.constant 11 : i32
      %parallel_loop3A_141 = vector.broadcast %parallel_loop3A_140 : i32 to vector<16xi32>
      %parallel_loop3A_142 = arith.cmpi ne, %parallel_loop3A_47, %parallel_loop3A_141 : vector<16xi32>
      %parallel_loop3A_143 = arith.andi %parallel_loop3A_139, %parallel_loop3A_142 : vector<16xi1>
      %parallel_loop3A_144 = arith.constant 2 : i32
      %parallel_loop3A_145 = vector.broadcast %parallel_loop3A_144 : i32 to vector<16xi32>
      %parallel_loop3A_146 = arith.cmpi sge, %parallel_loop3A_47, %parallel_loop3A_145 : vector<16xi32>
      %parallel_loop3A_147 = arith.constant 4 : i32
      %parallel_loop3A_148 = vector.broadcast %parallel_loop3A_147 : i32 to vector<16xi32>
      %parallel_loop3A_149 = arith.cmpi sle, %parallel_loop3A_47, %parallel_loop3A_148 : vector<16xi32>
      %parallel_loop3A_150 = arith.andi %parallel_loop3A_146, %parallel_loop3A_149 : vector<16xi1>
      %parallel_loop3A_151 = arith.constant 6 : i32
      %parallel_loop3A_152 = vector.broadcast %parallel_loop3A_151 : i32 to vector<16xi32>
      %parallel_loop3A_153 = arith.cmpi eq, %parallel_loop3A_47, %parallel_loop3A_152 : vector<16xi32>
      %parallel_loop3A_154 = arith.constant 11 : i32
      %parallel_loop3A_155 = vector.broadcast %parallel_loop3A_154 : i32 to vector<16xi32>
      %parallel_loop3A_156 = arith.cmpi eq, %parallel_loop3A_47, %parallel_loop3A_155 : vector<16xi32>
      %parallel_loop3A_157 = arith.ori %parallel_loop3A_153, %parallel_loop3A_156 : vector<16xi1>
      %parallel_loop3A_158 = arith.constant 0 : i32
      %parallel_loop3A_159 = vector.broadcast %parallel_loop3A_158 : i32 to vector<16xi32>
      %parallel_loop3A_160 = arith.cmpi eq, %parallel_loop3A_47, %parallel_loop3A_159 : vector<16xi32>
      %parallel_loop3A_161 = arith.constant 3 : i32
      %parallel_loop3A_162 = arith.constant 4 : i32
      %parallel_loop3A_163 = vector.broadcast %parallel_loop3A_161 : i32 to vector<16xi32>
      %parallel_loop3A_164 = vector.broadcast %parallel_loop3A_162 : i32 to vector<16xi32>
      %parallel_loop3A_165 = arith.select %parallel_loop3A_157, %parallel_loop3A_163, %parallel_loop3A_164 : vector<16xi1>, vector<16xi32>
      %parallel_loop3A_166 = arith.constant 2 : i32
      %parallel_loop3A_167 = vector.broadcast %parallel_loop3A_166 : i32 to vector<16xi32>
      %parallel_loop3A_168 = arith.select %parallel_loop3A_150, %parallel_loop3A_167, %parallel_loop3A_165 : vector<16xi1>, vector<16xi32>
      %parallel_loop3A_169 = arith.constant 1 : i32
      %parallel_loop3A_170 = vector.broadcast %parallel_loop3A_169 : i32 to vector<16xi32>
      %parallel_loop3A_171 = arith.select %parallel_loop3A_143, %parallel_loop3A_170, %parallel_loop3A_168 : vector<16xi1>, vector<16xi32>
      %parallel_loop3A_172 = arith.constant 0 : i32
      %parallel_loop3A_173 = vector.broadcast %parallel_loop3A_172 : i32 to vector<16xi32>
      %parallel_loop3A_174 = arith.select %parallel_loop3A_160, %parallel_loop3A_173, %parallel_loop3A_171 : vector<16xi1>, vector<16xi32>
      %parallel_loop3A_175 = arith.addi %mul3A_3, %parallel_loop3A_59 : vector<16xi32>
      %parallel_loop3A_176 = arith.constant 128 : i32
      %parallel_loop3A_177 = vector.broadcast %parallel_loop3A_176 : i32 to vector<16xi32>
      %parallel_loop3A_178 = arith.addi %parallel_loop3A_175, %parallel_loop3A_177 : vector<16xi32>
      tpu.vector_store_idx %arg19[%parallel_loop3A_178], %parallel_loop3A_96 masked %parallel_loop3A_53 {add = true} : memref<16960xf32, #tpu.memory_space<vmem>>[vector<16xi32>], vector<16xf32>, vector<16xi1>
      %parallel_loop3A_179 = arith.constant 256 : i32
      %parallel_loop3A_180 = vector.broadcast %parallel_loop3A_179 : i32 to vector<16xi32>
      %parallel_loop3A_181 = arith.addi %parallel_loop3A_175, %parallel_loop3A_180 : vector<16xi32>
      tpu.vector_store_idx %arg19[%parallel_loop3A_181], %parallel_loop3A_123 masked %parallel_loop3A_53 {add = true} : memref<16960xf32, #tpu.memory_space<vmem>>[vector<16xi32>], vector<16xf32>, vector<16xi1>
      %parallel_loop3A_182 = arith.constant 1024 : i32
      %parallel_loop3A_183 = vector.broadcast %parallel_loop3A_182 : i32 to vector<16xi32>
      %parallel_loop3A_184 = arith.addi %mul3A_3, %parallel_loop3A_183 : vector<16xi32>
      %parallel_loop3A_185 = arith.constant 3 : i32
      %parallel_loop3A_186 = vector.broadcast %parallel_loop3A_185 : i32 to vector<16xi32>
      %parallel_loop3A_187 = arith.muli %parallel_loop3A_174, %parallel_loop3A_186 : vector<16xi32>
      %parallel_loop3A_188 = arith.addi %parallel_loop3A_184, %parallel_loop3A_187 : vector<16xi32>
      %parallel_loop3A_189 = arith.addi %parallel_loop3A_188, %parallel_loop3A_132 : vector<16xi32>
      tpu.vector_store_idx %arg19[%parallel_loop3A_189], %parallel_loop3A_96 masked %parallel_loop3A_53 {add = true} : memref<16960xf32, #tpu.memory_space<vmem>>[vector<16xi32>], vector<16xf32>, vector<16xi1>
      %parallel_loop3A_190 = arith.constant 16 : i32
      %parallel_loop3A_191 = vector.broadcast %parallel_loop3A_190 : i32 to vector<16xi32>
      %parallel_loop3A_192 = arith.addi %parallel_loop3A_189, %parallel_loop3A_191 : vector<16xi32>
      tpu.vector_store_idx %arg19[%parallel_loop3A_192], %broadcast_in_dim3A_12 masked %parallel_loop3A_53 {add = true} : memref<16960xf32, #tpu.memory_space<vmem>>[vector<16xi32>], vector<16xf32>, vector<16xi1>
    } {sc.loop_unroll_factor = 4 : i64, sc.parallel_access}
    %parallel_loop3A_21 = arith.constant 0 : i32
    %parallel_loop3A_22 = arith.constant 66 : i32
    %parallel_loop3A_23 = arith.constant 1 : i32
    scf.for %parallel_loop3A_31 = %parallel_loop3A_21 to %parallel_loop3A_22 step %parallel_loop3A_23  : i32 {
      %parallel_loop3A_32 = arith.constant 16 : i32
      %parallel_loop3A_33 = arith.muli %parallel_loop3A_31, %parallel_loop3A_32 : i32
      %parallel_loop3A_34 = arith.index_cast %parallel_loop3A_33 : i32 to index
      %parallel_loop3A_35 = tpu.vector_load %arg19[%parallel_loop3A_34] {strides = array<i32>} : memref<16960xf32, #tpu.memory_space<vmem>>, vector<16xf32>,
      %parallel_loop3A_36 = arith.constant 1057 : i32
      %parallel_loop3A_37 = arith.addi %parallel_loop3A_36, %parallel_loop3A_33 : i32
      %parallel_loop3A_38 = arith.index_cast %parallel_loop3A_37 : i32 to index
      %parallel_loop3A_39 = tpu.vector_load %arg19[%parallel_loop3A_38] {strides = array<i32>} : memref<16960xf32, #tpu.memory_space<vmem>>, vector<16xf32>,
      %parallel_loop3A_40 = arith.addf %parallel_loop3A_35, %parallel_loop3A_39 : vector<16xf32>
      %parallel_loop3A_41 = arith.constant 2114 : i32
      %parallel_loop3A_42 = arith.addi %parallel_loop3A_41, %parallel_loop3A_33 : i32
      %parallel_loop3A_43 = arith.index_cast %parallel_loop3A_42 : i32 to index
      %parallel_loop3A_44 = tpu.vector_load %arg19[%parallel_loop3A_43] {strides = array<i32>} : memref<16960xf32, #tpu.memory_space<vmem>>, vector<16xf32>,
      %parallel_loop3A_45 = arith.addf %parallel_loop3A_40, %parallel_loop3A_44 : vector<16xf32>
      %parallel_loop3A_46 = arith.constant 3171 : i32
      %parallel_loop3A_47 = arith.addi %parallel_loop3A_46, %parallel_loop3A_33 : i32
      %parallel_loop3A_48 = arith.index_cast %parallel_loop3A_47 : i32 to index
      %parallel_loop3A_49 = tpu.vector_load %arg19[%parallel_loop3A_48] {strides = array<i32>} : memref<16960xf32, #tpu.memory_space<vmem>>, vector<16xf32>,
      %parallel_loop3A_50 = arith.addf %parallel_loop3A_45, %parallel_loop3A_49 : vector<16xf32>
      %parallel_loop3A_51 = arith.constant 4228 : i32
      %parallel_loop3A_52 = arith.addi %parallel_loop3A_51, %parallel_loop3A_33 : i32
      %parallel_loop3A_53 = arith.index_cast %parallel_loop3A_52 : i32 to index
      %parallel_loop3A_54 = tpu.vector_load %arg19[%parallel_loop3A_53] {strides = array<i32>} : memref<16960xf32, #tpu.memory_space<vmem>>, vector<16xf32>,
      %parallel_loop3A_55 = arith.addf %parallel_loop3A_50, %parallel_loop3A_54 : vector<16xf32>
      %parallel_loop3A_56 = arith.constant 5285 : i32
      %parallel_loop3A_57 = arith.addi %parallel_loop3A_56, %parallel_loop3A_33 : i32
      %parallel_loop3A_58 = arith.index_cast %parallel_loop3A_57 : i32 to index
      %parallel_loop3A_59 = tpu.vector_load %arg19[%parallel_loop3A_58] {strides = array<i32>} : memref<16960xf32, #tpu.memory_space<vmem>>, vector<16xf32>,
      %parallel_loop3A_60 = arith.addf %parallel_loop3A_55, %parallel_loop3A_59 : vector<16xf32>
      %parallel_loop3A_61 = arith.constant 6342 : i32
      %parallel_loop3A_62 = arith.addi %parallel_loop3A_61, %parallel_loop3A_33 : i32
      %parallel_loop3A_63 = arith.index_cast %parallel_loop3A_62 : i32 to index
      %parallel_loop3A_64 = tpu.vector_load %arg19[%parallel_loop3A_63] {strides = array<i32>} : memref<16960xf32, #tpu.memory_space<vmem>>, vector<16xf32>,
      %parallel_loop3A_65 = arith.addf %parallel_loop3A_60, %parallel_loop3A_64 : vector<16xf32>
      %parallel_loop3A_66 = arith.constant 7399 : i32
      %parallel_loop3A_67 = arith.addi %parallel_loop3A_66, %parallel_loop3A_33 : i32
      %parallel_loop3A_68 = arith.index_cast %parallel_loop3A_67 : i32 to index
      %parallel_loop3A_69 = tpu.vector_load %arg19[%parallel_loop3A_68] {strides = array<i32>} : memref<16960xf32, #tpu.memory_space<vmem>>, vector<16xf32>,
      %parallel_loop3A_70 = arith.addf %parallel_loop3A_65, %parallel_loop3A_69 : vector<16xf32>
      %parallel_loop3A_71 = arith.constant 8456 : i32
      %parallel_loop3A_72 = arith.addi %parallel_loop3A_71, %parallel_loop3A_33 : i32
      %parallel_loop3A_73 = arith.index_cast %parallel_loop3A_72 : i32 to index
      %parallel_loop3A_74 = tpu.vector_load %arg19[%parallel_loop3A_73] {strides = array<i32>} : memref<16960xf32, #tpu.memory_space<vmem>>, vector<16xf32>,
      %parallel_loop3A_75 = arith.addf %parallel_loop3A_70, %parallel_loop3A_74 : vector<16xf32>
      %parallel_loop3A_76 = arith.constant 9513 : i32
      %parallel_loop3A_77 = arith.addi %parallel_loop3A_76, %parallel_loop3A_33 : i32
      %parallel_loop3A_78 = arith.index_cast %parallel_loop3A_77 : i32 to index
      %parallel_loop3A_79 = tpu.vector_load %arg19[%parallel_loop3A_78] {strides = array<i32>} : memref<16960xf32, #tpu.memory_space<vmem>>, vector<16xf32>,
      %parallel_loop3A_80 = arith.addf %parallel_loop3A_75, %parallel_loop3A_79 : vector<16xf32>
      %parallel_loop3A_81 = arith.constant 10570 : i32
      %parallel_loop3A_82 = arith.addi %parallel_loop3A_81, %parallel_loop3A_33 : i32
      %parallel_loop3A_83 = arith.index_cast %parallel_loop3A_82 : i32 to index
      %parallel_loop3A_84 = tpu.vector_load %arg19[%parallel_loop3A_83] {strides = array<i32>} : memref<16960xf32, #tpu.memory_space<vmem>>, vector<16xf32>,
      %parallel_loop3A_85 = arith.addf %parallel_loop3A_80, %parallel_loop3A_84 : vector<16xf32>
      %parallel_loop3A_86 = arith.constant 11627 : i32
      %parallel_loop3A_87 = arith.addi %parallel_loop3A_86, %parallel_loop3A_33 : i32
      %parallel_loop3A_88 = arith.index_cast %parallel_loop3A_87 : i32 to index
      %parallel_loop3A_89 = tpu.vector_load %arg19[%parallel_loop3A_88] {strides = array<i32>} : memref<16960xf32, #tpu.memory_space<vmem>>, vector<16xf32>,
      %parallel_loop3A_90 = arith.addf %parallel_loop3A_85, %parallel_loop3A_89 : vector<16xf32>
      %parallel_loop3A_91 = arith.constant 12684 : i32
      %parallel_loop3A_92 = arith.addi %parallel_loop3A_91, %parallel_loop3A_33 : i32
      %parallel_loop3A_93 = arith.index_cast %parallel_loop3A_92 : i32 to index
      %parallel_loop3A_94 = tpu.vector_load %arg19[%parallel_loop3A_93] {strides = array<i32>} : memref<16960xf32, #tpu.memory_space<vmem>>, vector<16xf32>,
      %parallel_loop3A_95 = arith.addf %parallel_loop3A_90, %parallel_loop3A_94 : vector<16xf32>
      %parallel_loop3A_96 = arith.constant 13741 : i32
      %parallel_loop3A_97 = arith.addi %parallel_loop3A_96, %parallel_loop3A_33 : i32
      %parallel_loop3A_98 = arith.index_cast %parallel_loop3A_97 : i32 to index
      %parallel_loop3A_99 = tpu.vector_load %arg19[%parallel_loop3A_98] {strides = array<i32>} : memref<16960xf32, #tpu.memory_space<vmem>>, vector<16xf32>,
      %parallel_loop3A_100 = arith.addf %parallel_loop3A_95, %parallel_loop3A_99 : vector<16xf32>
      %parallel_loop3A_101 = arith.constant 14798 : i32
      %parallel_loop3A_102 = arith.addi %parallel_loop3A_101, %parallel_loop3A_33 : i32
      %parallel_loop3A_103 = arith.index_cast %parallel_loop3A_102 : i32 to index
      %parallel_loop3A_104 = tpu.vector_load %arg19[%parallel_loop3A_103] {strides = array<i32>} : memref<16960xf32, #tpu.memory_space<vmem>>, vector<16xf32>,
      %parallel_loop3A_105 = arith.addf %parallel_loop3A_100, %parallel_loop3A_104 : vector<16xf32>
      %parallel_loop3A_106 = arith.constant 15855 : i32
      %parallel_loop3A_107 = arith.addi %parallel_loop3A_106, %parallel_loop3A_33 : i32
      %parallel_loop3A_108 = arith.index_cast %parallel_loop3A_107 : i32 to index
      %parallel_loop3A_109 = tpu.vector_load %arg19[%parallel_loop3A_108] {strides = array<i32>} : memref<16960xf32, #tpu.memory_space<vmem>>, vector<16xf32>,
      %parallel_loop3A_110 = arith.addf %parallel_loop3A_105, %parallel_loop3A_109 : vector<16xf32>
      %parallel_loop3A_111 = arith.index_cast %parallel_loop3A_33 : i32 to index
      %parallel_loop3A_112 = tpu.vector_load %arg20[%parallel_loop3A_111] {strides = array<i32>} : memref<1056xf32, #tpu.memory_space<vmem>>, vector<16xf32>,
      tpu.vector_store %arg20[%parallel_loop3A_111], %parallel_loop3A_110 {strides = array<i32>} : memref<1056xf32, #tpu.memory_space<vmem>>, vector<16xf32>,
    } {sc.loop_unroll_factor = 2 : i64, sc.parallel_access}
    %mul3A_24 = arith.constant 1056 : i32
    %mul3A_25 = arith.muli %arg1, %mul3A_24 : i32
    "tpu.region"() ({
      %run_scoped3A = tpu.sem_alloc : memref<!tpu.dma_semaphore, #tpu.memory_space<semaphore_mem>>
      %dma_start3A = tpu.memref_slice %arg21[%mul3A_25] : memref<16896xf32, #tpu.memory_space<vmem_shared>> -> memref<1056xf32, #tpu.memory_space<vmem_shared>>
      %dma_start3A_31 = tpu.memref_slice %arg21[%mul3A_25] : memref<16896xf32, #tpu.memory_space<vmem_shared>> -> memref<1056xf32, #tpu.memory_space<vmem_shared>>
      tpu.enqueue_dma source(%arg20 : memref<1056xf32, #tpu.memory_space<vmem>>) target(%dma_start3A_31 : memref<1056xf32, #tpu.memory_space<vmem_shared>>) target_semaphore(%run_scoped3A : memref<!tpu.dma_semaphore, #tpu.memory_space<semaphore_mem>>)
      %dma_wait3A = tpu.memref_slice %arg21[%mul3A_25] : memref<16896xf32, #tpu.memory_space<vmem_shared>> -> memref<1056xf32, #tpu.memory_space<vmem_shared>>
      %dma_wait3A_32 = tpu.memref_slice %arg21[%mul3A_25] : memref<16896xf32, #tpu.memory_space<vmem_shared>> -> memref<1056xf32, #tpu.memory_space<vmem_shared>>
      tpu.wait_dma2 semaphore(%run_scoped3A : memref<!tpu.dma_semaphore, #tpu.memory_space<semaphore_mem>>) src(%arg20 : memref<1056xf32, #tpu.memory_space<vmem>>) dst(%dma_wait3A_32 : memref<1056xf32, #tpu.memory_space<vmem_shared>>)
      tpu.yield
    }) : () -> ()
    %barrier3A = arith.constant 0 : index
    tpu.barrier barrier_id(%barrier3A)
    %eq3A_26 = arith.constant 0 : i32
    %eq3A_27 = arith.cmpi eq, %arg1, %eq3A_26 : i32
    %convert_element_type3A_28 = arith.extui %eq3A_27 : i1 to i32
    %cond3A_29 = arith.constant 0 : i32
    %cond3A_30 = arith.cmpi ne, %convert_element_type3A_28, %cond3A_29 : i32
    scf.if %cond3A_30 {
      "tpu.region"() ({
        %run_scoped3A = tpu.sem_alloc : memref<!tpu.dma_semaphore, #tpu.memory_space<semaphore_mem>>
        %dma_start3A = arith.constant 0 : i32
        %dma_start3A_34 = tpu.memref_slice %arg19[%dma_start3A] : memref<16960xf32, #tpu.memory_space<vmem>> -> memref<16896xf32, #tpu.memory_space<vmem>>
        %dma_start3A_35 = arith.constant 0 : i32
        %dma_start3A_36 = tpu.memref_slice %arg19[%dma_start3A_35] : memref<16960xf32, #tpu.memory_space<vmem>> -> memref<16896xf32, #tpu.memory_space<vmem>>
        tpu.enqueue_dma source(%arg21 : memref<16896xf32, #tpu.memory_space<vmem_shared>>) target(%dma_start3A_36 : memref<16896xf32, #tpu.memory_space<vmem>>) target_semaphore(%run_scoped3A : memref<!tpu.dma_semaphore, #tpu.memory_space<semaphore_mem>>)
        %dma_wait3A = arith.constant 0 : i32
        %dma_wait3A_37 = tpu.memref_slice %arg19[%dma_wait3A] : memref<16960xf32, #tpu.memory_space<vmem>> -> memref<16896xf32, #tpu.memory_space<vmem>>
        %dma_wait3A_38 = arith.constant 0 : i32
        %dma_wait3A_39 = tpu.memref_slice %arg19[%dma_wait3A_38] : memref<16960xf32, #tpu.memory_space<vmem>> -> memref<16896xf32, #tpu.memory_space<vmem>>
        tpu.wait_dma2 semaphore(%run_scoped3A : memref<!tpu.dma_semaphore, #tpu.memory_space<semaphore_mem>>) src(%arg21 : memref<16896xf32, #tpu.memory_space<vmem_shared>>) dst(%dma_wait3A_39 : memref<16896xf32, #tpu.memory_space<vmem>>)
        tpu.yield
      }) : () -> ()
      %parallel_loop3A_31 = arith.constant 0 : i32
      %parallel_loop3A_32 = arith.constant 66 : i32
      %parallel_loop3A_33 = arith.constant 1 : i32
      scf.for %parallel_loop3A_34 = %parallel_loop3A_31 to %parallel_loop3A_32 step %parallel_loop3A_33  : i32 {
        %parallel_loop3A_35 = arith.constant 16 : i32
        %parallel_loop3A_36 = arith.muli %parallel_loop3A_34, %parallel_loop3A_35 : i32
        %parallel_loop3A_37 = arith.index_cast %parallel_loop3A_36 : i32 to index
        %parallel_loop3A_38 = tpu.vector_load %arg19[%parallel_loop3A_37] {strides = array<i32>} : memref<16960xf32, #tpu.memory_space<vmem>>, vector<16xf32>,
        %parallel_loop3A_39 = arith.constant 1056 : i32
        %parallel_loop3A_40 = arith.addi %parallel_loop3A_39, %parallel_loop3A_36 : i32
        %parallel_loop3A_41 = arith.index_cast %parallel_loop3A_40 : i32 to index
        %parallel_loop3A_42 = tpu.vector_load %arg19[%parallel_loop3A_41] {strides = array<i32>} : memref<16960xf32, #tpu.memory_space<vmem>>, vector<16xf32>,
        %parallel_loop3A_43 = arith.addf %parallel_loop3A_38, %parallel_loop3A_42 : vector<16xf32>
        %parallel_loop3A_44 = arith.constant 2112 : i32
        %parallel_loop3A_45 = arith.addi %parallel_loop3A_44, %parallel_loop3A_36 : i32
        %parallel_loop3A_46 = arith.index_cast %parallel_loop3A_45 : i32 to index
        %parallel_loop3A_47 = tpu.vector_load %arg19[%parallel_loop3A_46] {strides = array<i32>} : memref<16960xf32, #tpu.memory_space<vmem>>, vector<16xf32>,
        %parallel_loop3A_48 = arith.addf %parallel_loop3A_43, %parallel_loop3A_47 : vector<16xf32>
        %parallel_loop3A_49 = arith.constant 3168 : i32
        %parallel_loop3A_50 = arith.addi %parallel_loop3A_49, %parallel_loop3A_36 : i32
        %parallel_loop3A_51 = arith.index_cast %parallel_loop3A_50 : i32 to index
        %parallel_loop3A_52 = tpu.vector_load %arg19[%parallel_loop3A_51] {strides = array<i32>} : memref<16960xf32, #tpu.memory_space<vmem>>, vector<16xf32>,
        %parallel_loop3A_53 = arith.addf %parallel_loop3A_48, %parallel_loop3A_52 : vector<16xf32>
        %parallel_loop3A_54 = arith.constant 4224 : i32
        %parallel_loop3A_55 = arith.addi %parallel_loop3A_54, %parallel_loop3A_36 : i32
        %parallel_loop3A_56 = arith.index_cast %parallel_loop3A_55 : i32 to index
        %parallel_loop3A_57 = tpu.vector_load %arg19[%parallel_loop3A_56] {strides = array<i32>} : memref<16960xf32, #tpu.memory_space<vmem>>, vector<16xf32>,
        %parallel_loop3A_58 = arith.addf %parallel_loop3A_53, %parallel_loop3A_57 : vector<16xf32>
        %parallel_loop3A_59 = arith.constant 5280 : i32
        %parallel_loop3A_60 = arith.addi %parallel_loop3A_59, %parallel_loop3A_36 : i32
        %parallel_loop3A_61 = arith.index_cast %parallel_loop3A_60 : i32 to index
        %parallel_loop3A_62 = tpu.vector_load %arg19[%parallel_loop3A_61] {strides = array<i32>} : memref<16960xf32, #tpu.memory_space<vmem>>, vector<16xf32>,
        %parallel_loop3A_63 = arith.addf %parallel_loop3A_58, %parallel_loop3A_62 : vector<16xf32>
        %parallel_loop3A_64 = arith.constant 6336 : i32
        %parallel_loop3A_65 = arith.addi %parallel_loop3A_64, %parallel_loop3A_36 : i32
        %parallel_loop3A_66 = arith.index_cast %parallel_loop3A_65 : i32 to index
        %parallel_loop3A_67 = tpu.vector_load %arg19[%parallel_loop3A_66] {strides = array<i32>} : memref<16960xf32, #tpu.memory_space<vmem>>, vector<16xf32>,
        %parallel_loop3A_68 = arith.addf %parallel_loop3A_63, %parallel_loop3A_67 : vector<16xf32>
        %parallel_loop3A_69 = arith.constant 7392 : i32
        %parallel_loop3A_70 = arith.addi %parallel_loop3A_69, %parallel_loop3A_36 : i32
        %parallel_loop3A_71 = arith.index_cast %parallel_loop3A_70 : i32 to index
        %parallel_loop3A_72 = tpu.vector_load %arg19[%parallel_loop3A_71] {strides = array<i32>} : memref<16960xf32, #tpu.memory_space<vmem>>, vector<16xf32>,
        %parallel_loop3A_73 = arith.addf %parallel_loop3A_68, %parallel_loop3A_72 : vector<16xf32>
        %parallel_loop3A_74 = arith.constant 8448 : i32
        %parallel_loop3A_75 = arith.addi %parallel_loop3A_74, %parallel_loop3A_36 : i32
        %parallel_loop3A_76 = arith.index_cast %parallel_loop3A_75 : i32 to index
        %parallel_loop3A_77 = tpu.vector_load %arg19[%parallel_loop3A_76] {strides = array<i32>} : memref<16960xf32, #tpu.memory_space<vmem>>, vector<16xf32>,
        %parallel_loop3A_78 = arith.addf %parallel_loop3A_73, %parallel_loop3A_77 : vector<16xf32>
        %parallel_loop3A_79 = arith.constant 9504 : i32
        %parallel_loop3A_80 = arith.addi %parallel_loop3A_79, %parallel_loop3A_36 : i32
        %parallel_loop3A_81 = arith.index_cast %parallel_loop3A_80 : i32 to index
        %parallel_loop3A_82 = tpu.vector_load %arg19[%parallel_loop3A_81] {strides = array<i32>} : memref<16960xf32, #tpu.memory_space<vmem>>, vector<16xf32>,
        %parallel_loop3A_83 = arith.addf %parallel_loop3A_78, %parallel_loop3A_82 : vector<16xf32>
        %parallel_loop3A_84 = arith.constant 10560 : i32
        %parallel_loop3A_85 = arith.addi %parallel_loop3A_84, %parallel_loop3A_36 : i32
        %parallel_loop3A_86 = arith.index_cast %parallel_loop3A_85 : i32 to index
        %parallel_loop3A_87 = tpu.vector_load %arg19[%parallel_loop3A_86] {strides = array<i32>} : memref<16960xf32, #tpu.memory_space<vmem>>, vector<16xf32>,
        %parallel_loop3A_88 = arith.addf %parallel_loop3A_83, %parallel_loop3A_87 : vector<16xf32>
        %parallel_loop3A_89 = arith.constant 11616 : i32
        %parallel_loop3A_90 = arith.addi %parallel_loop3A_89, %parallel_loop3A_36 : i32
        %parallel_loop3A_91 = arith.index_cast %parallel_loop3A_90 : i32 to index
        %parallel_loop3A_92 = tpu.vector_load %arg19[%parallel_loop3A_91] {strides = array<i32>} : memref<16960xf32, #tpu.memory_space<vmem>>, vector<16xf32>,
        %parallel_loop3A_93 = arith.addf %parallel_loop3A_88, %parallel_loop3A_92 : vector<16xf32>
        %parallel_loop3A_94 = arith.constant 12672 : i32
        %parallel_loop3A_95 = arith.addi %parallel_loop3A_94, %parallel_loop3A_36 : i32
        %parallel_loop3A_96 = arith.index_cast %parallel_loop3A_95 : i32 to index
        %parallel_loop3A_97 = tpu.vector_load %arg19[%parallel_loop3A_96] {strides = array<i32>} : memref<16960xf32, #tpu.memory_space<vmem>>, vector<16xf32>,
        %parallel_loop3A_98 = arith.addf %parallel_loop3A_93, %parallel_loop3A_97 : vector<16xf32>
        %parallel_loop3A_99 = arith.constant 13728 : i32
        %parallel_loop3A_100 = arith.addi %parallel_loop3A_99, %parallel_loop3A_36 : i32
        %parallel_loop3A_101 = arith.index_cast %parallel_loop3A_100 : i32 to index
        %parallel_loop3A_102 = tpu.vector_load %arg19[%parallel_loop3A_101] {strides = array<i32>} : memref<16960xf32, #tpu.memory_space<vmem>>, vector<16xf32>,
        %parallel_loop3A_103 = arith.addf %parallel_loop3A_98, %parallel_loop3A_102 : vector<16xf32>
        %parallel_loop3A_104 = arith.constant 14784 : i32
        %parallel_loop3A_105 = arith.addi %parallel_loop3A_104, %parallel_loop3A_36 : i32
        %parallel_loop3A_106 = arith.index_cast %parallel_loop3A_105 : i32 to index
        %parallel_loop3A_107 = tpu.vector_load %arg19[%parallel_loop3A_106] {strides = array<i32>} : memref<16960xf32, #tpu.memory_space<vmem>>, vector<16xf32>,
        %parallel_loop3A_108 = arith.addf %parallel_loop3A_103, %parallel_loop3A_107 : vector<16xf32>
        %parallel_loop3A_109 = arith.constant 15840 : i32
        %parallel_loop3A_110 = arith.addi %parallel_loop3A_109, %parallel_loop3A_36 : i32
        %parallel_loop3A_111 = arith.index_cast %parallel_loop3A_110 : i32 to index
        %parallel_loop3A_112 = tpu.vector_load %arg19[%parallel_loop3A_111] {strides = array<i32>} : memref<16960xf32, #tpu.memory_space<vmem>>, vector<16xf32>,
        %parallel_loop3A_113 = arith.addf %parallel_loop3A_108, %parallel_loop3A_112 : vector<16xf32>
        %parallel_loop3A_114 = arith.index_cast %parallel_loop3A_36 : i32 to index
        %parallel_loop3A_115 = tpu.vector_load %arg20[%parallel_loop3A_114] {strides = array<i32>} : memref<1056xf32, #tpu.memory_space<vmem>>, vector<16xf32>,
        tpu.vector_store %arg20[%parallel_loop3A_114], %parallel_loop3A_113 {strides = array<i32>} : memref<1056xf32, #tpu.memory_space<vmem>>, vector<16xf32>,
      } {sc.loop_unroll_factor = 2 : i64, sc.parallel_access}
      "tpu.region"() ({
        %run_scoped3A = tpu.sem_alloc : memref<!tpu.dma_semaphore, #tpu.memory_space<semaphore_mem>>
        %dma_start3A = arith.constant 0 : i32
        %dma_start3A_34 = tpu.memref_slice %arg10[%arg0, %dma_start3A] : memref<2x1056xf32, #tpu.memory_space<hbm>> -> memref<1x1056xf32, #tpu.memory_space<hbm>>
        %dma_start3A_35 = tpu.memref_squeeze %dma_start3A_34 : memref<1x1056xf32, #tpu.memory_space<hbm>> -> memref<1056xf32, #tpu.memory_space<hbm>>
        %dma_start3A_36 = arith.constant 0 : i32
        %dma_start3A_37 = tpu.memref_slice %arg10[%arg0, %dma_start3A_36] : memref<2x1056xf32, #tpu.memory_space<hbm>> -> memref<1x1056xf32, #tpu.memory_space<hbm>>
        %dma_start3A_38 = tpu.memref_squeeze %dma_start3A_37 : memref<1x1056xf32, #tpu.memory_space<hbm>> -> memref<1056xf32, #tpu.memory_space<hbm>>
        tpu.enqueue_dma source(%arg20 : memref<1056xf32, #tpu.memory_space<vmem>>) target(%dma_start3A_38 : memref<1056xf32, #tpu.memory_space<hbm>>) target_semaphore(%run_scoped3A : memref<!tpu.dma_semaphore, #tpu.memory_space<semaphore_mem>>)
        %dma_wait3A = arith.constant 0 : i32
        %dma_wait3A_39 = tpu.memref_slice %arg10[%arg0, %dma_wait3A] : memref<2x1056xf32, #tpu.memory_space<hbm>> -> memref<1x1056xf32, #tpu.memory_space<hbm>>
        %dma_wait3A_40 = tpu.memref_squeeze %dma_wait3A_39 : memref<1x1056xf32, #tpu.memory_space<hbm>> -> memref<1056xf32, #tpu.memory_space<hbm>>
        %dma_wait3A_41 = arith.constant 0 : i32
        %dma_wait3A_42 = tpu.memref_slice %arg10[%arg0, %dma_wait3A_41] : memref<2x1056xf32, #tpu.memory_space<hbm>> -> memref<1x1056xf32, #tpu.memory_space<hbm>>
        %dma_wait3A_43 = tpu.memref_squeeze %dma_wait3A_42 : memref<1x1056xf32, #tpu.memory_space<hbm>> -> memref<1056xf32, #tpu.memory_space<hbm>>
        tpu.wait_dma2 semaphore(%run_scoped3A : memref<!tpu.dma_semaphore, #tpu.memory_space<semaphore_mem>>) src(%arg20 : memref<1056xf32, #tpu.memory_space<vmem>>) dst(%dma_wait3A_43 : memref<1056xf32, #tpu.memory_space<hbm>>)
        tpu.yield
      }) : () -> ()
    } else {
    }
    return
  }
}

</mosaic_0001>

<sc_bundles>
// kernel: kernel.11.cloned.1.call-start
scs
__scs_entry_jumppad:
0x0: {  	(pc) =	sbr.rel $0x88, $3  }
0x1: {  	(tag) =	ssettag $0x0;
	lr =	simm.s32 $0x1  }
0x2: {  	[smem:$0x3F9D] =	sst lr;
	_ =	strace $0xD0000000  }
0x3: {  	_ = 	snop  }
0x4: {  	_ = 	snop  }
0x5: {  	_ = 	snop  }
0x6: {  	_ = 	snop  }
0x7: {  	_ = 	snop  }
__scs_overlays_trampoline_lowered:
0x8: {  	[smem:$0x3FAC] =	sst s0  }
0x9: {  	[smem:$0x3FAD] =	sst s1  }
0xa: {  	[smem:$0x3FAE] =	sst s2  }
0xb: {  	[smem:$0x3FAF] =	sst s3  }
0xc: {  	[smem:$0x3FB0] =	sst s4  }
0xd: {  	[smem:$0x3FB1] =	sst s5  }
0xe: {  	[smem:$0x3FB2] =	sst s6  }
0xf: {  	[smem:$0x3FB3] =	sst s7  }
0x10: {  	[smem:$0x3FB4] =	sst s8  }
0x11: {  	[smem:$0x3FB5] =	sst s9;
	s0 =	simm.s32 @!p0 $0x0  }
0x12: {  	s1 =	sld [smem:$0x3F9B];
	s0 =	simm.s32 @p0 $0x1  }
0x13: {  	[smem:$0x3FB6] =	sst s0;
	s0 =	simm.s32 @!p1 $0x0  }
0x14: {  	s2 =	sld [smem:$0x3F9A];
	s0 =	simm.s32 @p1 $0x1  }
0x15: {  	[smem:$0x3FB7] =	sst s0;
	s0 =	simm.s32 @!p2 $0x0  }
0x16: {  	s3 =	sld [smem:$0x3FDB];
	s0 =	simm.s32 @p2 $0x1  }
0x17: {  	s4 =	simm.s32 $0x1BF5;
	[smem:$0x3FB9] =	sst s0  }
0x18: {  	s0 =	sld [smem:$0x3F9C];
	_ =	swait.ge [sflag:s4], $0x0  }
0x19: {  	s7 =	sld [smem:$0x3F9D]  }
0x1a: {  	s8 =	sadd.s32 $0xFFFFE003, lr  }
0x1b: {  	s9 =	sadd.s32 $0xFFFFFEF7, lr;
	s5 =	simm.s32 $0xFFFFFFFF;
	p2 =	slt.u32 s8, $0xFFFFF086  }
0x1c: {  	p1 =	slt.u32 s9, $0xF7A;
	s5 =	simm.s32 @!p2 $0x0  }
0x1d: {  	s5 =	simm.s32 @p1 $0x1;
	p0 =	seq.s32 s7, s2  }
0x1e: {  	s7 =	smul.u32 @!p0 $0xF7A, s2;
	p2 =	seq.s32 @!p0 s5, $0x0  }
0x1f: {  	s9 =	smul.u32 $0xF7A, s1;
	s8 =	simm.s32 @!p0 $0x1BF5;
	p2 =	por !p2, p0  }
0x20: {  	[sflag:s8] =	ssyncset.s32 @!p0 $0xFFFFF086;
	s6 =	sadd.s32 @!p0 s3, s7;
	s7 =	simm.s32 @!p0 $0x108  }
0x21: {  	s3 =	sadd.s32 s3, s9;
	s6 =	sadd.s32 @!p0 $0x88, s6;
	s7 =	simm.s32 @p2 $0x1082  }
0x22: {  	[simem:s7], [sflag:s8] =	dma.local @!p0 [hbm:s6], $0xF7A  }
0x23: {  	s9 =	sor.u32 $0xD0000000, s2;
	s6 =	simm.s32 $0x108;
	_ =	swait.ge @!p0 [sflag:s8], $0x0  }
0x24: {  	s3 =	sadd.s32 $0x88, s3;
	s6 =	simm.s32 @!p1 $0x1082;
	[sflag:s4] =	ssyncset.s32 $0xFFFFF086  }
0x25: {  	[simem:s6], [sflag:s4] =	dma.local [hbm:s3], $0xF7A  }
0x26: {  	[smem:$0x3F9D] =	sst s1;
	(tag) =	ssettag s2;
	_ =	strace s9  }
0x27: {  	s1 =	sld [smem:$0x3FAD]  }
0x28: {  	s2 =	sld [smem:$0x3FAE]  }
0x29: {  	s4 =	sld [smem:$0x3FB0]  }
0x2a: {  	p0 =	seq.s32 s5, $0x0;
	s5 =	sld [smem:$0x3FB1]  }
0x2b: {  	s6 =	sld [smem:$0x3FB2]  }
0x2c: {  	s7 =	sld [smem:$0x3FB3]  }
0x2d: {  	s3 =	simm.s32 $0x108;
	s8 =	sld [smem:$0x3FB4]  }
0x2e: {  	s3 =	simm.s32 @!p0 $0x1082;
	s9 =	sld [smem:$0x3FB5]  }
0x2f: {  	lr =	sadd.s32 s0, s3;
	s0 =	sld [smem:$0x3FAC]  }
0x30: {  	s3 =	sld [smem:$0x3FAF]  }
0x31: {  	[smem:$0x3FB8] =	sst s10  }
0x32: {  	s10 =	sld [smem:$0x3FB6];
	_ =	sdelay $0x3  }
0x33: {  	p0 =	seq.s32 s10, $0x1;
	s10 =	sld [smem:$0x3FB8];
	_ =	sdelay $0x3  }
0x34: {  	[smem:$0x3FB8] =	sst s10  }
0x35: {  	s10 =	sld [smem:$0x3FB7];
	_ =	sdelay $0x3  }
0x36: {  	p1 =	seq.s32 s10, $0x1;
	s10 =	sld [smem:$0x3FB8];
	_ =	sdelay $0x3  }
0x37: {  	[smem:$0x3FB8] =	sst s10  }
0x38: {  	s10 =	sld [smem:$0x3FB9]  }
0x39: {  	_ = 	snop;
	(pc) =	sbr.ind lr, $3  }
0x3a: {  	_ = 	snop  }
0x3b: {  	_ = 	snop  }
0x3c: {  	p2 =	seq.s32 s10, $0x1;
	s10 =	sld [smem:$0x3FB8]  }
0x3d: {  	_ =	shalt  }
0x3e: {  	_ =	shalt  }
0x3f: {  	_ =	shalt  }
0x40: {  	_ =	shalt  }
0x41: {  	_ =	shalt  }
0x42: {  	_ =	shalt  }
0x43: {  	_ =	shalt  }
0x44: {  	_ =	shalt  }
0x45: {  	_ =	shalt  }
0x46: {  	_ =	shalt  }
0x47: {  	_ =	shalt  }
0x48: {  	_ =	shalt  }
0x49: {  	_ =	shalt  }
0x4a: {  	_ =	shalt  }
0x4b: {  	_ =	shalt  }
0x4c: {  	_ =	shalt  }
0x4d: {  	_ =	shalt  }
0x4e: {  	_ =	shalt  }
0x4f: {  	_ =	shalt  }
0x50: {  	_ =	shalt  }
0x51: {  	_ =	shalt  }
0x52: {  	_ =	shalt  }
0x53: {  	_ =	shalt  }
0x54: {  	_ =	shalt  }
0x55: {  	_ =	shalt  }
0x56: {  	_ =	shalt  }
0x57: {  	_ =	shalt  }
0x58: {  	_ =	shalt  }
0x59: {  	_ =	shalt  }
0x5a: {  	_ =	shalt  }
0x5b: {  	_ =	shalt  }
0x5c: {  	_ =	shalt  }
0x5d: {  	_ =	shalt  }
0x5e: {  	_ =	shalt  }
0x5f: {  	_ =	shalt  }
0x60: {  	_ =	shalt  }
0x61: {  	_ =	shalt  }
0x62: {  	_ =	shalt  }
0x63: {  	_ =	shalt  }
0x64: {  	_ =	shalt  }
0x65: {  	_ =	shalt  }
0x66: {  	_ =	shalt  }
0x67: {  	_ =	shalt  }
0x68: {  	_ =	shalt  }
0x69: {  	_ =	shalt  }
0x6a: {  	_ =	shalt  }
0x6b: {  	_ =	shalt  }
0x6c: {  	_ =	shalt  }
0x6d: {  	_ =	shalt  }
0x6e: {  	_ =	shalt  }
0x6f: {  	_ =	shalt  }
0x70: {  	_ =	shalt  }
0x71: {  	_ =	shalt  }
0x72: {  	_ =	shalt  }
0x73: {  	_ =	shalt  }
0x74: {  	_ =	shalt  }
0x75: {  	_ =	shalt  }
0x76: {  	_ =	shalt  }
0x77: {  	_ =	shalt  }
0x78: {  	_ =	shalt  }
0x79: {  	_ =	shalt  }
0x7a: {  	_ =	shalt  }
0x7b: {  	_ =	shalt  }
0x7c: {  	_ =	shalt  }
0x7d: {  	_ =	shalt  }
0x7e: {  	_ =	shalt  }
0x7f: {  	_ =	shalt  }
0x80: {  	_ =	shalt  }
0x81: {  	_ =	shalt  }
0x82: {  	_ =	shalt  }
0x83: {  	_ =	shalt  }
0x84: {  	_ =	shalt  }
0x85: {  	_ =	shalt  }
0x86: {  	_ =	shalt  }
0x87: {  	_ =	shalt  }
.Lfunc_end0:
.L_simem_size_0:
called_computation.2_lowered:
.L_overlay_start_0:
0x88: {  	s2 =	sld [smem:$0x3FD9]  }
0x89: {  	s3 =	sld [smem:$0x3FFE];
	_ =	sdelay $0x1  }
0x8a: {  	s1 =	srdreg.scid  }
0x8b: {  	s0 =	sand.u32 $0x1, s1  }
0x8c: {  	s17 =	sshll.u32 s0, $0xA;
	s2 =	sadd.s32 s3, s2  }
0x8d: {  	s2 =	sadd.s32 s2, s17  }
0x8e: {  	[smem:$0x3FC4] =	sst s2  }
0x8f: {  	_ = 	snop  }
0x90: {  	s2 =	sld [smem:$0x3FD0];
	(tm) =	ssettm $0x1  }
0x91: {  	s18 =	sld [smem:$0x3FFB];
	_ =	sdelay $0x3  }
0x92: {  	_ =	strace s18  }
0x93: {  	s3 =	sld [smem:$0x3FFC];
	_ =	sdelay $0x3  }
0x94: {  	_ =	strace s3  }
0x95: {  	s3 =	sld [smem:$0x3FFD];
	_ =	sdelay $0x3  }
0x96: {  	_ =	strace s3  }
0x97: {  	_ =	strace $0x8FFFFFFF  }
0x98: {  	s19 =	sld [smem:$0x3FDB];
	_ =	sdelay $0x1  }
0x99: {  	s4 =	simm.s32 $_scs_section_size  }
0x9a: {  	s5 =	simm.s32 $_size__tile_overlayer_lowered;
	s6 =	simm.s32 $_tile_overlayer_lowered  }
0x9b: {  	s22 =	simm.s32 $0x1BFF;
	s21 =	sshll.u32 s6, $0x1;
	s3 =	sadd.s32 s4, s19  }
0x9c: {  	s7 =	simm.s32 $0x0;
	s20 =	sshll.u32 s5, $0x1;
	s5 =	sadd.s32 s21, s3  }
0x9d: {  	[timem:s7], [sflag:s22] =	dma.local [hbm:s5], s20  }
0x9e: {  	_ =	swait.ge [sflag:s22], s20  }
0x9f: {  	s4 =	ssub.s32 $0x0, s20;
	[sflag:s22] =	ssyncset.done $0x0  }
0xa0: {  	[sflag:s22] =	ssyncadd.s32 s4;
	_ =	sdelay $0x1  }
0xa1: {  	s23 =	simm.s32 $0x1B8B  }
0xa2: {  	_ =	swait.ge [sflag:s23], $0x1  }
0xa3: {  	[sflag:s23] =	ssyncset.done $0x0  }
0xa4: {  	s25 =	simm.s32 $0x1B8E;
	s24 =	sld [smem:$0x3FFE];
	[sflag:s23] =	ssyncadd.s32 $0xFFFFFFFF  }
0xa5: {  	s26 =	simm.s32 $execute0_lowered;
	[smem:$0x3FD2] =	sst s25  }
0xa6: {  	s5 =	sshll.u32 s26, $0x1;
	_ =	strace $0x8000004C;
	[dreg:$0x1] =	wrdreg $0xFFFFFFFF  }
0xa7: {  	s28 =	simm.s32 $_size_execute0_lowered;
	s3 =	sadd.s32 s3, s5;
	[dreg:$0x0] =	wrdreg $0x0  }
0xa8: {  	s5 =	sshll.u32 s28, $0x1;
	[dreg:$0x2] =	wrdreg s3  }
0xa9: {  	[dreg:$0x3] =	wrdreg s5  }
0xaa: {  	[dreg:$0x4] =	wrdreg $0xC0  }
0xab: {  	_ =	task [dreg:s7], $0x5FFFF  }
0xac: {  	[dreg:$0x1] =	wrdreg $0xFFFFFFFF  }
0xad: {  	[dreg:$0x0] =	wrdreg $0x60  }
0xae: {  	[dreg:$0x2] =	wrdreg s24  }
0xaf: {  	[dreg:$0x3] =	wrdreg s2  }
0xb0: {  	[dreg:$0x4] =	wrdreg $0x9  }
0xb1: {  	_ =	task.clear_ibuf [dreg:s7], $0x5FFFF;
	_ =	strace $0x9000004C  }
0xb2: {  	s29 =	simm.s32 $0x9;
	_ =	strace $0x8000004E  }
0xb3: {  	_ =	swait.ge [sflag:s29], $0x1  }
0xb4: {  	[sflag:s29] =	ssyncadd.s32 $0xFFFFFFFF  }
0xb5: {  	_ =	strace $0x9000004E  }
0xb6: {  	_ =	sfence  }
0xb7: {  	s30 =	sld [smem:$0x0];
	_ =	sdelay $0x2  }
0xb8: {  	s31 =	sshll.u32 s1, $0xD;
	s1 =	sshrl.u32 s1, $0x2  }
0xb9: {  	s3 =	sand.u32 $0x4000, s31;
	s1 =	sadd.s32 s1, s30  }
0xba: {  	s0 =	sor.u32 s3, s0;
	s1 =	sshll.u32 s1, $0x11  }
0xbb: {  	s0 =	sor.u32 s1, s0  }
0xbc: {  	s0 =	sadd.s32 $0x8F2B, s0  }
0xbd: {  	[sflag:s0] =	ssyncadd.remote.s32 $0x1  }
0xbe: {  	_ =	sfence.sel $0xFFFF  }
0xbf: {  	[dreg:$0x0] =	wrdreg $0xFFFFFFFF;
	(pc) =	sbr.abs _section_cstart, $3  }
0xc0: {  	[dreg:$0x1] =	wrdreg $0xFFFFFFFF  }
0xc1: {  	_ =	task.clear_ibuf [dreg:s7], $0x2FFFF;
	_ =	strace $0x9FFFFFFF  }
0xc2: {  	(tm) =	ssettm $0x7FFFFFFF  }
0xc3: {  	_ =	shalt  }
tec
execute0_lowered:
.L_overlay_start_1:
0x0: {  	(tag) =	ssettag $0x1  }
0x1: {  	s1 =	srdreg.scid  }
0x2: {  	s2 =	stileid.u32;
	s1 =	sand.u32 $0x1, s1  }
0x3: {  	s2 =	sshll.u32 s2, $0x1;
	s3 =	ssub.s32 $0x0, s1  }
0x4: {  	p0 =	sne.s32 s2, s3  }
.Ltmp0:
0x5: {  	_ = 	snop;
	(pc) =	sbr.rel @p0 .LBB2_5-.Ltmp0, $2  }
0x6: {  	_ =	sdelay $0x2  }
0x7: {  	s0 =	rddreg [dreg:$0x0];
	_ =	strace $0x8000004D  }
0x8: {  	v0 =	vimm.s32 $0x0;
	vm0 =	vcmask $0x300;
	v2 =	vimm.f32 $1.000000000e+00  }
0x9: {  	v1 =	vimm.f32 $1.500000000e+00;
	v3 =	vimm.f32 $0.0e+00;
	v4 =	vimm.f32 $5.000000000e-01  }
0xa: {  	vm1 =	vcmask $0x704;
	v5 =	vimm.f32 $1.000000010e-01;
	vm2 =	vcmask $0xB08  }
0xb: {  	vm3 =	vcmask $0x1714;
	vm4 =	vcmask $0x1F1C;
	v2 =	vsel vm0, $0x0, v2  }
0xc: {  	v4 =	vsel vm1, $0x3DCCCCCD, v4;
	v6 =	vsel vm1, $0x3ECCCCCD, v5;
	vm1 =	vcmask $0xF0C  }
0xd: {  	v4 =	vsel vm2, $0x3ECCCCCD, v4;
	v6 =	vsel vm2, $0x3F000000, v6;
	vm2 =	vcmask $0x1310  }
0xe: {  	vm0 =	vmor vm0, vm1;
	v4 =	vsel vm1, $0x3F000000, v4;
	v6 =	vsel vm1, $0x3DCCCCCD, v6  }
0xf: {  	vm1 =	vcmask $0x3F30;
	v4 =	vsel vm2, $0x3DCCCCCD, v4;
	v6 =	vsel vm2, $0x3ECCCCCD, v6  }
0x10: {  	vm2 =	vcmask $0x1B18;
	v4 =	vsel vm3, $0x3ECCCCCD, v4;
	v6 =	vsel vm3, $0x3F000000, v6  }
0x11: {  	vm3 =	vcmask $0x170C;
	vm0 =	vmor vm0, vm2;
	v4 =	vsel vm2, $0x3F000000, v4  }
0x12: {  	v6 =	vsel vm2, $0x3DCCCCCD, v6;
	v5 =	vsel vm3, $0x3F800000, v5;
	vm3 =	vcmask $0x2318  }
0x13: {  	s1 =	ssub.s32 $0x2, s1;
	vm2 =	vcmask $0x2724;
	v6 =	vsel vm4, $0x3ECCCCCD, v6;
	v5 =	vsel vm3, $0x40000000, v5  }
0x14: {  	s3 =	sadd.s32 $0x24E00, s0;
	s4 =	sadd.s32 $0x24C00, s0;
	s22 =	simm.s32 $0x0;
	vm3 =	vcmask $0x2F24;
	vm0 =	vmor vm0, vm2;
	vm2 =	vcmask $0xF08  }
0x15: {  	s0 =	simm.s32 $0x0;
	s2 =	sshrl.u32 s1, $0x1;
	s30 =	sadd.s32 $0x20, s3;
	vm4 =	vcmask $0x2720;
	v4 =	vcombine.low v6, v4;
	v5 =	vsel vm3, $0x40200000, v5  }
0x16: {  	s31 =	sadd.s32 $0x40, s3;
	s8 =	sadd.s32 $0x60, s3;
	s9 =	sadd.s32 $0xA0, s3;
	vm3 =	vcmask $0x338;
	v5 =	vsel vm1, $0x3FC00000, v5;
	vm1 =	vcmask $0x3330  }
0x17: {  	s10 =	sadd.s32 $0x80, s3;
	s11 =	sadd.s32 $0xC0, s3;
	s12 =	sadd.s32 $0xE0, s3;
	vm0 =	vmor vm0, vm1;
	vm1 =	vmor vm3, vm2;
	vm2 =	vcmask $0x1B14  }
0x18: {  	s13 =	sadd.s32 $0x100, s3;
	s14 =	sadd.s32 $0x20, s4;
	s15 =	sadd.s32 $0x40, s4;
	vm3 =	vcmask $0x73C;
	vm1 =	vmor vm1, vm2;
	vm2 =	vcmask $0x130C  }
0x19: {  	s16 =	sadd.s32 $0x60, s4;
	s17 =	sadd.s32 $0x80, s4;
	s18 =	sadd.s32 $0xA0, s4;
	v6 =	vlaneseq.u32;
	vm2 =	vmor vm3, vm2;
	vm3 =	vcmask $0x1F18  }
0x1a: {  	s19 =	sadd.s32 $0xC0, s4;
	s1 =	ssub.s32 s1, s2;
	[dreg:$0x4] =	wrdreg s30;
	vm1 =	vmor vm1, vm4;
	vm2 =	vmor vm2, vm3;
	vm3 =	vcmask $0x2B24  }
0x1b: {  	s20 =	sadd.s32 $0xE0, s4;
	[dreg:$0x5] =	wrdreg s31;
	s29 =	smax.u32 s1, $0x1;
	vm4 =	vcmask $0x332C;
	vm2 =	vmor vm2, vm3;
	vm3 =	vcmask $0x3730  }
0x1c: {  	s21 =	sadd.s32 $0x100, s4;
	s1 =	simm.s32 $0x1;
	[dreg:$0x3] =	wrdreg s29;
	vm1 =	vmor vm1, vm4;
	vm2 =	vmor vm2, vm3;
	vm3 =	vmmov $0x1  }
.LBB2_2:
0x1d: {  	[tilespmem:s22], [sflag:$0x1] =	stream.linear.gather [hbm4b:s3+s22], $0x100, $0x38;
	[tilespmem:$0x1700] =	vst v63  }
0x1e: {  	s2 =	rddreg [dreg:$0x4];
	s5 =	simm.s32 $0x200  }
0x1f: {  	[tilespmem:s5], [sflag:$0x1] =	stream.linear.gather [hbm4b:s2+s22], $0x100, $0x38;
	[tilespmem:$0x1700] =	vst v63  }
0x20: {  	s23 =	rddreg [dreg:$0x5];
	s24 =	simm.s32 $0x400  }
0x21: {  	[tilespmem:s24], [sflag:$0x1] =	stream.linear.gather [hbm4b:s23+s22], $0x100, $0x38;
	[tilespmem:$0x1700] =	vst v63  }
0x22: {  	s25 =	simm.s32 $0x600  }
0x23: {  	[tilespmem:s25], [sflag:$0x1] =	stream.linear.gather [hbm4b:s8+s22], $0x100, $0x38;
	[tilespmem:$0x1700] =	vst v63  }
0x24: {  	s26 =	simm.s32 $0x800  }
0x25: {  	[tilespmem:s26], [sflag:$0x1] =	stream.linear.gather [hbm4b:s10+s22], $0x100, $0x38;
	[tilespmem:$0x1700] =	vst v63  }
0x26: {  	s5 =	simm.s32 $0xA00  }
0x27: {  	[tilespmem:s5], [sflag:$0x1] =	stream.linear.gather [hbm4b:s9+s22], $0x100, $0x38;
	[tilespmem:$0x1700] =	vst v63  }
0x28: {  	s6 =	simm.s32 $0xC00  }
0x29: {  	[tilespmem:s6], [sflag:$0x1] =	stream.linear.gather [hbm4b:s11+s22], $0x100, $0x38;
	[tilespmem:$0x1700] =	vst v63  }
0x2a: {  	s7 =	simm.s32 $0xE00  }
0x2b: {  	[tilespmem:s7], [sflag:$0x1] =	stream.linear.gather [hbm4b:s12+s22], $0x100, $0x38;
	[tilespmem:$0x1700] =	vst v63  }
0x2c: {  	s23 =	simm.s32 $0x1000  }
0x2d: {  	[tilespmem:s23], [sflag:$0x1] =	stream.linear.gather [hbm4b:s13+s22], $0x100, $0x38;
	[tilespmem:$0x1700] =	vst v63  }
0x2e: {  	_ =	swait.ge [sflag:s1], $0x900  }
0x2f: {  	[sflag:s1] =	ssyncset.done $0x0  }
0x30: {  	s24 =	simm.s32 $0x100;
	[sflag:s1] =	ssyncadd.s32 $0xFFFFF700  }
0x31: {  	[tilespmem:s24], [sflag:$0x1] =	stream.linear.gather [hbm4b:s4+s22], $0x100, $0x38;
	[tilespmem:$0x1700] =	vst v63  }
0x32: {  	s25 =	simm.s32 $0x300  }
0x33: {  	[tilespmem:s25], [sflag:$0x1] =	stream.linear.gather [hbm4b:s14+s22], $0x100, $0x38;
	[tilespmem:$0x1700] =	vst v63  }
0x34: {  	s26 =	simm.s32 $0x500  }
0x35: {  	[tilespmem:s26], [sflag:$0x1] =	stream.linear.gather [hbm4b:s15+s22], $0x100, $0x38;
	[tilespmem:$0x1700] =	vst v63  }
0x36: {  	s5 =	simm.s32 $0x700  }
0x37: {  	[tilespmem:s5], [sflag:$0x1] =	stream.linear.gather [hbm4b:s16+s22], $0x100, $0x38;
	[tilespmem:$0x1700] =	vst v63  }
0x38: {  	s6 =	simm.s32 $0x900  }
0x39: {  	[tilespmem:s6], [sflag:$0x1] =	stream.linear.gather [hbm4b:s17+s22], $0x100, $0x38;
	[tilespmem:$0x1700] =	vst v63  }
0x3a: {  	s7 =	simm.s32 $0xB00  }
0x3b: {  	[tilespmem:s7], [sflag:$0x1] =	stream.linear.gather [hbm4b:s18+s22], $0x100, $0x38;
	[tilespmem:$0x1700] =	vst v63  }
0x3c: {  	s23 =	simm.s32 $0xD00  }
0x3d: {  	[tilespmem:s23], [sflag:$0x1] =	stream.linear.gather [hbm4b:s19+s22], $0x100, $0x38;
	[tilespmem:$0x1700] =	vst v63  }
0x3e: {  	s24 =	simm.s32 $0xF00  }
0x3f: {  	[tilespmem:s24], [sflag:$0x1] =	stream.linear.gather [hbm4b:s20+s22], $0x100, $0x38;
	[tilespmem:$0x1700] =	vst v63  }
0x40: {  	s25 =	simm.s32 $0x1100  }
0x41: {  	[tilespmem:s25], [sflag:$0x1] =	stream.linear.gather [hbm4b:s21+s22], $0x100, $0x38;
	[tilespmem:$0x1700] =	vst v63  }
0x42: {  	s26 =	sand.u32 $0x60, s22;
	_ =	swait.ge [sflag:s1], $0x900  }
0x43: {  	s23 =	sand.u32 $0x1E00, s22;
	s25 =	sor.u32 $0x10, s26;
	[sflag:s1] =	ssyncset.done $0x0  }
0x44: {  	s24 =	sor.u32 s25, s23;
	[sflag:s1] =	ssyncadd.s32 $0xFFFFF700  }
0x45: {  	v7 =	vld [tilespmem:s24+$0x0]  }
0x46: {  	s26 =	sor.u32 s26, s23;
	v8 =	vld [tilespmem:s24+$0x80]  }
0x47: {  	v11 =	vld [tilespmem:s26+$0x0]  }
0x48: {  	v10 =	vld [tilespmem:s24+$0x100]  }
0x49: {  	s2 =	simm.s32 $0x20;
	v12 =	vld [tilespmem:s26+$0x80]  }
0x4a: {  	s28 =	sand.u32 $0x60, s2;
	v13 =	vld [tilespmem:s24+$0x180];
	s24 =	simm.s32 $0x80  }
0x4b: {  	s23 =	sor.u32 $0x10, s28;
	s30 =	sand.u32 $0x1E00, s24  }
0x4c: {  	v14 =	vld [tilespmem:s26+$0x100];
	s29 =	sor.u32 s23, s30;
	v8 =	vadd.f32 v8, v7  }
0x4d: {  	v9 =	vld [tilespmem:s29+$0x0]  }
0x4e: {  	v7 =	vld [tilespmem:s26+$0x180];
	v15 =	vadd.f32 v10, v8  }
0x4f: {  	v12 =	vadd.f32 v12, v11;
	v10 =	vld [tilespmem:s29+$0x80]  }
0x50: {  	s26 =	sor.u32 s28, s30;
	s30 =	sand.u32 $0x780, s22;
	v11 =	vld [tilespmem:s29+$0x100];
	v15 =	vadd.f32 v13, v15  }
0x51: {  	s28 =	simm.s32 $0x0;
	s31 =	sor.u32 s25, s30;
	v8 =	vld [tilespmem:s26+$0x0];
	v13 =	vadd.f32 v14, v12  }
0x52: {  	s30 =	simm.s32 $0x2;
	s25 =	simm.s32 $0x20;
	v12 =	vld [tilespmem:s26+$0x80];
	[tilespmem:s31+$0x1200] =	vst v15;
	s31 =	simm.s32 $0x40  }
.LBB2_3:
0x53: {  	s5 =	sand.u32 $0x60, s31;
	v14 =	vld [tilespmem:s29+$0x180];
	s24 =	sadd.s32 $0x80, s24;
	v13 =	vadd.f32 v7, v13  }
0x54: {  	s30 =	sadd.s32 $0x2, s30;
	s6 =	sand.u32 $0x1E00, s24;
	s7 =	sor.u32 $0x10, s5;
	v15 =	vld [tilespmem:s26+$0x100];
	v10 =	vadd.f32 v10, v9  }
0x55: {  	p0 =	slt.u32 s30, $0x40;
	s29 =	sor.u32 s7, s6;
	v7 =	vld [tilespmem:s26+$0x180];
	s26 =	sor.u32 s5, s6;
	[tilespmem:s28+$0x1200] =	vst v13  }
.Ltmp1:
0x56: {  	s28 =	smov.u32 s25;
	s25 =	sshra.s32 s24, $0x2;
	v9 =	vld [tilespmem:s29+$0x0];
	v11 =	vadd.f32 v11, v10;
	(pc) =	sbr.rel @p0 .LBB2_3-.Ltmp1, $4  }
0x57: {  	v10 =	vld [tilespmem:s29+$0x80];
	v12 =	vadd.f32 v12, v8  }
0x58: {  	s5 =	sand.u32 $0x780, s2;
	s2 =	smov.u32 s31;
	v8 =	vld [tilespmem:s26+$0x0];
	v14 =	vadd.f32 v14, v11  }
0x59: {  	s5 =	sor.u32 s23, s5;
	s23 =	smov.u32 s7;
	v11 =	vld [tilespmem:s29+$0x100];
	v13 =	vadd.f32 v15, v12  }
0x5a: {  	s31 =	sadd.s32 $0x20, s31;
	v12 =	vld [tilespmem:s26+$0x80];
	[tilespmem:s5+$0x1200] =	vst v14  }
0x5b: {  	_ = 	snop  }
0x5c: {  	v14 =	vld [tilespmem:s26+$0x100]  }
0x5d: {  	v15 =	vld [tilespmem:s29+$0x180]  }
0x5e: {  	v47 =	vld [tilespmem:s26+$0x180];
	v9 =	vadd.f32 v10, v9  }
0x5f: {  	v8 =	vadd.f32 v12, v8  }
0x60: {  	v9 =	vadd.f32 v11, v9  }
0x61: {  	v7 =	vadd.f32 v7, v13;
	v8 =	vadd.f32 v14, v8  }
0x62: {  	s2 =	sand.u32 $0x780, s2;
	v9 =	vadd.f32 v15, v9  }
0x63: {  	s2 =	sor.u32 s23, s2;
	[tilespmem:s28+$0x1200] =	vst v7;
	v7 =	vadd.f32 v47, v8  }
0x64: {  	[tilespmem:s2+$0x1200] =	vst v9  }
0x65: {  	[tilespmem:s25+$0x1200] =	vst v7  }
0x66: {  	v7 =	vld [tilespmem:$0x1380]  }
0x67: {  	v9 =	vld [tilespmem:$0x1400];
	_ =	sdelay $0x1  }
0x68: {  	v48 =	vld [tilespmem:$0x1480];
	_ =	sdelay $0x1  }
0x69: {  	v49 =	vld [tilespmem:$0x1500]  }
0x6a: {  	v8 =	vadd.f32 v9, v7  }
0x6b: {  	v50 =	vld [tilespmem:$0x1580]  }
0x6c: {  	v8 =	vadd.f32 v48, v8;
	_ =	sdelay $0x1  }
0x6d: {  	v8 =	vadd.f32 v49, v8;
	_ =	sdelay $0x1  }
0x6e: {  	v8 =	vadd.f32 v50, v8;
	_ =	sdelay $0x1  }
0x6f: {  	v53 =	vmax.f32 v8, $1.000000000e+00  }
0x70: {  	(erf) = vrcp.f32 v53  }
0x71: {  	v17 =	vld [tilespmem:$0x1390]  }
0x72: {  	v18 =	vld [tilespmem:$0x1410];
	_ =	sdelay $0x1  }
0x73: {  	v19 =	vld [tilespmem:$0x1490]  }
0x74: {  	v54 =	vld [tilespmem:$0x1280]  }
0x75: {  	v33 =	vld [tilespmem:$0x1510]  }
0x76: {  	v55 =	vadd.f32 v18, v17  }
0x77: {  	v35 =	vld [tilespmem:$0x1590]  }
0x78: {  	v12 =	vadd.f32 v19, v55;
	v30 =	vpop (erf)  }
0x79: {  	v10 =	vmul.f32 v30, v54  }
0x7a: {  	vm6 =	vgt.f32 v8, $0.0e+00;
	v8 =	vadd.f32 v33, v12  }
0x7b: {  	v38 =	vnsel vm6, $0x0, v10  }
0x7c: {  	v8 =	vadd.f32 v35, v8;
	v10 =	vmul.f32 $1.442695020e+00, v38;
	_ =	sdelay $0x1  }
0x7d: {  	v56 =	vmax.f32 v8, $1.000000000e+00;
	(erf) = vpow2.f32 v10  }
0x7e: {  	(erf) = vrcp.f32 v56  }
0x7f: {  	v39 =	vld [tilespmem:$0x13A0]  }
0x80: {  	v40 =	vld [tilespmem:$0x1420];
	_ =	sdelay $0x1  }
0x81: {  	v21 =	vld [tilespmem:$0x14A0]  }
0x82: {  	v57 =	vld [tilespmem:$0x1290]  }
0x83: {  	v22 =	vld [tilespmem:$0x1520]  }
0x84: {  	v58 =	vadd.f32 v40, v39  }
0x85: {  	v31 =	vld [tilespmem:$0x15A0];
	v41 =	vpop (erf)  }
0x86: {  	v12 =	vadd.f32 v21, v58;
	v42 =	vpop (erf)  }
0x87: {  	v10 =	vmul.f32 v42, v57  }
0x88: {  	vm7 =	vgt.f32 v8, $0.0e+00;
	v8 =	vadd.f32 v22, v12  }
0x89: {  	v43 =	vnsel vm7, $0x0, v10  }
0x8a: {  	v8 =	vadd.f32 v31, v8;
	v10 =	vmul.f32 $1.442695020e+00, v43;
	_ =	sdelay $0x1  }
0x8b: {  	v59 =	vmax.f32 v8, $1.000000000e+00;
	(erf) = vpow2.f32 v10  }
0x8c: {  	(erf) = vrcp.f32 v59  }
0x8d: {  	v26 =	vld [tilespmem:$0x13B0]  }
0x8e: {  	v27 =	vld [tilespmem:$0x1430];
	_ =	sdelay $0x1  }
0x8f: {  	v25 =	vld [tilespmem:$0x14B0]  }
0x90: {  	v60 =	vld [tilespmem:$0x12A0]  }
0x91: {  	v23 =	vld [tilespmem:$0x1530]  }
0x92: {  	v61 =	vadd.f32 v27, v26  }
0x93: {  	v24 =	vld [tilespmem:$0x15B0];
	v44 =	vpop (erf)  }
0x94: {  	v12 =	vadd.f32 v25, v61;
	v37 =	vpop (erf)  }
0x95: {  	v10 =	vmul.f32 v37, v60  }
0x96: {  	vm5 =	vgt.f32 v8, $0.0e+00;
	v8 =	vadd.f32 v23, v12  }
0x97: {  	v29 =	vnsel vm5, $0x0, v10  }
0x98: {  	v20 =	vadd.f32 v24, v8;
	v10 =	vmul.f32 $1.442695020e+00, v29;
	_ =	sdelay $0x1  }
0x99: {  	v8 =	vmax.f32 v20, $1.000000000e+00;
	(erf) = vpow2.f32 v10  }
0x9a: {  	(erf) = vrcp.f32 v8  }
0x9b: {  	v15 =	vld [tilespmem:$0x13C0]  }
0x9c: {  	v16 =	vld [tilespmem:$0x1440];
	_ =	sdelay $0x1  }
0x9d: {  	v12 =	vld [tilespmem:$0x14C0]  }
0x9e: {  	v32 =	vld [tilespmem:$0x12B0]  }
0x9f: {  	v8 =	vld [tilespmem:$0x1540]  }
0xa0: {  	v36 =	vadd.f32 v16, v15  }
0xa1: {  	v10 =	vld [tilespmem:$0x15C0];
	v34 =	vpop (erf)  }
0xa2: {  	v36 =	vadd.f32 v12, v36;
	v28 =	vpop (erf)  }
0xa3: {  	v32 =	vmul.f32 v28, v32  }
0xa4: {  	vm4 =	vgt.f32 v20, $0.0e+00;
	v36 =	vadd.f32 v8, v36  }
0xa5: {  	vm8 =	vgt.f32 v9, v7;
	v20 =	vnsel vm4, $0x0, v32  }
0xa6: {  	v7 =	vsel vm8, v9, v7;
	v63 =	vadd.f32 v10, v36;
	v62 =	vmul.f32 $1.442695020e+00, v20  }
0xa7: {  	v13 =	vld [tilespmem:$0x13D0];
	vm9 =	vgt.f32 v48, v7  }
0xa8: {  	v14 =	vld [tilespmem:$0x1450];
	v7 =	vsel vm9, v48, v7;
	v51 =	vmax.f32 v63, $1.000000000e+00;
	(erf) = vpow2.f32 v62  }
0xa9: {  	v52 =	vld [tilespmem:$0x1300];
	vm10 =	vgt.f32 v49, v7;
	(erf) = vrcp.f32 v51  }
0xaa: {  	v7 =	vsel vm10, v49, v7;
	v53 =	vsel vm8, $0x1, v0  }
0xab: {  	vm12 =	vgt.f32 v50, v7;
	v9 =	vsel vm9, $0x2, v53  }
0xac: {  	vm8 =	vmneg vm12;
	v7 =	vsel vm10, $0x3, v9  }
0xad: {  	v47 =	vadd.f32 v14, v13;
	v54 =	vnsel vm8, $0x4, v7;
	vm8 =	vmand vm10, vm8;
	v7 =	vld [tilespmem:$0x14D0]  }
0xae: {  	v45 =	vld [tilespmem:$0x12C0];
	v46 =	vmul.f32 v30, v52;
	vm13 =	veq.s32 v54, $0x2;
	v55 =	vsel vm8, $0x40200000, v1  }
0xaf: {  	v9 =	vld [tilespmem:$0x1550];
	vm14 =	veq.s32 v54, $0x1;
	v56 =	vsel vm13, $0x40000000, v55;
	vm13 =	vgt.f32 v18, v17  }
0xb0: {  	vm15 =	veq.s32 v54, $0x0;
	v11 =	vsel vm14, $0x3F800000, v56;
	v17 =	vsel vm13, v18, v17  }
0xb1: {  	v48 =	vsel vm15, $0x3DCCCCCD, v11;
	v11 =	vld [tilespmem:$0x15D0];
	vm14 =	vgt.f32 v19, v17;
	v30 =	vpop (erf)  }
0xb2: {  	vm12 =	vgt.f32 v46, $4.000000060e-01;
	v17 =	vsel vm14, v19, v17;
	v57 =	vadd.f32 v7, v47;
	v36 =	vpop (erf)  }
0xb3: {  	vm8 =	vmand vm6, vm12;
	vm15 =	vgt.f32 v33, v17;
	v58 =	vmul.f32 v36, v45  }
0xb4: {  	v17 =	vsel vm15, v33, v17;
	v59 =	vadd.f32 v9, v57;
	vm6 =	vgt.f32 v63, $0.0e+00  }
0xb5: {  	vm12 =	vgt.f32 v35, v17;
	v32 =	vnsel vm6, $0x0, v58  }
0xb6: {  	v61 =	vld [tilespmem:$0x1310];
	v60 =	vsel vm13, $0x1, v0;
	v45 =	vadd.f32 v11, v59;
	v62 =	vmul.f32 $1.442695020e+00, v32  }
0xb7: {  	v47 =	vnsel vm8, $0x0, v2;
	vm8 =	vmneg vm12;
	v63 =	vsel vm14, $0x2, v60  }
0xb8: {  	v18 =	vld [tilespmem:$0x1460];
	v49 =	vsel vm15, $0x3, v63;
	v46 =	vmax.f32 v45, $1.000000000e+00;
	(erf) = vpow2.f32 v62  }
0xb9: {  	vm9 =	vgt.f32 v40, v39;
	v17 =	vld [tilespmem:$0x13E0];
	v19 =	vnsel vm8, $0x4, v49;
	(erf) = vrcp.f32 v46  }
0xba: {  	v50 =	vmul.f32 v47, v38;
	vm8 =	vmand vm15, vm8;
	vm13 =	veq.s32 v19, $0x2  }
0xbb: {  	vm14 =	veq.s32 v19, $0x1;
	vm15 =	veq.s32 v19, $0x0;
	v19 =	vld [tilespmem:$0x14E0];
	v51 =	vmul.f32 v42, v61  }
0xbc: {  	v53 =	vld [tilespmem:$0x12D0];
	v39 =	vsel vm9, v40, v39;
	v33 =	vmul.f32 v50, v41;
	v52 =	vsel vm8, $0x40200000, v1  }
0xbd: {  	v50 =	vld [tilespmem:$0x1330];
	v38 =	vsel vm13, $0x40000000, v52;
	vm13 =	vgt.f32 v21, v39;
	vm12 =	vgt.f32 v51, $4.000000060e-01  }
0xbe: {  	v56 =	vadd.f32 v18, v17;
	v54 =	vsel vm13, v21, v39;
	v21 =	vld [tilespmem:$0x1560];
	vm7 =	vmand vm7, vm12  }
0xbf: {  	v38 =	vsel vm14, $0x3F800000, v38;
	v55 =	vsel vm7, $0x3F800000, v3  }
0xc0: {  	vm14 =	vgt.f32 v22, v54;
	v41 =	vadd.f32 v19, v56;
	v56 =	vld [tilespmem:$0x1340];
	v57 =	vmul.f32 v55, v43  }
0xc1: {  	v33 =	vmul.f32 v48, v33;
	v58 =	vsel vm14, v22, v54;
	v22 =	vld [tilespmem:$0x15E0];
	v35 =	vpop (erf)  }
0xc2: {  	v60 =	vld [tilespmem:$0x1320];
	v28 =	vmul.f32 v28, v50;
	v38 =	vsel vm15, $0x3DCCCCCD, v38;
	v42 =	vmul.f32 v57, v44;
	v43 =	vpop (erf)  }
0xc3: {  	v41 =	vadd.f32 v21, v41;
	v39 =	vadd.f32 v55, v47;
	v40 =	vmul.f32 v43, v53  }
0xc4: {  	v38 =	vmul.f32 v38, v42;
	v59 =	vsel vm9, $0x1, v0;
	vm7 =	vgt.f32 v45, $0.0e+00  }
0xc5: {  	v61 =	vsel vm13, $0x2, v59;
	v62 =	vadd.f32 $0.0e+00, v33;
	v33 =	vnsel vm7, $0x0, v40  }
0xc6: {  	v59 =	vmul.f32 v36, v56;
	v41 =	vadd.f32 v22, v41;
	v40 =	vmul.f32 $1.442695020e+00, v33  }
0xc7: {  	v63 =	vsel vm14, $0x3, v61;
	vm15 =	vgt.f32 v31, v58;
	v31 =	vmul.f32 v37, v60  }
0xc8: {  	vm9 =	vmneg vm15;
	v45 =	vmax.f32 v41, $1.000000000e+00;
	(erf) = vpow2.f32 v40  }
0xc9: {  	v42 =	vnsel vm9, $0x4, v63;
	vm8 =	vmand vm14, vm9;
	(erf) = vrcp.f32 v45  }
0xca: {  	vm13 =	vgt.f32 v31, $4.000000060e-01;
	vm14 =	vgt.f32 v27, v26;
	v31 =	vld [tilespmem:$0x13F0];
	vm12 =	veq.s32 v42, $0x2  }
0xcb: {  	v46 =	vsel vm8, $0x40200000, v1;
	vm5 =	vmand vm5, vm13;
	v27 =	vsel vm14, v27, v26;
	v26 =	vld [tilespmem:$0x1470]  }
0xcc: {  	vm15 =	veq.s32 v42, $0x1;
	v49 =	vsel vm5, $0x3F800000, v3;
	vm5 =	vgt.f32 v25, v27  }
0xcd: {  	v52 =	vsel vm14, $0x1, v0;
	vm14 =	vgt.f32 v28, $4.000000060e-01;
	v27 =	vsel vm5, v25, v27;
	v25 =	vld [tilespmem:$0x14F0]  }
0xce: {  	v51 =	vld [tilespmem:$0x12E0];
	v38 =	vadd.f32 v38, v62;
	v48 =	vsel vm12, $0x40000000, v46;
	vm13 =	vgt.f32 v23, v27  }
0xcf: {  	vm12 =	veq.s32 v42, $0x0;
	v29 =	vmul.f32 v49, v29;
	v27 =	vsel vm13, v23, v27;
	v23 =	vld [tilespmem:$0x1570]  }
0xd0: {  	vm4 =	vmand vm4, vm14;
	v37 =	vsel vm15, $0x3F800000, v48;
	v53 =	vadd.f32 v26, v31  }
0xd1: {  	v29 =	vmul.f32 v29, v34;
	v34 =	vsel vm5, $0x2, v52;
	vm5 =	vgt.f32 v24, v27;
	v24 =	vld [tilespmem:$0x15F0];
	v40 =	vpop (erf)  }
0xd2: {  	v39 =	vadd.f32 v49, v39;
	vm5 =	vmneg vm5;
	v27 =	vadd.f32 v25, v53;
	v54 =	vpop (erf)  }
0xd3: {  	v34 =	vsel vm13, $0x3, v34;
	vm8 =	vmand vm13, vm5;
	v42 =	vmul.f32 v54, v51  }
0xd4: {  	v34 =	vnsel vm5, $0x4, v34;
	vm5 =	vgt.f32 v41, $0.0e+00;
	v27 =	vadd.f32 v23, v27  }
0xd5: {  	v57 =	vsel vm4, $0x3F800000, v3;
	vm4 =	vgt.f32 v16, v15;
	v41 =	vnsel vm5, $0x0, v42  }
0xd6: {  	v15 =	vsel vm4, v16, v15;
	v27 =	vadd.f32 v24, v27;
	v42 =	vmul.f32 $1.442695020e+00, v41  }
0xd7: {  	v61 =	vld [tilespmem:$0x1350];
	v37 =	vsel vm12, $0x3DCCCCCD, v37;
	v20 =	vmul.f32 v57, v20;
	vm14 =	vgt.f32 v12, v15  }
0xd8: {  	v46 =	vadd.f32 v57, v39;
	v58 =	vmax.f32 v27, $1.000000000e+00;
	(erf) = vpow2.f32 v42  }
0xd9: {  	v52 =	vsel vm4, $0x1, v0;
	v12 =	vsel vm14, v12, v15;
	(erf) = vrcp.f32 v58  }
0xda: {  	v20 =	vmul.f32 v20, v30;
	v16 =	vsel vm14, $0x2, v52;
	v55 =	vsel vm8, $0x40200000, v1  }
0xdb: {  	vm15 =	veq.s32 v34, $0x0;
	vm12 =	veq.s32 v34, $0x2;
	vm13 =	veq.s32 v34, $0x1  }
0xdc: {  	v63 =	vld [tilespmem:$0x1360];
	vm8 =	vgt.f32 v14, v13;
	v49 =	vmul.f32 v43, v61;
	v45 =	vsel vm12, $0x40000000, v55  }
0xdd: {  	v13 =	vsel vm8, v14, v13;
	v61 =	vsel vm8, $0x1, v0;
	v60 =	vsel vm13, $0x3F800000, v45  }
0xde: {  	v47 =	vld [tilespmem:$0x1370];
	vm4 =	vgt.f32 v49, $4.000000060e-01;
	v62 =	vsel vm15, $0x3DCCCCCD, v60;
	vm15 =	vgt.f32 v59, $4.000000060e-01  }
0xdf: {  	vm4 =	vmand vm7, vm4;
	vm9 =	vmand vm6, vm15;
	vm6 =	vgt.f32 v8, v12  }
0xe0: {  	v55 =	vsel vm4, $0x3F800000, v3;
	vm4 =	vgt.f32 v27, $0.0e+00;
	v8 =	vsel vm6, v8, v12  }
0xe1: {  	v45 =	vsel vm9, $0x3F800000, v3;
	v16 =	vsel vm6, $0x3, v16;
	v51 =	vmul.f32 v54, v63;
	v53 =	vpop (erf)  }
0xe2: {  	vm12 =	vgt.f32 v10, v8;
	v8 =	vmul.f32 v62, v20;
	v10 =	vadd.f32 v45, v46;
	v54 =	vpop (erf)  }
0xe3: {  	v50 =	vmul.f32 v45, v32;
	vm13 =	vgt.f32 v51, $4.000000060e-01;
	v15 =	vmul.f32 v54, v47  }
0xe4: {  	vm14 =	vmneg vm12;
	v10 =	vadd.f32 v55, v10;
	vm5 =	vmand vm5, vm13  }
0xe5: {  	v57 =	vnsel vm14, $0x4, v16;
	v56 =	vsel vm5, $0x3F800000, v3;
	vm15 =	vgt.f32 v15, $4.000000060e-01  }
0xe6: {  	v32 =	vld [tilespmem:$0x1610];
	vm6 =	vmand vm6, vm14;
	v10 =	vadd.f32 v56, v10;
	vm9 =	vmand vm4, vm15  }
0xe7: {  	v60 =	vmul.f32 v50, v35;
	vm12 =	veq.s32 v57, $0x2;
	v58 =	vsel vm9, $0x3F800000, v3  }
0xe8: {  	v62 =	vld [tilespmem:$0x12F0];
	v59 =	vsel vm6, $0x40200000, v1;
	vm5 =	vgt.f32 v7, v13;
	v10 =	vadd.f32 v58, v10  }
0xe9: {  	vm6 =	vgt.f32 v18, v17;
	v42 =	vmul.f32 v37, v29;
	v7 =	vsel vm5, v7, v13  }
0xea: {  	vm14 =	veq.s32 v57, $0x1;
	v20 =	vsel vm6, v18, v17;
	vm7 =	vgt.f32 v9, v7;
	(xrf2) =	vadd.scan.msk.f32 $0xffff, v10  }
0xeb: {  	v39 =	vmax.f32 v32, $1.000000000e+00;
	v48 =	vadd.f32 v42, v38;
	v7 =	vsel vm7, v9, v7  }
0xec: {  	v29 =	vmul.f32 v55, v33;
	v37 =	vsel vm6, $0x1, v0;
	vm13 =	vgt.f32 v11, v7  }
0xed: {  	v7 =	vadd.f32 v8, v48;
	v8 =	vsel vm12, $0x40000000, v59;
	v11 =	vmul.f32 v54, v62  }
0xee: {  	v9 =	vmul.f32 v29, v40;
	v40 =	vmul.f32 v56, v41;
	v8 =	vsel vm14, $0x3F800000, v8  }
0xef: {  	v33 =	vnsel vm4, $0x0, v11;
	vm15 =	veq.s32 v57, $0x0;
	vm4 =	vgt.f32 v26, v31  }
0xf0: {  	v35 =	vmul.f32 $1.442695020e+00, v33;
	v8 =	vsel vm15, $0x3DCCCCCD, v8;
	v36 =	vsel vm4, v26, v31  }
0xf1: {  	v42 =	vsel vm4, $0x1, v0;
	v8 =	vmul.f32 v8, v60;
	v10 =	vsel vm5, $0x2, v61  }
0xf2: {  	(erf) = vpow2.f32 v35;
	vm5 =	vmneg vm13;
	v10 =	vsel vm7, $0x3, v10  }
0xf3: {  	v7 =	vadd.f32 v8, v7;
	v63 =	vnsel vm5, $0x4, v10;
	vm5 =	vmand vm7, vm5  }
0xf4: {  	vm12 =	veq.s32 v63, $0x0;
	v27 =	vsel vm5, $0x40200000, v1;
	vm5 =	vgt.f32 v19, v20;
	v34, _, _ =	vpop (xrf2)  }
0xf5: {  	vm14 =	veq.s32 v63, $0x2;
	v10 =	vsel vm5, v19, v20;
	v11 =	vbroadcast v34, $0xF  }
0xf6: {  	vm13 =	veq.s32 v63, $0x1;
	v30 =	vsel vm14, $0x40000000, v27;
	vm15 =	vgt.f32 v21, v10  }
0xf7: {  	v12 =	vsel vm13, $0x3F800000, v30;
	v10 =	vsel vm15, v21, v10;
	v38 =	vmax.f32 v11, $1.000000000e+00  }
0xf8: {  	v12 =	vsel vm12, $0x3DCCCCCD, v12;
	vm11 =	vgt.f32 v22, v10;
	(erf) = vrcp.f32 v38  }
0xf9: {  	v8 =	vmul.f32 v12, v9;
	v12 =	vsel vm5, $0x2, v37;
	(erf) = vrcp.f32 v39  }
0xfa: {  	vm12 =	vgt.f32 v25, v36;
	v12 =	vsel vm15, $0x3, v12;
	vm5 =	vmneg vm11  }
0xfb: {  	v9 =	vsel vm12, v25, v36;
	v7 =	vadd.f32 v8, v7;
	v8 =	vnsel vm5, $0x4, v12  }
0xfc: {  	v10 =	vmul.f32 v58, v33;
	vm5 =	vmand vm15, vm5;
	vm13 =	veq.s32 v8, $0x2  }
0xfd: {  	v41 =	vsel vm5, $0x40200000, v1;
	vm5 =	vgt.f32 v23, v9;
	vm14 =	veq.s32 v8, $0x1  }
0xfe: {  	v43 =	vld [tilespmem:$0x1600];
	vm4 =	veq.s32 v8, $0x0;
	v9 =	vsel vm5, v23, v9;
	v14 =	vsel vm13, $0x40000000, v41  }
0xff: {  	v14 =	vsel vm14, $0x3F800000, v14;
	vm15 =	vgt.f32 v24, v9;
	v9 =	vsel vm12, $0x2, v42  }
0x100: {  	v44 =	vpop (erf);
	v8 =	vsel vm4, $0x3DCCCCCD, v14;
	v9 =	vsel vm5, $0x3, v9;
	vm4 =	vmneg vm15  }
0x101: {  	v12 =	vmul.f32 v40, v53;
	v9 =	vnsel vm4, $0x4, v9;
	vm4 =	vmand vm5, vm4;
	v45 =	vpop (erf)  }
0x102: {  	v48 =	vmul.f32 v10, v44;
	vm5 =	veq.s32 v9, $0x2;
	v46 =	vsel vm4, $0x40200000, v1;
	v47 =	vpop (erf)  }
0x103: {  	vm4 =	veq.s32 v9, $0x1;
	v17 =	vsel vm5, $0x40000000, v46;
	v16 =	vmul.f32 v47, v43  }
0x104: {  	v8 =	vmul.f32 v8, v12;
	v17 =	vsel vm4, $0x3F800000, v17;
	vm4 =	veq.s32 v9, $0x0  }
0x105: {  	v49 =	vsel vm4, $0x3DCCCCCD, v17;
	v50 =	vmul.f32 v4, v16  }
0x106: {  	v7 =	vadd.f32 v8, v7;
	v8 =	vmul.f32 v49, v48  }
0x107: {  	v51 =	vmul.f32 v5, v50  }
0x108: {  	vm4 =	vgt.f32 v32, $0.0e+00;
	v7 =	vadd.f32 v8, v7  }
0x109: {  	v8 =	vnsel vm4, $0x0, v51;
	vm4 =	veq.s32 v6, $0xF  }
0x10a: {  	(xrf2) =	vadd.scan.msk.f32 $0xffff, v7;
	v7 =	vsel vm4, $0x0, v8  }
0x10b: {  	(xrf2) =	vadd.scan.msk.f32 $0xffff, v7;
	v7 =	vnsel vm0, $0x0, v43  }
0x10c: {  	(xrf2) =	vadd.scan.msk.f32 $0xffff, v7;
	v7 =	vnsel vm0, $0x0, v32  }
0x10d: {  	(xrf2) =	vadd.scan.msk.f32 $0xffff, v7;
	v7 =	vsel vm1, $0x0, v43  }
0x10e: {  	(xrf2) =	vadd.scan.msk.f32 $0xffff, v7;
	v7 =	vsel vm1, $0x0, v32  }
0x10f: {  	(xrf2) =	vadd.scan.msk.f32 $0xffff, v7;
	v7 =	vsel vm2, $0x0, v43  }
0x110: {  	(xrf2) =	vadd.scan.msk.f32 $0xffff, v7;
	v7 =	vsel vm2, $0x0, v32  }
0x111: {  	(xrf2) =	vadd.scan.msk.f32 $0xffff, v7;
	_ =	sdelay $0x2  }
0x112: {  	v7, _, _ =	vpop (xrf2)  }
0x113: {  	v8, _, _ =	vpop (xrf2)  }
0x114: {  	v52, _, _ =	vpop (xrf2)  }
0x115: {  	v53, _, _ =	vpop (xrf2)  }
0x116: {  	v54, _, _ =	vpop (xrf2);
	v10 =	vbroadcast v53, $0xF  }
0x117: {  	v55, _, _ =	vpop (xrf2)  }
0x118: {  	v56, _, _ =	vpop (xrf2);
	v57 =	vmax.f32 v10, $1.000000000e+00;
	v14 =	vbroadcast v55, $0xF  }
0x119: {  	(erf) = vrcp.f32 v57;
	v58, _, _ =	vpop (xrf2)  }
0x11a: {  	v59 =	vmax.f32 v14, $1.000000000e+00;
	v16 =	vbroadcast v58, $0xF  }
0x11b: {  	(erf) = vrcp.f32 v59  }
0x11c: {  	v60 =	vmax.f32 v16, $1.000000000e+00  }
0x11d: {  	(erf) = vrcp.f32 v60;
	_ =	sdelay $0x3  }
0x11e: {  	v9 =	vbroadcast v52, $0xF  }
0x11f: {  	v61 =	vpop (erf)  }
0x120: {  	v13 =	vbroadcast v54, $0xF;
	v9 =	vmul.f32 v61, v9  }
0x121: {  	v62 =	vpop (erf)  }
0x122: {  	v15 =	vbroadcast v56, $0xF;
	v13 =	vmul.f32 v62, v13;
	v9 =	vadd.f32 $0.0e+00, v9  }
0x123: {  	vm4 =	vgt.f32 v10, $0.0e+00;
	vm5 =	vgt.f32 v14, $0.0e+00;
	v63 =	vpop (erf)  }
0x124: {  	v10 =	vmul.f32 v63, v15;
	v9 =	vnsel vm4, $0x0, v9;
	v13 =	vnsel vm5, $0x0, v13  }
0x125: {  	vm4 =	vgt.f32 v16, $0.0e+00;
	v9 =	vadd.f32 v9, v13  }
0x126: {  	v7 =	vbroadcast v7, $0xF;
	v10 =	vnsel vm4, $0x0, v10  }
0x127: {  	v8 =	vbroadcast v8, $0xF;
	v9 =	vadd.f32 v9, v10  }
0x128: {  	v7 =	vmul.f32 v7, v45  }
0x129: {  	vm4 =	vgt.f32 v11, $0.0e+00;
	v8 =	vadd.f32 v9, v8  }
0x12a: {  	v7 =	vnsel vm4, $0x0, v7  }
0x12b: {  	v7 =	vadd.f32 v7, v8;
	_ =	sdelay $0x1  }
0x12c: {  	v7 =	vnsel vm3, $0x0, v7  }
0x12d: {  	s30 =	rddreg [dreg:$0x1];
	s5 =	simm.s32 $0x1680;
	[tilespmem:$0x1680] =	vst v7  }
0x12e: {  	[hbm4b:s30+s22] =	stream.linear.scatter [tilespmem:s5], [sflag:$0x1], $0x80, $0x38;
	[tilespmem:$0x1700] =	vst v63  }
0x12f: {  	_ =	swait.ge [sflag:s1], $0x80  }
0x130: {  	s0 =	sadd.s32 $0x1, s0;
	s31 =	rddreg [dreg:$0x3]  }
0x131: {  	p0 =	sne.s32 s0, s31  }
.Ltmp2:
0x132: {  	_ = 	snop;
	(pc) =	sbr.rel @p0 .LBB2_2-.Ltmp2, $3  }
0x133: {  	_ =	sdelay $0x1  }
0x134: {  	[sflag:s1] =	ssyncset.done $0x0  }
0x135: {  	[sflag:s1] =	ssyncadd.s32 $0xFFFFFF80  }
.LBB2_5:
0x136: {  	_ =	sfence.sel $0x180000  }
0x137: {  	[bflag:$0x0] =	sbarrier.arrive $0xFFFF  }
0x138: {  	_ =	strace $0x9000004D  }
0x139: {  	s0 =	stileid.u32;
	[bflag:$0x2] =	sbarrier.arrive $0xFFFF  }
0x13a: {  	p0 =	sne.s32 s0, $0x0;
	s0 =	rddreg [dreg:$0x2]  }
0x13b: {  	s0 =	sadd.s32 @!p0 $0x100000, s0  }
0x13c: {  	[sflag:s0] =	ssyncadd.tile.s32 @!p0 $0x1;
	_ =	shalt  }
.Lfunc_end2:
_tile_overlayer_lowered:
.L_overlay_start_2:
0x13d: {  	(tag) =	ssettag $0x2  }
0x13e: {  	s0 =	rddreg [dreg:$0x0];
	s2 =	stileid.u32  }
0x13f: {  	s1 =	rddreg [dreg:$0x1];
	p0 =	sne.s32 s2, $0x0  }
0x140: {  	s3 =	rddreg [dreg:$0x2];
	[bflag:$0x3] =	sbarrier.arrive $0xFFFF;
	s2 =	simm.s32 @!p0 $0x1C01  }
0x141: {  	[timem:s3], [sflag:s2] =	dma.local @!p0 [hbm:s0], s1  }
0x142: {  	s0 =	simm.s32 @!p0 $0x1  }
0x143: {  	_ =	swait.ge @!p0 [sflag:s0], s1  }
0x144: {  	s1 =	ssub.s32 @!p0 $0x0, s1;
	[sflag:s0] =	ssyncset.done @!p0 $0x0  }
0x145: {  	[sflag:s0] =	ssyncadd.s32 @!p0 s1  }
0x146: {  	[bflag:$0x3] =	sbarrier.arrive $0xFFFF  }
0x147: {  	_ =	shalt  }

// kernel: kernel.5.cloned.1.call-start
scs
__scs_entry_jumppad:
0x0: {  	(pc) =	sbr.rel $0x88, $3  }
0x1: {  	(tag) =	ssettag $0x0;
	lr =	simm.s32 $0x1  }
0x2: {  	[smem:$0x3F9D] =	sst lr;
	_ =	strace $0xD0000000  }
0x3: {  	_ = 	snop  }
0x4: {  	_ = 	snop  }
0x5: {  	_ = 	snop  }
0x6: {  	_ = 	snop  }
0x7: {  	_ = 	snop  }
__scs_overlays_trampoline_lowered:
0x8: {  	[smem:$0x3FAC] =	sst s0  }
0x9: {  	[smem:$0x3FAD] =	sst s1  }
0xa: {  	[smem:$0x3FAE] =	sst s2  }
0xb: {  	[smem:$0x3FAF] =	sst s3  }
0xc: {  	[smem:$0x3FB0] =	sst s4  }
0xd: {  	[smem:$0x3FB1] =	sst s5  }
0xe: {  	[smem:$0x3FB2] =	sst s6  }
0xf: {  	[smem:$0x3FB3] =	sst s7  }
0x10: {  	[smem:$0x3FB4] =	sst s8  }
0x11: {  	[smem:$0x3FB5] =	sst s9;
	s0 =	simm.s32 @!p0 $0x0  }
0x12: {  	s1 =	sld [smem:$0x3F9B];
	s0 =	simm.s32 @p0 $0x1  }
0x13: {  	[smem:$0x3FB6] =	sst s0;
	s0 =	simm.s32 @!p1 $0x0  }
0x14: {  	s2 =	sld [smem:$0x3F9A];
	s0 =	simm.s32 @p1 $0x1  }
0x15: {  	[smem:$0x3FB7] =	sst s0;
	s0 =	simm.s32 @!p2 $0x0  }
0x16: {  	s3 =	sld [smem:$0x3FDB];
	s0 =	simm.s32 @p2 $0x1  }
0x17: {  	s4 =	simm.s32 $0x1BF5;
	[smem:$0x3FB9] =	sst s0  }
0x18: {  	s0 =	sld [smem:$0x3F9C];
	_ =	swait.ge [sflag:s4], $0x0  }
0x19: {  	s7 =	sld [smem:$0x3F9D]  }
0x1a: {  	s8 =	sadd.s32 $0xFFFFE003, lr  }
0x1b: {  	s9 =	sadd.s32 $0xFFFFFEF7, lr;
	s5 =	simm.s32 $0xFFFFFFFF;
	p2 =	slt.u32 s8, $0xFFFFF086  }
0x1c: {  	p1 =	slt.u32 s9, $0xF7A;
	s5 =	simm.s32 @!p2 $0x0  }
0x1d: {  	s5 =	simm.s32 @p1 $0x1;
	p0 =	seq.s32 s7, s2  }
0x1e: {  	s7 =	smul.u32 @!p0 $0xF7A, s2;
	p2 =	seq.s32 @!p0 s5, $0x0  }
0x1f: {  	s9 =	smul.u32 $0xF7A, s1;
	s8 =	simm.s32 @!p0 $0x1BF5;
	p2 =	por !p2, p0  }
0x20: {  	[sflag:s8] =	ssyncset.s32 @!p0 $0xFFFFF086;
	s6 =	sadd.s32 @!p0 s3, s7;
	s7 =	simm.s32 @!p0 $0x108  }
0x21: {  	s3 =	sadd.s32 s3, s9;
	s6 =	sadd.s32 @!p0 $0x88, s6;
	s7 =	simm.s32 @p2 $0x1082  }
0x22: {  	[simem:s7], [sflag:s8] =	dma.local @!p0 [hbm:s6], $0xF7A  }
0x23: {  	s9 =	sor.u32 $0xD0000000, s2;
	s6 =	simm.s32 $0x108;
	_ =	swait.ge @!p0 [sflag:s8], $0x0  }
0x24: {  	s3 =	sadd.s32 $0x88, s3;
	s6 =	simm.s32 @!p1 $0x1082;
	[sflag:s4] =	ssyncset.s32 $0xFFFFF086  }
0x25: {  	[simem:s6], [sflag:s4] =	dma.local [hbm:s3], $0xF7A  }
0x26: {  	[smem:$0x3F9D] =	sst s1;
	(tag) =	ssettag s2;
	_ =	strace s9  }
0x27: {  	s1 =	sld [smem:$0x3FAD]  }
0x28: {  	s2 =	sld [smem:$0x3FAE]  }
0x29: {  	s4 =	sld [smem:$0x3FB0]  }
0x2a: {  	p0 =	seq.s32 s5, $0x0;
	s5 =	sld [smem:$0x3FB1]  }
0x2b: {  	s6 =	sld [smem:$0x3FB2]  }
0x2c: {  	s7 =	sld [smem:$0x3FB3]  }
0x2d: {  	s3 =	simm.s32 $0x108;
	s8 =	sld [smem:$0x3FB4]  }
0x2e: {  	s3 =	simm.s32 @!p0 $0x1082;
	s9 =	sld [smem:$0x3FB5]  }
0x2f: {  	lr =	sadd.s32 s0, s3;
	s0 =	sld [smem:$0x3FAC]  }
0x30: {  	s3 =	sld [smem:$0x3FAF]  }
0x31: {  	[smem:$0x3FB8] =	sst s10  }
0x32: {  	s10 =	sld [smem:$0x3FB6];
	_ =	sdelay $0x3  }
0x33: {  	p0 =	seq.s32 s10, $0x1;
	s10 =	sld [smem:$0x3FB8];
	_ =	sdelay $0x3  }
0x34: {  	[smem:$0x3FB8] =	sst s10  }
0x35: {  	s10 =	sld [smem:$0x3FB7];
	_ =	sdelay $0x3  }
0x36: {  	p1 =	seq.s32 s10, $0x1;
	s10 =	sld [smem:$0x3FB8];
	_ =	sdelay $0x3  }
0x37: {  	[smem:$0x3FB8] =	sst s10  }
0x38: {  	s10 =	sld [smem:$0x3FB9]  }
0x39: {  	_ = 	snop;
	(pc) =	sbr.ind lr, $3  }
0x3a: {  	_ = 	snop  }
0x3b: {  	_ = 	snop  }
0x3c: {  	p2 =	seq.s32 s10, $0x1;
	s10 =	sld [smem:$0x3FB8]  }
0x3d: {  	_ =	shalt  }
0x3e: {  	_ =	shalt  }
0x3f: {  	_ =	shalt  }
0x40: {  	_ =	shalt  }
0x41: {  	_ =	shalt  }
0x42: {  	_ =	shalt  }
0x43: {  	_ =	shalt  }
0x44: {  	_ =	shalt  }
0x45: {  	_ =	shalt  }
0x46: {  	_ =	shalt  }
0x47: {  	_ =	shalt  }
0x48: {  	_ =	shalt  }
0x49: {  	_ =	shalt  }
0x4a: {  	_ =	shalt  }
0x4b: {  	_ =	shalt  }
0x4c: {  	_ =	shalt  }
0x4d: {  	_ =	shalt  }
0x4e: {  	_ =	shalt  }
0x4f: {  	_ =	shalt  }
0x50: {  	_ =	shalt  }
0x51: {  	_ =	shalt  }
0x52: {  	_ =	shalt  }
0x53: {  	_ =	shalt  }
0x54: {  	_ =	shalt  }
0x55: {  	_ =	shalt  }
0x56: {  	_ =	shalt  }
0x57: {  	_ =	shalt  }
0x58: {  	_ =	shalt  }
0x59: {  	_ =	shalt  }
0x5a: {  	_ =	shalt  }
0x5b: {  	_ =	shalt  }
0x5c: {  	_ =	shalt  }
0x5d: {  	_ =	shalt  }
0x5e: {  	_ =	shalt  }
0x5f: {  	_ =	shalt  }
0x60: {  	_ =	shalt  }
0x61: {  	_ =	shalt  }
0x62: {  	_ =	shalt  }
0x63: {  	_ =	shalt  }
0x64: {  	_ =	shalt  }
0x65: {  	_ =	shalt  }
0x66: {  	_ =	shalt  }
0x67: {  	_ =	shalt  }
0x68: {  	_ =	shalt  }
0x69: {  	_ =	shalt  }
0x6a: {  	_ =	shalt  }
0x6b: {  	_ =	shalt  }
0x6c: {  	_ =	shalt  }
0x6d: {  	_ =	shalt  }
0x6e: {  	_ =	shalt  }
0x6f: {  	_ =	shalt  }
0x70: {  	_ =	shalt  }
0x71: {  	_ =	shalt  }
0x72: {  	_ =	shalt  }
0x73: {  	_ =	shalt  }
0x74: {  	_ =	shalt  }
0x75: {  	_ =	shalt  }
0x76: {  	_ =	shalt  }
0x77: {  	_ =	shalt  }
0x78: {  	_ =	shalt  }
0x79: {  	_ =	shalt  }
0x7a: {  	_ =	shalt  }
0x7b: {  	_ =	shalt  }
0x7c: {  	_ =	shalt  }
0x7d: {  	_ =	shalt  }
0x7e: {  	_ =	shalt  }
0x7f: {  	_ =	shalt  }
0x80: {  	_ =	shalt  }
0x81: {  	_ =	shalt  }
0x82: {  	_ =	shalt  }
0x83: {  	_ =	shalt  }
0x84: {  	_ =	shalt  }
0x85: {  	_ =	shalt  }
0x86: {  	_ =	shalt  }
0x87: {  	_ =	shalt  }
.Lfunc_end0:
.L_simem_size_0:
called_computation_lowered:
.L_overlay_start_0:
0x88: {  	s2 =	sld [smem:$0x3FD9]  }
0x89: {  	s3 =	sld [smem:$0x3FFE];
	_ =	sdelay $0x1  }
0x8a: {  	s1 =	srdreg.scid  }
0x8b: {  	s0 =	sand.u32 $0x1, s1  }
0x8c: {  	s17 =	sshll.u32 s0, $0xA;
	s2 =	sadd.s32 s3, s2  }
0x8d: {  	s2 =	sadd.s32 s2, s17  }
0x8e: {  	[smem:$0x3FC4] =	sst s2  }
0x8f: {  	_ = 	snop  }
0x90: {  	s18 =	sld [smem:$0x3FC7]  }
0x91: {  	s4 =	sld [smem:$0x3FC6];
	(tm) =	ssettm $0x1  }
0x92: {  	s19 =	sld [smem:$0x3FFB];
	_ =	sdelay $0x3  }
0x93: {  	_ =	strace s19  }
0x94: {  	s2 =	sld [smem:$0x3FFC];
	_ =	sdelay $0x3  }
0x95: {  	_ =	strace s2  }
0x96: {  	s2 =	sld [smem:$0x3FFD];
	_ =	sdelay $0x3  }
0x97: {  	_ =	strace s2  }
0x98: {  	_ =	strace $0x8FFFFFFF  }
0x99: {  	s20 =	sld [smem:$0x3FDB];
	_ =	sdelay $0x1  }
0x9a: {  	s5 =	simm.s32 $_scs_section_size  }
0x9b: {  	s6 =	simm.s32 $_size__tile_overlayer_lowered;
	s7 =	simm.s32 $_tile_overlayer_lowered  }
0x9c: {  	s8 =	simm.s32 $0x1BFF;
	s21 =	sshll.u32 s7, $0x1;
	s5 =	sadd.s32 s5, s20  }
0x9d: {  	s22 =	simm.s32 $0x0;
	s6 =	sshll.u32 s6, $0x1;
	s7 =	sadd.s32 s21, s5  }
0x9e: {  	[timem:s22], [sflag:s8] =	dma.local [hbm:s7], s6  }
0x9f: {  	_ =	swait.ge [sflag:s8], s6  }
0xa0: {  	s6 =	ssub.s32 $0x0, s6;
	[sflag:s8] =	ssyncset.done $0x0  }
0xa1: {  	[sflag:s8] =	ssyncadd.s32 s6;
	_ =	sdelay $0x1  }
0xa2: {  	s23 =	simm.s32 $0x1B8B  }
0xa3: {  	_ =	swait.ge [sflag:s23], $0x1  }
0xa4: {  	[sflag:s23] =	ssyncset.done $0x0  }
0xa5: {  	[sflag:s23] =	ssyncadd.s32 $0xFFFFFFFF  }
0xa6: {  	s6 =	sld [smem:$0x0]  }
0xa7: {  	s7 =	sand.u32 $0xFFFFFFFE, s1  }
0xa8: {  	p0 =	sne.s32 s1, s7  }
0xa9: {  	s7 =	sshll.u32 @p0 s7, $0xE  }
0xaa: {  	s7 =	sadd.s32 @p0 $0x11B8D, s7;
	s8 =	sshll.u32 @p0 s6, $0x11  }
0xab: {  	s7 =	sor.u32 @p0 s8, s7  }
0xac: {  	[sflag:s7] =	ssyncadd.remote.s32 @p0 $0x1;
	_ =	sdelay $0x1  }
0xad: {  	s7 =	simm.s32 @p0 $0x1B8D  }
0xae: {  	_ =	swait.eq @p0 [sflag:s7], $0x1  }
0xaf: {  	[sflag:s7] =	ssyncadd.s32 @p0 $0xFFFFFFFF  }
0xb0: {  	s8 =	sshll.u32 @!p0 s1, $0xE  }
0xb1: {  	s8 =	sor.u32 @!p0 $0x4000, s8;
	s7 =	simm.s32 @!p0 $0x1B8D  }
0xb2: {  	s6 =	sshll.u32 @!p0 s6, $0x11;
	s8 =	sadd.s32 @!p0 $0x11B8D, s8;
	_ =	swait.eq @!p0 [sflag:s7], $0x1  }
0xb3: {  	s6 =	sor.u32 @!p0 s6, s8;
	[sflag:s7] =	ssyncadd.s32 @!p0 $0xFFFFFFFF  }
0xb4: {  	s25 =	simm.s32 $0x1B8E;
	s24 =	sld [smem:$0x3FFE];
	[sflag:s6] =	ssyncadd.remote.s32 @!p0 $0x1  }
0xb5: {  	s26 =	simm.s32 $execute0_lowered;
	[smem:$0x3FD2] =	sst s25  }
0xb6: {  	s7 =	sshll.u32 s26, $0x1;
	_ =	strace $0x80000049;
	[dreg:$0x1] =	wrdreg $0xFFFFFFFF  }
0xb7: {  	s28 =	simm.s32 $_size_execute0_lowered;
	s5 =	sadd.s32 s5, s7;
	[dreg:$0x0] =	wrdreg $0x0  }
0xb8: {  	s7 =	sshll.u32 s28, $0x1;
	[dreg:$0x2] =	wrdreg s5  }
0xb9: {  	[dreg:$0x3] =	wrdreg s7  }
0xba: {  	[dreg:$0x4] =	wrdreg $0xC0  }
0xbb: {  	_ =	task [dreg:s22], $0x5FFFF  }
0xbc: {  	[dreg:$0x1] =	wrdreg $0xFFFFFFFF  }
0xbd: {  	[dreg:$0x0] =	wrdreg $0x60  }
0xbe: {  	[dreg:$0x2] =	wrdreg s18  }
0xbf: {  	[dreg:$0x3] =	wrdreg s4  }
0xc0: {  	[dreg:$0x4] =	wrdreg s24  }
0xc1: {  	[dreg:$0x5] =	wrdreg $0x78000  }
0xc2: {  	[dreg:$0x6] =	wrdreg $0x9  }
0xc3: {  	_ =	task.clear_ibuf [dreg:s22], $0x7FFFF;
	_ =	strace $0x90000049  }
0xc4: {  	s29 =	simm.s32 $0x9;
	_ =	strace $0x8000004B  }
0xc5: {  	_ =	swait.ge [sflag:s29], $0x1  }
0xc6: {  	[sflag:s29] =	ssyncadd.s32 $0xFFFFFFFF  }
0xc7: {  	_ =	strace $0x9000004B  }
0xc8: {  	_ =	sfence  }
0xc9: {  	s30 =	sld [smem:$0x0];
	_ =	sdelay $0x2  }
0xca: {  	s31 =	sshll.u32 s1, $0xD;
	s1 =	sshrl.u32 s1, $0x2  }
0xcb: {  	s4 =	sand.u32 $0x4000, s31;
	s1 =	sadd.s32 s1, s30  }
0xcc: {  	s0 =	sor.u32 s4, s0;
	s1 =	sshll.u32 s1, $0x11  }
0xcd: {  	s0 =	sor.u32 s1, s0  }
0xce: {  	s0 =	sadd.s32 $0x8F2B, s0  }
0xcf: {  	[sflag:s0] =	ssyncadd.remote.s32 $0x1  }
0xd0: {  	_ =	sfence.sel $0xFFFF  }
0xd1: {  	[dreg:$0x0] =	wrdreg $0xFFFFFFFF;
	(pc) =	sbr.abs _section_cstart, $3  }
0xd2: {  	[dreg:$0x1] =	wrdreg $0xFFFFFFFF  }
0xd3: {  	_ =	task.clear_ibuf [dreg:s22], $0x2FFFF;
	_ =	strace $0x9FFFFFFF  }
0xd4: {  	(tm) =	ssettm $0x7FFFFFFF  }
0xd5: {  	_ =	shalt  }
tec
execute0_lowered:
.L_overlay_start_1:
0x0: {  	(tag) =	ssettag $0x1  }
0x1: {  	s5 =	rddreg [dreg:$0x0]  }
0x2: {  	s6 =	rddreg [dreg:$0x1]  }
0x3: {  	s3 =	rddreg [dreg:$0x2]  }
0x4: {  	s1 =	rddreg [dreg:$0x3]  }
0x5: {  	s0 =	rddreg [dreg:$0x4]  }
0x6: {  	s4 =	srdreg.scid;
	s11 =	stileid.u32;
	s2 =	simm.s32 $0x0  }
0x7: {  	s13 =	simm.s32 $0x80;
	s14 =	simm.s32 $0x100;
	s4 =	sand.u32 $0x1, s4  }
0x8: {  	s7 =	sshll.u32 s11, $0x1;
	[smem:$0x7FF] =	sst s2;
	s31 =	smul.u32 $0x1080, s11  }
0x9: {  	p1 =	sne.s32 s11, $0x0;
	s11 =	simm.s32 $0x7380;
	s8 =	ssub.s32 $0x2, s4  }
0xa: {  	s7 =	sor.u32 s4, s7;
	s4 =	sshll.u32 s4, $0x4;
	_ =	strace $0x8000004A  }
0xb: {  	v0 =	vlaneseq.u32;
	s9 =	sshrl.u32 s8, $0x1;
	s10 =	smul.u32 $0x30E, s7;
	s12 =	sadd.s32 s4, s3  }
.Ltmp0:
0xc: {  	v6 =	vmul.u32 $0x421, v0;
	p0 =	seq.s32 s7, $0x1F;
	s7 =	sshrl.u32 s31, $0x2;
	(pc) =	sbr.rel .LBB2_1-.Ltmp0, $4  }
0xd: {  	s9 =	ssub.s32 s8, s9;
	s8 =	simm.s32 $0x17B0;
	s7 =	sadd.s32 s7, s1  }
0xe: {  	v7 =	vimm.f32 $1.000000000e+00;
	v1 =	vmul.u32 $0xFFFFFFFF, v0;
	v2 =	vadd.s32 $0x380, v6;
	s3 =	sadd.s32 s5, s10;
	s4 =	sadd.s32 s6, s10;
	s5 =	sadd.s32 $0x5EB2, s5  }
0xf: {  	v3 =	vadd.s32 $0x300, v6;
	v4 =	vadd.s32 $0x280, v6;
	v5 =	vadd.s32 $0x200, v6;
	s6 =	sadd.s32 $0x5EB2, s6;
	s8 =	simm.s32 @!p0 $0x1870;
	s9 =	smax.u32 s9, $0x1  }
0x10: {  	v6 =	vadd.s32 $0x180, v6;
	s10 =	simm.s32 $0x3100;
	v0 =	vadd.s32 s8, v1;
	s8 =	sadd.s32 $0x24E00, s12;
	v1 =	vimm.f32 $0.0e+00;
	s12 =	simm.s32 $0x1  }
.LBB2_12:
0x11: {  	v11 =	vadd.f32 v11, v17;
	_ =	sdelay $0x1  }
0x12: {  	v59 =	vld [tilespmem:s15+$0x18C0];
	v11 =	vadd.f32 v13, v11  }
0x13: {  	v60 =	vadd.f32 v14, v16  }
0x14: {  	v61 =	vld [tilespmem:s15+$0x1CE0];
	v8 =	vadd.f32 v8, v11  }
0x15: {  	v62 =	vadd.f32 v15, v60  }
0x16: {  	v8 =	vadd.f32 v9, v8  }
0x17: {  	v63 =	vadd.f32 v59, v62  }
0x18: {  	v8 =	vadd.f32 v10, v8  }
0x19: {  	v9 =	vadd.f32 v61, v63  }
0x1a: {  	s31 =	sadd.s32 $0x20, s16;
	v8 =	vadd.f32 v12, v8  }
0x1b: {  	[tilespmem:s31+$0x0] =	vst v9  }
0x1c: {  	[tilespmem:s31+$0xFFFFFFF0] =	vst v8  }
0x1d: {  	[hbm4b:s8+s13] =	stream.strided.scatter [tilespmem:s11], [sflag:$0x1], $0x480, s14, s13, $0x38;
	[tilespmem:$0x7C20] =	vst v63  }
0x1e: {  	_ =	swait.ge [sflag:s12], $0x480  }
0x1f: {  	[sflag:s12] =	ssyncset.done $0x0  }
0x20: {  	[sflag:s12] =	ssyncadd.s32 $0xFFFFFB80  }
.LBB2_13:
0x21: {  	s2 =	sadd.s32 $0x1, s2  }
0x22: {  	p2 =	sne.s32 s2, s9  }
.Ltmp1:
0x23: {  	_ = 	snop;
	(pc) =	sbr.rel @!p2 .LBB2_14-.Ltmp1, $1  }
0x24: {  	_ =	sdelay $0x3  }
.LBB2_1:
0x25: {  	s15 =	simm.s32 @p0 $0x0;
	s16 =	simm.s32 @p0 $0x1  }
0x26: {  	[tilespmem:s15], [sflag:$0x1] =	stream.linear.gather @p0 [hbm4b:s5+s15], $0x17B0, $0x38;
	[tilespmem:$0x7C20] =	vst v63  }
0x27: {  	_ =	swait.ge @p0 [sflag:s16], $0x17B0  }
0x28: {  	[sflag:s16] =	ssyncset.done @p0 $0x0  }
0x29: {  	s17 =	simm.s32 @p0 $0x1880;
	[sflag:s16] =	ssyncadd.s32 @p0 $0xFFFFE850  }
0x2a: {  	[tilespmem:s17], [sflag:$0x1] =	stream.linear.gather @p0 [hbm4b:s6+s15], $0x17B0, $0x38;
	[tilespmem:$0x7C20] =	vst v63  }
0x2b: {  	_ =	swait.ge @p0 [sflag:s16], $0x17B0  }
0x2c: {  	[sflag:s16] =	ssyncset.done @p0 $0x0  }
0x2d: {  	s15 =	simm.s32 @!p0 $0x0;
	[sflag:s16] =	ssyncadd.s32 @p0 $0xFFFFE850;
	s16 =	simm.s32 @!p0 $0x1  }
0x2e: {  	[tilespmem:s15], [sflag:$0x1] =	stream.linear.gather @!p0 [hbm4b:s3+s15], $0x1870, $0x38;
	[tilespmem:$0x7C20] =	vst v63  }
0x2f: {  	_ =	swait.ge @!p0 [sflag:s16], $0x1870  }
0x30: {  	[sflag:s16] =	ssyncset.done @!p0 $0x0  }
0x31: {  	s17 =	simm.s32 @!p0 $0x1880;
	[sflag:s16] =	ssyncadd.s32 @!p0 $0xFFFFE790  }
0x32: {  	[tilespmem:s17], [sflag:$0x1] =	stream.linear.gather @!p0 [hbm4b:s4+s15], $0x1870, $0x38;
	[tilespmem:$0x7C20] =	vst v63  }
0x33: {  	_ =	swait.ge @!p0 [sflag:s16], $0x1870  }
0x34: {  	[sflag:s16] =	ssyncset.done @!p0 $0x0  }
0x35: {  	s15 =	simm.s32 $0x3180;
	[sflag:s16] =	ssyncadd.s32 @!p0 $0xFFFFE790  }
0x36: {  	[tilespmem:s15+$0xFFFFFF80] =	vst v1  }
0x37: {  	[tilespmem:s15+$0x70] =	vst v1  }
0x38: {  	[tilespmem:s15+$0x60] =	vst v1  }
0x39: {  	[tilespmem:s15+$0x50] =	vst v1  }
0x3a: {  	[tilespmem:s15+$0x40] =	vst v1  }
0x3b: {  	[tilespmem:s15+$0x30] =	vst v1  }
0x3c: {  	[tilespmem:s15+$0x20] =	vst v1  }
0x3d: {  	[tilespmem:s15+$0x10] =	vst v1  }
0x3e: {  	[tilespmem:s15+$0x0] =	vst v1  }
0x3f: {  	[tilespmem:s15+$0xFFFFFFF0] =	vst v1  }
0x40: {  	[tilespmem:s15+$0xFFFFFFE0] =	vst v1  }
0x41: {  	[tilespmem:s15+$0xFFFFFFD0] =	vst v1  }
0x42: {  	[tilespmem:s15+$0xFFFFFFC0] =	vst v1  }
0x43: {  	[tilespmem:s15+$0xFFFFFFB0] =	vst v1  }
0x44: {  	s16 =	simm.s32 $0x0;
	[tilespmem:s15+$0xFFFFFFA0] =	vst v1  }
.LBB2_2:
0x45: {  	s16 =	sadd.s32 $0x4, s16;
	[tilespmem:s15+$0xFFFFFF90] =	vst v1;
	s15 =	sadd.s32 $0x100, s15  }
0x46: {  	[tilespmem:s15+$0xFFFFFF80] =	vst v1;
	p2 =	slt.u32 s16, $0x104  }
0x47: {  	[tilespmem:s15+$0x70] =	vst v1  }
0x48: {  	[tilespmem:s15+$0x60] =	vst v1  }
0x49: {  	[tilespmem:s15+$0x50] =	vst v1  }
0x4a: {  	[tilespmem:s15+$0x40] =	vst v1  }
0x4b: {  	[tilespmem:s15+$0x30] =	vst v1  }
0x4c: {  	[tilespmem:s15+$0x20] =	vst v1  }
0x4d: {  	[tilespmem:s15+$0x10] =	vst v1  }
0x4e: {  	[tilespmem:s15+$0x0] =	vst v1  }
0x4f: {  	[tilespmem:s15+$0xFFFFFFF0] =	vst v1  }
.Ltmp2:
0x50: {  	[tilespmem:s15+$0xFFFFFFE0] =	vst v1;
	(pc) =	sbr.rel @p2 .LBB2_2-.Ltmp2, $4  }
0x51: {  	[tilespmem:s15+$0xFFFFFFD0] =	vst v1  }
0x52: {  	[tilespmem:s15+$0xFFFFFFC0] =	vst v1  }
0x53: {  	[tilespmem:s15+$0xFFFFFFB0] =	vst v1  }
0x54: {  	[tilespmem:s15+$0xFFFFFFA0] =	vst v1  }
0x55: {  	[tilespmem:s15+$0xFFFFFF90] =	vst v1  }
0x56: {  	[tilespmem:$0x7300] =	vst v1  }
0x57: {  	[tilespmem:$0x7310] =	vst v1  }
0x58: {  	[tilespmem:$0x7320] =	vst v1  }
0x59: {  	s17 =	simm.s32 $0x20;
	[tilespmem:$0x7330] =	vst v1  }
0x5a: {  	v11 =	vld [tilespmem:s17+$0x10]  }
0x5b: {  	v15 =	vld [tilespmem:s17+$0xFFFFFFF0]  }
0x5c: {  	s16 =	simm.s32 $0x18A0;
	v18 =	vld [tilespmem:s17+$0x0]  }
0x5d: {  	s15 =	simm.s32 $0x0;
	v20 =	vld [tilespmem:s16+$0xFFFFFFE0]  }
0x5e: {  	s18 =	simm.s32 $0x10;
	s19 =	simm.s32 $0x20;
	s20 =	simm.s32 $0x30;
	v8 =	vmov s15;
	v24 =	vld [tilespmem:s16+$0xFFFFFFF0]  }
0x5f: {  	v10 =	vmov s18;
	v9 =	vmov s19;
	v13 =	vmov s20  }
0x60: {  	v12 =	vld [tilespmem:s16+$0x10];
	vm0 =	vne.s32 v11, $0xB;
	vm1 =	veq.s32 v11, $0x6;
	vm2 =	veq.s32 v11, $0xB  }
0x61: {  	v16 =	vld [tilespmem:s17+$0xFFFFFFE0];
	v14 =	vadd.s32 $0xFFFFFFF9, v11;
	v17 =	vadd.s32 $0xFFFFFFFE, v11;
	vm4 =	veq.s32 v15, $0xB  }
0x62: {  	vm5 =	veq.s32 v18, $0x6;
	v19 =	vadd.s32 $0xFFFFFFF9, v18;
	v23 =	vadd.s32 $0xFFFFFFFE, v18  }
0x63: {  	vm13 =	vne.s32 v15, $0xB;
	vm14 =	vgt.s32 v20, $0x0;
	vm15 =	vgt.s32 v24, $0x0  }
0x64: {  	vm1 =	vmor vm1, vm2;
	vm2 =	vlt.u32 v14, $0x7;
	vm3 =	vlt.u32 v17, $0x3  }
0x65: {  	vm12 =	vlt.u32 v19, $0x7;
	vm6 =	vlt.u32 v23, $0x3;
	v14 =	vsel vm1, v3, v2  }
0x66: {  	vm1 =	vgt.s32 v12, $0x0;
	vm0 =	vmand vm0, vm2;
	vm2 =	veq.s32 v16, $0xB  }
0x67: {  	v14 =	vsel vm3, v4, v14;
	v12 =	vnsel vm1, $0x0, v12;
	vm1 =	veq.s32 v11, $0x0  }
0x68: {  	vm3 =	veq.s32 v15, $0x6;
	v11 =	vsel vm0, v5, v14;
	vm0 =	vlt.u32 v13, v0  }
0x69: {  	v12 =	vmin.u32 v12, $0x7F;
	v13 =	vadd.s32 $0xFFFFFFF9, v15;
	v14 =	vadd.s32 $0xFFFFFFFE, v15  }
0x6a: {  	v11 =	vsel vm1, v6, v11;
	vm1 =	veq.s32 v16, $0x6;
	vm11 =	vlt.u32 v14, $0x3  }
0x6b: {  	v14 =	vnsel vm15, $0x0, v24;
	v17 =	vadd.s32 v12, v11;
	vm1 =	vmor vm1, vm2  }
0x6c: {  	vm2 =	vmor vm3, vm4;
	vm3 =	veq.s32 v18, $0xB;
	v11 =	vadd.s32 $0xFFFFFFF9, v16  }
0x6d: {  	v12 =	vadd.s32 $0xFFFFFFFE, v16;
	vm3 =	vmor vm5, vm3;
	v21 =	vsel vm1, v3, v2  }
0x6e: {  	v25 =	vld [tilespmem:s16+$0x0];
	v22 =	vsel vm2, v3, v2;
	vm1 =	vlt.u32 v11, $0x7;
	vm2 =	vlt.u32 v12, $0x3  }
0x6f: {  	v11 =	vsel vm3, v3, v2;
	v12 =	vsel vm2, v4, v21;
	vm2 =	vne.s32 v16, $0xB  }
0x70: {  	vm3 =	vlt.u32 v13, $0x7;
	v13 =	vsel vm11, v4, v22;
	vm1 =	vmand vm2, vm1  }
0x71: {  	vm2 =	vne.s32 v18, $0xB;
	vm3 =	vmand vm13, vm3;
	v11 =	vsel vm6, v4, v11  }
0x72: {  	vm2 =	vmand vm2, vm12;
	v19 =	vsel vm1, v5, v12;
	v63 =	vsel vm3, v5, v13  }
0x73: {  	vm1 =	vgt.s32 v25, $0x0;
	v13 =	vnsel vm14, $0x0, v20;
	vm3 =	veq.s32 v15, $0x0  }
0x74: {  	s19 =	simm.s32 $0x0;
	v12 =	vsel vm2, v5, v11;
	vm2 =	veq.s32 v16, $0x0;
	v11 =	vnsel vm1, $0x0, v25  }
0x75: {  	s18 =	simm.s32 $0x30C0;
	s20 =	simm.s32 $0x60;
	s17 =	simm.s32 $0x1840;
	[tilespmem:v17+s10+$0x0] =	vst.idx.add.f32.msk vm0, v7;
	v16 =	vsel vm3, v6, v63;
	vm0 =	veq.s32 v18, $0x0;
	v15 =	vsel vm2, v6, v19  }
.LBB2_4:
0x76: {  	v17 =	vld [tilespmem:s20+$0x10];
	s19 =	sadd.s32 $0x4, s19;
	v13 =	vmin.u32 v13, $0x7F;
	v14 =	vmin.u32 v14, $0x7F;
	v12 =	vsel vm0, v6, v12  }
0x77: {  	v11 =	vmin.u32 v11, $0x7F;
	v18 =	vld [tilespmem:s20+$0xFFFFFFF0];
	p2 =	slt.u32 s19, $0x180;
	v13 =	vadd.s32 v13, v15;
	v14 =	vadd.s32 v14, v16  }
0x78: {  	vm1 =	vlt.u32 v10, v0;
	vm0 =	vlt.u32 v9, v0;
	s15 =	sadd.s32 $0x40, s15;
	s16 =	sadd.s32 $0x40, s16;
	v11 =	vadd.s32 v11, v12;
	v19 =	vld [tilespmem:s20+$0x0]  }
0x79: {  	vm2 =	vlt.u32 v8, v0;
	s21 =	sadd.s32 $0x10, s15;
	s22 =	sadd.s32 $0x20, s15;
	s23 =	sadd.s32 $0x30, s15;
	v8 =	vmov s15;
	v12 =	vld [tilespmem:s16+$0x10]  }
0x7a: {  	v10 =	vmov s21;
	v9 =	vmov s22;
	v16 =	vmov s23;
	v15 =	vld [tilespmem:s20+$0xFFFFFFE0]  }
0x7b: {  	v20 =	vld [tilespmem:s16+$0xFFFFFFE0];
	vm3 =	vne.s32 v17, $0xB;
	vm4 =	veq.s32 v17, $0x6;
	vm5 =	veq.s32 v17, $0xB  }
0x7c: {  	v22 =	vadd.s32 $0xFFFFFFF9, v17;
	v23 =	vadd.s32 $0xFFFFFFFE, v17;
	v21 =	vld [tilespmem:s16+$0xFFFFFFF0];
	vm4 =	vmor vm4, vm5  }
0x7d: {  	vm5 =	vlt.u32 v22, $0x7;
	vm6 =	vlt.u32 v23, $0x3;
	v24 =	vld [tilespmem:s16+$0x0];
	v22 =	vsel vm4, v3, v2  }
0x7e: {  	vm3 =	vmand vm3, vm5;
	vm4 =	vgt.s32 v12, $0x0;
	v22 =	vsel vm6, v4, v22;
	[tilespmem:v14+s10+$0x0] =	vst.idx.add.f32.msk vm1, v7  }
0x7f: {  	vm1 =	veq.s32 v17, $0x0;
	v12 =	vnsel vm4, $0x0, v12;
	v14 =	vsel vm3, v5, v22;
	[tilespmem:v13+s10+$0x0] =	vst.idx.add.f32.msk vm2, v7  }
0x80: {  	vm2 =	vlt.u32 v16, v0;
	v12 =	vmin.u32 v12, $0x7F;
	v13 =	vsel vm1, v6, v14;
	[tilespmem:v11+s10+$0x0] =	vst.idx.add.f32.msk vm0, v7  }
0x81: {  	vm0 =	veq.s32 v15, $0x6;
	vm1 =	veq.s32 v15, $0xB;
	v11 =	vadd.s32 v12, v13  }
0x82: {  	vm5 =	veq.s32 v19, $0x6;
	vm3 =	veq.s32 v18, $0x6;
	vm4 =	veq.s32 v18, $0xB  }
0x83: {  	vm0 =	vmor vm0, vm1;
	vm1 =	vmor vm3, vm4;
	vm3 =	veq.s32 v19, $0xB  }
0x84: {  	v12 =	vadd.s32 $0xFFFFFFF9, v15;
	v13 =	vadd.s32 $0xFFFFFFFE, v15;
	vm3 =	vmor vm5, vm3  }
0x85: {  	v17 =	vadd.s32 $0xFFFFFFF9, v19;
	v16 =	vadd.s32 $0xFFFFFFFE, v18;
	v14 =	vadd.s32 $0xFFFFFFF9, v18  }
0x86: {  	v25 =	vadd.s32 $0xFFFFFFFE, v19;
	v22 =	vsel vm0, v3, v2;
	v23 =	vsel vm1, v3, v2;
	[tilespmem:v11+s10+$0x0] =	vst.idx.add.f32.msk vm2, v7  }
0x87: {  	vm0 =	vlt.u32 v12, $0x7;
	vm1 =	vlt.u32 v13, $0x3;
	v11 =	vsel vm3, v3, v2  }
0x88: {  	vm4 =	vlt.u32 v17, $0x7;
	vm2 =	vlt.u32 v14, $0x7;
	vm3 =	vlt.u32 v16, $0x3  }
0x89: {  	vm6 =	vne.s32 v18, $0xB;
	vm7 =	vlt.u32 v25, $0x3;
	vm5 =	vne.s32 v15, $0xB  }
0x8a: {  	v12 =	vsel vm1, v4, v22;
	vm1 =	vne.s32 v19, $0xB;
	v13 =	vsel vm3, v4, v23  }
0x8b: {  	vm0 =	vmand vm5, vm0;
	vm2 =	vmand vm6, vm2;
	v11 =	vsel vm7, v4, v11  }
.Ltmp3:
0x8c: {  	vm5 =	vgt.s32 v21, $0x0;
	vm1 =	vmand vm1, vm4;
	vm3 =	vgt.s32 v20, $0x0;
	(pc) =	sbr.rel @p2 .LBB2_4-.Ltmp3, $4  }
0x8d: {  	v16 =	vsel vm0, v5, v12;
	vm0 =	vgt.s32 v24, $0x0;
	v17 =	vsel vm2, v5, v13  }
0x8e: {  	v14 =	vnsel vm5, $0x0, v21;
	v13 =	vnsel vm3, $0x0, v20;
	v12 =	vsel vm1, v5, v11  }
0x8f: {  	vm1 =	veq.s32 v15, $0x0;
	vm2 =	veq.s32 v18, $0x0;
	v11 =	vnsel vm0, $0x0, v24  }
0x90: {  	s20 =	sadd.s32 $0x40, s20;
	vm0 =	veq.s32 v19, $0x0;
	v15 =	vsel vm1, v6, v16;
	v16 =	vsel vm2, v6, v17  }
0x91: {  	v13 =	vmin.u32 v13, $0x7F;
	v14 =	vmin.u32 v14, $0x7F;
	vm1 =	vlt.u32 v10, v0  }
0x92: {  	v61 =	vsel vm0, v6, v12;
	vm15 =	vlt.u32 v8, v0;
	v62 =	vadd.s32 v14, v16  }
0x93: {  	v11 =	vmin.u32 v11, $0x7F;
	vm2 =	vlt.u32 v9, v0;
	v8 =	vadd.s32 v13, v15  }
0x94: {  	v63 =	vadd.s32 v11, v61;
	_ =	sdelay $0x2  }
0x95: {  	[tilespmem:v62+s10+$0x0] =	vst.idx.add.f32.msk vm1, v7  }
0x96: {  	[tilespmem:v8+s10+$0x0] =	vst.idx.add.f32.msk vm15, v7  }
0x97: {  	s15 =	simm.s32 $0x1840;
	[tilespmem:v63+s10+$0x0] =	vst.idx.add.f32.msk vm2, v7  }
.LBB2_6:
0x98: {  	v9 =	vld [tilespmem:s17+$0x0];
	_ =	sdelay $0x2  }
0x99: {  	v8 =	vld [tilespmem:s18+$0x0]  }
0x9a: {  	v63 =	vmov s15  }
0x9b: {  	v10 =	vadd.s32 $0xFFFFFFF9, v9;
	vm1 =	veq.s32 v9, $0x6;
	vm2 =	veq.s32 v9, $0xB  }
0x9c: {  	v60 =	vadd.s32 $0xFFFFFFFE, v9;
	vm12 =	vne.s32 v9, $0xB;
	vm1 =	vmor vm1, vm2  }
0x9d: {  	vm3 =	vlt.u32 v10, $0x7;
	vm4 =	vlt.u32 v60, $0x3;
	v61 =	vsel vm1, v3, v2  }
0x9e: {  	vm0 =	vgt.s32 v8, $0x0;
	vm13 =	vmand vm12, vm3;
	v62 =	vsel vm4, v4, v61  }
0x9f: {  	vm14 =	veq.s32 v9, $0x0;
	v8 =	vnsel vm0, $0x0, v8;
	v9 =	vsel vm13, v5, v62  }
0xa0: {  	vm15 =	vlt.u32 v63, v0;
	v8 =	vmin.u32 v8, $0x7F;
	v9 =	vsel vm14, v6, v9  }
0xa1: {  	p2 =	sne.s32 s15, $0x1860;
	v8 =	vadd.s32 v8, v9  }
.Ltmp4:
0xa2: {  	_ = 	snop;
	(pc) =	sbr.rel @p2 .LBB2_6-.Ltmp4, $2  }
0xa3: {  	_ =	sdelay $0x2  }
0xa4: {  	s17 =	sadd.s32 $0x10, s17;
	s18 =	sadd.s32 $0x10, s18;
	s15 =	sadd.s32 $0x10, s15;
	[tilespmem:v8+s10+$0x0] =	vst.idx.add.f32.msk vm15, v7  }
0xa5: {  	s15 =	simm.s32 $0x5208  }
0xa6: {  	v8 =	vld [tilespmem:s15+$0xFFFFDF08]  }
0xa7: {  	v9 =	vld [tilespmem:s15+$0xFFFFE329]  }
0xa8: {  	v10 =	vld [tilespmem:s15+$0xFFFFE319]  }
0xa9: {  	v11 =	vld [tilespmem:s15+$0xFFFFE74A]  }
0xaa: {  	v12 =	vld [tilespmem:s15+$0xFFFFDEF8]  }
0xab: {  	v13 =	vld [tilespmem:s15+$0xFFFFEB6B]  }
0xac: {  	v14 =	vld [tilespmem:s15+$0xFFFFE73A]  }
0xad: {  	v15 =	vld [tilespmem:s15+$0xFFFFEF8C]  }
0xae: {  	v16 =	vld [tilespmem:s15+$0xFFFFEB5B]  }
0xaf: {  	v17 =	vld [tilespmem:s15+$0xFFFFF3AD]  }
0xb0: {  	v18 =	vld [tilespmem:s15+$0xFFFFEF7C]  }
0xb1: {  	v19 =	vld [tilespmem:s15+$0xFFFFF7CE]  }
0xb2: {  	v20 =	vld [tilespmem:s15+$0xFFFFF39D]  }
0xb3: {  	v21 =	vld [tilespmem:s15+$0xFFFFFBEF]  }
0xb4: {  	v22 =	vld [tilespmem:s15+$0xFFFFF7BE]  }
0xb5: {  	v23 =	vld [tilespmem:s15+$0x10]  }
0xb6: {  	v24 =	vld [tilespmem:s15+$0xFFFFFBDF]  }
0xb7: {  	v25 =	vld [tilespmem:s15+$0x431]  }
0xb8: {  	v26 =	vld [tilespmem:s15+$0x0]  }
0xb9: {  	v27 =	vld [tilespmem:s15+$0x852]  }
0xba: {  	v28 =	vld [tilespmem:s15+$0x421]  }
0xbb: {  	v29 =	vld [tilespmem:s15+$0xC73]  }
0xbc: {  	v30 =	vld [tilespmem:s15+$0x842]  }
0xbd: {  	v31 =	vld [tilespmem:s15+$0x1094]  }
0xbe: {  	v32 =	vld [tilespmem:s15+$0xC63]  }
0xbf: {  	v33 =	vld [tilespmem:s15+$0x14B5]  }
0xc0: {  	v34 =	vld [tilespmem:s15+$0x1084]  }
0xc1: {  	v35 =	vld [tilespmem:s15+$0x18D6]  }
0xc2: {  	v36 =	vld [tilespmem:s15+$0x14A5]  }
0xc3: {  	v37 =	vld [tilespmem:s15+$0x1CF7]  }
0xc4: {  	v38 =	vld [tilespmem:s15+$0x18C6]  }
0xc5: {  	s17 =	simm.s32 $0x5228;
	v39 =	vld [tilespmem:s15+$0x1CE7];
	v8 =	vadd.f32 v9, v8  }
0xc6: {  	v9 =	vadd.f32 v10, v12;
	v10 =	vld [tilespmem:s17+$0xFFFFDF08]  }
0xc7: {  	v12 =	vld [tilespmem:s17+$0xFFFFE329];
	v8 =	vadd.f32 v11, v8  }
0xc8: {  	v9 =	vadd.f32 v14, v9;
	v11 =	vld [tilespmem:s17+$0xFFFFE319]  }
0xc9: {  	v14 =	vld [tilespmem:s17+$0xFFFFE74A];
	v8 =	vadd.f32 v13, v8  }
0xca: {  	v9 =	vadd.f32 v16, v9;
	v13 =	vld [tilespmem:s17+$0xFFFFDEF8]  }
0xcb: {  	v55 =	vld [tilespmem:s17+$0xFFFFEB6B];
	v8 =	vadd.f32 v15, v8  }
0xcc: {  	v10 =	vadd.f32 v12, v10;
	v9 =	vadd.f32 v18, v9;
	v15 =	vld [tilespmem:s17+$0xFFFFE73A]  }
0xcd: {  	v12 =	vld [tilespmem:s17+$0xFFFFEF8C];
	v8 =	vadd.f32 v17, v8  }
0xce: {  	v56 =	vld [tilespmem:s17+$0xFFFFEB5B];
	v10 =	vadd.f32 v14, v10;
	v9 =	vadd.f32 v20, v9  }
0xcf: {  	v11 =	vadd.f32 v11, v13;
	v13 =	vld [tilespmem:s17+$0xFFFFF3AD];
	v8 =	vadd.f32 v19, v8  }
0xd0: {  	v14 =	vld [tilespmem:s17+$0xFFFFEF7C];
	v10 =	vadd.f32 v55, v10;
	v9 =	vadd.f32 v22, v9  }
0xd1: {  	v11 =	vadd.f32 v15, v11;
	v15 =	vld [tilespmem:s17+$0xFFFFF7CE];
	v8 =	vadd.f32 v21, v8  }
0xd2: {  	v57 =	vld [tilespmem:s17+$0xFFFFF39D];
	v10 =	vadd.f32 v12, v10;
	v9 =	vadd.f32 v24, v9  }
0xd3: {  	v12 =	vld [tilespmem:s17+$0xFFFFFBEF];
	v11 =	vadd.f32 v56, v11;
	v8 =	vadd.f32 v23, v8  }
0xd4: {  	v58 =	vld [tilespmem:s17+$0xFFFFF7BE];
	v9 =	vadd.f32 v26, v9;
	v10 =	vadd.f32 v13, v10  }
0xd5: {  	v13 =	vld [tilespmem:s17+$0x10];
	v11 =	vadd.f32 v14, v11;
	v8 =	vadd.f32 v25, v8  }
0xd6: {  	v14 =	vld [tilespmem:s17+$0xFFFFFBDF];
	v9 =	vadd.f32 v28, v9;
	v10 =	vadd.f32 v15, v10  }
0xd7: {  	v15 =	vld [tilespmem:s17+$0x431];
	v11 =	vadd.f32 v57, v11;
	v8 =	vadd.f32 v27, v8  }
0xd8: {  	v59 =	vld [tilespmem:s17+$0x0];
	v9 =	vadd.f32 v30, v9;
	v10 =	vadd.f32 v12, v10  }
0xd9: {  	v12 =	vld [tilespmem:s17+$0x852];
	v11 =	vadd.f32 v58, v11;
	v8 =	vadd.f32 v29, v8  }
0xda: {  	v60 =	vld [tilespmem:s17+$0x421];
	v9 =	vadd.f32 v32, v9;
	v10 =	vadd.f32 v13, v10  }
0xdb: {  	v13 =	vld [tilespmem:s17+$0xC73];
	v11 =	vadd.f32 v14, v11;
	v8 =	vadd.f32 v31, v8  }
0xdc: {  	v14 =	vld [tilespmem:s17+$0x842];
	v9 =	vadd.f32 v34, v9;
	v10 =	vadd.f32 v15, v10  }
0xdd: {  	v15 =	vld [tilespmem:s17+$0x1094];
	v11 =	vadd.f32 v59, v11;
	v8 =	vadd.f32 v33, v8  }
0xde: {  	v61 =	vld [tilespmem:s17+$0xC63];
	v9 =	vadd.f32 v36, v9;
	v10 =	vadd.f32 v12, v10  }
0xdf: {  	v62 =	vld [tilespmem:s17+$0x14B5];
	v11 =	vadd.f32 v60, v11;
	v12 =	vadd.f32 v35, v8  }
0xe0: {  	v63 =	vld [tilespmem:s17+$0x1084];
	v9 =	vadd.f32 v38, v9;
	v10 =	vadd.f32 v13, v10  }
0xe1: {  	v8 =	vld [tilespmem:s17+$0x18D6];
	v11 =	vadd.f32 v14, v11;
	v12 =	vadd.f32 v37, v12  }
0xe2: {  	s15 =	simm.s32 $0x7390;
	v13 =	vadd.f32 v39, v9;
	v9 =	vld [tilespmem:s17+$0x14A5];
	v14 =	vadd.f32 v15, v10  }
0xe3: {  	v10 =	vld [tilespmem:s17+$0x1CF7];
	v11 =	vadd.f32 v61, v11;
	[tilespmem:s15+$0x0] =	vst v12  }
0xe4: {  	v12 =	vld [tilespmem:s17+$0x18C6];
	[tilespmem:s15+$0xFFFFFFF0] =	vst v13;
	v13 =	vadd.f32 v62, v14  }
0xe5: {  	s16 =	simm.s32 $0x2;
	v14 =	vadd.f32 v63, v11;
	v11 =	vld [tilespmem:s17+$0x1CE7];
	s17 =	simm.s32 $0x5248  }
.LBB2_8:
0xe6: {  	v15 =	vld [tilespmem:s17+$0xFFFFDF08];
	v8 =	vadd.f32 v8, v13  }
0xe7: {  	s16 =	sadd.s32 $0x2, s16;
	v13 =	vld [tilespmem:s17+$0xFFFFE329];
	v9 =	vadd.f32 v9, v14  }
0xe8: {  	p2 =	slt.u32 s16, $0x40;
	v14 =	vld [tilespmem:s17+$0xFFFFE319];
	v8 =	vadd.f32 v10, v8  }
0xe9: {  	s15 =	sadd.s32 $0x20, s15;
	v10 =	vld [tilespmem:s17+$0xFFFFE74A];
	v9 =	vadd.f32 v12, v9  }
0xea: {  	v12 =	vld [tilespmem:s17+$0xFFFFDEF8];
	[tilespmem:s15+$0x0] =	vst v8  }
0xeb: {  	v8 =	vld [tilespmem:s17+$0xFFFFEB6B];
	v9 =	vadd.f32 v11, v9  }
0xec: {  	v11 =	vld [tilespmem:s17+$0xFFFFE73A];
	v13 =	vadd.f32 v13, v15  }
0xed: {  	v15 =	vld [tilespmem:s17+$0xFFFFEF8C];
	[tilespmem:s15+$0xFFFFFFF0] =	vst v9  }
0xee: {  	v9 =	vld [tilespmem:s17+$0xFFFFEB5B];
	v10 =	vadd.f32 v10, v13  }
0xef: {  	v12 =	vadd.f32 v14, v12;
	v13 =	vld [tilespmem:s17+$0xFFFFF3AD]  }
0xf0: {  	v14 =	vld [tilespmem:s17+$0xFFFFEF7C];
	v8 =	vadd.f32 v8, v10  }
0xf1: {  	v10 =	vadd.f32 v11, v12;
	v11 =	vld [tilespmem:s17+$0xFFFFF7CE]  }
0xf2: {  	v12 =	vld [tilespmem:s17+$0xFFFFF39D];
	v8 =	vadd.f32 v15, v8  }
0xf3: {  	v9 =	vadd.f32 v9, v10;
	v10 =	vld [tilespmem:s17+$0xFFFFFBEF]  }
0xf4: {  	v15 =	vld [tilespmem:s17+$0xFFFFF7BE];
	v8 =	vadd.f32 v13, v8  }
0xf5: {  	v9 =	vadd.f32 v14, v9;
	v13 =	vld [tilespmem:s17+$0x10]  }
0xf6: {  	v14 =	vld [tilespmem:s17+$0xFFFFFBDF];
	v8 =	vadd.f32 v11, v8  }
0xf7: {  	v9 =	vadd.f32 v12, v9;
	v11 =	vld [tilespmem:s17+$0x431]  }
0xf8: {  	v12 =	vld [tilespmem:s17+$0x0];
	v8 =	vadd.f32 v10, v8  }
0xf9: {  	v9 =	vadd.f32 v15, v9;
	v10 =	vld [tilespmem:s17+$0x852]  }
0xfa: {  	v15 =	vld [tilespmem:s17+$0x421];
	v8 =	vadd.f32 v13, v8  }
0xfb: {  	v9 =	vadd.f32 v14, v9;
	v13 =	vld [tilespmem:s17+$0xC73]  }
0xfc: {  	v14 =	vld [tilespmem:s17+$0x842];
	v8 =	vadd.f32 v11, v8  }
0xfd: {  	v9 =	vadd.f32 v12, v9;
	v11 =	vld [tilespmem:s17+$0x1094]  }
0xfe: {  	v12 =	vld [tilespmem:s17+$0xC63];
	v8 =	vadd.f32 v10, v8  }
0xff: {  	v9 =	vadd.f32 v15, v9;
	v15 =	vld [tilespmem:s17+$0x14B5]  }
0x100: {  	v16 =	vld [tilespmem:s17+$0x1084];
	v10 =	vadd.f32 v13, v8  }
.Ltmp5:
0x101: {  	v13 =	vadd.f32 v14, v9;
	v8 =	vld [tilespmem:s17+$0x18D6];
	(pc) =	sbr.rel @p2 .LBB2_8-.Ltmp5, $4  }
0x102: {  	v9 =	vld [tilespmem:s17+$0x14A5];
	v11 =	vadd.f32 v11, v10  }
0x103: {  	v14 =	vadd.f32 v12, v13;
	v10 =	vld [tilespmem:s17+$0x1CF7]  }
0x104: {  	v12 =	vld [tilespmem:s17+$0x18C6];
	v13 =	vadd.f32 v15, v11  }
0x105: {  	v14 =	vadd.f32 v16, v14;
	v11 =	vld [tilespmem:s17+$0x1CE7];
	s17 =	sadd.s32 $0x20, s17  }
0x106: {  	_ = 	snop  }
0x107: {  	v9 =	vadd.f32 v9, v14  }
0x108: {  	v8 =	vadd.f32 v8, v13  }
0x109: {  	v9 =	vadd.f32 v12, v9  }
0x10a: {  	v8 =	vadd.f32 v10, v8  }
0x10b: {  	s15 =	sadd.s32 $0x20, s15;
	v9 =	vadd.f32 v11, v9  }
0x10c: {  	[tilespmem:s15+$0x0] =	vst v8  }
0x10d: {  	[tilespmem:s15+$0xFFFFFFF0] =	vst v9  }
0x10e: {  	[spmem:s7] =	stream.linear.scatter [tilespmem:s11], [sflag:$0x1], $0x420, $0x38;
	[tilespmem:$0x7C20] =	vst v63  }
.Ltmp6:
0x10f: {  	_ =	swait.ge [sflag:s12], $0x420;
	(pc) =	sbr.rel @p1 .LBB2_13-.Ltmp6, $3  }
0x110: {  	[sflag:s12] =	ssyncset.done $0x0  }
0x111: {  	[sflag:s12] =	ssyncadd.s32 $0xFFFFFBE0  }
0x112: {  	[bflag:$0x0] =	sbarrier.arrive $0xFFFF;
	_ =	sdelay $0x1  }
0x113: {  	[tilespmem:s10], [sflag:$0x1] =	stream.linear.gather [spmem:s1], $0x4200, $0x38;
	[tilespmem:$0x7C20] =	vst v63  }
0x114: {  	_ =	swait.ge [sflag:s12], $0x4200  }
0x115: {  	s15 =	simm.s32 $0x0;
	[sflag:s12] =	ssyncset.done $0x0  }
0x116: {  	s15 =	sand.u32 $0x7E0, s15;
	[sflag:s12] =	ssyncadd.s32 $0xFFFFBE00  }
0x117: {  	v9 =	vld [tilespmem:s15+$0x6280]  }
0x118: {  	v10 =	vld [tilespmem:s15+$0x5200]  }
0x119: {  	s16 =	simm.s32 $0x5210;
	v11 =	vld [tilespmem:s15+$0x4180]  }
0x11a: {  	v8 =	vld [tilespmem:s16+$0xFFFFDF00]  }
0x11b: {  	v12 =	vld [tilespmem:s16+$0xFFFFE320]  }
0x11c: {  	v13 =	vld [tilespmem:s16+$0xFFFFE310]  }
0x11d: {  	v14 =	vld [tilespmem:s16+$0xFFFFE740]  }
0x11e: {  	v15 =	vld [tilespmem:s16+$0xFFFFDEF0]  }
0x11f: {  	v16 =	vld [tilespmem:s16+$0xFFFFEB60]  }
0x120: {  	v17 =	vld [tilespmem:s16+$0xFFFFE730]  }
0x121: {  	v18 =	vld [tilespmem:s16+$0xFFFFEF80]  }
0x122: {  	v19 =	vld [tilespmem:s16+$0xFFFFEB50]  }
0x123: {  	v20 =	vld [tilespmem:s16+$0xFFFFF3A0]  }
0x124: {  	v21 =	vld [tilespmem:s16+$0xFFFFF390]  }
0x125: {  	v22 =	vld [tilespmem:s16+$0xFFFFF7C0]  }
0x126: {  	v23 =	vld [tilespmem:s16+$0xFFFFF7B0]  }
0x127: {  	v24 =	vld [tilespmem:s16+$0xFFFFFBE0]  }
0x128: {  	v25 =	vld [tilespmem:s16+$0xFFFFFBD0]  }
0x129: {  	v26 =	vld [tilespmem:s16+$0x0]  }
0x12a: {  	v27 =	vld [tilespmem:s16+$0x410]  }
0x12b: {  	v28 =	vld [tilespmem:s16+$0x420]  }
0x12c: {  	v29 =	vld [tilespmem:s16+$0x830]  }
0x12d: {  	v30 =	vld [tilespmem:s16+$0x840]  }
0x12e: {  	v31 =	vld [tilespmem:s16+$0xC50]  }
0x12f: {  	v32 =	vld [tilespmem:s16+$0xC60]  }
0x130: {  	v33 =	vld [tilespmem:s16+$0x1490]  }
0x131: {  	v34 =	vld [tilespmem:s16+$0x1080]  }
0x132: {  	v35 =	vld [tilespmem:s16+$0x18B0]  }
0x133: {  	v36 =	vld [tilespmem:s16+$0x14A0]  }
0x134: {  	s31 =	simm.s32 $0x20;
	v37 =	vld [tilespmem:s16+$0x1CD0];
	v12 =	vadd.f32 v12, v8  }
0x135: {  	s15 =	sand.u32 $0x7E0, s31;
	v13 =	vadd.f32 v13, v15;
	v15 =	vld [tilespmem:s16+$0x18C0]  }
0x136: {  	v8 =	vld [tilespmem:s15+$0x6280];
	v12 =	vadd.f32 v14, v12  }
0x137: {  	v13 =	vadd.f32 v17, v13;
	v14 =	vld [tilespmem:s16+$0x1CE0]  }
0x138: {  	v17 =	vld [tilespmem:s15+$0x5200];
	v12 =	vadd.f32 v16, v12  }
0x139: {  	v13 =	vadd.f32 v19, v13;
	v16 =	vld [tilespmem:s15+$0x4180];
	s15 =	simm.s32 $0x5230  }
0x13a: {  	v19 =	vld [tilespmem:s15+$0xFFFFDF00];
	v12 =	vadd.f32 v18, v12  }
0x13b: {  	v11 =	vadd.f32 v11, v13;
	v13 =	vld [tilespmem:s15+$0xFFFFE320]  }
0x13c: {  	v51 =	vld [tilespmem:s15+$0xFFFFE740];
	v12 =	vadd.f32 v20, v12  }
0x13d: {  	v52 =	vld [tilespmem:s15+$0xFFFFDEF0];
	v11 =	vadd.f32 v21, v11  }
0x13e: {  	v18 =	vld [tilespmem:s15+$0xFFFFE310];
	v12 =	vadd.f32 v22, v12  }
0x13f: {  	v53 =	vld [tilespmem:s15+$0xFFFFEB60];
	v11 =	vadd.f32 v23, v11  }
0x140: {  	v13 =	vadd.f32 v13, v19;
	v19 =	vld [tilespmem:s15+$0xFFFFE730];
	v12 =	vadd.f32 v24, v12  }
0x141: {  	v54 =	vld [tilespmem:s15+$0xFFFFEF80];
	v11 =	vadd.f32 v25, v11  }
0x142: {  	v55 =	vld [tilespmem:s15+$0xFFFFEB50];
	v13 =	vadd.f32 v51, v13;
	v12 =	vadd.f32 v26, v12  }
0x143: {  	v18 =	vadd.f32 v18, v52;
	v10 =	vadd.f32 v10, v11;
	v11 =	vld [tilespmem:s15+$0xFFFFF3A0]  }
0x144: {  	v56 =	vld [tilespmem:s15+$0xFFFFF390];
	v13 =	vadd.f32 v53, v13;
	v12 =	vadd.f32 v28, v12  }
0x145: {  	v57 =	vld [tilespmem:s15+$0xFFFFF7C0];
	v10 =	vadd.f32 v27, v10;
	v18 =	vadd.f32 v19, v18  }
0x146: {  	v58 =	vld [tilespmem:s15+$0xFFFFFBE0];
	v13 =	vadd.f32 v54, v13;
	v12 =	vadd.f32 v30, v12  }
0x147: {  	v59 =	vld [tilespmem:s15+$0xFFFFFBD0];
	v10 =	vadd.f32 v29, v10;
	v18 =	vadd.f32 v55, v18  }
0x148: {  	v19 =	vld [tilespmem:s15+$0xFFFFF7B0];
	v11 =	vadd.f32 v11, v13;
	v12 =	vadd.f32 v32, v12  }
0x149: {  	v13 =	vld [tilespmem:s15+$0x0];
	v10 =	vadd.f32 v31, v10;
	v16 =	vadd.f32 v16, v18  }
0x14a: {  	v61 =	vld [tilespmem:s15+$0x840];
	v11 =	vadd.f32 v57, v11;
	v12 =	vadd.f32 v34, v12  }
0x14b: {  	v9 =	vadd.f32 v9, v10;
	v10 =	vld [tilespmem:s15+$0x420];
	v16 =	vadd.f32 v56, v16  }
0x14c: {  	v62 =	vld [tilespmem:s15+$0xC60];
	v60 =	vadd.f32 v58, v11  }
0x14d: {  	v18 =	vld [tilespmem:s15+$0x410];
	v12 =	vadd.f32 v36, v12;
	v16 =	vadd.f32 v19, v16  }
0x14e: {  	v11 =	vld [tilespmem:s15+$0x830];
	v9 =	vadd.f32 v33, v9;
	v19 =	vadd.f32 v13, v60  }
0x14f: {  	v13 =	vld [tilespmem:s15+$0xC50];
	v12 =	vadd.f32 v15, v12;
	v16 =	vadd.f32 v59, v16  }
0x150: {  	v15 =	vadd.f32 v35, v9;
	v9 =	vld [tilespmem:s15+$0x1490];
	v10 =	vadd.f32 v10, v19  }
0x151: {  	v12 =	vadd.f32 v14, v12;
	v14 =	vld [tilespmem:s15+$0x1080];
	v16 =	vadd.f32 v17, v16  }
0x152: {  	s16 =	simm.s32 $0x7390;
	v19 =	vadd.f32 v37, v15;
	v15 =	vld [tilespmem:s15+$0x14A0];
	v63 =	vadd.f32 v61, v10  }
0x153: {  	v10 =	vld [tilespmem:s15+$0x18B0];
	[tilespmem:s16+$0x0] =	vst v12;
	v17 =	vadd.f32 v18, v16  }
0x154: {  	s17 =	simm.s32 $0x2;
	s18 =	simm.s32 $0x40;
	[tilespmem:s16+$0xFFFFFFF0] =	vst v19;
	v12 =	vld [tilespmem:s15+$0x1CD0];
	v16 =	vadd.f32 v62, v63  }
.LBB2_11:
0x155: {  	s19 =	sand.u32 $0x7E0, s18;
	v11 =	vadd.f32 v11, v17;
	v17 =	vld [tilespmem:s15+$0x18C0]  }
0x156: {  	v14 =	vadd.f32 v14, v16;
	v18 =	vld [tilespmem:s19+$0x6280]  }
0x157: {  	v11 =	vadd.f32 v13, v11;
	v13 =	vld [tilespmem:s15+$0x1CE0]  }
0x158: {  	v14 =	vadd.f32 v15, v14;
	v16 =	vld [tilespmem:s19+$0x5200]  }
0x159: {  	s15 =	sadd.s32 $0x20, s15;
	v15 =	vld [tilespmem:s19+$0x4180];
	v19 =	vadd.f32 v8, v11  }
0x15a: {  	v11 =	vld [tilespmem:s15+$0xFFFFDF00];
	v14 =	vadd.f32 v17, v14  }
0x15b: {  	s17 =	sadd.s32 $0x2, s17;
	v17 =	vld [tilespmem:s15+$0xFFFFE320];
	v9 =	vadd.f32 v9, v19;
	v8 =	vmov v18  }
0x15c: {  	p2 =	slt.u32 s17, $0x40;
	v18 =	vld [tilespmem:s15+$0xFFFFE310];
	v13 =	vadd.f32 v13, v14  }
0x15d: {  	s16 =	sadd.s32 $0x20, s16;
	v14 =	vld [tilespmem:s15+$0xFFFFE740];
	v9 =	vadd.f32 v10, v9  }
0x15e: {  	v10 =	vld [tilespmem:s15+$0xFFFFDEF0];
	[tilespmem:s16+$0x0] =	vst v13  }
0x15f: {  	v13 =	vld [tilespmem:s15+$0xFFFFEB60];
	v9 =	vadd.f32 v12, v9  }
0x160: {  	v12 =	vld [tilespmem:s15+$0xFFFFE730];
	v11 =	vadd.f32 v17, v11  }
0x161: {  	v17 =	vld [tilespmem:s15+$0xFFFFEF80];
	[tilespmem:s16+$0xFFFFFFF0] =	vst v9  }
0x162: {  	v9 =	vld [tilespmem:s15+$0xFFFFEB50];
	v11 =	vadd.f32 v14, v11  }
0x163: {  	v10 =	vadd.f32 v18, v10;
	v14 =	vld [tilespmem:s15+$0xFFFFF3A0]  }
0x164: {  	v18 =	vld [tilespmem:s15+$0xFFFFF390];
	v11 =	vadd.f32 v13, v11  }
0x165: {  	v10 =	vadd.f32 v12, v10;
	v12 =	vld [tilespmem:s15+$0xFFFFF7C0]  }
0x166: {  	v13 =	vld [tilespmem:s15+$0xFFFFF7B0];
	v11 =	vadd.f32 v17, v11  }
0x167: {  	v9 =	vadd.f32 v9, v10;
	v10 =	vld [tilespmem:s15+$0xFFFFFBE0]  }
0x168: {  	v17 =	vld [tilespmem:s15+$0xFFFFFBD0];
	v11 =	vadd.f32 v14, v11  }
0x169: {  	v9 =	vadd.f32 v15, v9;
	v14 =	vld [tilespmem:s15+$0x0]  }
0x16a: {  	v15 =	vld [tilespmem:s15+$0x410];
	v12 =	vadd.f32 v12, v11  }
0x16b: {  	v9 =	vadd.f32 v18, v9;
	v18 =	vld [tilespmem:s15+$0x420]  }
0x16c: {  	v11 =	vld [tilespmem:s15+$0x830];
	v10 =	vadd.f32 v10, v12  }
0x16d: {  	v9 =	vadd.f32 v13, v9;
	v12 =	vld [tilespmem:s15+$0x840]  }
0x16e: {  	v13 =	vld [tilespmem:s15+$0xC50];
	v10 =	vadd.f32 v14, v10  }
0x16f: {  	v14 =	vadd.f32 v17, v9;
	v19 =	vld [tilespmem:s15+$0xC60]  }
.Ltmp7:
0x170: {  	v9 =	vld [tilespmem:s15+$0x1490];
	v17 =	vadd.f32 v18, v10;
	(pc) =	sbr.rel @p2 .LBB2_11-.Ltmp7, $4  }
0x171: {  	v16 =	vadd.f32 v16, v14;
	v14 =	vld [tilespmem:s15+$0x1080]  }
0x172: {  	v10 =	vld [tilespmem:s15+$0x18B0];
	v18 =	vadd.f32 v12, v17  }
0x173: {  	v17 =	vadd.f32 v15, v16;
	v15 =	vld [tilespmem:s15+$0x14A0]  }
0x174: {  	s18 =	sadd.s32 $0x20, s18;
	v12 =	vld [tilespmem:s15+$0x1CD0];
	v16 =	vadd.f32 v19, v18  }
.Ltmp8:
0x175: {  	_ = 	snop;
	(pc) =	sbr.rel .LBB2_12-.Ltmp8, $1  }
0x176: {  	_ =	sdelay $0x3  }
.LBB2_14:
0x177: {  	_ =	sfence.sel $0x180000  }
0x178: {  	[bflag:$0x0] =	sbarrier.arrive $0xFFFF  }
0x179: {  	_ =	strace $0x9000004A  }
0x17a: {  	s0 =	sadd.s32 @!p1 $0x100000, s0;
	[bflag:$0x2] =	sbarrier.arrive $0xFFFF  }
0x17b: {  	[sflag:s0] =	ssyncadd.tile.s32 @!p1 $0x1;
	_ =	shalt  }
.Lfunc_end2:
_tile_overlayer_lowered:
.L_overlay_start_2:
0x17c: {  	(tag) =	ssettag $0x2  }
0x17d: {  	s0 =	rddreg [dreg:$0x0];
	s2 =	stileid.u32  }
0x17e: {  	s1 =	rddreg [dreg:$0x1];
	p0 =	sne.s32 s2, $0x0  }
0x17f: {  	s3 =	rddreg [dreg:$0x2];
	[bflag:$0x3] =	sbarrier.arrive $0xFFFF;
	s2 =	simm.s32 @!p0 $0x1C01  }
0x180: {  	[timem:s3], [sflag:s2] =	dma.local @!p0 [hbm:s0], s1  }
0x181: {  	s0 =	simm.s32 @!p0 $0x1  }
0x182: {  	_ =	swait.ge @!p0 [sflag:s0], s1  }
0x183: {  	s1 =	ssub.s32 @!p0 $0x0, s1;
	[sflag:s0] =	ssyncset.done @!p0 $0x0  }
0x184: {  	[sflag:s0] =	ssyncadd.s32 @!p0 s1  }
0x185: {  	[bflag:$0x3] =	sbarrier.arrive $0xFFFF  }
0x186: {  	_ =	shalt  }

// kernel: kernel.8.cloned.1.call-start
scs
__scs_entry_jumppad:
0x0: {  	(pc) =	sbr.rel $0x88, $3  }
0x1: {  	(tag) =	ssettag $0x0;
	lr =	simm.s32 $0x1  }
0x2: {  	[smem:$0x3F9D] =	sst lr;
	_ =	strace $0xD0000000  }
0x3: {  	_ = 	snop  }
0x4: {  	_ = 	snop  }
0x5: {  	_ = 	snop  }
0x6: {  	_ = 	snop  }
0x7: {  	_ = 	snop  }
__scs_overlays_trampoline_lowered:
0x8: {  	[smem:$0x3FAC] =	sst s0  }
0x9: {  	[smem:$0x3FAD] =	sst s1  }
0xa: {  	[smem:$0x3FAE] =	sst s2  }
0xb: {  	[smem:$0x3FAF] =	sst s3  }
0xc: {  	[smem:$0x3FB0] =	sst s4  }
0xd: {  	[smem:$0x3FB1] =	sst s5  }
0xe: {  	[smem:$0x3FB2] =	sst s6  }
0xf: {  	[smem:$0x3FB3] =	sst s7  }
0x10: {  	[smem:$0x3FB4] =	sst s8  }
0x11: {  	[smem:$0x3FB5] =	sst s9;
	s0 =	simm.s32 @!p0 $0x0  }
0x12: {  	s1 =	sld [smem:$0x3F9B];
	s0 =	simm.s32 @p0 $0x1  }
0x13: {  	[smem:$0x3FB6] =	sst s0;
	s0 =	simm.s32 @!p1 $0x0  }
0x14: {  	s2 =	sld [smem:$0x3F9A];
	s0 =	simm.s32 @p1 $0x1  }
0x15: {  	[smem:$0x3FB7] =	sst s0;
	s0 =	simm.s32 @!p2 $0x0  }
0x16: {  	s3 =	sld [smem:$0x3FDB];
	s0 =	simm.s32 @p2 $0x1  }
0x17: {  	s4 =	simm.s32 $0x1BF5;
	[smem:$0x3FB9] =	sst s0  }
0x18: {  	s0 =	sld [smem:$0x3F9C];
	_ =	swait.ge [sflag:s4], $0x0  }
0x19: {  	s7 =	sld [smem:$0x3F9D]  }
0x1a: {  	s8 =	sadd.s32 $0xFFFFE003, lr  }
0x1b: {  	s9 =	sadd.s32 $0xFFFFFEF7, lr;
	s5 =	simm.s32 $0xFFFFFFFF;
	p2 =	slt.u32 s8, $0xFFFFF086  }
0x1c: {  	p1 =	slt.u32 s9, $0xF7A;
	s5 =	simm.s32 @!p2 $0x0  }
0x1d: {  	s5 =	simm.s32 @p1 $0x1;
	p0 =	seq.s32 s7, s2  }
0x1e: {  	s7 =	smul.u32 @!p0 $0xF7A, s2;
	p2 =	seq.s32 @!p0 s5, $0x0  }
0x1f: {  	s9 =	smul.u32 $0xF7A, s1;
	s8 =	simm.s32 @!p0 $0x1BF5;
	p2 =	por !p2, p0  }
0x20: {  	[sflag:s8] =	ssyncset.s32 @!p0 $0xFFFFF086;
	s6 =	sadd.s32 @!p0 s3, s7;
	s7 =	simm.s32 @!p0 $0x108  }
0x21: {  	s3 =	sadd.s32 s3, s9;
	s6 =	sadd.s32 @!p0 $0x88, s6;
	s7 =	simm.s32 @p2 $0x1082  }
0x22: {  	[simem:s7], [sflag:s8] =	dma.local @!p0 [hbm:s6], $0xF7A  }
0x23: {  	s9 =	sor.u32 $0xD0000000, s2;
	s6 =	simm.s32 $0x108;
	_ =	swait.ge @!p0 [sflag:s8], $0x0  }
0x24: {  	s3 =	sadd.s32 $0x88, s3;
	s6 =	simm.s32 @!p1 $0x1082;
	[sflag:s4] =	ssyncset.s32 $0xFFFFF086  }
0x25: {  	[simem:s6], [sflag:s4] =	dma.local [hbm:s3], $0xF7A  }
0x26: {  	[smem:$0x3F9D] =	sst s1;
	(tag) =	ssettag s2;
	_ =	strace s9  }
0x27: {  	s1 =	sld [smem:$0x3FAD]  }
0x28: {  	s2 =	sld [smem:$0x3FAE]  }
0x29: {  	s4 =	sld [smem:$0x3FB0]  }
0x2a: {  	p0 =	seq.s32 s5, $0x0;
	s5 =	sld [smem:$0x3FB1]  }
0x2b: {  	s6 =	sld [smem:$0x3FB2]  }
0x2c: {  	s7 =	sld [smem:$0x3FB3]  }
0x2d: {  	s3 =	simm.s32 $0x108;
	s8 =	sld [smem:$0x3FB4]  }
0x2e: {  	s3 =	simm.s32 @!p0 $0x1082;
	s9 =	sld [smem:$0x3FB5]  }
0x2f: {  	lr =	sadd.s32 s0, s3;
	s0 =	sld [smem:$0x3FAC]  }
0x30: {  	s3 =	sld [smem:$0x3FAF]  }
0x31: {  	[smem:$0x3FB8] =	sst s10  }
0x32: {  	s10 =	sld [smem:$0x3FB6];
	_ =	sdelay $0x3  }
0x33: {  	p0 =	seq.s32 s10, $0x1;
	s10 =	sld [smem:$0x3FB8];
	_ =	sdelay $0x3  }
0x34: {  	[smem:$0x3FB8] =	sst s10  }
0x35: {  	s10 =	sld [smem:$0x3FB7];
	_ =	sdelay $0x3  }
0x36: {  	p1 =	seq.s32 s10, $0x1;
	s10 =	sld [smem:$0x3FB8];
	_ =	sdelay $0x3  }
0x37: {  	[smem:$0x3FB8] =	sst s10  }
0x38: {  	s10 =	sld [smem:$0x3FB9]  }
0x39: {  	_ = 	snop;
	(pc) =	sbr.ind lr, $3  }
0x3a: {  	_ = 	snop  }
0x3b: {  	_ = 	snop  }
0x3c: {  	p2 =	seq.s32 s10, $0x1;
	s10 =	sld [smem:$0x3FB8]  }
0x3d: {  	_ =	shalt  }
0x3e: {  	_ =	shalt  }
0x3f: {  	_ =	shalt  }
0x40: {  	_ =	shalt  }
0x41: {  	_ =	shalt  }
0x42: {  	_ =	shalt  }
0x43: {  	_ =	shalt  }
0x44: {  	_ =	shalt  }
0x45: {  	_ =	shalt  }
0x46: {  	_ =	shalt  }
0x47: {  	_ =	shalt  }
0x48: {  	_ =	shalt  }
0x49: {  	_ =	shalt  }
0x4a: {  	_ =	shalt  }
0x4b: {  	_ =	shalt  }
0x4c: {  	_ =	shalt  }
0x4d: {  	_ =	shalt  }
0x4e: {  	_ =	shalt  }
0x4f: {  	_ =	shalt  }
0x50: {  	_ =	shalt  }
0x51: {  	_ =	shalt  }
0x52: {  	_ =	shalt  }
0x53: {  	_ =	shalt  }
0x54: {  	_ =	shalt  }
0x55: {  	_ =	shalt  }
0x56: {  	_ =	shalt  }
0x57: {  	_ =	shalt  }
0x58: {  	_ =	shalt  }
0x59: {  	_ =	shalt  }
0x5a: {  	_ =	shalt  }
0x5b: {  	_ =	shalt  }
0x5c: {  	_ =	shalt  }
0x5d: {  	_ =	shalt  }
0x5e: {  	_ =	shalt  }
0x5f: {  	_ =	shalt  }
0x60: {  	_ =	shalt  }
0x61: {  	_ =	shalt  }
0x62: {  	_ =	shalt  }
0x63: {  	_ =	shalt  }
0x64: {  	_ =	shalt  }
0x65: {  	_ =	shalt  }
0x66: {  	_ =	shalt  }
0x67: {  	_ =	shalt  }
0x68: {  	_ =	shalt  }
0x69: {  	_ =	shalt  }
0x6a: {  	_ =	shalt  }
0x6b: {  	_ =	shalt  }
0x6c: {  	_ =	shalt  }
0x6d: {  	_ =	shalt  }
0x6e: {  	_ =	shalt  }
0x6f: {  	_ =	shalt  }
0x70: {  	_ =	shalt  }
0x71: {  	_ =	shalt  }
0x72: {  	_ =	shalt  }
0x73: {  	_ =	shalt  }
0x74: {  	_ =	shalt  }
0x75: {  	_ =	shalt  }
0x76: {  	_ =	shalt  }
0x77: {  	_ =	shalt  }
0x78: {  	_ =	shalt  }
0x79: {  	_ =	shalt  }
0x7a: {  	_ =	shalt  }
0x7b: {  	_ =	shalt  }
0x7c: {  	_ =	shalt  }
0x7d: {  	_ =	shalt  }
0x7e: {  	_ =	shalt  }
0x7f: {  	_ =	shalt  }
0x80: {  	_ =	shalt  }
0x81: {  	_ =	shalt  }
0x82: {  	_ =	shalt  }
0x83: {  	_ =	shalt  }
0x84: {  	_ =	shalt  }
0x85: {  	_ =	shalt  }
0x86: {  	_ =	shalt  }
0x87: {  	_ =	shalt  }
.Lfunc_end0:
.L_simem_size_0:
called_computation.1_lowered:
.L_overlay_start_0:
0x88: {  	s2 =	sld [smem:$0x3FD9]  }
0x89: {  	s3 =	sld [smem:$0x3FFE];
	_ =	sdelay $0x1  }
0x8a: {  	s1 =	srdreg.scid  }
0x8b: {  	s0 =	sand.u32 $0x1, s1  }
0x8c: {  	s17 =	sshll.u32 s0, $0xA;
	s2 =	sadd.s32 s3, s2  }
0x8d: {  	s2 =	sadd.s32 s2, s17  }
0x8e: {  	[smem:$0x3FC4] =	sst s2  }
0x8f: {  	_ = 	snop  }
0x90: {  	s2 =	sld [smem:$0x3FC7]  }
0x91: {  	s18 =	sld [smem:$0x3FC6];
	(tm) =	ssettm $0x1  }
0x92: {  	s4 =	sld [smem:$0x3FFB];
	_ =	sdelay $0x3  }
0x93: {  	_ =	strace s4  }
0x94: {  	s4 =	sld [smem:$0x3FFC];
	_ =	sdelay $0x3  }
0x95: {  	_ =	strace s4  }
0x96: {  	s4 =	sld [smem:$0x3FFD];
	_ =	sdelay $0x3  }
0x97: {  	_ =	strace s4  }
0x98: {  	_ =	strace $0x8FFFFFFF  }
0x99: {  	s19 =	sld [smem:$0x3FDB];
	_ =	sdelay $0x1  }
0x9a: {  	s5 =	simm.s32 $_scs_section_size  }
0x9b: {  	s6 =	simm.s32 $_size__tile_overlayer_lowered;
	s7 =	simm.s32 $_tile_overlayer_lowered  }
0x9c: {  	s22 =	simm.s32 $0x1BFF;
	s21 =	sshll.u32 s7, $0x1;
	s4 =	sadd.s32 s5, s19  }
0x9d: {  	s8 =	simm.s32 $0x0;
	s20 =	sshll.u32 s6, $0x1;
	s6 =	sadd.s32 s21, s4  }
0x9e: {  	[timem:s8], [sflag:s22] =	dma.local [hbm:s6], s20  }
0x9f: {  	_ =	swait.ge [sflag:s22], s20  }
0xa0: {  	s5 =	ssub.s32 $0x0, s20;
	[sflag:s22] =	ssyncset.done $0x0  }
0xa1: {  	[sflag:s22] =	ssyncadd.s32 s5;
	_ =	sdelay $0x1  }
0xa2: {  	s23 =	simm.s32 $0x1B8B  }
0xa3: {  	_ =	swait.ge [sflag:s23], $0x1  }
0xa4: {  	[sflag:s23] =	ssyncset.done $0x0  }
0xa5: {  	s25 =	simm.s32 $0x1B8E;
	s24 =	sld [smem:$0x3FFE];
	[sflag:s23] =	ssyncadd.s32 $0xFFFFFFFF  }
0xa6: {  	s26 =	simm.s32 $execute0_lowered;
	[smem:$0x3FD2] =	sst s25  }
0xa7: {  	s6 =	sshll.u32 s26, $0x1;
	_ =	strace $0x80000046;
	[dreg:$0x1] =	wrdreg $0xFFFFFFFF  }
0xa8: {  	s28 =	simm.s32 $_size_execute0_lowered;
	s4 =	sadd.s32 s4, s6;
	[dreg:$0x0] =	wrdreg $0x0  }
0xa9: {  	s6 =	sshll.u32 s28, $0x1;
	[dreg:$0x2] =	wrdreg s4  }
0xaa: {  	[dreg:$0x3] =	wrdreg s6  }
0xab: {  	[dreg:$0x4] =	wrdreg $0xC0  }
0xac: {  	_ =	task [dreg:s8], $0x5FFFF  }
0xad: {  	[dreg:$0x1] =	wrdreg $0xFFFFFFFF  }
0xae: {  	[dreg:$0x0] =	wrdreg $0x60  }
0xaf: {  	[dreg:$0x2] =	wrdreg s24  }
0xb0: {  	[dreg:$0x3] =	wrdreg s2  }
0xb1: {  	[dreg:$0x4] =	wrdreg s18  }
0xb2: {  	[dreg:$0x5] =	wrdreg $0x10B000  }
0xb3: {  	[dreg:$0x6] =	wrdreg $0xA  }
0xb4: {  	_ =	task.clear_ibuf [dreg:s8], $0x7FFFF;
	_ =	strace $0x90000046  }
0xb5: {  	s29 =	simm.s32 $0xA;
	_ =	strace $0x80000048  }
0xb6: {  	_ =	swait.ge [sflag:s29], $0x1  }
0xb7: {  	[sflag:s29] =	ssyncadd.s32 $0xFFFFFFFF  }
0xb8: {  	_ =	strace $0x90000048  }
0xb9: {  	_ =	sfence  }
0xba: {  	s30 =	sld [smem:$0x0];
	_ =	sdelay $0x2  }
0xbb: {  	s31 =	sshll.u32 s1, $0xD;
	s1 =	sshrl.u32 s1, $0x2  }
0xbc: {  	s3 =	sand.u32 $0x4000, s31;
	s1 =	sadd.s32 s1, s30  }
0xbd: {  	s0 =	sor.u32 s3, s0;
	s1 =	sshll.u32 s1, $0x11  }
0xbe: {  	s0 =	sor.u32 s1, s0  }
0xbf: {  	s0 =	sadd.s32 $0x8F2B, s0  }
0xc0: {  	[sflag:s0] =	ssyncadd.remote.s32 $0x1  }
0xc1: {  	_ =	sfence.sel $0xFFFF  }
0xc2: {  	[dreg:$0x0] =	wrdreg $0xFFFFFFFF;
	(pc) =	sbr.abs _section_cstart, $3  }
0xc3: {  	[dreg:$0x1] =	wrdreg $0xFFFFFFFF  }
0xc4: {  	_ =	task.clear_ibuf [dreg:s8], $0x2FFFF;
	_ =	strace $0x9FFFFFFF  }
0xc5: {  	(tm) =	ssettm $0x7FFFFFFF  }
tec
execute0_lowered:
.L_overlay_start_1:
0x0: {  	(tag) =	ssettag $0x1  }
0x1: {  	s0 =	rddreg [dreg:$0x0]  }
0x2: {  	s17 =	rddreg [dreg:$0x1]  }
0x3: {  	s18 =	rddreg [dreg:$0x2];
	s2 =	srdreg.scid  }
0x4: {  	s23 =	stileid.u32;
	s1 =	rddreg [dreg:$0x3];
	s19 =	simm.s32 $0x17B0  }
0x5: {  	s24 =	simm.s32 $0x1;
	s25 =	simm.s32 $0x80;
	s26 =	simm.s32 $0x100  }
0x6: {  	s3 =	sand.u32 $0x1, s2;
	s4 =	sshll.u32 s23, $0x1;
	s2 =	simm.s32 $0x0  }
0x7: {  	s11 =	sadd.s32 $0x184B2, s0;
	s12 =	sadd.s32 $0x1E6B2, s0;
	s13 =	sadd.s32 $0x248B2, s0  }
0x8: {  	s14 =	sadd.s32 $0x122B2, s0;
	s22 =	smul.u32 $0x1080, s23;
	s15 =	sadd.s32 $0xC0B2, s0  }
0x9: {  	s16 =	sadd.s32 $0x5EB2, s0;
	p1 =	sne.s32 s23, $0x0;
	s23 =	simm.s32 $0x10680  }
0xa: {  	s4 =	sor.u32 s3, s4;
	[smem:$0x7FF] =	sst s2;
	s5 =	sshll.u32 s3, $0x4  }
0xb: {  	s6 =	ssub.s32 $0x2, s3;
	s10 =	smul.u32 $0x30E, s4;
	_ =	strace $0x80000047  }
0xc: {  	s20 =	sadd.s32 s5, s0;
	s30 =	sshrl.u32 s6, $0x1;
	p0 =	seq.s32 s4, $0x1F  }
0xd: {  	v0 =	vlaneseq.u32;
	s31 =	sshrl.u32 s22, $0x2;
	s22 =	simm.s32 $0xC400;
	s21 =	ssub.s32 s6, s30  }
.Ltmp0:
0xe: {  	v1 =	vmul.u32 $0xFFFFFFFF, v0;
	v10 =	vmul.u32 $0x421, v0;
	s19 =	simm.s32 @!p0 $0x1870;
	s20 =	sadd.s32 $0x24C00, s20;
	(pc) =	sbr.rel .LBB2_1-.Ltmp0, $4  }
0xf: {  	v2 =	vimm.s32 $0x0;
	v3 =	vimm.f32 $1.000000000e+00;
	s3 =	sadd.s32 s0, s10;
	s9 =	sadd.s32 s17, s10;
	s10 =	sadd.s32 s18, s10  }
0x10: {  	v4 =	vadd.s32 $0x80, v10;
	v5 =	vadd.s32 $0x100, v10;
	s17 =	sadd.s32 $0x5EB2, s17;
	s18 =	sadd.s32 $0x5EB2, s18;
	v0 =	vadd.s32 s19, v1;
	s19 =	sadd.s32 s31, s1  }
0x11: {  	v6 =	vadd.s32 $0x40C, v10;
	v7 =	vadd.s32 $0x409, v10;
	v8 =	vadd.s32 $0x406, v10;
	s21 =	smax.u32 s21, $0x1;
	s4 =	sadd.s32 $0x12600, s3;
	s5 =	sadd.s32 $0x18800, s3  }
0x12: {  	v9 =	vadd.s32 $0x403, v10;
	v10 =	vadd.s32 $0x400, v10;
	v1 =	vimm.f32 $0.0e+00;
	s6 =	sadd.s32 $0x1EA00, s3;
	s7 =	sadd.s32 $0xC400, s3;
	s8 =	sadd.s32 $0x6200, s3  }
.LBB2_11:
0x13: {  	v14 =	vadd.f32 v14, v20;
	_ =	sdelay $0x1  }
0x14: {  	v59 =	vld [tilespmem:s28+$0x18C0];
	v14 =	vadd.f32 v16, v14  }
0x15: {  	v60 =	vadd.f32 v17, v19  }
0x16: {  	v61 =	vld [tilespmem:s28+$0x1CE0];
	v11 =	vadd.f32 v11, v14  }
0x17: {  	v62 =	vadd.f32 v18, v60  }
0x18: {  	v11 =	vadd.f32 v12, v11  }
0x19: {  	v63 =	vadd.f32 v59, v62  }
0x1a: {  	v11 =	vadd.f32 v13, v11  }
0x1b: {  	v12 =	vadd.f32 v61, v63  }
0x1c: {  	s0 =	sadd.s32 $0x20, s29;
	v11 =	vadd.f32 v15, v11  }
0x1d: {  	[tilespmem:s0+$0x0] =	vst v12  }
0x1e: {  	[tilespmem:s0+$0xFFFFFFF0] =	vst v11  }
0x1f: {  	[hbm4b:s20+s25] =	stream.strided.scatter [tilespmem:s23], [sflag:$0x1], $0x480, s26, s25, $0x38;
	[tilespmem:$0x10F20] =	vst v63  }
0x20: {  	_ =	swait.ge [sflag:s24], $0x480  }
0x21: {  	[sflag:s24] =	ssyncset.done $0x0  }
0x22: {  	[sflag:s24] =	ssyncadd.s32 $0xFFFFFB80  }
.LBB2_12:
0x23: {  	s2 =	sadd.s32 $0x1, s2  }
0x24: {  	p2 =	sne.s32 s2, s21  }
.Ltmp1:
0x25: {  	_ = 	snop;
	(pc) =	sbr.rel @!p2 .LBB2_13-.Ltmp1, $1  }
0x26: {  	_ =	sdelay $0x3  }
.LBB2_1:
0x27: {  	s0 =	simm.s32 @p0 $0x0;
	s28 =	simm.s32 @p0 $0x1  }
0x28: {  	[tilespmem:s0], [sflag:$0x1] =	stream.linear.gather @p0 [hbm4b:s11+s0], $0x17B0, $0x38;
	[tilespmem:$0x10F20] =	vst v63  }
0x29: {  	_ =	swait.ge @p0 [sflag:s28], $0x17B0  }
0x2a: {  	[sflag:s28] =	ssyncset.done @p0 $0x0  }
0x2b: {  	s29 =	simm.s32 @p0 $0x1880;
	[sflag:s28] =	ssyncadd.s32 @p0 $0xFFFFE850  }
0x2c: {  	[tilespmem:s29], [sflag:$0x1] =	stream.linear.gather @p0 [hbm4b:s12+s0], $0x17B0, $0x38;
	[tilespmem:$0x10F20] =	vst v63  }
0x2d: {  	_ =	swait.ge @p0 [sflag:s28], $0x17B0  }
0x2e: {  	[sflag:s28] =	ssyncset.done @p0 $0x0  }
0x2f: {  	s29 =	simm.s32 @p0 $0x3100;
	[sflag:s28] =	ssyncadd.s32 @p0 $0xFFFFE850  }
0x30: {  	[tilespmem:s29], [sflag:$0x1] =	stream.linear.gather @p0 [hbm4b:s13+s0], $0x17B0, $0x38;
	[tilespmem:$0x10F20] =	vst v63  }
0x31: {  	_ =	swait.ge @p0 [sflag:s28], $0x17B0  }
0x32: {  	[sflag:s28] =	ssyncset.done @p0 $0x0  }
0x33: {  	s29 =	simm.s32 @p0 $0x4980;
	[sflag:s28] =	ssyncadd.s32 @p0 $0xFFFFE850  }
0x34: {  	[tilespmem:s29], [sflag:$0x1] =	stream.linear.gather @p0 [hbm4b:s14+s0], $0x17B0, $0x38;
	[tilespmem:$0x10F20] =	vst v63  }
0x35: {  	_ =	swait.ge @p0 [sflag:s28], $0x17B0  }
0x36: {  	[sflag:s28] =	ssyncset.done @p0 $0x0  }
0x37: {  	s29 =	simm.s32 @p0 $0x6200;
	[sflag:s28] =	ssyncadd.s32 @p0 $0xFFFFE850  }
0x38: {  	[tilespmem:s29], [sflag:$0x1] =	stream.linear.gather @p0 [hbm4b:s15+s0], $0x17B0, $0x38;
	[tilespmem:$0x10F20] =	vst v63  }
0x39: {  	_ =	swait.ge @p0 [sflag:s28], $0x17B0  }
0x3a: {  	[sflag:s28] =	ssyncset.done @p0 $0x0  }
0x3b: {  	s29 =	simm.s32 @p0 $0x7A80;
	[sflag:s28] =	ssyncadd.s32 @p0 $0xFFFFE850  }
0x3c: {  	[tilespmem:s29], [sflag:$0x1] =	stream.linear.gather @p0 [hbm4b:s16+s0], $0x17B0, $0x38;
	[tilespmem:$0x10F20] =	vst v63  }
0x3d: {  	_ =	swait.ge @p0 [sflag:s28], $0x17B0  }
0x3e: {  	[sflag:s28] =	ssyncset.done @p0 $0x0  }
0x3f: {  	s29 =	simm.s32 @p0 $0x9300;
	[sflag:s28] =	ssyncadd.s32 @p0 $0xFFFFE850  }
0x40: {  	[tilespmem:s29], [sflag:$0x1] =	stream.linear.gather @p0 [hbm4b:s17+s0], $0x17B0, $0x38;
	[tilespmem:$0x10F20] =	vst v63  }
0x41: {  	_ =	swait.ge @p0 [sflag:s28], $0x17B0  }
0x42: {  	[sflag:s28] =	ssyncset.done @p0 $0x0  }
0x43: {  	s29 =	simm.s32 @p0 $0xAB80;
	[sflag:s28] =	ssyncadd.s32 @p0 $0xFFFFE850  }
0x44: {  	[tilespmem:s29], [sflag:$0x1] =	stream.linear.gather @p0 [hbm4b:s18+s0], $0x17B0, $0x38;
	[tilespmem:$0x10F20] =	vst v63  }
0x45: {  	_ =	swait.ge @p0 [sflag:s28], $0x17B0  }
0x46: {  	[sflag:s28] =	ssyncset.done @p0 $0x0  }
0x47: {  	s0 =	simm.s32 @!p0 $0x0;
	[sflag:s28] =	ssyncadd.s32 @p0 $0xFFFFE850;
	s28 =	simm.s32 @!p0 $0x1  }
0x48: {  	[tilespmem:s0], [sflag:$0x1] =	stream.linear.gather @!p0 [hbm4b:s4+s0], $0x1870, $0x38;
	[tilespmem:$0x10F20] =	vst v63  }
0x49: {  	_ =	swait.ge @!p0 [sflag:s28], $0x1870  }
0x4a: {  	[sflag:s28] =	ssyncset.done @!p0 $0x0  }
0x4b: {  	s29 =	simm.s32 @!p0 $0x1880;
	[sflag:s28] =	ssyncadd.s32 @!p0 $0xFFFFE790  }
0x4c: {  	[tilespmem:s29], [sflag:$0x1] =	stream.linear.gather @!p0 [hbm4b:s5+s0], $0x1870, $0x38;
	[tilespmem:$0x10F20] =	vst v63  }
0x4d: {  	_ =	swait.ge @!p0 [sflag:s28], $0x1870  }
0x4e: {  	[sflag:s28] =	ssyncset.done @!p0 $0x0  }
0x4f: {  	s29 =	simm.s32 @!p0 $0x3100;
	[sflag:s28] =	ssyncadd.s32 @!p0 $0xFFFFE790  }
0x50: {  	[tilespmem:s29], [sflag:$0x1] =	stream.linear.gather @!p0 [hbm4b:s6+s0], $0x1870, $0x38;
	[tilespmem:$0x10F20] =	vst v63  }
0x51: {  	_ =	swait.ge @!p0 [sflag:s28], $0x1870  }
0x52: {  	[sflag:s28] =	ssyncset.done @!p0 $0x0  }
0x53: {  	s29 =	simm.s32 @!p0 $0x4980;
	[sflag:s28] =	ssyncadd.s32 @!p0 $0xFFFFE790  }
0x54: {  	[tilespmem:s29], [sflag:$0x1] =	stream.linear.gather @!p0 [hbm4b:s7+s0], $0x1870, $0x38;
	[tilespmem:$0x10F20] =	vst v63  }
0x55: {  	_ =	swait.ge @!p0 [sflag:s28], $0x1870  }
0x56: {  	[sflag:s28] =	ssyncset.done @!p0 $0x0  }
0x57: {  	s29 =	simm.s32 @!p0 $0x6200;
	[sflag:s28] =	ssyncadd.s32 @!p0 $0xFFFFE790  }
0x58: {  	[tilespmem:s29], [sflag:$0x1] =	stream.linear.gather @!p0 [hbm4b:s8+s0], $0x1870, $0x38;
	[tilespmem:$0x10F20] =	vst v63  }
0x59: {  	_ =	swait.ge @!p0 [sflag:s28], $0x1870  }
0x5a: {  	[sflag:s28] =	ssyncset.done @!p0 $0x0  }
0x5b: {  	s29 =	simm.s32 @!p0 $0x7A80;
	[sflag:s28] =	ssyncadd.s32 @!p0 $0xFFFFE790  }
0x5c: {  	[tilespmem:s29], [sflag:$0x1] =	stream.linear.gather @!p0 [hbm4b:s3+s0], $0x1870, $0x38;
	[tilespmem:$0x10F20] =	vst v63  }
0x5d: {  	_ =	swait.ge @!p0 [sflag:s28], $0x1870  }
0x5e: {  	[sflag:s28] =	ssyncset.done @!p0 $0x0  }
0x5f: {  	s29 =	simm.s32 @!p0 $0x9300;
	[sflag:s28] =	ssyncadd.s32 @!p0 $0xFFFFE790  }
0x60: {  	[tilespmem:s29], [sflag:$0x1] =	stream.linear.gather @!p0 [hbm4b:s9+s0], $0x1870, $0x38;
	[tilespmem:$0x10F20] =	vst v63  }
0x61: {  	_ =	swait.ge @!p0 [sflag:s28], $0x1870  }
0x62: {  	[sflag:s28] =	ssyncset.done @!p0 $0x0  }
0x63: {  	s29 =	simm.s32 @!p0 $0xAB80;
	[sflag:s28] =	ssyncadd.s32 @!p0 $0xFFFFE790  }
0x64: {  	[tilespmem:s29], [sflag:$0x1] =	stream.linear.gather @!p0 [hbm4b:s10+s0], $0x1870, $0x38;
	[tilespmem:$0x10F20] =	vst v63  }
0x65: {  	_ =	swait.ge @!p0 [sflag:s28], $0x1870  }
0x66: {  	[sflag:s28] =	ssyncset.done @!p0 $0x0  }
0x67: {  	s0 =	simm.s32 $0xC480;
	[sflag:s28] =	ssyncadd.s32 @!p0 $0xFFFFE790  }
0x68: {  	[tilespmem:s0+$0xFFFFFF80] =	vst v1  }
0x69: {  	[tilespmem:s0+$0x70] =	vst v1  }
0x6a: {  	[tilespmem:s0+$0x60] =	vst v1  }
0x6b: {  	[tilespmem:s0+$0x50] =	vst v1  }
0x6c: {  	[tilespmem:s0+$0x40] =	vst v1  }
0x6d: {  	[tilespmem:s0+$0x30] =	vst v1  }
0x6e: {  	[tilespmem:s0+$0x20] =	vst v1  }
0x6f: {  	[tilespmem:s0+$0x10] =	vst v1  }
0x70: {  	[tilespmem:s0+$0x0] =	vst v1  }
0x71: {  	[tilespmem:s0+$0xFFFFFFF0] =	vst v1  }
0x72: {  	[tilespmem:s0+$0xFFFFFFE0] =	vst v1  }
0x73: {  	[tilespmem:s0+$0xFFFFFFD0] =	vst v1  }
0x74: {  	[tilespmem:s0+$0xFFFFFFC0] =	vst v1  }
0x75: {  	[tilespmem:s0+$0xFFFFFFB0] =	vst v1  }
0x76: {  	s28 =	simm.s32 $0x0;
	[tilespmem:s0+$0xFFFFFFA0] =	vst v1  }
.LBB2_2:
0x77: {  	s28 =	sadd.s32 $0x4, s28;
	[tilespmem:s0+$0xFFFFFF90] =	vst v1;
	s0 =	sadd.s32 $0x100, s0  }
0x78: {  	[tilespmem:s0+$0xFFFFFF80] =	vst v1;
	p2 =	slt.u32 s28, $0x104  }
0x79: {  	[tilespmem:s0+$0x70] =	vst v1  }
0x7a: {  	[tilespmem:s0+$0x60] =	vst v1  }
0x7b: {  	[tilespmem:s0+$0x50] =	vst v1  }
0x7c: {  	[tilespmem:s0+$0x40] =	vst v1  }
0x7d: {  	[tilespmem:s0+$0x30] =	vst v1  }
0x7e: {  	[tilespmem:s0+$0x20] =	vst v1  }
0x7f: {  	[tilespmem:s0+$0x10] =	vst v1  }
0x80: {  	[tilespmem:s0+$0x0] =	vst v1  }
0x81: {  	[tilespmem:s0+$0xFFFFFFF0] =	vst v1  }
.Ltmp2:
0x82: {  	[tilespmem:s0+$0xFFFFFFE0] =	vst v1;
	(pc) =	sbr.rel @p2 .LBB2_2-.Ltmp2, $4  }
0x83: {  	[tilespmem:s0+$0xFFFFFFD0] =	vst v1  }
0x84: {  	[tilespmem:s0+$0xFFFFFFC0] =	vst v1  }
0x85: {  	[tilespmem:s0+$0xFFFFFFB0] =	vst v1  }
0x86: {  	[tilespmem:s0+$0xFFFFFFA0] =	vst v1  }
0x87: {  	[tilespmem:s0+$0xFFFFFF90] =	vst v1  }
0x88: {  	[tilespmem:$0x10600] =	vst v1  }
0x89: {  	[tilespmem:$0x10610] =	vst v1  }
0x8a: {  	[tilespmem:$0x10620] =	vst v1  }
0x8b: {  	s28 =	simm.s32 $0xFFFFFFFC;
	s29 =	simm.s32 $0x0;
	s30 =	simm.s32 $0x0;
	[tilespmem:$0x10630] =	vst v1  }
.LBB2_4:
0x8c: {  	s31 =	sshra.s32 s29, $0x2  }
0x8d: {  	v11 =	vld [tilespmem:s31+$0x0]  }
0x8e: {  	v12 =	vld [tilespmem:s31+$0x1880]  }
0x8f: {  	v13 =	vld [tilespmem:s31+$0x3100]  }
0x90: {  	v14 =	vld [tilespmem:s31+$0x4980]  }
0x91: {  	v15 =	vld [tilespmem:s31+$0x6200]  }
0x92: {  	v16 =	vld [tilespmem:s31+$0x7A80]  }
0x93: {  	v18 =	vld [tilespmem:s31+$0xAB80]  }
0x94: {  	v20 =	vld [tilespmem:s31+$0x10]  }
0x95: {  	v21 =	vld [tilespmem:s31+$0x1890]  }
0x96: {  	v22 =	vld [tilespmem:s31+$0x4990]  }
0x97: {  	v35 =	vld [tilespmem:s31+$0x6210]  }
0x98: {  	v23 =	vld [tilespmem:s31+$0x3110]  }
0x99: {  	v36 =	vld [tilespmem:s31+$0x7A90]  }
0x9a: {  	v39 =	vld [tilespmem:s31+$0x9300]  }
0x9b: {  	v25 =	vld [tilespmem:s31+$0x20]  }
0x9c: {  	v27 =	vld [tilespmem:s31+$0x3120]  }
0x9d: {  	v24 =	vmov s30;
	v28 =	vld [tilespmem:s31+$0x49A0]  }
0x9e: {  	v53 =	vld [tilespmem:s31+$0x7AA0];
	v11 =	vsub.f32 v11, v14;
	v12 =	vsub.f32 v12, v15;
	v14 =	vmul.f32 v14, v14  }
0x9f: {  	v58 =	vld [tilespmem:s31+$0x9310];
	v15 =	vmul.f32 v15, v15;
	v13 =	vsub.f32 v13, v16;
	v29 =	vmul.f32 v16, v16  }
0xa0: {  	v20 =	vsub.f32 v20, v22;
	v21 =	vsub.f32 v21, v35;
	vm0 =	vgt.s32 v18, $0x0  }
0xa1: {  	v23 =	vsub.f32 v23, v36;
	v22 =	vmul.f32 v22, v22;
	v47 =	vadd.s32 $0xFFFFFFF9, v39  }
0xa2: {  	vm2 =	veq.s32 v39, $0x6;
	vm3 =	veq.s32 v39, $0xB;
	vm11 =	vne.s32 v39, $0xB  }
0xa3: {  	v48 =	vld [tilespmem:s31+$0x18A0];
	v26 =	vadd.s32 $0xFFFFFFFE, v39;
	vm13 =	veq.s32 v39, $0x0;
	v25 =	vsub.f32 v25, v28  }
0xa4: {  	v50 =	vld [tilespmem:s31+$0x6220];
	v28 =	vmul.f32 v28, v28;
	v27 =	vsub.f32 v27, v53;
	vm14 =	veq.s32 v58, $0x6  }
0xa5: {  	vm15 =	veq.s32 v58, $0xB;
	vm9 =	vne.s32 v58, $0xB;
	v18 =	vnsel vm0, $0x0, v18  }
0xa6: {  	v11 =	vmul.f32 v11, v11;
	v12 =	vmul.f32 v12, v12;
	v14 =	vadd.f32 v15, v14  }
0xa7: {  	vm0 =	vlt.u32 v24, v0;
	vm4 =	vlt.u32 v47, $0x7;
	vm2 =	vmor vm2, vm3  }
0xa8: {  	v30 =	vmul.f32 v13, v13;
	v11 =	vadd.f32 v12, v11;
	v31 =	vadd.f32 v29, v14  }
0xa9: {  	vm12 =	vlt.u32 v26, $0x3;
	v24 =	vsub.f32 v48, v50;
	v20 =	vmul.f32 v20, v20  }
0xaa: {  	v11 =	vadd.f32 v30, v11;
	v32 =	vshra.s32 v31, $0x1;
	v14 =	vmul.f32 $5.000000000e-01, v31  }
0xab: {  	v21 =	vmul.f32 v21, v21;
	v38 =	vmul.f32 v23, v23;
	v12 =	vsub.s32 $0x5F3759DF, v32  }
0xac: {  	v33 =	vshra.s32 v11, $0x1;
	v34 =	vmul.f32 $5.000000000e-01, v11;
	v17 =	vmul.f32 v12, v14  }
0xad: {  	v40 =	vmin.u32 v18, $0x7F;
	vm3 =	vmand vm11, vm4;
	v15 =	vsub.s32 $0x5F3759DF, v33  }
0xae: {  	v49 =	vsel vm2, v7, v6;
	v19 =	vmul.f32 v15, v34;
	v17 =	vmul.f32 v12, v17  }
0xaf: {  	v25 =	vmul.f32 v25, v25;
	v60 =	vmul.f32 v27, v27;
	vm2 =	vmor vm14, vm15  }
0xb0: {  	v26 =	vsel vm12, v8, v49;
	v19 =	vmul.f32 v15, v19;
	v17 =	vsub.f32 $1.500000000e+00, v17  }
0xb1: {  	v13 =	vadd.s32 v5, v40;
	v24 =	vmul.f32 v24, v24;
	v52 =	vsel vm3, v9, v26  }
0xb2: {  	v48 =	vld [tilespmem:s31+$0x9320];
	v19 =	vsub.f32 $1.500000000e+00, v19;
	v12 =	vmul.f32 v12, v17;
	v17 =	vmul.f32 v35, v35  }
0xb3: {  	v37 =	vadd.f32 v21, v20;
	v26 =	vmul.f32 v53, v53;
	v29 =	vsel vm13, v10, v52  }
0xb4: {  	v15 =	vmul.f32 v15, v19;
	v17 =	vadd.f32 v17, v22;
	v19 =	vmul.f32 v36, v36  }
0xb5: {  	v59 =	vadd.f32 v24, v25;
	v20 =	vadd.f32 v38, v37;
	v37 =	vld [tilespmem:s31+$0xABA0];
	v14 =	vmul.f32 v12, v14  }
0xb6: {  	vm13 =	veq.s32 v58, $0x0;
	v16 =	vmul.f32 v15, v34;
	v17 =	vadd.f32 v19, v17  }
0xb7: {  	v38 =	vsel vm2, v7, v6;
	vm7 =	vne.s32 v48, $0xB;
	v14 =	vmul.f32 v14, v12  }
0xb8: {  	v16 =	vmul.f32 v16, v15;
	v43 =	vshra.s32 v17, $0x1;
	v19 =	vmul.f32 $5.000000000e-01, v17  }
0xb9: {  	v41 =	vshra.s32 v20, $0x1;
	v14 =	vsub.f32 $1.500000000e+00, v14;
	v18 =	vsub.s32 $0x5F3759DF, v43  }
0xba: {  	vm14 =	vgt.s32 v37, $0x0;
	v16 =	vsub.f32 $1.500000000e+00, v16;
	v46 =	vmul.f32 v18, v19  }
0xbb: {  	v42 =	vmul.f32 $5.000000000e-01, v20;
	v53 =	vnsel vm14, $0x0, v37;
	v12 =	vmul.f32 v14, v12  }
0xbc: {  	v39 =	vld [tilespmem:s31+$0x49B0];
	v34 =	vadd.s32 $0xFFFFFFF9, v58;
	v15 =	vmul.f32 v16, v15;
	v23 =	vmul.f32 v18, v46  }
0xbd: {  	v36 =	vadd.s32 $0xFFFFFFFE, v58;
	vm8 =	vlt.u32 v34, $0x7;
	v43 =	vld [tilespmem:s31+$0x7AB0];
	v12 =	vmul.f32 v12, v31  }
0xbe: {  	v11 =	vmul.f32 v15, v11;
	v15 =	vsub.s32 $0x5F3759DF, v41;
	v23 =	vsub.f32 $1.500000000e+00, v23  }
0xbf: {  	v56 =	vld [tilespmem:s31+$0xAB90];
	vm3 =	vmand vm9, vm8;
	vm8 =	veq.s32 v48, $0x6;
	v45 =	vmul.f32 v15, v42  }
0xc0: {  	vm9 =	veq.s32 v48, $0xB;
	v12 =	vmul.f32 $1.000000000e+01, v12;
	v18 =	vmul.f32 v18, v23  }
0xc1: {  	v16 =	vadd.s32 v4, v40;
	v40 =	vld [tilespmem:s31+$0x6230];
	v46 =	vmul.f32 v39, v39;
	v22 =	vmul.f32 v15, v45  }
0xc2: {  	v47 =	vmul.f32 v43, v43;
	vm1 =	vge.f32 v12, $4.000000060e-01;
	v19 =	vmul.f32 v18, v19  }
0xc3: {  	vm10 =	vgt.f32 v12, $1.000000000e+00;
	v44 =	vsel vm1, $0x1, v2;
	v45 =	vld [tilespmem:s31+$0x3130];
	v22 =	vsub.f32 $1.500000000e+00, v22  }
0xc4: {  	v51 =	vsel vm10, $0x1, v2;
	vm1 =	vgt.s32 v56, $0x0;
	v19 =	vmul.f32 v19, v18  }
0xc5: {  	vm10 =	vlt.u32 v36, $0x3;
	v15 =	vmul.f32 v15, v22;
	v22 =	vmul.f32 v50, v50  }
0xc6: {  	v31 =	vld [tilespmem:s31+$0x30];
	v34 =	vmul.f32 v40, v40;
	v54 =	vadd.s32 v51, v29;
	v29 =	vnsel vm1, $0x0, v56  }
0xc7: {  	vm1 =	vmor vm8, vm9;
	v19 =	vsub.f32 $1.500000000e+00, v19;
	v22 =	vadd.f32 v22, v28  }
0xc8: {  	v14 =	vadd.s32 v44, v54;
	v23 =	vsub.f32 v45, v43;
	v30 =	vmul.f32 v15, v42  }
0xc9: {  	v45 =	vadd.s32 $0x10, v14;
	v18 =	vmul.f32 v19, v18;
	v22 =	vadd.f32 v26, v22  }
0xca: {  	v23 =	vmul.f32 v23, v23;
	v55 =	vmul.f32 v30, v15;
	v26 =	vsel vm10, v8, v38  }
0xcb: {  	v30 =	vsub.f32 v31, v39;
	v61 =	vshra.s32 v22, $0x1;
	v62 =	vmul.f32 $5.000000000e-01, v22  }
0xcc: {  	v17 =	vmul.f32 v18, v17;
	v18 =	vadd.f32 v60, v59;
	v63 =	vsub.s32 $0x5F3759DF, v61  }
0xcd: {  	v26 =	vsel vm3, v9, v26;
	v60 =	vadd.s32 $0xFFFFFFFE, v48;
	v33 =	vmul.f32 v63, v62  }
0xce: {  	v57 =	vsub.f32 $1.500000000e+00, v55;
	v26 =	vsel vm13, v10, v26;
	v50 =	vmul.f32 v30, v30  }
0xcf: {  	v32 =	vshra.s32 v18, $0x1;
	v24 =	vmul.f32 $5.000000000e-01, v18;
	v25 =	vmul.f32 v63, v33  }
0xd0: {  	v55 =	vadd.s32 $0xFFFFFFF9, v48;
	v15 =	vmul.f32 v57, v15;
	v21 =	vsub.s32 $0x5F3759DF, v32  }
0xd1: {  	v58 =	vld [tilespmem:s31+$0xABB0];
	v17 =	vmul.f32 $1.000000000e+01, v17;
	v35 =	vmul.f32 v21, v24;
	v25 =	vsub.f32 $1.500000000e+00, v25  }
0xd2: {  	vm10 =	vlt.u32 v60, $0x3;
	vm6 =	vlt.u32 v55, $0x7;
	v15 =	vmul.f32 v15, v20  }
0xd3: {  	vm11 =	vge.f32 v17, $4.000000060e-01;
	v33 =	vld [tilespmem:s31+$0x18B0];
	v27 =	vmul.f32 v21, v35;
	v20 =	vmul.f32 v63, v25  }
0xd4: {  	v61 =	vld [tilespmem:s31+$0x9330];
	vm3 =	vmand vm7, vm6;
	vm12 =	vgt.f32 v17, $1.000000000e+00;
	v44 =	vsel vm11, $0x1, v2  }
0xd5: {  	v32 =	vsel vm12, $0x1, v2;
	v27 =	vsub.f32 $1.500000000e+00, v27;
	v42 =	vmul.f32 v20, v62  }
0xd6: {  	s0 =	sadd.s32 $0x10, s30;
	vm11 =	veq.s32 v48, $0x0;
	vm12 =	vgt.s32 v58, $0x0;
	v26 =	vadd.s32 v32, v26  }
0xd7: {  	v35 =	vmov s0;
	v41 =	vmul.f32 v21, v27;
	v21 =	vmul.f32 v42, v20  }
0xd8: {  	v32 =	vadd.f32 v34, v46;
	v46 =	vmin.u32 v53, $0x7F;
	v25 =	vsub.f32 v33, v40  }
0xd9: {  	v26 =	vadd.s32 v44, v26;
	v37 =	vadd.s32 $0xFFFFFFF9, v61;
	v21 =	vsub.f32 $1.500000000e+00, v21  }
0xda: {  	vm14 =	vne.s32 v61, $0xB;
	v49 =	vadd.f32 v47, v32;
	v25 =	vmul.f32 v25, v25  }
0xdb: {  	vm8 =	veq.s32 v61, $0xB;
	v24 =	vmul.f32 v41, v24;
	v20 =	vmul.f32 v21, v20  }
0xdc: {  	v51 =	vshra.s32 v49, $0x1;
	v52 =	vmul.f32 $5.000000000e-01, v49;
	v25 =	vadd.f32 v25, v50  }
0xdd: {  	s0 =	sadd.s32 $0x20, s30;
	v24 =	vmul.f32 v24, v41;
	v20 =	vmul.f32 v20, v22;
	v22 =	vsub.s32 $0x5F3759DF, v51  }
0xde: {  	[tilespmem:v16+s22+$0x0] =	vst.idx.add.f32.msk vm0, v11;
	v38 =	vmov s0;
	v23 =	vadd.f32 v23, v25;
	v54 =	vmul.f32 v22, v52  }
0xdf: {  	[tilespmem:v13+s22+$0x0] =	vst.idx.add.f32.msk vm0, v12;
	v13 =	vadd.s32 v5, v46;
	v32 =	vnsel vm12, $0x0, v58;
	v24 =	vsub.f32 $1.500000000e+00, v24  }
0xe0: {  	v25 =	vshra.s32 v23, $0x1;
	v57 =	vmul.f32 $5.000000000e-01, v23;
	v56 =	vmul.f32 v22, v54  }
0xe1: {  	vm13 =	vlt.u32 v37, $0x7;
	v58 =	vmin.u32 v32, $0x7F;
	v25 =	vsub.s32 $0x5F3759DF, v25  }
0xe2: {  	v19 =	vmul.f32 v24, v41;
	v59 =	vmul.f32 v25, v57;
	v24 =	vsub.f32 $1.500000000e+00, v56  }
0xe3: {  	v53 =	vadd.s32 $0x10, v26;
	v60 =	vadd.s32 v4, v58;
	v62 =	vsel vm1, v7, v6  }
0xe4: {  	v34 =	vsel vm10, v8, v62;
	v33 =	vmul.f32 v25, v59;
	v22 =	vmul.f32 v22, v24  }
0xe5: {  	vm1 =	vlt.u32 v35, v0;
	vm10 =	vlt.u32 v38, v0;
	v36 =	vsel vm3, v9, v34  }
0xe6: {  	vm3 =	vmand vm14, vm13;
	v33 =	vsub.f32 $1.500000000e+00, v33;
	v30 =	vmul.f32 v22, v52  }
0xe7: {  	vm14 =	veq.s32 v61, $0x0;
	v31 =	vsel vm11, v10, v36;
	v41 =	vmin.u32 v29, $0x7F  }
0xe8: {  	v42 =	vadd.s32 v4, v41;
	v25 =	vmul.f32 v25, v33;
	v30 =	vmul.f32 v30, v22  }
0xe9: {  	v44 =	vadd.s32 v5, v41;
	v51 =	vadd.s32 $0xFFFFFFFE, v61;
	v20 =	vmul.f32 $1.000000000e+01, v20  }
0xea: {  	s0 =	sadd.s32 $0x30, s30;
	v18 =	vmul.f32 v19, v18;
	v28 =	vmul.f32 v25, v57;
	v30 =	vsub.f32 $1.500000000e+00, v30  }
0xeb: {  	v54 =	vmov s0;
	vm15 =	vge.f32 v20, $4.000000060e-01;
	vm9 =	vgt.f32 v20, $1.000000000e+00  }
0xec: {  	vm13 =	vlt.u32 v54, v0;
	v28 =	vmul.f32 v28, v25;
	v40 =	vmul.f32 v30, v22  }
0xed: {  	[tilespmem:v14+s22+$0x0] =	vst.idx.add.f32.msk vm0, v11;
	v63 =	vsel vm15, $0x1, v2;
	vm15 =	veq.s32 v61, $0x6;
	v39 =	vsel vm9, $0x1, v2  }
0xee: {  	[tilespmem:v45+s22+$0x0] =	vst.idx.add.f32.msk vm0, v3;
	vm4 =	vmor vm15, vm8;
	v47 =	vsub.f32 $1.500000000e+00, v28;
	v16 =	vmul.f32 v40, v49  }
0xef: {  	vm11 =	vlt.u32 v51, $0x3;
	[tilespmem:v42+s22+$0x0] =	vst.idx.add.f32.msk vm1, v15;
	v43 =	vadd.s32 v39, v31;
	v52 =	vsel vm4, v7, v6  }
0xf0: {  	[tilespmem:v44+s22+$0x0] =	vst.idx.add.f32.msk vm1, v17;
	v11 =	vmul.f32 v47, v25;
	v49 =	vadd.s32 v4, v46;
	v50 =	vmul.f32 $1.000000000e+01, v16  }
0xf1: {  	v48 =	vadd.s32 v63, v43;
	v63 =	vadd.s32 v5, v58;
	v19 =	vsel vm11, v8, v52  }
0xf2: {  	[tilespmem:v26+s22+$0x0] =	vst.idx.add.f32.msk vm1, v15;
	v55 =	vsel vm3, v9, v19;
	v11 =	vmul.f32 v11, v23;
	vm12 =	vgt.f32 v50, $1.000000000e+00  }
0xf3: {  	[tilespmem:v53+s22+$0x0] =	vst.idx.add.f32.msk vm1, v3;
	v59 =	vsel vm14, v10, v55;
	vm15 =	vge.f32 v50, $4.000000060e-01;
	v56 =	vsel vm12, $0x1, v2  }
0xf4: {  	v57 =	vadd.s32 $0x10, v48;
	[tilespmem:v60+s22+$0x0] =	vst.idx.add.f32.msk vm13, v11;
	v62 =	vsel vm15, $0x1, v2;
	v61 =	vadd.s32 v56, v59  }
0xf5: {  	s28 =	sadd.s32 $0x4, s28;
	[tilespmem:v49+s22+$0x0] =	vst.idx.add.f32.msk vm10, v18;
	v12 =	vadd.s32 v62, v61  }
0xf6: {  	p2 =	slt.u32 s28, $0x180;
	[tilespmem:v13+s22+$0x0] =	vst.idx.add.f32.msk vm10, v20;
	v13 =	vadd.s32 $0x10, v12  }
.Ltmp3:
0xf7: {  	[tilespmem:v63+s22+$0x0] =	vst.idx.add.f32.msk vm13, v50;
	(pc) =	sbr.rel @p2 .LBB2_4-.Ltmp3, $4  }
0xf8: {  	[tilespmem:v48+s22+$0x0] =	vst.idx.add.f32.msk vm10, v18  }
0xf9: {  	[tilespmem:v57+s22+$0x0] =	vst.idx.add.f32.msk vm10, v3  }
0xfa: {  	s29 =	sadd.s32 $0x100, s29;
	[tilespmem:v12+s22+$0x0] =	vst.idx.add.f32.msk vm13, v11  }
0xfb: {  	s31 =	simm.s32 $0x6100;
	s30 =	sadd.s32 $0x40, s30;
	s0 =	simm.s32 $0x1840;
	[tilespmem:v13+s22+$0x0] =	vst.idx.add.f32.msk vm13, v3  }
.LBB2_5:
0xfc: {  	s28 =	sshra.s32 s31, $0x2  }
0xfd: {  	v12 =	vld [tilespmem:s28+$0x4980]  }
0xfe: {  	v13 =	vld [tilespmem:s28+$0x6200];
	_ =	sdelay $0x1  }
0xff: {  	v15 =	vld [tilespmem:s28+$0x7A80]  }
0x100: {  	v11 =	vld [tilespmem:s28+$0x0]  }
0x101: {  	v14 =	vld [tilespmem:s28+$0x1880]  }
0x102: {  	v16 =	vld [tilespmem:s28+$0x3100];
	v17 =	vmul.f32 v12, v12;
	v18 =	vmul.f32 v13, v13;
	_ =	sdelay $0x1  }
0x103: {  	v45 =	vmul.f32 v15, v15;
	v44 =	vadd.f32 v18, v17  }
0x104: {  	v11 =	vsub.f32 v11, v12  }
0x105: {  	v43 =	vsub.f32 v14, v13;
	v13 =	vadd.f32 v45, v44  }
0x106: {  	v15 =	vsub.f32 v16, v15;
	v11 =	vmul.f32 v11, v11  }
0x107: {  	v12 =	vmul.f32 v43, v43;
	v14 =	vshra.s32 v13, $0x1;
	v47 =	vmul.f32 $5.000000000e-01, v13  }
0x108: {  	v14 =	vsub.s32 $0x5F3759DF, v14  }
0x109: {  	v46 =	vmul.f32 v15, v15;
	v11 =	vadd.f32 v12, v11;
	v48 =	vmul.f32 v14, v47;
	_ =	sdelay $0x1  }
0x10a: {  	v11 =	vadd.f32 v46, v11;
	v12 =	vmul.f32 v14, v48;
	_ =	sdelay $0x1  }
0x10b: {  	v49 =	vshra.s32 v11, $0x1;
	v50 =	vmul.f32 $5.000000000e-01, v11;
	v12 =	vsub.f32 $1.500000000e+00, v12  }
0x10c: {  	v16 =	vsub.s32 $0x5F3759DF, v49  }
0x10d: {  	v51 =	vmul.f32 v16, v50;
	v12 =	vmul.f32 v14, v12  }
0x10e: {  	v53 =	vld [tilespmem:s28+$0xAB80]  }
0x10f: {  	v54 =	vld [tilespmem:s28+$0x9300];
	v18 =	vmul.f32 v16, v51;
	v15 =	vmul.f32 v12, v47;
	_ =	sdelay $0x1  }
0x110: {  	v55 =	vmov s0;
	v52 =	vsub.f32 $1.500000000e+00, v18;
	v15 =	vmul.f32 v15, v12  }
0x111: {  	vm0 =	vlt.u32 v55, v0  }
0x112: {  	vm1 =	vgt.s32 v53, $0x0;
	v14 =	vmul.f32 v16, v52;
	v15 =	vsub.f32 $1.500000000e+00, v15  }
0x113: {  	v57 =	vadd.s32 $0xFFFFFFF9, v54;
	vm11 =	veq.s32 v54, $0x6;
	vm2 =	veq.s32 v54, $0xB  }
0x114: {  	v58 =	vadd.s32 $0xFFFFFFFE, v54;
	v17 =	vmul.f32 v14, v50;
	v12 =	vmul.f32 v15, v12  }
0x115: {  	vm12 =	vne.s32 v54, $0xB;
	v56 =	vnsel vm1, $0x0, v53;
	vm3 =	vlt.u32 v57, $0x7  }
0x116: {  	vm1 =	vmor vm11, vm2;
	v17 =	vmul.f32 v17, v14;
	v12 =	vmul.f32 v12, v13  }
0x117: {  	vm4 =	vlt.u32 v58, $0x3;
	v59 =	vsel vm1, v7, v6;
	vm2 =	vmand vm12, vm3  }
0x118: {  	v17 =	vsub.f32 $1.500000000e+00, v17;
	v15 =	vsel vm4, v8, v59;
	v12 =	vmul.f32 $1.000000000e+01, v12  }
0x119: {  	vm15 =	veq.s32 v54, $0x0;
	v15 =	vsel vm2, v9, v15;
	v13 =	vmin.u32 v56, $0x7F  }
0x11a: {  	v14 =	vmul.f32 v17, v14;
	v15 =	vsel vm15, v10, v15;
	vm14 =	vgt.f32 v12, $1.000000000e+00  }
0x11b: {  	v61 =	vadd.s32 v4, v13;
	vm13 =	vge.f32 v12, $4.000000060e-01;
	v60 =	vsel vm14, $0x1, v2  }
0x11c: {  	v13 =	vadd.s32 v5, v13;
	v62 =	vsel vm13, $0x1, v2;
	v15 =	vadd.s32 v60, v15  }
0x11d: {  	v15 =	vadd.s32 v62, v15  }
0x11e: {  	p2 =	sne.s32 s31, $0x6180;
	v11 =	vmul.f32 v14, v11;
	v63 =	vadd.s32 $0x10, v15  }
.Ltmp4:
0x11f: {  	_ = 	snop;
	(pc) =	sbr.rel @p2 .LBB2_5-.Ltmp4, $4  }
0x120: {  	[tilespmem:v61+s22+$0x0] =	vst.idx.add.f32.msk vm0, v11  }
0x121: {  	[tilespmem:v13+s22+$0x0] =	vst.idx.add.f32.msk vm0, v12  }
0x122: {  	[tilespmem:v15+s22+$0x0] =	vst.idx.add.f32.msk vm0, v11  }
0x123: {  	s0 =	sadd.s32 $0x10, s0;
	s31 =	sadd.s32 $0x40, s31;
	[tilespmem:v63+s22+$0x0] =	vst.idx.add.f32.msk vm0, v3  }
0x124: {  	s0 =	simm.s32 $0xE508  }
0x125: {  	v11 =	vld [tilespmem:s0+$0xFFFFDF08]  }
0x126: {  	v12 =	vld [tilespmem:s0+$0xFFFFE329]  }
0x127: {  	v13 =	vld [tilespmem:s0+$0xFFFFE319]  }
0x128: {  	v14 =	vld [tilespmem:s0+$0xFFFFE74A]  }
0x129: {  	v15 =	vld [tilespmem:s0+$0xFFFFDEF8]  }
0x12a: {  	v16 =	vld [tilespmem:s0+$0xFFFFEB6B]  }
0x12b: {  	v17 =	vld [tilespmem:s0+$0xFFFFE73A]  }
0x12c: {  	v18 =	vld [tilespmem:s0+$0xFFFFEF8C]  }
0x12d: {  	v19 =	vld [tilespmem:s0+$0xFFFFEB5B]  }
0x12e: {  	v20 =	vld [tilespmem:s0+$0xFFFFF3AD]  }
0x12f: {  	v21 =	vld [tilespmem:s0+$0xFFFFEF7C]  }
0x130: {  	v22 =	vld [tilespmem:s0+$0xFFFFF7CE]  }
0x131: {  	v23 =	vld [tilespmem:s0+$0xFFFFF39D]  }
0x132: {  	v24 =	vld [tilespmem:s0+$0xFFFFFBEF]  }
0x133: {  	v25 =	vld [tilespmem:s0+$0xFFFFF7BE]  }
0x134: {  	v26 =	vld [tilespmem:s0+$0x10]  }
0x135: {  	v27 =	vld [tilespmem:s0+$0xFFFFFBDF]  }
0x136: {  	v28 =	vld [tilespmem:s0+$0x431]  }
0x137: {  	v29 =	vld [tilespmem:s0+$0x0]  }
0x138: {  	v30 =	vld [tilespmem:s0+$0x852]  }
0x139: {  	v31 =	vld [tilespmem:s0+$0x421]  }
0x13a: {  	v32 =	vld [tilespmem:s0+$0xC73]  }
0x13b: {  	v33 =	vld [tilespmem:s0+$0x842]  }
0x13c: {  	v34 =	vld [tilespmem:s0+$0x1094]  }
0x13d: {  	v35 =	vld [tilespmem:s0+$0xC63]  }
0x13e: {  	v36 =	vld [tilespmem:s0+$0x14B5]  }
0x13f: {  	v37 =	vld [tilespmem:s0+$0x1084]  }
0x140: {  	v38 =	vld [tilespmem:s0+$0x18D6]  }
0x141: {  	v39 =	vld [tilespmem:s0+$0x14A5]  }
0x142: {  	v40 =	vld [tilespmem:s0+$0x1CF7]  }
0x143: {  	v41 =	vld [tilespmem:s0+$0x18C6]  }
0x144: {  	s30 =	simm.s32 $0xE528;
	v42 =	vld [tilespmem:s0+$0x1CE7];
	v11 =	vadd.f32 v12, v11  }
0x145: {  	v12 =	vadd.f32 v13, v15;
	v13 =	vld [tilespmem:s30+$0xFFFFDF08]  }
0x146: {  	v15 =	vld [tilespmem:s30+$0xFFFFE329];
	v11 =	vadd.f32 v14, v11  }
0x147: {  	v12 =	vadd.f32 v17, v12;
	v14 =	vld [tilespmem:s30+$0xFFFFE319]  }
0x148: {  	v17 =	vld [tilespmem:s30+$0xFFFFE74A];
	v11 =	vadd.f32 v16, v11  }
0x149: {  	v12 =	vadd.f32 v19, v12;
	v16 =	vld [tilespmem:s30+$0xFFFFDEF8]  }
0x14a: {  	v19 =	vld [tilespmem:s30+$0xFFFFEB6B];
	v11 =	vadd.f32 v18, v11  }
0x14b: {  	v13 =	vadd.f32 v15, v13;
	v12 =	vadd.f32 v21, v12;
	v18 =	vld [tilespmem:s30+$0xFFFFE73A]  }
0x14c: {  	v15 =	vld [tilespmem:s30+$0xFFFFEF8C];
	v11 =	vadd.f32 v20, v11  }
0x14d: {  	v59 =	vld [tilespmem:s30+$0xFFFFEB5B];
	v13 =	vadd.f32 v17, v13;
	v12 =	vadd.f32 v23, v12  }
0x14e: {  	v14 =	vadd.f32 v14, v16;
	v16 =	vld [tilespmem:s30+$0xFFFFF3AD];
	v11 =	vadd.f32 v22, v11  }
0x14f: {  	v17 =	vld [tilespmem:s30+$0xFFFFEF7C];
	v13 =	vadd.f32 v19, v13;
	v12 =	vadd.f32 v25, v12  }
0x150: {  	v14 =	vadd.f32 v18, v14;
	v18 =	vld [tilespmem:s30+$0xFFFFF7CE];
	v11 =	vadd.f32 v24, v11  }
0x151: {  	v19 =	vld [tilespmem:s30+$0xFFFFF39D];
	v13 =	vadd.f32 v15, v13;
	v12 =	vadd.f32 v27, v12  }
0x152: {  	v15 =	vld [tilespmem:s30+$0xFFFFFBEF];
	v14 =	vadd.f32 v59, v14;
	v11 =	vadd.f32 v26, v11  }
0x153: {  	v60 =	vld [tilespmem:s30+$0xFFFFF7BE];
	v12 =	vadd.f32 v29, v12;
	v13 =	vadd.f32 v16, v13  }
0x154: {  	v16 =	vld [tilespmem:s30+$0x10];
	v14 =	vadd.f32 v17, v14;
	v11 =	vadd.f32 v28, v11  }
0x155: {  	v17 =	vld [tilespmem:s30+$0xFFFFFBDF];
	v12 =	vadd.f32 v31, v12;
	v13 =	vadd.f32 v18, v13  }
0x156: {  	v18 =	vld [tilespmem:s30+$0x431];
	v14 =	vadd.f32 v19, v14;
	v11 =	vadd.f32 v30, v11  }
0x157: {  	v19 =	vld [tilespmem:s30+$0x0];
	v12 =	vadd.f32 v33, v12;
	v13 =	vadd.f32 v15, v13  }
0x158: {  	v15 =	vld [tilespmem:s30+$0x852];
	v14 =	vadd.f32 v60, v14;
	v11 =	vadd.f32 v32, v11  }
0x159: {  	v61 =	vld [tilespmem:s30+$0x421];
	v12 =	vadd.f32 v35, v12;
	v13 =	vadd.f32 v16, v13  }
0x15a: {  	v16 =	vld [tilespmem:s30+$0xC73];
	v14 =	vadd.f32 v17, v14;
	v11 =	vadd.f32 v34, v11  }
0x15b: {  	v17 =	vld [tilespmem:s30+$0x842];
	v12 =	vadd.f32 v37, v12;
	v13 =	vadd.f32 v18, v13  }
0x15c: {  	v18 =	vld [tilespmem:s30+$0x1094];
	v14 =	vadd.f32 v19, v14;
	v11 =	vadd.f32 v36, v11  }
0x15d: {  	v19 =	vld [tilespmem:s30+$0xC63];
	v12 =	vadd.f32 v39, v12;
	v13 =	vadd.f32 v15, v13  }
0x15e: {  	v62 =	vld [tilespmem:s30+$0x14B5];
	v14 =	vadd.f32 v61, v14;
	v15 =	vadd.f32 v38, v11  }
0x15f: {  	v63 =	vld [tilespmem:s30+$0x1084];
	v12 =	vadd.f32 v41, v12;
	v13 =	vadd.f32 v16, v13  }
0x160: {  	v11 =	vld [tilespmem:s30+$0x18D6];
	v14 =	vadd.f32 v17, v14;
	v15 =	vadd.f32 v40, v15  }
0x161: {  	s28 =	simm.s32 $0x10690;
	v16 =	vadd.f32 v42, v12;
	v12 =	vld [tilespmem:s30+$0x14A5];
	v17 =	vadd.f32 v18, v13  }
0x162: {  	v13 =	vld [tilespmem:s30+$0x1CF7];
	v14 =	vadd.f32 v19, v14;
	[tilespmem:s28+$0x0] =	vst v15  }
0x163: {  	v15 =	vld [tilespmem:s30+$0x18C6];
	[tilespmem:s28+$0xFFFFFFF0] =	vst v16;
	v16 =	vadd.f32 v62, v17  }
0x164: {  	s29 =	simm.s32 $0x2;
	v17 =	vadd.f32 v63, v14;
	v14 =	vld [tilespmem:s30+$0x1CE7];
	s30 =	simm.s32 $0xE548  }
.LBB2_7:
0x165: {  	v18 =	vld [tilespmem:s30+$0xFFFFDF08];
	v11 =	vadd.f32 v11, v16  }
0x166: {  	s29 =	sadd.s32 $0x2, s29;
	v16 =	vld [tilespmem:s30+$0xFFFFE329];
	v12 =	vadd.f32 v12, v17  }
0x167: {  	p2 =	slt.u32 s29, $0x40;
	v17 =	vld [tilespmem:s30+$0xFFFFE319];
	v11 =	vadd.f32 v13, v11  }
0x168: {  	s28 =	sadd.s32 $0x20, s28;
	v13 =	vld [tilespmem:s30+$0xFFFFE74A];
	v12 =	vadd.f32 v15, v12  }
0x169: {  	v15 =	vld [tilespmem:s30+$0xFFFFDEF8];
	[tilespmem:s28+$0x0] =	vst v11  }
0x16a: {  	v11 =	vld [tilespmem:s30+$0xFFFFEB6B];
	v12 =	vadd.f32 v14, v12  }
0x16b: {  	v14 =	vld [tilespmem:s30+$0xFFFFE73A];
	v16 =	vadd.f32 v16, v18  }
0x16c: {  	v18 =	vld [tilespmem:s30+$0xFFFFEF8C];
	[tilespmem:s28+$0xFFFFFFF0] =	vst v12  }
0x16d: {  	v12 =	vld [tilespmem:s30+$0xFFFFEB5B];
	v13 =	vadd.f32 v13, v16  }
0x16e: {  	v15 =	vadd.f32 v17, v15;
	v16 =	vld [tilespmem:s30+$0xFFFFF3AD]  }
0x16f: {  	v17 =	vld [tilespmem:s30+$0xFFFFEF7C];
	v11 =	vadd.f32 v11, v13  }
0x170: {  	v13 =	vadd.f32 v14, v15;
	v14 =	vld [tilespmem:s30+$0xFFFFF7CE]  }
0x171: {  	v15 =	vld [tilespmem:s30+$0xFFFFF39D];
	v11 =	vadd.f32 v18, v11  }
0x172: {  	v12 =	vadd.f32 v12, v13;
	v13 =	vld [tilespmem:s30+$0xFFFFFBEF]  }
0x173: {  	v18 =	vld [tilespmem:s30+$0xFFFFF7BE];
	v11 =	vadd.f32 v16, v11  }
0x174: {  	v12 =	vadd.f32 v17, v12;
	v16 =	vld [tilespmem:s30+$0x10]  }
0x175: {  	v17 =	vld [tilespmem:s30+$0xFFFFFBDF];
	v11 =	vadd.f32 v14, v11  }
0x176: {  	v12 =	vadd.f32 v15, v12;
	v14 =	vld [tilespmem:s30+$0x431]  }
0x177: {  	v15 =	vld [tilespmem:s30+$0x0];
	v11 =	vadd.f32 v13, v11  }
0x178: {  	v12 =	vadd.f32 v18, v12;
	v13 =	vld [tilespmem:s30+$0x852]  }
0x179: {  	v18 =	vld [tilespmem:s30+$0x421];
	v11 =	vadd.f32 v16, v11  }
0x17a: {  	v12 =	vadd.f32 v17, v12;
	v16 =	vld [tilespmem:s30+$0xC73]  }
0x17b: {  	v17 =	vld [tilespmem:s30+$0x842];
	v11 =	vadd.f32 v14, v11  }
0x17c: {  	v12 =	vadd.f32 v15, v12;
	v14 =	vld [tilespmem:s30+$0x1094]  }
0x17d: {  	v15 =	vld [tilespmem:s30+$0xC63];
	v11 =	vadd.f32 v13, v11  }
0x17e: {  	v12 =	vadd.f32 v18, v12;
	v18 =	vld [tilespmem:s30+$0x14B5]  }
0x17f: {  	v19 =	vld [tilespmem:s30+$0x1084];
	v13 =	vadd.f32 v16, v11  }
.Ltmp5:
0x180: {  	v16 =	vadd.f32 v17, v12;
	v11 =	vld [tilespmem:s30+$0x18D6];
	(pc) =	sbr.rel @p2 .LBB2_7-.Ltmp5, $4  }
0x181: {  	v12 =	vld [tilespmem:s30+$0x14A5];
	v14 =	vadd.f32 v14, v13  }
0x182: {  	v17 =	vadd.f32 v15, v16;
	v13 =	vld [tilespmem:s30+$0x1CF7]  }
0x183: {  	v15 =	vld [tilespmem:s30+$0x18C6];
	v16 =	vadd.f32 v18, v14  }
0x184: {  	v17 =	vadd.f32 v19, v17;
	v14 =	vld [tilespmem:s30+$0x1CE7];
	s30 =	sadd.s32 $0x20, s30  }
0x185: {  	_ = 	snop  }
0x186: {  	v12 =	vadd.f32 v12, v17  }
0x187: {  	v11 =	vadd.f32 v11, v16  }
0x188: {  	v12 =	vadd.f32 v15, v12  }
0x189: {  	v11 =	vadd.f32 v13, v11  }
0x18a: {  	s0 =	sadd.s32 $0x20, s28;
	v12 =	vadd.f32 v14, v12  }
0x18b: {  	[tilespmem:s0+$0x0] =	vst v11  }
0x18c: {  	[tilespmem:s0+$0xFFFFFFF0] =	vst v12  }
0x18d: {  	[spmem:s19] =	stream.linear.scatter [tilespmem:s23], [sflag:$0x1], $0x420, $0x38;
	[tilespmem:$0x10F20] =	vst v63  }
.Ltmp6:
0x18e: {  	_ =	swait.ge [sflag:s24], $0x420;
	(pc) =	sbr.rel @p1 .LBB2_12-.Ltmp6, $3  }
0x18f: {  	[sflag:s24] =	ssyncset.done $0x0  }
0x190: {  	[sflag:s24] =	ssyncadd.s32 $0xFFFFFBE0  }
0x191: {  	[bflag:$0x0] =	sbarrier.arrive $0xFFFF;
	_ =	sdelay $0x1  }
0x192: {  	[tilespmem:s22], [sflag:$0x1] =	stream.linear.gather [spmem:s1], $0x4200, $0x38;
	[tilespmem:$0x10F20] =	vst v63  }
0x193: {  	_ =	swait.ge [sflag:s24], $0x4200  }
0x194: {  	s0 =	simm.s32 $0x0;
	[sflag:s24] =	ssyncset.done $0x0  }
0x195: {  	s0 =	sand.u32 $0x7E0, s0;
	[sflag:s24] =	ssyncadd.s32 $0xFFFFBE00  }
0x196: {  	v12 =	vld [tilespmem:s0+$0xF580]  }
0x197: {  	v13 =	vld [tilespmem:s0+$0xE500]  }
0x198: {  	s28 =	simm.s32 $0xE510;
	v14 =	vld [tilespmem:s0+$0xD480]  }
0x199: {  	v11 =	vld [tilespmem:s28+$0xFFFFDF00]  }
0x19a: {  	v15 =	vld [tilespmem:s28+$0xFFFFE320]  }
0x19b: {  	v16 =	vld [tilespmem:s28+$0xFFFFE310]  }
0x19c: {  	v17 =	vld [tilespmem:s28+$0xFFFFE740]  }
0x19d: {  	v18 =	vld [tilespmem:s28+$0xFFFFDEF0]  }
0x19e: {  	v19 =	vld [tilespmem:s28+$0xFFFFEB60]  }
0x19f: {  	v20 =	vld [tilespmem:s28+$0xFFFFE730]  }
0x1a0: {  	v21 =	vld [tilespmem:s28+$0xFFFFEF80]  }
0x1a1: {  	v22 =	vld [tilespmem:s28+$0xFFFFEB50]  }
0x1a2: {  	v23 =	vld [tilespmem:s28+$0xFFFFF3A0]  }
0x1a3: {  	v24 =	vld [tilespmem:s28+$0xFFFFF390]  }
0x1a4: {  	v25 =	vld [tilespmem:s28+$0xFFFFF7C0]  }
0x1a5: {  	v26 =	vld [tilespmem:s28+$0xFFFFF7B0]  }
0x1a6: {  	v27 =	vld [tilespmem:s28+$0xFFFFFBE0]  }
0x1a7: {  	v28 =	vld [tilespmem:s28+$0xFFFFFBD0]  }
0x1a8: {  	v29 =	vld [tilespmem:s28+$0x0]  }
0x1a9: {  	v30 =	vld [tilespmem:s28+$0x410]  }
0x1aa: {  	v31 =	vld [tilespmem:s28+$0x420]  }
0x1ab: {  	v32 =	vld [tilespmem:s28+$0x830]  }
0x1ac: {  	v33 =	vld [tilespmem:s28+$0x840]  }
0x1ad: {  	v34 =	vld [tilespmem:s28+$0xC50]  }
0x1ae: {  	v35 =	vld [tilespmem:s28+$0xC60]  }
0x1af: {  	v36 =	vld [tilespmem:s28+$0x1490]  }
0x1b0: {  	v37 =	vld [tilespmem:s28+$0x1080]  }
0x1b1: {  	v38 =	vld [tilespmem:s28+$0x18B0]  }
0x1b2: {  	v39 =	vld [tilespmem:s28+$0x14A0]  }
0x1b3: {  	v40 =	vld [tilespmem:s28+$0x1CD0];
	s0 =	simm.s32 $0x20;
	v15 =	vadd.f32 v15, v11  }
0x1b4: {  	s0 =	sand.u32 $0x7E0, s0;
	v16 =	vadd.f32 v16, v18;
	v18 =	vld [tilespmem:s28+$0x18C0]  }
0x1b5: {  	v11 =	vld [tilespmem:s0+$0xF580];
	v15 =	vadd.f32 v17, v15  }
0x1b6: {  	v16 =	vadd.f32 v20, v16;
	v17 =	vld [tilespmem:s28+$0x1CE0]  }
0x1b7: {  	v20 =	vld [tilespmem:s0+$0xE500];
	s28 =	simm.s32 $0xE530;
	v15 =	vadd.f32 v19, v15  }
0x1b8: {  	v55 =	vld [tilespmem:s28+$0xFFFFDEF0];
	v16 =	vadd.f32 v22, v16  }
0x1b9: {  	v22 =	vld [tilespmem:s28+$0xFFFFDF00];
	v15 =	vadd.f32 v21, v15  }
0x1ba: {  	v14 =	vadd.f32 v14, v16;
	v16 =	vld [tilespmem:s28+$0xFFFFE320]  }
0x1bb: {  	v56 =	vld [tilespmem:s28+$0xFFFFEB60];
	v15 =	vadd.f32 v23, v15  }
0x1bc: {  	v14 =	vadd.f32 v24, v14;
	v23 =	vld [tilespmem:s28+$0xFFFFE740]  }
0x1bd: {  	v21 =	vld [tilespmem:s28+$0xFFFFE310];
	v15 =	vadd.f32 v25, v15  }
0x1be: {  	v57 =	vld [tilespmem:s28+$0xFFFFEF80];
	v14 =	vadd.f32 v26, v14  }
0x1bf: {  	v16 =	vadd.f32 v16, v22;
	v22 =	vld [tilespmem:s28+$0xFFFFE730];
	v15 =	vadd.f32 v27, v15  }
0x1c0: {  	v58 =	vld [tilespmem:s28+$0xFFFFF390];
	v14 =	vadd.f32 v28, v14  }
0x1c1: {  	v16 =	vadd.f32 v23, v16;
	v23 =	vld [tilespmem:s28+$0xFFFFEB50];
	v15 =	vadd.f32 v29, v15  }
0x1c2: {  	v21 =	vadd.f32 v21, v55;
	v13 =	vadd.f32 v13, v14;
	v14 =	vld [tilespmem:s28+$0xFFFFF3A0]  }
0x1c3: {  	v19 =	vld [tilespmem:s0+$0xD480];
	v16 =	vadd.f32 v56, v16;
	v15 =	vadd.f32 v31, v15  }
0x1c4: {  	v59 =	vld [tilespmem:s28+$0xFFFFF7C0];
	v13 =	vadd.f32 v30, v13;
	v21 =	vadd.f32 v22, v21  }
0x1c5: {  	v60 =	vld [tilespmem:s28+$0xFFFFFBE0];
	v16 =	vadd.f32 v57, v16;
	v15 =	vadd.f32 v33, v15  }
0x1c6: {  	v62 =	vld [tilespmem:s28+$0x840];
	v13 =	vadd.f32 v32, v13;
	v21 =	vadd.f32 v23, v21  }
0x1c7: {  	v22 =	vld [tilespmem:s28+$0xFFFFF7B0];
	v14 =	vadd.f32 v14, v16;
	v15 =	vadd.f32 v35, v15  }
0x1c8: {  	v16 =	vld [tilespmem:s28+$0x0];
	v13 =	vadd.f32 v34, v13;
	v19 =	vadd.f32 v19, v21  }
0x1c9: {  	v23 =	vld [tilespmem:s28+$0xFFFFFBD0];
	v14 =	vadd.f32 v59, v14;
	v15 =	vadd.f32 v37, v15  }
0x1ca: {  	v12 =	vadd.f32 v12, v13;
	v13 =	vld [tilespmem:s28+$0x420];
	v19 =	vadd.f32 v58, v19  }
0x1cb: {  	v63 =	vld [tilespmem:s28+$0xC60];
	v61 =	vadd.f32 v60, v14  }
0x1cc: {  	v21 =	vld [tilespmem:s28+$0x410];
	v15 =	vadd.f32 v39, v15;
	v19 =	vadd.f32 v22, v19  }
0x1cd: {  	v14 =	vld [tilespmem:s28+$0x830];
	v12 =	vadd.f32 v36, v12;
	v22 =	vadd.f32 v16, v61  }
0x1ce: {  	v16 =	vld [tilespmem:s28+$0xC50];
	v15 =	vadd.f32 v18, v15;
	v19 =	vadd.f32 v23, v19  }
0x1cf: {  	v18 =	vadd.f32 v38, v12;
	v12 =	vld [tilespmem:s28+$0x1490];
	v13 =	vadd.f32 v13, v22  }
0x1d0: {  	v15 =	vadd.f32 v17, v15;
	v17 =	vld [tilespmem:s28+$0x1080];
	v19 =	vadd.f32 v20, v19  }
0x1d1: {  	s29 =	simm.s32 $0x10690;
	v22 =	vadd.f32 v40, v18;
	v18 =	vld [tilespmem:s28+$0x14A0];
	v23 =	vadd.f32 v62, v13  }
0x1d2: {  	v13 =	vld [tilespmem:s28+$0x18B0];
	[tilespmem:s29+$0x0] =	vst v15;
	v20 =	vadd.f32 v21, v19  }
0x1d3: {  	s30 =	simm.s32 $0x2;
	s31 =	simm.s32 $0x40;
	[tilespmem:s29+$0xFFFFFFF0] =	vst v22;
	v15 =	vld [tilespmem:s28+$0x1CD0];
	v19 =	vadd.f32 v63, v23  }
.LBB2_10:
0x1d4: {  	s0 =	sand.u32 $0x7E0, s31;
	v14 =	vadd.f32 v14, v20;
	v20 =	vld [tilespmem:s28+$0x18C0]  }
0x1d5: {  	v17 =	vadd.f32 v17, v19;
	v21 =	vld [tilespmem:s0+$0xF580]  }
0x1d6: {  	v14 =	vadd.f32 v16, v14;
	v16 =	vld [tilespmem:s28+$0x1CE0]  }
0x1d7: {  	v17 =	vadd.f32 v18, v17;
	v19 =	vld [tilespmem:s0+$0xE500]  }
0x1d8: {  	s28 =	sadd.s32 $0x20, s28;
	v18 =	vld [tilespmem:s0+$0xD480];
	v22 =	vadd.f32 v11, v14  }
0x1d9: {  	v14 =	vld [tilespmem:s28+$0xFFFFDF00];
	v17 =	vadd.f32 v20, v17  }
0x1da: {  	s30 =	sadd.s32 $0x2, s30;
	v20 =	vld [tilespmem:s28+$0xFFFFE320];
	v12 =	vadd.f32 v12, v22;
	v11 =	vmov v21  }
0x1db: {  	p2 =	slt.u32 s30, $0x40;
	v21 =	vld [tilespmem:s28+$0xFFFFE310];
	v16 =	vadd.f32 v16, v17  }
0x1dc: {  	s29 =	sadd.s32 $0x20, s29;
	v17 =	vld [tilespmem:s28+$0xFFFFE740];
	v12 =	vadd.f32 v13, v12  }
0x1dd: {  	v13 =	vld [tilespmem:s28+$0xFFFFDEF0];
	[tilespmem:s29+$0x0] =	vst v16  }
0x1de: {  	v16 =	vld [tilespmem:s28+$0xFFFFEB60];
	v12 =	vadd.f32 v15, v12  }
0x1df: {  	v15 =	vld [tilespmem:s28+$0xFFFFE730];
	v14 =	vadd.f32 v20, v14  }
0x1e0: {  	v20 =	vld [tilespmem:s28+$0xFFFFEF80];
	[tilespmem:s29+$0xFFFFFFF0] =	vst v12  }
0x1e1: {  	v12 =	vld [tilespmem:s28+$0xFFFFEB50];
	v14 =	vadd.f32 v17, v14  }
0x1e2: {  	v13 =	vadd.f32 v21, v13;
	v17 =	vld [tilespmem:s28+$0xFFFFF3A0]  }
0x1e3: {  	v21 =	vld [tilespmem:s28+$0xFFFFF390];
	v14 =	vadd.f32 v16, v14  }
0x1e4: {  	v13 =	vadd.f32 v15, v13;
	v15 =	vld [tilespmem:s28+$0xFFFFF7C0]  }
0x1e5: {  	v16 =	vld [tilespmem:s28+$0xFFFFF7B0];
	v14 =	vadd.f32 v20, v14  }
0x1e6: {  	v12 =	vadd.f32 v12, v13;
	v13 =	vld [tilespmem:s28+$0xFFFFFBE0]  }
0x1e7: {  	v20 =	vld [tilespmem:s28+$0xFFFFFBD0];
	v14 =	vadd.f32 v17, v14  }
0x1e8: {  	v12 =	vadd.f32 v18, v12;
	v17 =	vld [tilespmem:s28+$0x0]  }
0x1e9: {  	v18 =	vld [tilespmem:s28+$0x410];
	v15 =	vadd.f32 v15, v14  }
0x1ea: {  	v12 =	vadd.f32 v21, v12;
	v21 =	vld [tilespmem:s28+$0x420]  }
0x1eb: {  	v14 =	vld [tilespmem:s28+$0x830];
	v13 =	vadd.f32 v13, v15  }
0x1ec: {  	v12 =	vadd.f32 v16, v12;
	v15 =	vld [tilespmem:s28+$0x840]  }
0x1ed: {  	v16 =	vld [tilespmem:s28+$0xC50];
	v13 =	vadd.f32 v17, v13  }
0x1ee: {  	v17 =	vadd.f32 v20, v12;
	v22 =	vld [tilespmem:s28+$0xC60]  }
.Ltmp7:
0x1ef: {  	v12 =	vld [tilespmem:s28+$0x1490];
	v20 =	vadd.f32 v21, v13;
	(pc) =	sbr.rel @p2 .LBB2_10-.Ltmp7, $4  }
0x1f0: {  	v19 =	vadd.f32 v19, v17;
	v17 =	vld [tilespmem:s28+$0x1080]  }
0x1f1: {  	v13 =	vld [tilespmem:s28+$0x18B0];
	v21 =	vadd.f32 v15, v20  }
0x1f2: {  	v20 =	vadd.f32 v18, v19;
	v18 =	vld [tilespmem:s28+$0x14A0]  }
0x1f3: {  	s31 =	sadd.s32 $0x20, s31;
	v15 =	vld [tilespmem:s28+$0x1CD0];
	v19 =	vadd.f32 v22, v21  }
.Ltmp8:
0x1f4: {  	_ = 	snop;
	(pc) =	sbr.rel .LBB2_11-.Ltmp8, $1  }
0x1f5: {  	_ =	sdelay $0x3  }
.LBB2_13:
0x1f6: {  	_ =	sfence.sel $0x180000  }
0x1f7: {  	[bflag:$0x0] =	sbarrier.arrive $0xFFFF  }
0x1f8: {  	_ =	strace $0x90000047  }
0x1f9: {  	[bflag:$0x2] =	sbarrier.arrive $0xFFFF  }
0x1fa: {  	s0 =	rddreg [dreg:$0x4]  }
0x1fb: {  	s0 =	sadd.s32 @!p1 $0x100000, s0  }
0x1fc: {  	[sflag:s0] =	ssyncadd.tile.s32 @!p1 $0x1;
	_ =	shalt  }
.Lfunc_end2:
_tile_overlayer_lowered:
.L_overlay_start_2:
0x1fd: {  	(tag) =	ssettag $0x2  }
0x1fe: {  	s0 =	rddreg [dreg:$0x0];
	s2 =	stileid.u32  }
0x1ff: {  	s1 =	rddreg [dreg:$0x1];
	p0 =	sne.s32 s2, $0x0  }
0x200: {  	s3 =	rddreg [dreg:$0x2];
	[bflag:$0x3] =	sbarrier.arrive $0xFFFF;
	s2 =	simm.s32 @!p0 $0x1C01  }
0x201: {  	[timem:s3], [sflag:s2] =	dma.local @!p0 [hbm:s0], s1  }
0x202: {  	s0 =	simm.s32 @!p0 $0x1  }
0x203: {  	_ =	swait.ge @!p0 [sflag:s0], s1  }
0x204: {  	s1 =	ssub.s32 @!p0 $0x0, s1;
	[sflag:s0] =	ssyncset.done @!p0 $0x0  }
0x205: {  	[sflag:s0] =	ssyncadd.s32 @!p0 s1  }
0x206: {  	[bflag:$0x3] =	sbarrier.arrive $0xFFFF  }
0x207: {  	_ =	shalt  }

</sc_bundles>
